<compile_context>
chip_gen: v7x
topology: tpu7x:2x2x1
jax: 0.10.2.dev20260603
libtpu: 0.0.44.dev20260713+nightly
codegen_flags: <defaults>
</compile_context>

<pallas_src>
import dataclasses

import jax
import jax.numpy as jnp
from jax import lax
from jax.experimental import pallas as pl
from jax.experimental.pallas import tpu as pltpu
from jax.experimental.pallas import tpu_sc as plsc

N = 10000
D = 128
E = 320000
NP = 10240
NC = 2
NS = 16
L = 16
C = 128
EC = E // NC
KC = EC // C
NB = KC // NS
RA = E // C
SROW = NP // D
NW = NC * NS
EXR = NW * SROW
OUTA_ROWS = EXR + NC * SROW


def _sc_compiler_params():
    cp = pltpu.CompilerParams()
    if "needs_layout_passes" in pltpu.CompilerParams.__dataclass_fields__:
        cp = dataclasses.replace(cp, needs_layout_passes=False)
    return cp


def _tc_ab_body(x_ref, w_ref, wa_ref, wb_ref, a_ref, b_ref):
    wab = jnp.dot(w_ref[...], jnp.concatenate([wa_ref[...], wb_ref[...]], 1),
                  preferred_element_type=jnp.float32)
    ab = jnp.dot(x_ref[...], wab, preferred_element_type=jnp.float32)
    a_ref[...] = ab[:, 0:1]
    b_ref[...] = ab[:, 1:2]


def _tc_h_body(x_ref, w_ref, h_ref):
    h_ref[...] = jnp.dot(x_ref[...], w_ref[...],
                         preferred_element_type=jnp.float32)


def _sc_a_body(a_hbm, b_hbm, src_hbm, dst_hbm, out_hbm,
               s_t, exbig, i0, i1, av0, bv0, av1, bv1, id80, s_sh,
               sem_i0, sem_i1, sem_g0, sem_g1):
    c = lax.axis_index("c")
    s = lax.axis_index("s")
    w = c * NS + s
    base_row = c * KC + s * NB

    zf = jnp.zeros((L,), jnp.float32)
    sem_i = (sem_i0, sem_i1)
    sem_g = (sem_g0, sem_g1)
    iset = (i0, i1)
    avs = (av0, av1)
    bvs = (bv0, bv1)

    def issue_idx(row, x):
        rowm = jnp.minimum(row, RA - 1)
        pltpu.async_copy(src_hbm.at[rowm], iset[x].at[0], sem_i[x])
        pltpu.async_copy(dst_hbm.at[rowm], iset[x].at[1], sem_i[x])

    def drain_idx(x):
        pltpu.make_async_copy(src_hbm.at[0], iset[x].at[0], sem_i[x]).wait()
        pltpu.make_async_copy(dst_hbm.at[0], iset[x].at[1], sem_i[x]).wait()

    def issue_g(x):
        pltpu.async_copy(a_hbm.at[iset[x].at[0]], avs[x], sem_g[x])
        pltpu.async_copy(b_hbm.at[iset[x].at[1]], bvs[x], sem_g[x])

    def drain_g(x):
        pltpu.make_async_copy(a_hbm.at[iset[x].at[0]], avs[x], sem_g[x]).wait()
        pltpu.make_async_copy(b_hbm.at[iset[x].at[1]], bvs[x], sem_g[x]).wait()

    def compute(x, krow):
        for g in range(C // L):
            sl = pl.ds(g * L, L)
            dstv = iset[x][1, sl]
            r = avs[x][sl] + bvs[x][sl]
            exv = jnp.exp(jnp.where(r > 0.0, r, r * 0.2))
            rowv = lax.shift_right_logical(dstv, 7)
            colv = lax.bitwise_and(dstv, D - 1)
            plsc.addupdate_scatter(s_t, [rowv, colv], exv)
            exbig[krow, sl] = exv

    @pl.loop(0, SROW)
    def _(r):
        for j in range(D // L):
            s_t[r, pl.ds(j * L, L)] = zf

    for i in range(SROW // L):
        id80[0, pl.ds(i * L, L)] = lax.iota(jnp.int32, L) + i * L

    @pl.when(s == 0)
    def _():
        pltpu.sync_copy(s_t, s_sh)

    plsc.subcore_barrier()

    issue_idx(base_row, 0)
    drain_idx(0)
    issue_g(0)
    issue_idx(base_row + 1, 1)

    @pl.loop(0, NB // 2)
    def _(m):
        for x in (0, 1):
            k = 2 * m + x
            y = 1 - x
            drain_idx(y)
            issue_g(y)
            drain_g(x)
            compute(x, k)
            issue_idx(base_row + k + 2, x)

    drain_idx(1)
    drain_g(0)

    @pl.when(s < NC)
    def _():
        row = c * KC + NS * NB + s
        pltpu.sync_copy(src_hbm.at[row], i0.at[0])
        pltpu.sync_copy(dst_hbm.at[row], i0.at[1])
        pltpu.sync_copy(a_hbm.at[i0.at[0]], av0)
        pltpu.sync_copy(b_hbm.at[i0.at[1]], bv0)
        compute(0, NB)

    pltpu.sync_copy(exbig, out_hbm.at[pl.ds(w * SROW, SROW)])

    plsc.subcore_barrier()
    pltpu.sync_copy(s_t, s_sh.at[id80.at[0]], add=True)
    plsc.subcore_barrier()

    @pl.when(s == 0)
    def _():
        pltpu.sync_copy(s_sh, out_hbm.at[pl.ds(EXR + c * SROW, SROW)])


def _sc_b_body(h_hbm, src_hbm, dst_hbm, ex_hbm, out_hbm,
               s0, d0, e0, s1, d1, e1, s2, d2, e2,
               dsc0, dsc1, dsc2, r0, r1, r2, agg_sh,
               sem_i0, sem_i1, sem_i2, sem_g0, sem_g1, sem_g2,
               sem_s0, sem_s1, sem_s2):
    c = lax.axis_index("c")
    s = lax.axis_index("s")
    w = c * NS + s
    base_row = c * KC + s * NB
    arow0 = s * 624

    zf = jnp.zeros((L,), jnp.float32)
    srcs = (s0, s1, s2)
    dsts = (d0, d1, d2)
    exs = (e0, e1, e2)
    dscs = (dsc0, dsc1, dsc2)
    rows = (r0, r1, r2)
    sem_i = (sem_i0, sem_i1, sem_i2)
    sem_g = (sem_g0, sem_g1, sem_g2)
    sem_s = (sem_s0, sem_s1, sem_s2)

    def issue_idx(kloc, x):
        rowm = base_row + jnp.minimum(kloc, NB - 1)
        exrow = w * SROW + jnp.minimum(kloc, NB - 1)
        pltpu.async_copy(src_hbm.at[rowm], srcs[x], sem_i[x])
        pltpu.async_copy(dst_hbm.at[rowm], dsts[x], sem_i[x])
        pltpu.async_copy(ex_hbm.at[exrow], exs[x], sem_i[x])

    def drain_idx(x):
        pltpu.make_async_copy(src_hbm.at[0], srcs[x], sem_i[x]).wait()
        pltpu.make_async_copy(dst_hbm.at[0], dsts[x], sem_i[x]).wait()
        pltpu.make_async_copy(ex_hbm.at[0], exs[x], sem_i[x]).wait()

    def issue_gather(x):
        pltpu.async_copy(h_hbm.at[srcs[x]], rows[x], sem_g[x])

    def drain_gather(x):
        pltpu.make_async_copy(h_hbm.at[srcs[x]], rows[x], sem_g[x]).wait()

    def issue_scatter(x):
        pltpu.async_copy(rows[x], agg_sh.at[dscs[x].at[0]], sem_s[x],
                         add=True)

    def drain_scatter(x):
        pltpu.make_async_copy(rows[x], agg_sh.at[dscs[x].at[0]],
                              sem_s[x]).wait()

    def compute(x):
        for j in range(C // L):
            sl = pl.ds(j * L, L)
            dscs[x][0, sl] = dsts[x][sl]

        @pl.loop(0, C, unroll=4)
        def _(e):
            alv = plsc.load_gather(exs[x], [jnp.full((L,), e, jnp.int32)])
            for j in range(D // L):
                sl = pl.ds(j * L, L)
                rows[x][e, sl] = rows[x][e, sl] * alv

    @pl.loop(0, C)
    def _(r):
        for j in range(D // L):
            r0[r, pl.ds(j * L, L)] = zf

    for m in range(4):
        pltpu.sync_copy(r0, agg_sh.at[pl.ds(arow0 + m * C, C)])
    pltpu.sync_copy(r0.at[pl.ds(0, 112)],
                    agg_sh.at[pl.ds(arow0 + 4 * C, 112)])

    @pl.when(s == NS - 1)
    def _():
        pltpu.sync_copy(r0.at[pl.ds(0, 112)],
                        agg_sh.at[pl.ds(N - 112, 112)])

    plsc.subcore_barrier()

    issue_idx(0, 0)
    drain_idx(0)
    issue_gather(0)
    issue_idx(1, 1)

    @pl.loop(0, NB // 3)
    def _(m):
        for x in (0, 1, 2):
            k = 3 * m + x
            y = (x + 1) % 3
            z = (x + 2) % 3
            drain_idx(y)

            @pl.when(k >= 2)
            def _():
                drain_scatter(y)

            issue_gather(y)
            issue_idx(k + 2, z)
            drain_gather(x)
            compute(x)
            issue_scatter(x)

    drain_idx(1)
    drain_gather(0)
    drain_scatter(1)
    drain_scatter(2)

    @pl.when(s < NC)
    def _():
        row = c * KC + NS * NB + s
        pltpu.sync_copy(src_hbm.at[row], s0)
        pltpu.sync_copy(dst_hbm.at[row], d0)
        pltpu.sync_copy(ex_hbm.at[w * SROW + NB], e0)
        pltpu.sync_copy(h_hbm.at[s0], r0)
        compute(0)
        pltpu.sync_copy(r0, agg_sh.at[dsc0.at[0]], add=True)

    plsc.subcore_barrier()

    for m in range(4):
        pltpu.sync_copy(agg_sh.at[pl.ds(arow0 + m * C, C)],
                        out_hbm.at[pl.ds(c * N + arow0 + m * C, C)])
    pltpu.sync_copy(agg_sh.at[pl.ds(arow0 + 4 * C, 112)],
                    out_hbm.at[pl.ds(c * N + arow0 + 4 * C, 112)])

    @pl.when(s == NS - 1)
    def _():
        pltpu.sync_copy(agg_sh.at[pl.ds(N - 112, 112)],
                        out_hbm.at[pl.ds(c * N + N - 112, 112)])


def _tc_post_body(agg_ref, sa_ref, sb_ref, x_ref, g_ref, be_ref, o_ref):
    seg = sa_ref[...] + sb_ref[...]
    agg = agg_ref[0:N, :] + agg_ref[N:2 * N, :]
    safe = jnp.where(seg > 0.0, seg, 1.0)
    hf = agg / safe + x_ref[...]
    mu = jnp.mean(hf, axis=1, keepdims=True)
    d = hf - mu
    var = jnp.mean(d * d, axis=1, keepdims=True)
    o_ref[...] = d * lax.rsqrt(var + 1e-5) * g_ref[...] + be_ref[...]


def kernel(x, edge_index, W_lt, W_attn, ln_gamma, ln_beta):
    wa = W_attn[:D].reshape(D, 1)
    wb = W_attn[D:].reshape(D, 1)

    a, b = pl.pallas_call(
        _tc_ab_body,
        out_shape=(
            jax.ShapeDtypeStruct((N, 1), jnp.float32),
            jax.ShapeDtypeStruct((N, 1), jnp.float32),
        ),
    )(x, W_lt, wa, wb)

    h = pl.pallas_call(
        _tc_h_body,
        out_shape=jax.ShapeDtypeStruct((N, D), jnp.float32),
    )(x, W_lt)

    src2d = edge_index[0].reshape(RA, C)
    dst2d = edge_index[1].reshape(RA, C)

    sc_a = pl.kernel(
        _sc_a_body,
        out_type=jax.ShapeDtypeStruct((OUTA_ROWS, C), jnp.float32),
        mesh=plsc.VectorSubcoreMesh(core_axis_name="c", subcore_axis_name="s"),
        compiler_params=_sc_compiler_params(),
        scratch_types=[
            pltpu.VMEM((SROW, D), jnp.float32),
            pltpu.VMEM((SROW, C), jnp.float32),
            pltpu.VMEM((2, C), jnp.int32),
            pltpu.VMEM((2, C), jnp.int32),
            pltpu.VMEM((C,), jnp.float32),
            pltpu.VMEM((C,), jnp.float32),
            pltpu.VMEM((C,), jnp.float32),
            pltpu.VMEM((C,), jnp.float32),
            pltpu.VMEM((1, SROW), jnp.int32),
            pltpu.VMEM_SHARED((SROW, D), jnp.float32),
            pltpu.SemaphoreType.DMA,
            pltpu.SemaphoreType.DMA,
            pltpu.SemaphoreType.DMA,
            pltpu.SemaphoreType.DMA,
        ],
    )
    out_a = sc_a(a.reshape(N), b.reshape(N), src2d, dst2d)

    ex2d = out_a[:EXR]
    s_core0 = out_a[EXR:EXR + SROW].reshape(NP)[:N].reshape(N, 1)
    s_core1 = out_a[EXR + SROW:].reshape(NP)[:N].reshape(N, 1)

    sc_b = pl.kernel(
        _sc_b_body,
        out_type=jax.ShapeDtypeStruct((NC * N, D), jnp.float32),
        mesh=plsc.VectorSubcoreMesh(core_axis_name="c", subcore_axis_name="s"),
        compiler_params=_sc_compiler_params(),
        scratch_types=[
            pltpu.VMEM((C,), jnp.int32),
            pltpu.VMEM((C,), jnp.int32),
            pltpu.VMEM((C,), jnp.float32),
            pltpu.VMEM((C,), jnp.int32),
            pltpu.VMEM((C,), jnp.int32),
            pltpu.VMEM((C,), jnp.float32),
            pltpu.VMEM((C,), jnp.int32),
            pltpu.VMEM((C,), jnp.int32),
            pltpu.VMEM((C,), jnp.float32),
            pltpu.VMEM((1, C), jnp.int32),
            pltpu.VMEM((1, C), jnp.int32),
            pltpu.VMEM((1, C), jnp.int32),
            pltpu.VMEM((C, D), jnp.float32),
            pltpu.VMEM((C, D), jnp.float32),
            pltpu.VMEM((C, D), jnp.float32),
            pltpu.VMEM_SHARED((N, D), jnp.float32),
            pltpu.SemaphoreType.DMA,
            pltpu.SemaphoreType.DMA,
            pltpu.SemaphoreType.DMA,
            pltpu.SemaphoreType.DMA,
            pltpu.SemaphoreType.DMA,
            pltpu.SemaphoreType.DMA,
            pltpu.SemaphoreType.DMA,
            pltpu.SemaphoreType.DMA,
            pltpu.SemaphoreType.DMA,
        ],
    )
    agg = sc_b(h, src2d, dst2d, ex2d)

    out = pl.pallas_call(
        _tc_post_body,
        out_shape=jax.ShapeDtypeStruct((N, D), jnp.float32),
    )(agg, s_core0, s_core1, x, ln_gamma.reshape(1, D), ln_beta.reshape(1, D))
    return out

# --- scband reference (transcript-rebuilt; emitter-appended) ---
"""Pipeline reference for scband-simple-attention-layer-94489281074 (READ-ONLY COPY).

The authoritative reference and input builder live on the scoring server;
editing this copy changes nothing except your own understanding.
"""

import jax, jax.numpy as jnp
import numpy as np

N_NODES = 10000
N_EDGES = 320000
D = 128


def setup_inputs(seed: int = 0) -> dict:
    key = jax.random.key(seed)
    k1, k2, k3, k4 = jax.random.split(key, 4)
    x = jax.random.normal(k1, (N_NODES, D), dtype=jnp.float32)
    edge_index = jax.random.randint(k2, (2, N_EDGES), 0, N_NODES, dtype=jnp.int32)
    # Learned parameters (xavier-ish scale)
    W_lt = jax.random.normal(k3, (D, D), dtype=jnp.float32) * (1.0 / np.sqrt(D))
    W_attn = jax.random.normal(k4, (2 * D,), dtype=jnp.float32) * (1.0 / np.sqrt(2 * D))
    ln_gamma = jnp.ones((D,), dtype=jnp.float32)
    ln_beta = jnp.zeros((D,), dtype=jnp.float32)
    return {"x": x, "edge_index": edge_index, "W_lt": W_lt, "W_attn": W_attn,
            "ln_gamma": ln_gamma, "ln_beta": ln_beta}


def reference(x, edge_index, W_lt, W_attn, ln_gamma, ln_beta):
    N = x.shape[0]
    # linear transform (no bias)
    h = x @ W_lt
    src = edge_index[0]
    dst = edge_index[1]
    # gather endpoint features
    h_src = jnp.take(h, src, axis=0)
    h_dst = jnp.take(h, dst, axis=0)
    # attention MLP on concatenated edge features -> scalar per edge
    edge_attn_input = jnp.concatenate([h_src, h_dst], axis=-1)
    raw = edge_attn_input @ W_attn  # [E]
    raw = jnp.where(raw > 0, raw, 0.2 * raw)  # leaky_relu(0.2)
    # scatter_softmax over dst segments
    seg_max = jax.ops.segment_max(raw, dst, num_segments=N)
    seg_max = jnp.where(jnp.isfinite(seg_max), seg_max, 0.0)
    ex = jnp.exp(raw - jnp.take(seg_max, dst))
    seg_sum = jax.ops.segment_sum(ex, dst, num_segments=N)
    alpha = ex / jnp.take(seg_sum, dst)
    # weighted message aggregation (scatter-add)
    messages = h_src * alpha[:, None]
    h_agg = jax.ops.segment_sum(messages, dst, num_segments=N)
    # residual (input_dim == output_dim -> identity residual)
    h_final = h_agg + x
    # LayerNorm
    mu = jnp.mean(h_final, axis=-1, keepdims=True)
    var = jnp.var(h_final, axis=-1, keepdims=True)
    h_final = (h_final - mu) / jnp.sqrt(var + 1e-5) * ln_gamma + ln_beta
    # dropout is identity in eval mode
    return h_final

if __name__ == "__main__":
    import jax
    _d = setup_inputs()
    print(jax.jit(kernel)(*tuple(_d.values())))

</pallas_src>

<mosaic_0001>
#map = affine_map<(d0, d1) -> (0)>
#map1 = affine_map<(d0, d1) -> (0, 0)>
module attributes {stable_mosaic.version = 14 : i64} {
  func.func @_sc_a_body(%arg0: i32, %arg1: i32, %arg2: memref<10000xf32, #tpu.memory_space<hbm>>, %arg3: memref<10000xf32, #tpu.memory_space<hbm>>, %arg4: memref<2500x128xi32, #tpu.memory_space<hbm>>, %arg5: memref<2500x128xi32, #tpu.memory_space<hbm>>, %arg6: memref<2720x128xf32, #tpu.memory_space<hbm>>, %arg7: memref<80x128xf32, #tpu.memory_space<vmem>>, %arg8: memref<80x128xf32, #tpu.memory_space<vmem>>, %arg9: memref<2x128xi32, #tpu.memory_space<vmem>>, %arg10: memref<2x128xi32, #tpu.memory_space<vmem>>, %arg11: memref<128xf32, #tpu.memory_space<vmem>>, %arg12: memref<128xf32, #tpu.memory_space<vmem>>, %arg13: memref<128xf32, #tpu.memory_space<vmem>>, %arg14: memref<128xf32, #tpu.memory_space<vmem>>, %arg15: memref<1x80xi32, #tpu.memory_space<vmem>>, %arg16: memref<80x128xf32, #tpu.memory_space<vmem_shared>>, %arg17: memref<!tpu.dma_semaphore, #tpu.memory_space<semaphore_mem>>, %arg18: memref<!tpu.dma_semaphore, #tpu.memory_space<semaphore_mem>>, %arg19: memref<!tpu.dma_semaphore, #tpu.memory_space<semaphore_mem>>, %arg20: memref<!tpu.dma_semaphore, #tpu.memory_space<semaphore_mem>>) attributes {dimension_semantics = [#tpu.dimension_semantics<core_parallel>, #tpu.dimension_semantics<subcore_parallel>], iteration_bounds = array<i64: 2, 16>, scalar_prefetch = 0 : i64, scratch_operands = 14 : i64, tpu.core_type = #tpu.core_type<sc_vector_subcore>, window_params = [{transform_indices = #map}, {transform_indices = #map}, {transform_indices = #map1}, {transform_indices = #map1}, {transform_indices = #map1}]} {
    %mul3A = arith.constant 16 : i32
    %mul3A_0 = arith.muli %arg0, %mul3A : i32
    %add3A = arith.addi %mul3A_0, %arg1 : i32
    %mul3A_1 = arith.constant 1250 : i32
    %mul3A_2 = arith.muli %arg0, %mul3A_1 : i32
    %mul3A_3 = arith.constant 78 : i32
    %mul3A_4 = arith.muli %arg1, %mul3A_3 : i32
    %add3A_5 = arith.addi %mul3A_2, %mul3A_4 : i32
    %broadcast_in_dim3A = arith.constant 0.000000e+00 : f32
    %broadcast_in_dim3A_6 = vector.broadcast %broadcast_in_dim3A : f32 to vector<16xf32>
    %scan3A = arith.constant 0 : i32
    %scan3A_7 = arith.constant 80 : i32
    %scan3A_8 = arith.addi %scan3A, %scan3A_7 : i32
    %scan3A_9 = arith.constant 1 : i32
    scf.for %scan3A_204 = %scan3A to %scan3A_8 step %scan3A_9  : i32 {
      %mul3A_205 = arith.constant 1 : i32
      %mul3A_206 = arith.muli %scan3A_204, %mul3A_205 : i32
      %add3A_207 = arith.constant 0 : i32
      %add3A_208 = arith.addi %add3A_207, %mul3A_206 : i32
      %swap3A_209 = arith.index_cast %add3A_208 : i32 to index
      %swap3A_210 = arith.constant 0 : index
      %swap3A_211 = tpu.vector_load %arg7[%swap3A_209, %swap3A_210] {strides = array<i32>} : memref<80x128xf32, #tpu.memory_space<vmem>>, vector<16xf32>,
      tpu.vector_store %arg7[%swap3A_209, %swap3A_210], %broadcast_in_dim3A_6 {strides = array<i32>} : memref<80x128xf32, #tpu.memory_space<vmem>>, vector<16xf32>,
      %swap3A_212 = arith.index_cast %add3A_208 : i32 to index
      %swap3A_213 = arith.constant 16 : index
      %swap3A_214 = tpu.vector_load %arg7[%swap3A_212, %swap3A_213] {strides = array<i32>} : memref<80x128xf32, #tpu.memory_space<vmem>>, vector<16xf32>,
      tpu.vector_store %arg7[%swap3A_212, %swap3A_213], %broadcast_in_dim3A_6 {strides = array<i32>} : memref<80x128xf32, #tpu.memory_space<vmem>>, vector<16xf32>,
      %swap3A_215 = arith.index_cast %add3A_208 : i32 to index
      %swap3A_216 = arith.constant 32 : index
      %swap3A_217 = tpu.vector_load %arg7[%swap3A_215, %swap3A_216] {strides = array<i32>} : memref<80x128xf32, #tpu.memory_space<vmem>>, vector<16xf32>,
      tpu.vector_store %arg7[%swap3A_215, %swap3A_216], %broadcast_in_dim3A_6 {strides = array<i32>} : memref<80x128xf32, #tpu.memory_space<vmem>>, vector<16xf32>,
      %swap3A_218 = arith.index_cast %add3A_208 : i32 to index
      %swap3A_219 = arith.constant 48 : index
      %swap3A_220 = tpu.vector_load %arg7[%swap3A_218, %swap3A_219] {strides = array<i32>} : memref<80x128xf32, #tpu.memory_space<vmem>>, vector<16xf32>,
      tpu.vector_store %arg7[%swap3A_218, %swap3A_219], %broadcast_in_dim3A_6 {strides = array<i32>} : memref<80x128xf32, #tpu.memory_space<vmem>>, vector<16xf32>,
      %swap3A_221 = arith.index_cast %add3A_208 : i32 to index
      %swap3A_222 = arith.constant 64 : index
      %swap3A_223 = tpu.vector_load %arg7[%swap3A_221, %swap3A_222] {strides = array<i32>} : memref<80x128xf32, #tpu.memory_space<vmem>>, vector<16xf32>,
      tpu.vector_store %arg7[%swap3A_221, %swap3A_222], %broadcast_in_dim3A_6 {strides = array<i32>} : memref<80x128xf32, #tpu.memory_space<vmem>>, vector<16xf32>,
      %swap3A_224 = arith.index_cast %add3A_208 : i32 to index
      %swap3A_225 = arith.constant 80 : index
      %swap3A_226 = tpu.vector_load %arg7[%swap3A_224, %swap3A_225] {strides = array<i32>} : memref<80x128xf32, #tpu.memory_space<vmem>>, vector<16xf32>,
      tpu.vector_store %arg7[%swap3A_224, %swap3A_225], %broadcast_in_dim3A_6 {strides = array<i32>} : memref<80x128xf32, #tpu.memory_space<vmem>>, vector<16xf32>,
      %swap3A_227 = arith.index_cast %add3A_208 : i32 to index
      %swap3A_228 = arith.constant 96 : index
      %swap3A_229 = tpu.vector_load %arg7[%swap3A_227, %swap3A_228] {strides = array<i32>} : memref<80x128xf32, #tpu.memory_space<vmem>>, vector<16xf32>,
      tpu.vector_store %arg7[%swap3A_227, %swap3A_228], %broadcast_in_dim3A_6 {strides = array<i32>} : memref<80x128xf32, #tpu.memory_space<vmem>>, vector<16xf32>,
      %swap3A_230 = arith.index_cast %add3A_208 : i32 to index
      %swap3A_231 = arith.constant 112 : index
      %swap3A_232 = tpu.vector_load %arg7[%swap3A_230, %swap3A_231] {strides = array<i32>} : memref<80x128xf32, #tpu.memory_space<vmem>>, vector<16xf32>,
      tpu.vector_store %arg7[%swap3A_230, %swap3A_231], %broadcast_in_dim3A_6 {strides = array<i32>} : memref<80x128xf32, #tpu.memory_space<vmem>>, vector<16xf32>,
    }
    %scan3A_10 = arith.constant 80 : i32
    %iota3A = tpu.iota {dimensions = array<i32: 0>} : vector<16xi32>
    %add3A_11 = arith.constant 0 : i32
    %add3A_12 = vector.broadcast %add3A_11 : i32 to vector<16xi32>
    %add3A_13 = arith.addi %iota3A, %add3A_12 : vector<16xi32>
    %swap3A = arith.constant 0 : i32
    %swap3A_14 = arith.index_cast %swap3A : i32 to index
    %swap3A_15 = arith.constant 0 : index
    %swap3A_16 = tpu.vector_load %arg15[%swap3A_14, %swap3A_15] {strides = array<i32>} : memref<1x80xi32, #tpu.memory_space<vmem>>, vector<16xi32>,
    tpu.vector_store %arg15[%swap3A_14, %swap3A_15], %add3A_13 {strides = array<i32>} : memref<1x80xi32, #tpu.memory_space<vmem>>, vector<16xi32>,
    %iota3A_17 = tpu.iota {dimensions = array<i32: 0>} : vector<16xi32>
    %add3A_18 = arith.constant 16 : i32
    %add3A_19 = vector.broadcast %add3A_18 : i32 to vector<16xi32>
    %add3A_20 = arith.addi %iota3A_17, %add3A_19 : vector<16xi32>
    %swap3A_21 = arith.constant 0 : i32
    %swap3A_22 = arith.index_cast %swap3A_21 : i32 to index
    %swap3A_23 = arith.constant 16 : index
    %swap3A_24 = tpu.vector_load %arg15[%swap3A_22, %swap3A_23] {strides = array<i32>} : memref<1x80xi32, #tpu.memory_space<vmem>>, vector<16xi32>,
    tpu.vector_store %arg15[%swap3A_22, %swap3A_23], %add3A_20 {strides = array<i32>} : memref<1x80xi32, #tpu.memory_space<vmem>>, vector<16xi32>,
    %iota3A_25 = tpu.iota {dimensions = array<i32: 0>} : vector<16xi32>
    %add3A_26 = arith.constant 32 : i32
    %add3A_27 = vector.broadcast %add3A_26 : i32 to vector<16xi32>
    %add3A_28 = arith.addi %iota3A_25, %add3A_27 : vector<16xi32>
    %swap3A_29 = arith.constant 0 : i32
    %swap3A_30 = arith.index_cast %swap3A_29 : i32 to index
    %swap3A_31 = arith.constant 32 : index
    %swap3A_32 = tpu.vector_load %arg15[%swap3A_30, %swap3A_31] {strides = array<i32>} : memref<1x80xi32, #tpu.memory_space<vmem>>, vector<16xi32>,
    tpu.vector_store %arg15[%swap3A_30, %swap3A_31], %add3A_28 {strides = array<i32>} : memref<1x80xi32, #tpu.memory_space<vmem>>, vector<16xi32>,
    %iota3A_33 = tpu.iota {dimensions = array<i32: 0>} : vector<16xi32>
    %add3A_34 = arith.constant 48 : i32
    %add3A_35 = vector.broadcast %add3A_34 : i32 to vector<16xi32>
    %add3A_36 = arith.addi %iota3A_33, %add3A_35 : vector<16xi32>
    %swap3A_37 = arith.constant 0 : i32
    %swap3A_38 = arith.index_cast %swap3A_37 : i32 to index
    %swap3A_39 = arith.constant 48 : index
    %swap3A_40 = tpu.vector_load %arg15[%swap3A_38, %swap3A_39] {strides = array<i32>} : memref<1x80xi32, #tpu.memory_space<vmem>>, vector<16xi32>,
    tpu.vector_store %arg15[%swap3A_38, %swap3A_39], %add3A_36 {strides = array<i32>} : memref<1x80xi32, #tpu.memory_space<vmem>>, vector<16xi32>,
    %iota3A_41 = tpu.iota {dimensions = array<i32: 0>} : vector<16xi32>
    %add3A_42 = arith.constant 64 : i32
    %add3A_43 = vector.broadcast %add3A_42 : i32 to vector<16xi32>
    %add3A_44 = arith.addi %iota3A_41, %add3A_43 : vector<16xi32>
    %swap3A_45 = arith.constant 0 : i32
    %swap3A_46 = arith.index_cast %swap3A_45 : i32 to index
    %swap3A_47 = arith.constant 64 : index
    %swap3A_48 = tpu.vector_load %arg15[%swap3A_46, %swap3A_47] {strides = array<i32>} : memref<1x80xi32, #tpu.memory_space<vmem>>, vector<16xi32>,
    tpu.vector_store %arg15[%swap3A_46, %swap3A_47], %add3A_44 {strides = array<i32>} : memref<1x80xi32, #tpu.memory_space<vmem>>, vector<16xi32>,
    %eq3A = arith.constant 0 : i32
    %eq3A_49 = arith.cmpi eq, %arg1, %eq3A : i32
    %convert_element_type3A = arith.extui %eq3A_49 : i1 to i32
    %cond3A = arith.constant 0 : i32
    %cond3A_50 = arith.cmpi ne, %convert_element_type3A, %cond3A : i32
    scf.if %cond3A_50 {
      "tpu.region"() ({
        %run_scoped3A_204 = tpu.sem_alloc : memref<!tpu.dma_semaphore, #tpu.memory_space<semaphore_mem>>
        tpu.enqueue_dma source(%arg7 : memref<80x128xf32, #tpu.memory_space<vmem>>) target(%arg16 : memref<80x128xf32, #tpu.memory_space<vmem_shared>>) target_semaphore(%run_scoped3A_204 : memref<!tpu.dma_semaphore, #tpu.memory_space<semaphore_mem>>)
        tpu.wait_dma2 semaphore(%run_scoped3A_204 : memref<!tpu.dma_semaphore, #tpu.memory_space<semaphore_mem>>) src(%arg7 : memref<80x128xf32, #tpu.memory_space<vmem>>) dst(%arg16 : memref<80x128xf32, #tpu.memory_space<vmem_shared>>)
        tpu.yield
      }) : () -> ()
    } else {
    }
    %barrier3A = arith.constant 0 : index
    tpu.barrier barrier_id(%barrier3A)
    %min3A = arith.constant 2499 : i32
    %min3A_51 = arith.minsi %add3A_5, %min3A : i32
    %dma_start3A = arith.constant 0 : i32
    %dma_start3A_52 = arith.constant 0 : i32
    %dma_start3A_53 = tpu.memref_slice %arg9[%dma_start3A, %dma_start3A_52] : memref<2x128xi32, #tpu.memory_space<vmem>> -> memref<1x128xi32, #tpu.memory_space<vmem>>
    %dma_start3A_54 = tpu.memref_squeeze %dma_start3A_53 : memref<1x128xi32, #tpu.memory_space<vmem>> -> memref<128xi32, #tpu.memory_space<vmem>>
    %dma_start3A_55 = arith.constant 0 : i32
    %dma_start3A_56 = tpu.memref_slice %arg4[%min3A_51, %dma_start3A_55] : memref<2500x128xi32, #tpu.memory_space<hbm>> -> memref<1x128xi32, #tpu.memory_space<hbm>>
    %dma_start3A_57 = tpu.memref_squeeze %dma_start3A_56 : memref<1x128xi32, #tpu.memory_space<hbm>> -> memref<128xi32, #tpu.memory_space<hbm>>
    %dma_start3A_58 = arith.constant 0 : i32
    %dma_start3A_59 = tpu.memref_slice %arg9[%dma_start3A, %dma_start3A_58] : memref<2x128xi32, #tpu.memory_space<vmem>> -> memref<1x128xi32, #tpu.memory_space<vmem>>
    %dma_start3A_60 = tpu.memref_squeeze %dma_start3A_59 : memref<1x128xi32, #tpu.memory_space<vmem>> -> memref<128xi32, #tpu.memory_space<vmem>>
    %dma_start3A_61 = arith.constant 0 : i32
    %dma_start3A_62 = tpu.memref_slice %arg4[%min3A_51, %dma_start3A_61] : memref<2500x128xi32, #tpu.memory_space<hbm>> -> memref<1x128xi32, #tpu.memory_space<hbm>>
    %dma_start3A_63 = tpu.memref_squeeze %dma_start3A_62 : memref<1x128xi32, #tpu.memory_space<hbm>> -> memref<128xi32, #tpu.memory_space<hbm>>
    tpu.enqueue_dma source(%dma_start3A_63 : memref<128xi32, #tpu.memory_space<hbm>>) target(%dma_start3A_60 : memref<128xi32, #tpu.memory_space<vmem>>) target_semaphore(%arg17 : memref<!tpu.dma_semaphore, #tpu.memory_space<semaphore_mem>>)
    %dma_start3A_64 = arith.constant 1 : i32
    %dma_start3A_65 = arith.constant 0 : i32
    %dma_start3A_66 = tpu.memref_slice %arg9[%dma_start3A_64, %dma_start3A_65] : memref<2x128xi32, #tpu.memory_space<vmem>> -> memref<1x128xi32, #tpu.memory_space<vmem>>
    %dma_start3A_67 = tpu.memref_squeeze %dma_start3A_66 : memref<1x128xi32, #tpu.memory_space<vmem>> -> memref<128xi32, #tpu.memory_space<vmem>>
    %dma_start3A_68 = arith.constant 0 : i32
    %dma_start3A_69 = tpu.memref_slice %arg5[%min3A_51, %dma_start3A_68] : memref<2500x128xi32, #tpu.memory_space<hbm>> -> memref<1x128xi32, #tpu.memory_space<hbm>>
    %dma_start3A_70 = tpu.memref_squeeze %dma_start3A_69 : memref<1x128xi32, #tpu.memory_space<hbm>> -> memref<128xi32, #tpu.memory_space<hbm>>
    %dma_start3A_71 = arith.constant 0 : i32
    %dma_start3A_72 = tpu.memref_slice %arg9[%dma_start3A_64, %dma_start3A_71] : memref<2x128xi32, #tpu.memory_space<vmem>> -> memref<1x128xi32, #tpu.memory_space<vmem>>
    %dma_start3A_73 = tpu.memref_squeeze %dma_start3A_72 : memref<1x128xi32, #tpu.memory_space<vmem>> -> memref<128xi32, #tpu.memory_space<vmem>>
    %dma_start3A_74 = arith.constant 0 : i32
    %dma_start3A_75 = tpu.memref_slice %arg5[%min3A_51, %dma_start3A_74] : memref<2500x128xi32, #tpu.memory_space<hbm>> -> memref<1x128xi32, #tpu.memory_space<hbm>>
    %dma_start3A_76 = tpu.memref_squeeze %dma_start3A_75 : memref<1x128xi32, #tpu.memory_space<hbm>> -> memref<128xi32, #tpu.memory_space<hbm>>
    tpu.enqueue_dma source(%dma_start3A_76 : memref<128xi32, #tpu.memory_space<hbm>>) target(%dma_start3A_73 : memref<128xi32, #tpu.memory_space<vmem>>) target_semaphore(%arg17 : memref<!tpu.dma_semaphore, #tpu.memory_space<semaphore_mem>>)
    %dma_wait3A = arith.constant 0 : i32
    %dma_wait3A_77 = arith.constant 0 : i32
    %dma_wait3A_78 = arith.constant 0 : i32
    %dma_wait3A_79 = tpu.memref_slice %arg9[%dma_wait3A_77, %dma_wait3A_78] : memref<2x128xi32, #tpu.memory_space<vmem>> -> memref<1x128xi32, #tpu.memory_space<vmem>>
    %dma_wait3A_80 = tpu.memref_squeeze %dma_wait3A_79 : memref<1x128xi32, #tpu.memory_space<vmem>> -> memref<128xi32, #tpu.memory_space<vmem>>
    %dma_wait3A_81 = arith.constant 0 : i32
    %dma_wait3A_82 = tpu.memref_slice %arg4[%dma_wait3A, %dma_wait3A_81] : memref<2500x128xi32, #tpu.memory_space<hbm>> -> memref<1x128xi32, #tpu.memory_space<hbm>>
    %dma_wait3A_83 = tpu.memref_squeeze %dma_wait3A_82 : memref<1x128xi32, #tpu.memory_space<hbm>> -> memref<128xi32, #tpu.memory_space<hbm>>
    %dma_wait3A_84 = arith.constant 0 : i32
    %dma_wait3A_85 = tpu.memref_slice %arg9[%dma_wait3A_77, %dma_wait3A_84] : memref<2x128xi32, #tpu.memory_space<vmem>> -> memref<1x128xi32, #tpu.memory_space<vmem>>
    %dma_wait3A_86 = tpu.memref_squeeze %dma_wait3A_85 : memref<1x128xi32, #tpu.memory_space<vmem>> -> memref<128xi32, #tpu.memory_space<vmem>>
    %dma_wait3A_87 = arith.constant 0 : i32
    %dma_wait3A_88 = tpu.memref_slice %arg4[%dma_wait3A, %dma_wait3A_87] : memref<2500x128xi32, #tpu.memory_space<hbm>> -> memref<1x128xi32, #tpu.memory_space<hbm>>
    %dma_wait3A_89 = tpu.memref_squeeze %dma_wait3A_88 : memref<1x128xi32, #tpu.memory_space<hbm>> -> memref<128xi32, #tpu.memory_space<hbm>>
    tpu.wait_dma2 semaphore(%arg17 : memref<!tpu.dma_semaphore, #tpu.memory_space<semaphore_mem>>) src(%dma_wait3A_89 : memref<128xi32, #tpu.memory_space<hbm>>) dst(%dma_wait3A_86 : memref<128xi32, #tpu.memory_space<vmem>>)
    %dma_wait3A_90 = arith.constant 0 : i32
    %dma_wait3A_91 = arith.constant 1 : i32
    %dma_wait3A_92 = arith.constant 0 : i32
    %dma_wait3A_93 = tpu.memref_slice %arg9[%dma_wait3A_91, %dma_wait3A_92] : memref<2x128xi32, #tpu.memory_space<vmem>> -> memref<1x128xi32, #tpu.memory_space<vmem>>
    %dma_wait3A_94 = tpu.memref_squeeze %dma_wait3A_93 : memref<1x128xi32, #tpu.memory_space<vmem>> -> memref<128xi32, #tpu.memory_space<vmem>>
    %dma_wait3A_95 = arith.constant 0 : i32
    %dma_wait3A_96 = tpu.memref_slice %arg5[%dma_wait3A_90, %dma_wait3A_95] : memref<2500x128xi32, #tpu.memory_space<hbm>> -> memref<1x128xi32, #tpu.memory_space<hbm>>
    %dma_wait3A_97 = tpu.memref_squeeze %dma_wait3A_96 : memref<1x128xi32, #tpu.memory_space<hbm>> -> memref<128xi32, #tpu.memory_space<hbm>>
    %dma_wait3A_98 = arith.constant 0 : i32
    %dma_wait3A_99 = tpu.memref_slice %arg9[%dma_wait3A_91, %dma_wait3A_98] : memref<2x128xi32, #tpu.memory_space<vmem>> -> memref<1x128xi32, #tpu.memory_space<vmem>>
    %dma_wait3A_100 = tpu.memref_squeeze %dma_wait3A_99 : memref<1x128xi32, #tpu.memory_space<vmem>> -> memref<128xi32, #tpu.memory_space<vmem>>
    %dma_wait3A_101 = arith.constant 0 : i32
    %dma_wait3A_102 = tpu.memref_slice %arg5[%dma_wait3A_90, %dma_wait3A_101] : memref<2500x128xi32, #tpu.memory_space<hbm>> -> memref<1x128xi32, #tpu.memory_space<hbm>>
    %dma_wait3A_103 = tpu.memref_squeeze %dma_wait3A_102 : memref<1x128xi32, #tpu.memory_space<hbm>> -> memref<128xi32, #tpu.memory_space<hbm>>
    tpu.wait_dma2 semaphore(%arg17 : memref<!tpu.dma_semaphore, #tpu.memory_space<semaphore_mem>>) src(%dma_wait3A_103 : memref<128xi32, #tpu.memory_space<hbm>>) dst(%dma_wait3A_100 : memref<128xi32, #tpu.memory_space<vmem>>)
    %dma_start3A_104 = arith.constant 0 : i32
    %dma_start3A_105 = arith.constant 0 : i32
    %dma_start3A_106 = tpu.memref_slice %arg9[%dma_start3A_104, %dma_start3A_105] : memref<2x128xi32, #tpu.memory_space<vmem>> -> memref<1x128xi32, #tpu.memory_space<vmem>>
    %dma_start3A_107 = tpu.memref_squeeze %dma_start3A_106 : memref<1x128xi32, #tpu.memory_space<vmem>> -> memref<128xi32, #tpu.memory_space<vmem>>
    %dma_start3A_108 = arith.constant 0 : i32
    %dma_start3A_109 = tpu.memref_slice %arg2[%dma_start3A_108] : memref<10000xf32, #tpu.memory_space<hbm>> -> memref<10000xf32, #tpu.memory_space<hbm>>
    tpu.enqueue_indirect_dma source(%dma_start3A_109 : memref<10000xf32, #tpu.memory_space<hbm>>) target(%arg11 : memref<128xf32, #tpu.memory_space<vmem>>) offsets(%dma_start3A_107 : memref<128xi32, #tpu.memory_space<vmem>>) semaphore(%arg19 : memref<!tpu.dma_semaphore, #tpu.memory_space<semaphore_mem>>)
    %dma_start3A_110 = arith.constant 1 : i32
    %dma_start3A_111 = arith.constant 0 : i32
    %dma_start3A_112 = tpu.memref_slice %arg9[%dma_start3A_110, %dma_start3A_111] : memref<2x128xi32, #tpu.memory_space<vmem>> -> memref<1x128xi32, #tpu.memory_space<vmem>>
    %dma_start3A_113 = tpu.memref_squeeze %dma_start3A_112 : memref<1x128xi32, #tpu.memory_space<vmem>> -> memref<128xi32, #tpu.memory_space<vmem>>
    %dma_start3A_114 = arith.constant 0 : i32
    %dma_start3A_115 = tpu.memref_slice %arg3[%dma_start3A_114] : memref<10000xf32, #tpu.memory_space<hbm>> -> memref<10000xf32, #tpu.memory_space<hbm>>
    tpu.enqueue_indirect_dma source(%dma_start3A_115 : memref<10000xf32, #tpu.memory_space<hbm>>) target(%arg12 : memref<128xf32, #tpu.memory_space<vmem>>) offsets(%dma_start3A_113 : memref<128xi32, #tpu.memory_space<vmem>>) semaphore(%arg19 : memref<!tpu.dma_semaphore, #tpu.memory_space<semaphore_mem>>)
    %add3A_116 = arith.constant 1 : i32
    %add3A_117 = arith.addi %add3A_5, %add3A_116 : i32
    %min3A_118 = arith.constant 2499 : i32
    %min3A_119 = arith.minsi %add3A_117, %min3A_118 : i32
    %dma_start3A_120 = arith.constant 0 : i32
    %dma_start3A_121 = arith.constant 0 : i32
    %dma_start3A_122 = tpu.memref_slice %arg10[%dma_start3A_120, %dma_start3A_121] : memref<2x128xi32, #tpu.memory_space<vmem>> -> memref<1x128xi32, #tpu.memory_space<vmem>>
    %dma_start3A_123 = tpu.memref_squeeze %dma_start3A_122 : memref<1x128xi32, #tpu.memory_space<vmem>> -> memref<128xi32, #tpu.memory_space<vmem>>
    %dma_start3A_124 = arith.constant 0 : i32
    %dma_start3A_125 = tpu.memref_slice %arg4[%min3A_119, %dma_start3A_124] : memref<2500x128xi32, #tpu.memory_space<hbm>> -> memref<1x128xi32, #tpu.memory_space<hbm>>
    %dma_start3A_126 = tpu.memref_squeeze %dma_start3A_125 : memref<1x128xi32, #tpu.memory_space<hbm>> -> memref<128xi32, #tpu.memory_space<hbm>>
    %dma_start3A_127 = arith.constant 0 : i32
    %dma_start3A_128 = tpu.memref_slice %arg10[%dma_start3A_120, %dma_start3A_127] : memref<2x128xi32, #tpu.memory_space<vmem>> -> memref<1x128xi32, #tpu.memory_space<vmem>>
    %dma_start3A_129 = tpu.memref_squeeze %dma_start3A_128 : memref<1x128xi32, #tpu.memory_space<vmem>> -> memref<128xi32, #tpu.memory_space<vmem>>
    %dma_start3A_130 = arith.constant 0 : i32
    %dma_start3A_131 = tpu.memref_slice %arg4[%min3A_119, %dma_start3A_130] : memref<2500x128xi32, #tpu.memory_space<hbm>> -> memref<1x128xi32, #tpu.memory_space<hbm>>
    %dma_start3A_132 = tpu.memref_squeeze %dma_start3A_131 : memref<1x128xi32, #tpu.memory_space<hbm>> -> memref<128xi32, #tpu.memory_space<hbm>>
    tpu.enqueue_dma source(%dma_start3A_132 : memref<128xi32, #tpu.memory_space<hbm>>) target(%dma_start3A_129 : memref<128xi32, #tpu.memory_space<vmem>>) target_semaphore(%arg18 : memref<!tpu.dma_semaphore, #tpu.memory_space<semaphore_mem>>)
    %dma_start3A_133 = arith.constant 1 : i32
    %dma_start3A_134 = arith.constant 0 : i32
    %dma_start3A_135 = tpu.memref_slice %arg10[%dma_start3A_133, %dma_start3A_134] : memref<2x128xi32, #tpu.memory_space<vmem>> -> memref<1x128xi32, #tpu.memory_space<vmem>>
    %dma_start3A_136 = tpu.memref_squeeze %dma_start3A_135 : memref<1x128xi32, #tpu.memory_space<vmem>> -> memref<128xi32, #tpu.memory_space<vmem>>
    %dma_start3A_137 = arith.constant 0 : i32
    %dma_start3A_138 = tpu.memref_slice %arg5[%min3A_119, %dma_start3A_137] : memref<2500x128xi32, #tpu.memory_space<hbm>> -> memref<1x128xi32, #tpu.memory_space<hbm>>
    %dma_start3A_139 = tpu.memref_squeeze %dma_start3A_138 : memref<1x128xi32, #tpu.memory_space<hbm>> -> memref<128xi32, #tpu.memory_space<hbm>>
    %dma_start3A_140 = arith.constant 0 : i32
    %dma_start3A_141 = tpu.memref_slice %arg10[%dma_start3A_133, %dma_start3A_140] : memref<2x128xi32, #tpu.memory_space<vmem>> -> memref<1x128xi32, #tpu.memory_space<vmem>>
    %dma_start3A_142 = tpu.memref_squeeze %dma_start3A_141 : memref<1x128xi32, #tpu.memory_space<vmem>> -> memref<128xi32, #tpu.memory_space<vmem>>
    %dma_start3A_143 = arith.constant 0 : i32
    %dma_start3A_144 = tpu.memref_slice %arg5[%min3A_119, %dma_start3A_143] : memref<2500x128xi32, #tpu.memory_space<hbm>> -> memref<1x128xi32, #tpu.memory_space<hbm>>
    %dma_start3A_145 = tpu.memref_squeeze %dma_start3A_144 : memref<1x128xi32, #tpu.memory_space<hbm>> -> memref<128xi32, #tpu.memory_space<hbm>>
    tpu.enqueue_dma source(%dma_start3A_145 : memref<128xi32, #tpu.memory_space<hbm>>) target(%dma_start3A_142 : memref<128xi32, #tpu.memory_space<vmem>>) target_semaphore(%arg18 : memref<!tpu.dma_semaphore, #tpu.memory_space<semaphore_mem>>)
    %scan3A_146 = arith.constant 0 : i32
    %scan3A_147 = arith.constant 39 : i32
    %scan3A_148 = arith.addi %scan3A_146, %scan3A_147 : i32
    %scan3A_149 = arith.constant 1 : i32
    scf.for %scan3A_204 = %scan3A_146 to %scan3A_148 step %scan3A_149  : i32 {
      %mul3A_205 = arith.constant 1 : i32
      %mul3A_206 = arith.muli %scan3A_204, %mul3A_205 : i32
      %add3A_207 = arith.constant 0 : i32
      %add3A_208 = arith.addi %add3A_207, %mul3A_206 : i32
      %mul3A_209 = arith.constant 2 : i32
      %mul3A_210 = arith.muli %mul3A_209, %add3A_208 : i32
      %add3A_211 = arith.constant 0 : i32
      %add3A_212 = arith.addi %mul3A_210, %add3A_211 : i32
      %dma_wait3A_213 = arith.constant 0 : i32
      %dma_wait3A_214 = arith.constant 0 : i32
      %dma_wait3A_215 = arith.constant 0 : i32
      %dma_wait3A_216 = tpu.memref_slice %arg10[%dma_wait3A_214, %dma_wait3A_215] : memref<2x128xi32, #tpu.memory_space<vmem>> -> memref<1x128xi32, #tpu.memory_space<vmem>>
      %dma_wait3A_217 = tpu.memref_squeeze %dma_wait3A_216 : memref<1x128xi32, #tpu.memory_space<vmem>> -> memref<128xi32, #tpu.memory_space<vmem>>
      %dma_wait3A_218 = arith.constant 0 : i32
      %dma_wait3A_219 = tpu.memref_slice %arg4[%dma_wait3A_213, %dma_wait3A_218] : memref<2500x128xi32, #tpu.memory_space<hbm>> -> memref<1x128xi32, #tpu.memory_space<hbm>>
      %dma_wait3A_220 = tpu.memref_squeeze %dma_wait3A_219 : memref<1x128xi32, #tpu.memory_space<hbm>> -> memref<128xi32, #tpu.memory_space<hbm>>
      %dma_wait3A_221 = arith.constant 0 : i32
      %dma_wait3A_222 = tpu.memref_slice %arg10[%dma_wait3A_214, %dma_wait3A_221] : memref<2x128xi32, #tpu.memory_space<vmem>> -> memref<1x128xi32, #tpu.memory_space<vmem>>
      %dma_wait3A_223 = tpu.memref_squeeze %dma_wait3A_222 : memref<1x128xi32, #tpu.memory_space<vmem>> -> memref<128xi32, #tpu.memory_space<vmem>>
      %dma_wait3A_224 = arith.constant 0 : i32
      %dma_wait3A_225 = tpu.memref_slice %arg4[%dma_wait3A_213, %dma_wait3A_224] : memref<2500x128xi32, #tpu.memory_space<hbm>> -> memref<1x128xi32, #tpu.memory_space<hbm>>
      %dma_wait3A_226 = tpu.memref_squeeze %dma_wait3A_225 : memref<1x128xi32, #tpu.memory_space<hbm>> -> memref<128xi32, #tpu.memory_space<hbm>>
      tpu.wait_dma2 semaphore(%arg18 : memref<!tpu.dma_semaphore, #tpu.memory_space<semaphore_mem>>) src(%dma_wait3A_226 : memref<128xi32, #tpu.memory_space<hbm>>) dst(%dma_wait3A_223 : memref<128xi32, #tpu.memory_space<vmem>>)
      %dma_wait3A_227 = arith.constant 0 : i32
      %dma_wait3A_228 = arith.constant 1 : i32
      %dma_wait3A_229 = arith.constant 0 : i32
      %dma_wait3A_230 = tpu.memref_slice %arg10[%dma_wait3A_228, %dma_wait3A_229] : memref<2x128xi32, #tpu.memory_space<vmem>> -> memref<1x128xi32, #tpu.memory_space<vmem>>
      %dma_wait3A_231 = tpu.memref_squeeze %dma_wait3A_230 : memref<1x128xi32, #tpu.memory_space<vmem>> -> memref<128xi32, #tpu.memory_space<vmem>>
      %dma_wait3A_232 = arith.constant 0 : i32
      %dma_wait3A_233 = tpu.memref_slice %arg5[%dma_wait3A_227, %dma_wait3A_232] : memref<2500x128xi32, #tpu.memory_space<hbm>> -> memref<1x128xi32, #tpu.memory_space<hbm>>
      %dma_wait3A_234 = tpu.memref_squeeze %dma_wait3A_233 : memref<1x128xi32, #tpu.memory_space<hbm>> -> memref<128xi32, #tpu.memory_space<hbm>>
      %dma_wait3A_235 = arith.constant 0 : i32
      %dma_wait3A_236 = tpu.memref_slice %arg10[%dma_wait3A_228, %dma_wait3A_235] : memref<2x128xi32, #tpu.memory_space<vmem>> -> memref<1x128xi32, #tpu.memory_space<vmem>>
      %dma_wait3A_237 = tpu.memref_squeeze %dma_wait3A_236 : memref<1x128xi32, #tpu.memory_space<vmem>> -> memref<128xi32, #tpu.memory_space<vmem>>
      %dma_wait3A_238 = arith.constant 0 : i32
      %dma_wait3A_239 = tpu.memref_slice %arg5[%dma_wait3A_227, %dma_wait3A_238] : memref<2500x128xi32, #tpu.memory_space<hbm>> -> memref<1x128xi32, #tpu.memory_space<hbm>>
      %dma_wait3A_240 = tpu.memref_squeeze %dma_wait3A_239 : memref<1x128xi32, #tpu.memory_space<hbm>> -> memref<128xi32, #tpu.memory_space<hbm>>
      tpu.wait_dma2 semaphore(%arg18 : memref<!tpu.dma_semaphore, #tpu.memory_space<semaphore_mem>>) src(%dma_wait3A_240 : memref<128xi32, #tpu.memory_space<hbm>>) dst(%dma_wait3A_237 : memref<128xi32, #tpu.memory_space<vmem>>)
      %dma_start3A_241 = arith.constant 0 : i32
      %dma_start3A_242 = arith.constant 0 : i32
      %dma_start3A_243 = tpu.memref_slice %arg10[%dma_start3A_241, %dma_start3A_242] : memref<2x128xi32, #tpu.memory_space<vmem>> -> memref<1x128xi32, #tpu.memory_space<vmem>>
      %dma_start3A_244 = tpu.memref_squeeze %dma_start3A_243 : memref<1x128xi32, #tpu.memory_space<vmem>> -> memref<128xi32, #tpu.memory_space<vmem>>
      %dma_start3A_245 = arith.constant 0 : i32
      %dma_start3A_246 = tpu.memref_slice %arg2[%dma_start3A_245] : memref<10000xf32, #tpu.memory_space<hbm>> -> memref<10000xf32, #tpu.memory_space<hbm>>
      tpu.enqueue_indirect_dma source(%dma_start3A_246 : memref<10000xf32, #tpu.memory_space<hbm>>) target(%arg13 : memref<128xf32, #tpu.memory_space<vmem>>) offsets(%dma_start3A_244 : memref<128xi32, #tpu.memory_space<vmem>>) semaphore(%arg20 : memref<!tpu.dma_semaphore, #tpu.memory_space<semaphore_mem>>)
      %dma_start3A_247 = arith.constant 1 : i32
      %dma_start3A_248 = arith.constant 0 : i32
      %dma_start3A_249 = tpu.memref_slice %arg10[%dma_start3A_247, %dma_start3A_248] : memref<2x128xi32, #tpu.memory_space<vmem>> -> memref<1x128xi32, #tpu.memory_space<vmem>>
      %dma_start3A_250 = tpu.memref_squeeze %dma_start3A_249 : memref<1x128xi32, #tpu.memory_space<vmem>> -> memref<128xi32, #tpu.memory_space<vmem>>
      %dma_start3A_251 = arith.constant 0 : i32
      %dma_start3A_252 = tpu.memref_slice %arg3[%dma_start3A_251] : memref<10000xf32, #tpu.memory_space<hbm>> -> memref<10000xf32, #tpu.memory_space<hbm>>
      tpu.enqueue_indirect_dma source(%dma_start3A_252 : memref<10000xf32, #tpu.memory_space<hbm>>) target(%arg14 : memref<128xf32, #tpu.memory_space<vmem>>) offsets(%dma_start3A_250 : memref<128xi32, #tpu.memory_space<vmem>>) semaphore(%arg20 : memref<!tpu.dma_semaphore, #tpu.memory_space<semaphore_mem>>)
      %dma_wait3A_253 = arith.constant 0 : i32
      %dma_wait3A_254 = arith.constant 0 : i32
      %dma_wait3A_255 = tpu.memref_slice %arg9[%dma_wait3A_253, %dma_wait3A_254] : memref<2x128xi32, #tpu.memory_space<vmem>> -> memref<1x128xi32, #tpu.memory_space<vmem>>
      %dma_wait3A_256 = tpu.memref_squeeze %dma_wait3A_255 : memref<1x128xi32, #tpu.memory_space<vmem>> -> memref<128xi32, #tpu.memory_space<vmem>>
      %dma_wait3A_257 = arith.constant 0 : i32
      %dma_wait3A_258 = tpu.memref_slice %arg2[%dma_wait3A_257] : memref<10000xf32, #tpu.memory_space<hbm>> -> memref<10000xf32, #tpu.memory_space<hbm>>
      tpu.wait_indirect_dma semaphore(%arg19 : memref<!tpu.dma_semaphore, #tpu.memory_space<semaphore_mem>>) src(%dma_wait3A_258 : memref<10000xf32, #tpu.memory_space<hbm>>) dst(%arg11 : memref<128xf32, #tpu.memory_space<vmem>>)
      %dma_wait3A_259 = arith.constant 1 : i32
      %dma_wait3A_260 = arith.constant 0 : i32
      %dma_wait3A_261 = tpu.memref_slice %arg9[%dma_wait3A_259, %dma_wait3A_260] : memref<2x128xi32, #tpu.memory_space<vmem>> -> memref<1x128xi32, #tpu.memory_space<vmem>>
      %dma_wait3A_262 = tpu.memref_squeeze %dma_wait3A_261 : memref<1x128xi32, #tpu.memory_space<vmem>> -> memref<128xi32, #tpu.memory_space<vmem>>
      %dma_wait3A_263 = arith.constant 0 : i32
      %dma_wait3A_264 = tpu.memref_slice %arg3[%dma_wait3A_263] : memref<10000xf32, #tpu.memory_space<hbm>> -> memref<10000xf32, #tpu.memory_space<hbm>>
      tpu.wait_indirect_dma semaphore(%arg19 : memref<!tpu.dma_semaphore, #tpu.memory_space<semaphore_mem>>) src(%dma_wait3A_264 : memref<10000xf32, #tpu.memory_space<hbm>>) dst(%arg12 : memref<128xf32, #tpu.memory_space<vmem>>)
      %get3A = arith.constant 1 : i32
      %get3A_265 = arith.index_cast %get3A : i32 to index
      %get3A_266 = arith.constant 0 : index
      %get3A_267 = tpu.vector_load %arg9[%get3A_265, %get3A_266] {strides = array<i32>} : memref<2x128xi32, #tpu.memory_space<vmem>>, vector<16xi32>,
      %get3A_268 = arith.constant 0 : index
      %get3A_269 = tpu.vector_load %arg11[%get3A_268] {strides = array<i32>} : memref<128xf32, #tpu.memory_space<vmem>>, vector<16xf32>,
      %get3A_270 = arith.constant 0 : index
      %get3A_271 = tpu.vector_load %arg12[%get3A_270] {strides = array<i32>} : memref<128xf32, #tpu.memory_space<vmem>>, vector<16xf32>,
      %add3A_272 = arith.addf %get3A_269, %get3A_271 : vector<16xf32>
      %gt3A = arith.constant 0.000000e+00 : f32
      %gt3A_273 = vector.broadcast %gt3A : f32 to vector<16xf32>
      %gt3A_274 = arith.cmpf ogt, %add3A_272, %gt3A_273 : vector<16xf32>
      %mul3A_275 = arith.constant 2.000000e-01 : f32
      %mul3A_276 = vector.broadcast %mul3A_275 : f32 to vector<16xf32>
      %mul3A_277 = arith.mulf %add3A_272, %mul3A_276 : vector<16xf32>
      %select_n3A = arith.select %gt3A_274, %add3A_272, %mul3A_277 : vector<16xi1>, vector<16xf32>
      %exp3A = math.exp %select_n3A : vector<16xf32>
      %shift_right_logical3A = arith.constant 7 : i32
      %shift_right_logical3A_278 = vector.broadcast %shift_right_logical3A : i32 to vector<16xi32>
      %shift_right_logical3A_279 = arith.shrui %get3A_267, %shift_right_logical3A_278 : vector<16xi32>
      %and3A = arith.constant 127 : i32
      %and3A_280 = vector.broadcast %and3A : i32 to vector<16xi32>
      %and3A_281 = arith.andi %get3A_267, %and3A_280 : vector<16xi32>
      tpu.vector_store_idx %arg7[%shift_right_logical3A_279, %and3A_281], %exp3A {add = true} : memref<80x128xf32, #tpu.memory_space<vmem>>[vector<16xi32>, vector<16xi32>], vector<16xf32>,
      %swap3A_282 = arith.index_cast %add3A_212 : i32 to index
      %swap3A_283 = arith.constant 0 : index
      %swap3A_284 = tpu.vector_load %arg8[%swap3A_282, %swap3A_283] {strides = array<i32>} : memref<80x128xf32, #tpu.memory_space<vmem>>, vector<16xf32>,
      tpu.vector_store %arg8[%swap3A_282, %swap3A_283], %exp3A {strides = array<i32>} : memref<80x128xf32, #tpu.memory_space<vmem>>, vector<16xf32>,
      %get3A_285 = arith.constant 1 : i32
      %get3A_286 = arith.index_cast %get3A_285 : i32 to index
      %get3A_287 = arith.constant 16 : index
      %get3A_288 = tpu.vector_load %arg9[%get3A_286, %get3A_287] {strides = array<i32>} : memref<2x128xi32, #tpu.memory_space<vmem>>, vector<16xi32>,
      %get3A_289 = arith.constant 16 : index
      %get3A_290 = tpu.vector_load %arg11[%get3A_289] {strides = array<i32>} : memref<128xf32, #tpu.memory_space<vmem>>, vector<16xf32>,
      %get3A_291 = arith.constant 16 : index
      %get3A_292 = tpu.vector_load %arg12[%get3A_291] {strides = array<i32>} : memref<128xf32, #tpu.memory_space<vmem>>, vector<16xf32>,
      %add3A_293 = arith.addf %get3A_290, %get3A_292 : vector<16xf32>
      %gt3A_294 = arith.constant 0.000000e+00 : f32
      %gt3A_295 = vector.broadcast %gt3A_294 : f32 to vector<16xf32>
      %gt3A_296 = arith.cmpf ogt, %add3A_293, %gt3A_295 : vector<16xf32>
      %mul3A_297 = arith.constant 2.000000e-01 : f32
      %mul3A_298 = vector.broadcast %mul3A_297 : f32 to vector<16xf32>
      %mul3A_299 = arith.mulf %add3A_293, %mul3A_298 : vector<16xf32>
      %select_n3A_300 = arith.select %gt3A_296, %add3A_293, %mul3A_299 : vector<16xi1>, vector<16xf32>
      %exp3A_301 = math.exp %select_n3A_300 : vector<16xf32>
      %shift_right_logical3A_302 = arith.constant 7 : i32
      %shift_right_logical3A_303 = vector.broadcast %shift_right_logical3A_302 : i32 to vector<16xi32>
      %shift_right_logical3A_304 = arith.shrui %get3A_288, %shift_right_logical3A_303 : vector<16xi32>
      %and3A_305 = arith.constant 127 : i32
      %and3A_306 = vector.broadcast %and3A_305 : i32 to vector<16xi32>
      %and3A_307 = arith.andi %get3A_288, %and3A_306 : vector<16xi32>
      tpu.vector_store_idx %arg7[%shift_right_logical3A_304, %and3A_307], %exp3A_301 {add = true} : memref<80x128xf32, #tpu.memory_space<vmem>>[vector<16xi32>, vector<16xi32>], vector<16xf32>,
      %swap3A_308 = arith.index_cast %add3A_212 : i32 to index
      %swap3A_309 = arith.constant 16 : index
      %swap3A_310 = tpu.vector_load %arg8[%swap3A_308, %swap3A_309] {strides = array<i32>} : memref<80x128xf32, #tpu.memory_space<vmem>>, vector<16xf32>,
      tpu.vector_store %arg8[%swap3A_308, %swap3A_309], %exp3A_301 {strides = array<i32>} : memref<80x128xf32, #tpu.memory_space<vmem>>, vector<16xf32>,
      %get3A_311 = arith.constant 1 : i32
      %get3A_312 = arith.index_cast %get3A_311 : i32 to index
      %get3A_313 = arith.constant 32 : index
      %get3A_314 = tpu.vector_load %arg9[%get3A_312, %get3A_313] {strides = array<i32>} : memref<2x128xi32, #tpu.memory_space<vmem>>, vector<16xi32>,
      %get3A_315 = arith.constant 32 : index
      %get3A_316 = tpu.vector_load %arg11[%get3A_315] {strides = array<i32>} : memref<128xf32, #tpu.memory_space<vmem>>, vector<16xf32>,
      %get3A_317 = arith.constant 32 : index
      %get3A_318 = tpu.vector_load %arg12[%get3A_317] {strides = array<i32>} : memref<128xf32, #tpu.memory_space<vmem>>, vector<16xf32>,
      %add3A_319 = arith.addf %get3A_316, %get3A_318 : vector<16xf32>
      %gt3A_320 = arith.constant 0.000000e+00 : f32
      %gt3A_321 = vector.broadcast %gt3A_320 : f32 to vector<16xf32>
      %gt3A_322 = arith.cmpf ogt, %add3A_319, %gt3A_321 : vector<16xf32>
      %mul3A_323 = arith.constant 2.000000e-01 : f32
      %mul3A_324 = vector.broadcast %mul3A_323 : f32 to vector<16xf32>
      %mul3A_325 = arith.mulf %add3A_319, %mul3A_324 : vector<16xf32>
      %select_n3A_326 = arith.select %gt3A_322, %add3A_319, %mul3A_325 : vector<16xi1>, vector<16xf32>
      %exp3A_327 = math.exp %select_n3A_326 : vector<16xf32>
      %shift_right_logical3A_328 = arith.constant 7 : i32
      %shift_right_logical3A_329 = vector.broadcast %shift_right_logical3A_328 : i32 to vector<16xi32>
      %shift_right_logical3A_330 = arith.shrui %get3A_314, %shift_right_logical3A_329 : vector<16xi32>
      %and3A_331 = arith.constant 127 : i32
      %and3A_332 = vector.broadcast %and3A_331 : i32 to vector<16xi32>
      %and3A_333 = arith.andi %get3A_314, %and3A_332 : vector<16xi32>
      tpu.vector_store_idx %arg7[%shift_right_logical3A_330, %and3A_333], %exp3A_327 {add = true} : memref<80x128xf32, #tpu.memory_space<vmem>>[vector<16xi32>, vector<16xi32>], vector<16xf32>,
      %swap3A_334 = arith.index_cast %add3A_212 : i32 to index
      %swap3A_335 = arith.constant 32 : index
      %swap3A_336 = tpu.vector_load %arg8[%swap3A_334, %swap3A_335] {strides = array<i32>} : memref<80x128xf32, #tpu.memory_space<vmem>>, vector<16xf32>,
      tpu.vector_store %arg8[%swap3A_334, %swap3A_335], %exp3A_327 {strides = array<i32>} : memref<80x128xf32, #tpu.memory_space<vmem>>, vector<16xf32>,
      %get3A_337 = arith.constant 1 : i32
      %get3A_338 = arith.index_cast %get3A_337 : i32 to index
      %get3A_339 = arith.constant 48 : index
      %get3A_340 = tpu.vector_load %arg9[%get3A_338, %get3A_339] {strides = array<i32>} : memref<2x128xi32, #tpu.memory_space<vmem>>, vector<16xi32>,
      %get3A_341 = arith.constant 48 : index
      %get3A_342 = tpu.vector_load %arg11[%get3A_341] {strides = array<i32>} : memref<128xf32, #tpu.memory_space<vmem>>, vector<16xf32>,
      %get3A_343 = arith.constant 48 : index
      %get3A_344 = tpu.vector_load %arg12[%get3A_343] {strides = array<i32>} : memref<128xf32, #tpu.memory_space<vmem>>, vector<16xf32>,
      %add3A_345 = arith.addf %get3A_342, %get3A_344 : vector<16xf32>
      %gt3A_346 = arith.constant 0.000000e+00 : f32
      %gt3A_347 = vector.broadcast %gt3A_346 : f32 to vector<16xf32>
      %gt3A_348 = arith.cmpf ogt, %add3A_345, %gt3A_347 : vector<16xf32>
      %mul3A_349 = arith.constant 2.000000e-01 : f32
      %mul3A_350 = vector.broadcast %mul3A_349 : f32 to vector<16xf32>
      %mul3A_351 = arith.mulf %add3A_345, %mul3A_350 : vector<16xf32>
      %select_n3A_352 = arith.select %gt3A_348, %add3A_345, %mul3A_351 : vector<16xi1>, vector<16xf32>
      %exp3A_353 = math.exp %select_n3A_352 : vector<16xf32>
      %shift_right_logical3A_354 = arith.constant 7 : i32
      %shift_right_logical3A_355 = vector.broadcast %shift_right_logical3A_354 : i32 to vector<16xi32>
      %shift_right_logical3A_356 = arith.shrui %get3A_340, %shift_right_logical3A_355 : vector<16xi32>
      %and3A_357 = arith.constant 127 : i32
      %and3A_358 = vector.broadcast %and3A_357 : i32 to vector<16xi32>
      %and3A_359 = arith.andi %get3A_340, %and3A_358 : vector<16xi32>
      tpu.vector_store_idx %arg7[%shift_right_logical3A_356, %and3A_359], %exp3A_353 {add = true} : memref<80x128xf32, #tpu.memory_space<vmem>>[vector<16xi32>, vector<16xi32>], vector<16xf32>,
      %swap3A_360 = arith.index_cast %add3A_212 : i32 to index
      %swap3A_361 = arith.constant 48 : index
      %swap3A_362 = tpu.vector_load %arg8[%swap3A_360, %swap3A_361] {strides = array<i32>} : memref<80x128xf32, #tpu.memory_space<vmem>>, vector<16xf32>,
      tpu.vector_store %arg8[%swap3A_360, %swap3A_361], %exp3A_353 {strides = array<i32>} : memref<80x128xf32, #tpu.memory_space<vmem>>, vector<16xf32>,
      %get3A_363 = arith.constant 1 : i32
      %get3A_364 = arith.index_cast %get3A_363 : i32 to index
      %get3A_365 = arith.constant 64 : index
      %get3A_366 = tpu.vector_load %arg9[%get3A_364, %get3A_365] {strides = array<i32>} : memref<2x128xi32, #tpu.memory_space<vmem>>, vector<16xi32>,
      %get3A_367 = arith.constant 64 : index
      %get3A_368 = tpu.vector_load %arg11[%get3A_367] {strides = array<i32>} : memref<128xf32, #tpu.memory_space<vmem>>, vector<16xf32>,
      %get3A_369 = arith.constant 64 : index
      %get3A_370 = tpu.vector_load %arg12[%get3A_369] {strides = array<i32>} : memref<128xf32, #tpu.memory_space<vmem>>, vector<16xf32>,
      %add3A_371 = arith.addf %get3A_368, %get3A_370 : vector<16xf32>
      %gt3A_372 = arith.constant 0.000000e+00 : f32
      %gt3A_373 = vector.broadcast %gt3A_372 : f32 to vector<16xf32>
      %gt3A_374 = arith.cmpf ogt, %add3A_371, %gt3A_373 : vector<16xf32>
      %mul3A_375 = arith.constant 2.000000e-01 : f32
      %mul3A_376 = vector.broadcast %mul3A_375 : f32 to vector<16xf32>
      %mul3A_377 = arith.mulf %add3A_371, %mul3A_376 : vector<16xf32>
      %select_n3A_378 = arith.select %gt3A_374, %add3A_371, %mul3A_377 : vector<16xi1>, vector<16xf32>
      %exp3A_379 = math.exp %select_n3A_378 : vector<16xf32>
      %shift_right_logical3A_380 = arith.constant 7 : i32
      %shift_right_logical3A_381 = vector.broadcast %shift_right_logical3A_380 : i32 to vector<16xi32>
      %shift_right_logical3A_382 = arith.shrui %get3A_366, %shift_right_logical3A_381 : vector<16xi32>
      %and3A_383 = arith.constant 127 : i32
      %and3A_384 = vector.broadcast %and3A_383 : i32 to vector<16xi32>
      %and3A_385 = arith.andi %get3A_366, %and3A_384 : vector<16xi32>
      tpu.vector_store_idx %arg7[%shift_right_logical3A_382, %and3A_385], %exp3A_379 {add = true} : memref<80x128xf32, #tpu.memory_space<vmem>>[vector<16xi32>, vector<16xi32>], vector<16xf32>,
      %swap3A_386 = arith.index_cast %add3A_212 : i32 to index
      %swap3A_387 = arith.constant 64 : index
      %swap3A_388 = tpu.vector_load %arg8[%swap3A_386, %swap3A_387] {strides = array<i32>} : memref<80x128xf32, #tpu.memory_space<vmem>>, vector<16xf32>,
      tpu.vector_store %arg8[%swap3A_386, %swap3A_387], %exp3A_379 {strides = array<i32>} : memref<80x128xf32, #tpu.memory_space<vmem>>, vector<16xf32>,
      %get3A_389 = arith.constant 1 : i32
      %get3A_390 = arith.index_cast %get3A_389 : i32 to index
      %get3A_391 = arith.constant 80 : index
      %get3A_392 = tpu.vector_load %arg9[%get3A_390, %get3A_391] {strides = array<i32>} : memref<2x128xi32, #tpu.memory_space<vmem>>, vector<16xi32>,
      %get3A_393 = arith.constant 80 : index
      %get3A_394 = tpu.vector_load %arg11[%get3A_393] {strides = array<i32>} : memref<128xf32, #tpu.memory_space<vmem>>, vector<16xf32>,
      %get3A_395 = arith.constant 80 : index
      %get3A_396 = tpu.vector_load %arg12[%get3A_395] {strides = array<i32>} : memref<128xf32, #tpu.memory_space<vmem>>, vector<16xf32>,
      %add3A_397 = arith.addf %get3A_394, %get3A_396 : vector<16xf32>
      %gt3A_398 = arith.constant 0.000000e+00 : f32
      %gt3A_399 = vector.broadcast %gt3A_398 : f32 to vector<16xf32>
      %gt3A_400 = arith.cmpf ogt, %add3A_397, %gt3A_399 : vector<16xf32>
      %mul3A_401 = arith.constant 2.000000e-01 : f32
      %mul3A_402 = vector.broadcast %mul3A_401 : f32 to vector<16xf32>
      %mul3A_403 = arith.mulf %add3A_397, %mul3A_402 : vector<16xf32>
      %select_n3A_404 = arith.select %gt3A_400, %add3A_397, %mul3A_403 : vector<16xi1>, vector<16xf32>
      %exp3A_405 = math.exp %select_n3A_404 : vector<16xf32>
      %shift_right_logical3A_406 = arith.constant 7 : i32
      %shift_right_logical3A_407 = vector.broadcast %shift_right_logical3A_406 : i32 to vector<16xi32>
      %shift_right_logical3A_408 = arith.shrui %get3A_392, %shift_right_logical3A_407 : vector<16xi32>
      %and3A_409 = arith.constant 127 : i32
      %and3A_410 = vector.broadcast %and3A_409 : i32 to vector<16xi32>
      %and3A_411 = arith.andi %get3A_392, %and3A_410 : vector<16xi32>
      tpu.vector_store_idx %arg7[%shift_right_logical3A_408, %and3A_411], %exp3A_405 {add = true} : memref<80x128xf32, #tpu.memory_space<vmem>>[vector<16xi32>, vector<16xi32>], vector<16xf32>,
      %swap3A_412 = arith.index_cast %add3A_212 : i32 to index
      %swap3A_413 = arith.constant 80 : index
      %swap3A_414 = tpu.vector_load %arg8[%swap3A_412, %swap3A_413] {strides = array<i32>} : memref<80x128xf32, #tpu.memory_space<vmem>>, vector<16xf32>,
      tpu.vector_store %arg8[%swap3A_412, %swap3A_413], %exp3A_405 {strides = array<i32>} : memref<80x128xf32, #tpu.memory_space<vmem>>, vector<16xf32>,
      %get3A_415 = arith.constant 1 : i32
      %get3A_416 = arith.index_cast %get3A_415 : i32 to index
      %get3A_417 = arith.constant 96 : index
      %get3A_418 = tpu.vector_load %arg9[%get3A_416, %get3A_417] {strides = array<i32>} : memref<2x128xi32, #tpu.memory_space<vmem>>, vector<16xi32>,
      %get3A_419 = arith.constant 96 : index
      %get3A_420 = tpu.vector_load %arg11[%get3A_419] {strides = array<i32>} : memref<128xf32, #tpu.memory_space<vmem>>, vector<16xf32>,
      %get3A_421 = arith.constant 96 : index
      %get3A_422 = tpu.vector_load %arg12[%get3A_421] {strides = array<i32>} : memref<128xf32, #tpu.memory_space<vmem>>, vector<16xf32>,
      %add3A_423 = arith.addf %get3A_420, %get3A_422 : vector<16xf32>
      %gt3A_424 = arith.constant 0.000000e+00 : f32
      %gt3A_425 = vector.broadcast %gt3A_424 : f32 to vector<16xf32>
      %gt3A_426 = arith.cmpf ogt, %add3A_423, %gt3A_425 : vector<16xf32>
      %mul3A_427 = arith.constant 2.000000e-01 : f32
      %mul3A_428 = vector.broadcast %mul3A_427 : f32 to vector<16xf32>
      %mul3A_429 = arith.mulf %add3A_423, %mul3A_428 : vector<16xf32>
      %select_n3A_430 = arith.select %gt3A_426, %add3A_423, %mul3A_429 : vector<16xi1>, vector<16xf32>
      %exp3A_431 = math.exp %select_n3A_430 : vector<16xf32>
      %shift_right_logical3A_432 = arith.constant 7 : i32
      %shift_right_logical3A_433 = vector.broadcast %shift_right_logical3A_432 : i32 to vector<16xi32>
      %shift_right_logical3A_434 = arith.shrui %get3A_418, %shift_right_logical3A_433 : vector<16xi32>
      %and3A_435 = arith.constant 127 : i32
      %and3A_436 = vector.broadcast %and3A_435 : i32 to vector<16xi32>
      %and3A_437 = arith.andi %get3A_418, %and3A_436 : vector<16xi32>
      tpu.vector_store_idx %arg7[%shift_right_logical3A_434, %and3A_437], %exp3A_431 {add = true} : memref<80x128xf32, #tpu.memory_space<vmem>>[vector<16xi32>, vector<16xi32>], vector<16xf32>,
      %swap3A_438 = arith.index_cast %add3A_212 : i32 to index
      %swap3A_439 = arith.constant 96 : index
      %swap3A_440 = tpu.vector_load %arg8[%swap3A_438, %swap3A_439] {strides = array<i32>} : memref<80x128xf32, #tpu.memory_space<vmem>>, vector<16xf32>,
      tpu.vector_store %arg8[%swap3A_438, %swap3A_439], %exp3A_431 {strides = array<i32>} : memref<80x128xf32, #tpu.memory_space<vmem>>, vector<16xf32>,
      %get3A_441 = arith.constant 1 : i32
      %get3A_442 = arith.index_cast %get3A_441 : i32 to index
      %get3A_443 = arith.constant 112 : index
      %get3A_444 = tpu.vector_load %arg9[%get3A_442, %get3A_443] {strides = array<i32>} : memref<2x128xi32, #tpu.memory_space<vmem>>, vector<16xi32>,
      %get3A_445 = arith.constant 112 : index
      %get3A_446 = tpu.vector_load %arg11[%get3A_445] {strides = array<i32>} : memref<128xf32, #tpu.memory_space<vmem>>, vector<16xf32>,
      %get3A_447 = arith.constant 112 : index
      %get3A_448 = tpu.vector_load %arg12[%get3A_447] {strides = array<i32>} : memref<128xf32, #tpu.memory_space<vmem>>, vector<16xf32>,
      %add3A_449 = arith.addf %get3A_446, %get3A_448 : vector<16xf32>
      %gt3A_450 = arith.constant 0.000000e+00 : f32
      %gt3A_451 = vector.broadcast %gt3A_450 : f32 to vector<16xf32>
      %gt3A_452 = arith.cmpf ogt, %add3A_449, %gt3A_451 : vector<16xf32>
      %mul3A_453 = arith.constant 2.000000e-01 : f32
      %mul3A_454 = vector.broadcast %mul3A_453 : f32 to vector<16xf32>
      %mul3A_455 = arith.mulf %add3A_449, %mul3A_454 : vector<16xf32>
      %select_n3A_456 = arith.select %gt3A_452, %add3A_449, %mul3A_455 : vector<16xi1>, vector<16xf32>
      %exp3A_457 = math.exp %select_n3A_456 : vector<16xf32>
      %shift_right_logical3A_458 = arith.constant 7 : i32
      %shift_right_logical3A_459 = vector.broadcast %shift_right_logical3A_458 : i32 to vector<16xi32>
      %shift_right_logical3A_460 = arith.shrui %get3A_444, %shift_right_logical3A_459 : vector<16xi32>
      %and3A_461 = arith.constant 127 : i32
      %and3A_462 = vector.broadcast %and3A_461 : i32 to vector<16xi32>
      %and3A_463 = arith.andi %get3A_444, %and3A_462 : vector<16xi32>
      tpu.vector_store_idx %arg7[%shift_right_logical3A_460, %and3A_463], %exp3A_457 {add = true} : memref<80x128xf32, #tpu.memory_space<vmem>>[vector<16xi32>, vector<16xi32>], vector<16xf32>,
      %swap3A_464 = arith.index_cast %add3A_212 : i32 to index
      %swap3A_465 = arith.constant 112 : index
      %swap3A_466 = tpu.vector_load %arg8[%swap3A_464, %swap3A_465] {strides = array<i32>} : memref<80x128xf32, #tpu.memory_space<vmem>>, vector<16xf32>,
      tpu.vector_store %arg8[%swap3A_464, %swap3A_465], %exp3A_457 {strides = array<i32>} : memref<80x128xf32, #tpu.memory_space<vmem>>, vector<16xf32>,
      %add3A_467 = arith.addi %add3A_5, %add3A_212 : i32
      %add3A_468 = arith.constant 2 : i32
      %add3A_469 = arith.addi %add3A_467, %add3A_468 : i32
      %min3A_470 = arith.constant 2499 : i32
      %min3A_471 = arith.minsi %add3A_469, %min3A_470 : i32
      %dma_start3A_472 = arith.constant 0 : i32
      %dma_start3A_473 = arith.constant 0 : i32
      %dma_start3A_474 = tpu.memref_slice %arg9[%dma_start3A_472, %dma_start3A_473] : memref<2x128xi32, #tpu.memory_space<vmem>> -> memref<1x128xi32, #tpu.memory_space<vmem>>
      %dma_start3A_475 = tpu.memref_squeeze %dma_start3A_474 : memref<1x128xi32, #tpu.memory_space<vmem>> -> memref<128xi32, #tpu.memory_space<vmem>>
      %dma_start3A_476 = arith.constant 0 : i32
      %dma_start3A_477 = tpu.memref_slice %arg4[%min3A_471, %dma_start3A_476] : memref<2500x128xi32, #tpu.memory_space<hbm>> -> memref<1x128xi32, #tpu.memory_space<hbm>>
      %dma_start3A_478 = tpu.memref_squeeze %dma_start3A_477 : memref<1x128xi32, #tpu.memory_space<hbm>> -> memref<128xi32, #tpu.memory_space<hbm>>
      %dma_start3A_479 = arith.constant 0 : i32
      %dma_start3A_480 = tpu.memref_slice %arg9[%dma_start3A_472, %dma_start3A_479] : memref<2x128xi32, #tpu.memory_space<vmem>> -> memref<1x128xi32, #tpu.memory_space<vmem>>
      %dma_start3A_481 = tpu.memref_squeeze %dma_start3A_480 : memref<1x128xi32, #tpu.memory_space<vmem>> -> memref<128xi32, #tpu.memory_space<vmem>>
      %dma_start3A_482 = arith.constant 0 : i32
      %dma_start3A_483 = tpu.memref_slice %arg4[%min3A_471, %dma_start3A_482] : memref<2500x128xi32, #tpu.memory_space<hbm>> -> memref<1x128xi32, #tpu.memory_space<hbm>>
      %dma_start3A_484 = tpu.memref_squeeze %dma_start3A_483 : memref<1x128xi32, #tpu.memory_space<hbm>> -> memref<128xi32, #tpu.memory_space<hbm>>
      tpu.enqueue_dma source(%dma_start3A_484 : memref<128xi32, #tpu.memory_space<hbm>>) target(%dma_start3A_481 : memref<128xi32, #tpu.memory_space<vmem>>) target_semaphore(%arg17 : memref<!tpu.dma_semaphore, #tpu.memory_space<semaphore_mem>>)
      %dma_start3A_485 = arith.constant 1 : i32
      %dma_start3A_486 = arith.constant 0 : i32
      %dma_start3A_487 = tpu.memref_slice %arg9[%dma_start3A_485, %dma_start3A_486] : memref<2x128xi32, #tpu.memory_space<vmem>> -> memref<1x128xi32, #tpu.memory_space<vmem>>
      %dma_start3A_488 = tpu.memref_squeeze %dma_start3A_487 : memref<1x128xi32, #tpu.memory_space<vmem>> -> memref<128xi32, #tpu.memory_space<vmem>>
      %dma_start3A_489 = arith.constant 0 : i32
      %dma_start3A_490 = tpu.memref_slice %arg5[%min3A_471, %dma_start3A_489] : memref<2500x128xi32, #tpu.memory_space<hbm>> -> memref<1x128xi32, #tpu.memory_space<hbm>>
      %dma_start3A_491 = tpu.memref_squeeze %dma_start3A_490 : memref<1x128xi32, #tpu.memory_space<hbm>> -> memref<128xi32, #tpu.memory_space<hbm>>
      %dma_start3A_492 = arith.constant 0 : i32
      %dma_start3A_493 = tpu.memref_slice %arg9[%dma_start3A_485, %dma_start3A_492] : memref<2x128xi32, #tpu.memory_space<vmem>> -> memref<1x128xi32, #tpu.memory_space<vmem>>
      %dma_start3A_494 = tpu.memref_squeeze %dma_start3A_493 : memref<1x128xi32, #tpu.memory_space<vmem>> -> memref<128xi32, #tpu.memory_space<vmem>>
      %dma_start3A_495 = arith.constant 0 : i32
      %dma_start3A_496 = tpu.memref_slice %arg5[%min3A_471, %dma_start3A_495] : memref<2500x128xi32, #tpu.memory_space<hbm>> -> memref<1x128xi32, #tpu.memory_space<hbm>>
      %dma_start3A_497 = tpu.memref_squeeze %dma_start3A_496 : memref<1x128xi32, #tpu.memory_space<hbm>> -> memref<128xi32, #tpu.memory_space<hbm>>
      tpu.enqueue_dma source(%dma_start3A_497 : memref<128xi32, #tpu.memory_space<hbm>>) target(%dma_start3A_494 : memref<128xi32, #tpu.memory_space<vmem>>) target_semaphore(%arg17 : memref<!tpu.dma_semaphore, #tpu.memory_space<semaphore_mem>>)
      %mul3A_498 = arith.constant 2 : i32
      %mul3A_499 = arith.muli %mul3A_498, %add3A_208 : i32
      %add3A_500 = arith.constant 1 : i32
      %add3A_501 = arith.addi %mul3A_499, %add3A_500 : i32
      %dma_wait3A_502 = arith.constant 0 : i32
      %dma_wait3A_503 = arith.constant 0 : i32
      %dma_wait3A_504 = arith.constant 0 : i32
      %dma_wait3A_505 = tpu.memref_slice %arg9[%dma_wait3A_503, %dma_wait3A_504] : memref<2x128xi32, #tpu.memory_space<vmem>> -> memref<1x128xi32, #tpu.memory_space<vmem>>
      %dma_wait3A_506 = tpu.memref_squeeze %dma_wait3A_505 : memref<1x128xi32, #tpu.memory_space<vmem>> -> memref<128xi32, #tpu.memory_space<vmem>>
      %dma_wait3A_507 = arith.constant 0 : i32
      %dma_wait3A_508 = tpu.memref_slice %arg4[%dma_wait3A_502, %dma_wait3A_507] : memref<2500x128xi32, #tpu.memory_space<hbm>> -> memref<1x128xi32, #tpu.memory_space<hbm>>
      %dma_wait3A_509 = tpu.memref_squeeze %dma_wait3A_508 : memref<1x128xi32, #tpu.memory_space<hbm>> -> memref<128xi32, #tpu.memory_space<hbm>>
      %dma_wait3A_510 = arith.constant 0 : i32
      %dma_wait3A_511 = tpu.memref_slice %arg9[%dma_wait3A_503, %dma_wait3A_510] : memref<2x128xi32, #tpu.memory_space<vmem>> -> memref<1x128xi32, #tpu.memory_space<vmem>>
      %dma_wait3A_512 = tpu.memref_squeeze %dma_wait3A_511 : memref<1x128xi32, #tpu.memory_space<vmem>> -> memref<128xi32, #tpu.memory_space<vmem>>
      %dma_wait3A_513 = arith.constant 0 : i32
      %dma_wait3A_514 = tpu.memref_slice %arg4[%dma_wait3A_502, %dma_wait3A_513] : memref<2500x128xi32, #tpu.memory_space<hbm>> -> memref<1x128xi32, #tpu.memory_space<hbm>>
      %dma_wait3A_515 = tpu.memref_squeeze %dma_wait3A_514 : memref<1x128xi32, #tpu.memory_space<hbm>> -> memref<128xi32, #tpu.memory_space<hbm>>
      tpu.wait_dma2 semaphore(%arg17 : memref<!tpu.dma_semaphore, #tpu.memory_space<semaphore_mem>>) src(%dma_wait3A_515 : memref<128xi32, #tpu.memory_space<hbm>>) dst(%dma_wait3A_512 : memref<128xi32, #tpu.memory_space<vmem>>)
      %dma_wait3A_516 = arith.constant 0 : i32
      %dma_wait3A_517 = arith.constant 1 : i32
      %dma_wait3A_518 = arith.constant 0 : i32
      %dma_wait3A_519 = tpu.memref_slice %arg9[%dma_wait3A_517, %dma_wait3A_518] : memref<2x128xi32, #tpu.memory_space<vmem>> -> memref<1x128xi32, #tpu.memory_space<vmem>>
      %dma_wait3A_520 = tpu.memref_squeeze %dma_wait3A_519 : memref<1x128xi32, #tpu.memory_space<vmem>> -> memref<128xi32, #tpu.memory_space<vmem>>
      %dma_wait3A_521 = arith.constant 0 : i32
      %dma_wait3A_522 = tpu.memref_slice %arg5[%dma_wait3A_516, %dma_wait3A_521] : memref<2500x128xi32, #tpu.memory_space<hbm>> -> memref<1x128xi32, #tpu.memory_space<hbm>>
      %dma_wait3A_523 = tpu.memref_squeeze %dma_wait3A_522 : memref<1x128xi32, #tpu.memory_space<hbm>> -> memref<128xi32, #tpu.memory_space<hbm>>
      %dma_wait3A_524 = arith.constant 0 : i32
      %dma_wait3A_525 = tpu.memref_slice %arg9[%dma_wait3A_517, %dma_wait3A_524] : memref<2x128xi32, #tpu.memory_space<vmem>> -> memref<1x128xi32, #tpu.memory_space<vmem>>
      %dma_wait3A_526 = tpu.memref_squeeze %dma_wait3A_525 : memref<1x128xi32, #tpu.memory_space<vmem>> -> memref<128xi32, #tpu.memory_space<vmem>>
      %dma_wait3A_527 = arith.constant 0 : i32
      %dma_wait3A_528 = tpu.memref_slice %arg5[%dma_wait3A_516, %dma_wait3A_527] : memref<2500x128xi32, #tpu.memory_space<hbm>> -> memref<1x128xi32, #tpu.memory_space<hbm>>
      %dma_wait3A_529 = tpu.memref_squeeze %dma_wait3A_528 : memref<1x128xi32, #tpu.memory_space<hbm>> -> memref<128xi32, #tpu.memory_space<hbm>>
      tpu.wait_dma2 semaphore(%arg17 : memref<!tpu.dma_semaphore, #tpu.memory_space<semaphore_mem>>) src(%dma_wait3A_529 : memref<128xi32, #tpu.memory_space<hbm>>) dst(%dma_wait3A_526 : memref<128xi32, #tpu.memory_space<vmem>>)
      %dma_start3A_530 = arith.constant 0 : i32
      %dma_start3A_531 = arith.constant 0 : i32
      %dma_start3A_532 = tpu.memref_slice %arg9[%dma_start3A_530, %dma_start3A_531] : memref<2x128xi32, #tpu.memory_space<vmem>> -> memref<1x128xi32, #tpu.memory_space<vmem>>
      %dma_start3A_533 = tpu.memref_squeeze %dma_start3A_532 : memref<1x128xi32, #tpu.memory_space<vmem>> -> memref<128xi32, #tpu.memory_space<vmem>>
      %dma_start3A_534 = arith.constant 0 : i32
      %dma_start3A_535 = tpu.memref_slice %arg2[%dma_start3A_534] : memref<10000xf32, #tpu.memory_space<hbm>> -> memref<10000xf32, #tpu.memory_space<hbm>>
      tpu.enqueue_indirect_dma source(%dma_start3A_535 : memref<10000xf32, #tpu.memory_space<hbm>>) target(%arg11 : memref<128xf32, #tpu.memory_space<vmem>>) offsets(%dma_start3A_533 : memref<128xi32, #tpu.memory_space<vmem>>) semaphore(%arg19 : memref<!tpu.dma_semaphore, #tpu.memory_space<semaphore_mem>>)
      %dma_start3A_536 = arith.constant 1 : i32
      %dma_start3A_537 = arith.constant 0 : i32
      %dma_start3A_538 = tpu.memref_slice %arg9[%dma_start3A_536, %dma_start3A_537] : memref<2x128xi32, #tpu.memory_space<vmem>> -> memref<1x128xi32, #tpu.memory_space<vmem>>
      %dma_start3A_539 = tpu.memref_squeeze %dma_start3A_538 : memref<1x128xi32, #tpu.memory_space<vmem>> -> memref<128xi32, #tpu.memory_space<vmem>>
      %dma_start3A_540 = arith.constant 0 : i32
      %dma_start3A_541 = tpu.memref_slice %arg3[%dma_start3A_540] : memref<10000xf32, #tpu.memory_space<hbm>> -> memref<10000xf32, #tpu.memory_space<hbm>>
      tpu.enqueue_indirect_dma source(%dma_start3A_541 : memref<10000xf32, #tpu.memory_space<hbm>>) target(%arg12 : memref<128xf32, #tpu.memory_space<vmem>>) offsets(%dma_start3A_539 : memref<128xi32, #tpu.memory_space<vmem>>) semaphore(%arg19 : memref<!tpu.dma_semaphore, #tpu.memory_space<semaphore_mem>>)
      %dma_wait3A_542 = arith.constant 0 : i32
      %dma_wait3A_543 = arith.constant 0 : i32
      %dma_wait3A_544 = tpu.memref_slice %arg10[%dma_wait3A_542, %dma_wait3A_543] : memref<2x128xi32, #tpu.memory_space<vmem>> -> memref<1x128xi32, #tpu.memory_space<vmem>>
      %dma_wait3A_545 = tpu.memref_squeeze %dma_wait3A_544 : memref<1x128xi32, #tpu.memory_space<vmem>> -> memref<128xi32, #tpu.memory_space<vmem>>
      %dma_wait3A_546 = arith.constant 0 : i32
      %dma_wait3A_547 = tpu.memref_slice %arg2[%dma_wait3A_546] : memref<10000xf32, #tpu.memory_space<hbm>> -> memref<10000xf32, #tpu.memory_space<hbm>>
      tpu.wait_indirect_dma semaphore(%arg20 : memref<!tpu.dma_semaphore, #tpu.memory_space<semaphore_mem>>) src(%dma_wait3A_547 : memref<10000xf32, #tpu.memory_space<hbm>>) dst(%arg13 : memref<128xf32, #tpu.memory_space<vmem>>)
      %dma_wait3A_548 = arith.constant 1 : i32
      %dma_wait3A_549 = arith.constant 0 : i32
      %dma_wait3A_550 = tpu.memref_slice %arg10[%dma_wait3A_548, %dma_wait3A_549] : memref<2x128xi32, #tpu.memory_space<vmem>> -> memref<1x128xi32, #tpu.memory_space<vmem>>
      %dma_wait3A_551 = tpu.memref_squeeze %dma_wait3A_550 : memref<1x128xi32, #tpu.memory_space<vmem>> -> memref<128xi32, #tpu.memory_space<vmem>>
      %dma_wait3A_552 = arith.constant 0 : i32
      %dma_wait3A_553 = tpu.memref_slice %arg3[%dma_wait3A_552] : memref<10000xf32, #tpu.memory_space<hbm>> -> memref<10000xf32, #tpu.memory_space<hbm>>
      tpu.wait_indirect_dma semaphore(%arg20 : memref<!tpu.dma_semaphore, #tpu.memory_space<semaphore_mem>>) src(%dma_wait3A_553 : memref<10000xf32, #tpu.memory_space<hbm>>) dst(%arg14 : memref<128xf32, #tpu.memory_space<vmem>>)
      %get3A_554 = arith.constant 1 : i32
      %get3A_555 = arith.index_cast %get3A_554 : i32 to index
      %get3A_556 = arith.constant 0 : index
      %get3A_557 = tpu.vector_load %arg10[%get3A_555, %get3A_556] {strides = array<i32>} : memref<2x128xi32, #tpu.memory_space<vmem>>, vector<16xi32>,
      %get3A_558 = arith.constant 0 : index
      %get3A_559 = tpu.vector_load %arg13[%get3A_558] {strides = array<i32>} : memref<128xf32, #tpu.memory_space<vmem>>, vector<16xf32>,
      %get3A_560 = arith.constant 0 : index
      %get3A_561 = tpu.vector_load %arg14[%get3A_560] {strides = array<i32>} : memref<128xf32, #tpu.memory_space<vmem>>, vector<16xf32>,
      %add3A_562 = arith.addf %get3A_559, %get3A_561 : vector<16xf32>
      %gt3A_563 = arith.constant 0.000000e+00 : f32
      %gt3A_564 = vector.broadcast %gt3A_563 : f32 to vector<16xf32>
      %gt3A_565 = arith.cmpf ogt, %add3A_562, %gt3A_564 : vector<16xf32>
      %mul3A_566 = arith.constant 2.000000e-01 : f32
      %mul3A_567 = vector.broadcast %mul3A_566 : f32 to vector<16xf32>
      %mul3A_568 = arith.mulf %add3A_562, %mul3A_567 : vector<16xf32>
      %select_n3A_569 = arith.select %gt3A_565, %add3A_562, %mul3A_568 : vector<16xi1>, vector<16xf32>
      %exp3A_570 = math.exp %select_n3A_569 : vector<16xf32>
      %shift_right_logical3A_571 = arith.constant 7 : i32
      %shift_right_logical3A_572 = vector.broadcast %shift_right_logical3A_571 : i32 to vector<16xi32>
      %shift_right_logical3A_573 = arith.shrui %get3A_557, %shift_right_logical3A_572 : vector<16xi32>
      %and3A_574 = arith.constant 127 : i32
      %and3A_575 = vector.broadcast %and3A_574 : i32 to vector<16xi32>
      %and3A_576 = arith.andi %get3A_557, %and3A_575 : vector<16xi32>
      tpu.vector_store_idx %arg7[%shift_right_logical3A_573, %and3A_576], %exp3A_570 {add = true} : memref<80x128xf32, #tpu.memory_space<vmem>>[vector<16xi32>, vector<16xi32>], vector<16xf32>,
      %swap3A_577 = arith.index_cast %add3A_501 : i32 to index
      %swap3A_578 = arith.constant 0 : index
      %swap3A_579 = tpu.vector_load %arg8[%swap3A_577, %swap3A_578] {strides = array<i32>} : memref<80x128xf32, #tpu.memory_space<vmem>>, vector<16xf32>,
      tpu.vector_store %arg8[%swap3A_577, %swap3A_578], %exp3A_570 {strides = array<i32>} : memref<80x128xf32, #tpu.memory_space<vmem>>, vector<16xf32>,
      %get3A_580 = arith.constant 1 : i32
      %get3A_581 = arith.index_cast %get3A_580 : i32 to index
      %get3A_582 = arith.constant 16 : index
      %get3A_583 = tpu.vector_load %arg10[%get3A_581, %get3A_582] {strides = array<i32>} : memref<2x128xi32, #tpu.memory_space<vmem>>, vector<16xi32>,
      %get3A_584 = arith.constant 16 : index
      %get3A_585 = tpu.vector_load %arg13[%get3A_584] {strides = array<i32>} : memref<128xf32, #tpu.memory_space<vmem>>, vector<16xf32>,
      %get3A_586 = arith.constant 16 : index
      %get3A_587 = tpu.vector_load %arg14[%get3A_586] {strides = array<i32>} : memref<128xf32, #tpu.memory_space<vmem>>, vector<16xf32>,
      %add3A_588 = arith.addf %get3A_585, %get3A_587 : vector<16xf32>
      %gt3A_589 = arith.constant 0.000000e+00 : f32
      %gt3A_590 = vector.broadcast %gt3A_589 : f32 to vector<16xf32>
      %gt3A_591 = arith.cmpf ogt, %add3A_588, %gt3A_590 : vector<16xf32>
      %mul3A_592 = arith.constant 2.000000e-01 : f32
      %mul3A_593 = vector.broadcast %mul3A_592 : f32 to vector<16xf32>
      %mul3A_594 = arith.mulf %add3A_588, %mul3A_593 : vector<16xf32>
      %select_n3A_595 = arith.select %gt3A_591, %add3A_588, %mul3A_594 : vector<16xi1>, vector<16xf32>
      %exp3A_596 = math.exp %select_n3A_595 : vector<16xf32>
      %shift_right_logical3A_597 = arith.constant 7 : i32
      %shift_right_logical3A_598 = vector.broadcast %shift_right_logical3A_597 : i32 to vector<16xi32>
      %shift_right_logical3A_599 = arith.shrui %get3A_583, %shift_right_logical3A_598 : vector<16xi32>
      %and3A_600 = arith.constant 127 : i32
      %and3A_601 = vector.broadcast %and3A_600 : i32 to vector<16xi32>
      %and3A_602 = arith.andi %get3A_583, %and3A_601 : vector<16xi32>
      tpu.vector_store_idx %arg7[%shift_right_logical3A_599, %and3A_602], %exp3A_596 {add = true} : memref<80x128xf32, #tpu.memory_space<vmem>>[vector<16xi32>, vector<16xi32>], vector<16xf32>,
      %swap3A_603 = arith.index_cast %add3A_501 : i32 to index
      %swap3A_604 = arith.constant 16 : index
      %swap3A_605 = tpu.vector_load %arg8[%swap3A_603, %swap3A_604] {strides = array<i32>} : memref<80x128xf32, #tpu.memory_space<vmem>>, vector<16xf32>,
      tpu.vector_store %arg8[%swap3A_603, %swap3A_604], %exp3A_596 {strides = array<i32>} : memref<80x128xf32, #tpu.memory_space<vmem>>, vector<16xf32>,
      %get3A_606 = arith.constant 1 : i32
      %get3A_607 = arith.index_cast %get3A_606 : i32 to index
      %get3A_608 = arith.constant 32 : index
      %get3A_609 = tpu.vector_load %arg10[%get3A_607, %get3A_608] {strides = array<i32>} : memref<2x128xi32, #tpu.memory_space<vmem>>, vector<16xi32>,
      %get3A_610 = arith.constant 32 : index
      %get3A_611 = tpu.vector_load %arg13[%get3A_610] {strides = array<i32>} : memref<128xf32, #tpu.memory_space<vmem>>, vector<16xf32>,
      %get3A_612 = arith.constant 32 : index
      %get3A_613 = tpu.vector_load %arg14[%get3A_612] {strides = array<i32>} : memref<128xf32, #tpu.memory_space<vmem>>, vector<16xf32>,
      %add3A_614 = arith.addf %get3A_611, %get3A_613 : vector<16xf32>
      %gt3A_615 = arith.constant 0.000000e+00 : f32
      %gt3A_616 = vector.broadcast %gt3A_615 : f32 to vector<16xf32>
      %gt3A_617 = arith.cmpf ogt, %add3A_614, %gt3A_616 : vector<16xf32>
      %mul3A_618 = arith.constant 2.000000e-01 : f32
      %mul3A_619 = vector.broadcast %mul3A_618 : f32 to vector<16xf32>
      %mul3A_620 = arith.mulf %add3A_614, %mul3A_619 : vector<16xf32>
      %select_n3A_621 = arith.select %gt3A_617, %add3A_614, %mul3A_620 : vector<16xi1>, vector<16xf32>
      %exp3A_622 = math.exp %select_n3A_621 : vector<16xf32>
      %shift_right_logical3A_623 = arith.constant 7 : i32
      %shift_right_logical3A_624 = vector.broadcast %shift_right_logical3A_623 : i32 to vector<16xi32>
      %shift_right_logical3A_625 = arith.shrui %get3A_609, %shift_right_logical3A_624 : vector<16xi32>
      %and3A_626 = arith.constant 127 : i32
      %and3A_627 = vector.broadcast %and3A_626 : i32 to vector<16xi32>
      %and3A_628 = arith.andi %get3A_609, %and3A_627 : vector<16xi32>
      tpu.vector_store_idx %arg7[%shift_right_logical3A_625, %and3A_628], %exp3A_622 {add = true} : memref<80x128xf32, #tpu.memory_space<vmem>>[vector<16xi32>, vector<16xi32>], vector<16xf32>,
      %swap3A_629 = arith.index_cast %add3A_501 : i32 to index
      %swap3A_630 = arith.constant 32 : index
      %swap3A_631 = tpu.vector_load %arg8[%swap3A_629, %swap3A_630] {strides = array<i32>} : memref<80x128xf32, #tpu.memory_space<vmem>>, vector<16xf32>,
      tpu.vector_store %arg8[%swap3A_629, %swap3A_630], %exp3A_622 {strides = array<i32>} : memref<80x128xf32, #tpu.memory_space<vmem>>, vector<16xf32>,
      %get3A_632 = arith.constant 1 : i32
      %get3A_633 = arith.index_cast %get3A_632 : i32 to index
      %get3A_634 = arith.constant 48 : index
      %get3A_635 = tpu.vector_load %arg10[%get3A_633, %get3A_634] {strides = array<i32>} : memref<2x128xi32, #tpu.memory_space<vmem>>, vector<16xi32>,
      %get3A_636 = arith.constant 48 : index
      %get3A_637 = tpu.vector_load %arg13[%get3A_636] {strides = array<i32>} : memref<128xf32, #tpu.memory_space<vmem>>, vector<16xf32>,
      %get3A_638 = arith.constant 48 : index
      %get3A_639 = tpu.vector_load %arg14[%get3A_638] {strides = array<i32>} : memref<128xf32, #tpu.memory_space<vmem>>, vector<16xf32>,
      %add3A_640 = arith.addf %get3A_637, %get3A_639 : vector<16xf32>
      %gt3A_641 = arith.constant 0.000000e+00 : f32
      %gt3A_642 = vector.broadcast %gt3A_641 : f32 to vector<16xf32>
      %gt3A_643 = arith.cmpf ogt, %add3A_640, %gt3A_642 : vector<16xf32>
      %mul3A_644 = arith.constant 2.000000e-01 : f32
      %mul3A_645 = vector.broadcast %mul3A_644 : f32 to vector<16xf32>
      %mul3A_646 = arith.mulf %add3A_640, %mul3A_645 : vector<16xf32>
      %select_n3A_647 = arith.select %gt3A_643, %add3A_640, %mul3A_646 : vector<16xi1>, vector<16xf32>
      %exp3A_648 = math.exp %select_n3A_647 : vector<16xf32>
      %shift_right_logical3A_649 = arith.constant 7 : i32
      %shift_right_logical3A_650 = vector.broadcast %shift_right_logical3A_649 : i32 to vector<16xi32>
      %shift_right_logical3A_651 = arith.shrui %get3A_635, %shift_right_logical3A_650 : vector<16xi32>
      %and3A_652 = arith.constant 127 : i32
      %and3A_653 = vector.broadcast %and3A_652 : i32 to vector<16xi32>
      %and3A_654 = arith.andi %get3A_635, %and3A_653 : vector<16xi32>
      tpu.vector_store_idx %arg7[%shift_right_logical3A_651, %and3A_654], %exp3A_648 {add = true} : memref<80x128xf32, #tpu.memory_space<vmem>>[vector<16xi32>, vector<16xi32>], vector<16xf32>,
      %swap3A_655 = arith.index_cast %add3A_501 : i32 to index
      %swap3A_656 = arith.constant 48 : index
      %swap3A_657 = tpu.vector_load %arg8[%swap3A_655, %swap3A_656] {strides = array<i32>} : memref<80x128xf32, #tpu.memory_space<vmem>>, vector<16xf32>,
      tpu.vector_store %arg8[%swap3A_655, %swap3A_656], %exp3A_648 {strides = array<i32>} : memref<80x128xf32, #tpu.memory_space<vmem>>, vector<16xf32>,
      %get3A_658 = arith.constant 1 : i32
      %get3A_659 = arith.index_cast %get3A_658 : i32 to index
      %get3A_660 = arith.constant 64 : index
      %get3A_661 = tpu.vector_load %arg10[%get3A_659, %get3A_660] {strides = array<i32>} : memref<2x128xi32, #tpu.memory_space<vmem>>, vector<16xi32>,
      %get3A_662 = arith.constant 64 : index
      %get3A_663 = tpu.vector_load %arg13[%get3A_662] {strides = array<i32>} : memref<128xf32, #tpu.memory_space<vmem>>, vector<16xf32>,
      %get3A_664 = arith.constant 64 : index
      %get3A_665 = tpu.vector_load %arg14[%get3A_664] {strides = array<i32>} : memref<128xf32, #tpu.memory_space<vmem>>, vector<16xf32>,
      %add3A_666 = arith.addf %get3A_663, %get3A_665 : vector<16xf32>
      %gt3A_667 = arith.constant 0.000000e+00 : f32
      %gt3A_668 = vector.broadcast %gt3A_667 : f32 to vector<16xf32>
      %gt3A_669 = arith.cmpf ogt, %add3A_666, %gt3A_668 : vector<16xf32>
      %mul3A_670 = arith.constant 2.000000e-01 : f32
      %mul3A_671 = vector.broadcast %mul3A_670 : f32 to vector<16xf32>
      %mul3A_672 = arith.mulf %add3A_666, %mul3A_671 : vector<16xf32>
      %select_n3A_673 = arith.select %gt3A_669, %add3A_666, %mul3A_672 : vector<16xi1>, vector<16xf32>
      %exp3A_674 = math.exp %select_n3A_673 : vector<16xf32>
      %shift_right_logical3A_675 = arith.constant 7 : i32
      %shift_right_logical3A_676 = vector.broadcast %shift_right_logical3A_675 : i32 to vector<16xi32>
      %shift_right_logical3A_677 = arith.shrui %get3A_661, %shift_right_logical3A_676 : vector<16xi32>
      %and3A_678 = arith.constant 127 : i32
      %and3A_679 = vector.broadcast %and3A_678 : i32 to vector<16xi32>
      %and3A_680 = arith.andi %get3A_661, %and3A_679 : vector<16xi32>
      tpu.vector_store_idx %arg7[%shift_right_logical3A_677, %and3A_680], %exp3A_674 {add = true} : memref<80x128xf32, #tpu.memory_space<vmem>>[vector<16xi32>, vector<16xi32>], vector<16xf32>,
      %swap3A_681 = arith.index_cast %add3A_501 : i32 to index
      %swap3A_682 = arith.constant 64 : index
      %swap3A_683 = tpu.vector_load %arg8[%swap3A_681, %swap3A_682] {strides = array<i32>} : memref<80x128xf32, #tpu.memory_space<vmem>>, vector<16xf32>,
      tpu.vector_store %arg8[%swap3A_681, %swap3A_682], %exp3A_674 {strides = array<i32>} : memref<80x128xf32, #tpu.memory_space<vmem>>, vector<16xf32>,
      %get3A_684 = arith.constant 1 : i32
      %get3A_685 = arith.index_cast %get3A_684 : i32 to index
      %get3A_686 = arith.constant 80 : index
      %get3A_687 = tpu.vector_load %arg10[%get3A_685, %get3A_686] {strides = array<i32>} : memref<2x128xi32, #tpu.memory_space<vmem>>, vector<16xi32>,
      %get3A_688 = arith.constant 80 : index
      %get3A_689 = tpu.vector_load %arg13[%get3A_688] {strides = array<i32>} : memref<128xf32, #tpu.memory_space<vmem>>, vector<16xf32>,
      %get3A_690 = arith.constant 80 : index
      %get3A_691 = tpu.vector_load %arg14[%get3A_690] {strides = array<i32>} : memref<128xf32, #tpu.memory_space<vmem>>, vector<16xf32>,
      %add3A_692 = arith.addf %get3A_689, %get3A_691 : vector<16xf32>
      %gt3A_693 = arith.constant 0.000000e+00 : f32
      %gt3A_694 = vector.broadcast %gt3A_693 : f32 to vector<16xf32>
      %gt3A_695 = arith.cmpf ogt, %add3A_692, %gt3A_694 : vector<16xf32>
      %mul3A_696 = arith.constant 2.000000e-01 : f32
      %mul3A_697 = vector.broadcast %mul3A_696 : f32 to vector<16xf32>
      %mul3A_698 = arith.mulf %add3A_692, %mul3A_697 : vector<16xf32>
      %select_n3A_699 = arith.select %gt3A_695, %add3A_692, %mul3A_698 : vector<16xi1>, vector<16xf32>
      %exp3A_700 = math.exp %select_n3A_699 : vector<16xf32>
      %shift_right_logical3A_701 = arith.constant 7 : i32
      %shift_right_logical3A_702 = vector.broadcast %shift_right_logical3A_701 : i32 to vector<16xi32>
      %shift_right_logical3A_703 = arith.shrui %get3A_687, %shift_right_logical3A_702 : vector<16xi32>
      %and3A_704 = arith.constant 127 : i32
      %and3A_705 = vector.broadcast %and3A_704 : i32 to vector<16xi32>
      %and3A_706 = arith.andi %get3A_687, %and3A_705 : vector<16xi32>
      tpu.vector_store_idx %arg7[%shift_right_logical3A_703, %and3A_706], %exp3A_700 {add = true} : memref<80x128xf32, #tpu.memory_space<vmem>>[vector<16xi32>, vector<16xi32>], vector<16xf32>,
      %swap3A_707 = arith.index_cast %add3A_501 : i32 to index
      %swap3A_708 = arith.constant 80 : index
      %swap3A_709 = tpu.vector_load %arg8[%swap3A_707, %swap3A_708] {strides = array<i32>} : memref<80x128xf32, #tpu.memory_space<vmem>>, vector<16xf32>,
      tpu.vector_store %arg8[%swap3A_707, %swap3A_708], %exp3A_700 {strides = array<i32>} : memref<80x128xf32, #tpu.memory_space<vmem>>, vector<16xf32>,
      %get3A_710 = arith.constant 1 : i32
      %get3A_711 = arith.index_cast %get3A_710 : i32 to index
      %get3A_712 = arith.constant 96 : index
      %get3A_713 = tpu.vector_load %arg10[%get3A_711, %get3A_712] {strides = array<i32>} : memref<2x128xi32, #tpu.memory_space<vmem>>, vector<16xi32>,
      %get3A_714 = arith.constant 96 : index
      %get3A_715 = tpu.vector_load %arg13[%get3A_714] {strides = array<i32>} : memref<128xf32, #tpu.memory_space<vmem>>, vector<16xf32>,
      %get3A_716 = arith.constant 96 : index
      %get3A_717 = tpu.vector_load %arg14[%get3A_716] {strides = array<i32>} : memref<128xf32, #tpu.memory_space<vmem>>, vector<16xf32>,
      %add3A_718 = arith.addf %get3A_715, %get3A_717 : vector<16xf32>
      %gt3A_719 = arith.constant 0.000000e+00 : f32
      %gt3A_720 = vector.broadcast %gt3A_719 : f32 to vector<16xf32>
      %gt3A_721 = arith.cmpf ogt, %add3A_718, %gt3A_720 : vector<16xf32>
      %mul3A_722 = arith.constant 2.000000e-01 : f32
      %mul3A_723 = vector.broadcast %mul3A_722 : f32 to vector<16xf32>
      %mul3A_724 = arith.mulf %add3A_718, %mul3A_723 : vector<16xf32>
      %select_n3A_725 = arith.select %gt3A_721, %add3A_718, %mul3A_724 : vector<16xi1>, vector<16xf32>
      %exp3A_726 = math.exp %select_n3A_725 : vector<16xf32>
      %shift_right_logical3A_727 = arith.constant 7 : i32
      %shift_right_logical3A_728 = vector.broadcast %shift_right_logical3A_727 : i32 to vector<16xi32>
      %shift_right_logical3A_729 = arith.shrui %get3A_713, %shift_right_logical3A_728 : vector<16xi32>
      %and3A_730 = arith.constant 127 : i32
      %and3A_731 = vector.broadcast %and3A_730 : i32 to vector<16xi32>
      %and3A_732 = arith.andi %get3A_713, %and3A_731 : vector<16xi32>
      tpu.vector_store_idx %arg7[%shift_right_logical3A_729, %and3A_732], %exp3A_726 {add = true} : memref<80x128xf32, #tpu.memory_space<vmem>>[vector<16xi32>, vector<16xi32>], vector<16xf32>,
      %swap3A_733 = arith.index_cast %add3A_501 : i32 to index
      %swap3A_734 = arith.constant 96 : index
      %swap3A_735 = tpu.vector_load %arg8[%swap3A_733, %swap3A_734] {strides = array<i32>} : memref<80x128xf32, #tpu.memory_space<vmem>>, vector<16xf32>,
      tpu.vector_store %arg8[%swap3A_733, %swap3A_734], %exp3A_726 {strides = array<i32>} : memref<80x128xf32, #tpu.memory_space<vmem>>, vector<16xf32>,
      %get3A_736 = arith.constant 1 : i32
      %get3A_737 = arith.index_cast %get3A_736 : i32 to index
      %get3A_738 = arith.constant 112 : index
      %get3A_739 = tpu.vector_load %arg10[%get3A_737, %get3A_738] {strides = array<i32>} : memref<2x128xi32, #tpu.memory_space<vmem>>, vector<16xi32>,
      %get3A_740 = arith.constant 112 : index
      %get3A_741 = tpu.vector_load %arg13[%get3A_740] {strides = array<i32>} : memref<128xf32, #tpu.memory_space<vmem>>, vector<16xf32>,
      %get3A_742 = arith.constant 112 : index
      %get3A_743 = tpu.vector_load %arg14[%get3A_742] {strides = array<i32>} : memref<128xf32, #tpu.memory_space<vmem>>, vector<16xf32>,
      %add3A_744 = arith.addf %get3A_741, %get3A_743 : vector<16xf32>
      %gt3A_745 = arith.constant 0.000000e+00 : f32
      %gt3A_746 = vector.broadcast %gt3A_745 : f32 to vector<16xf32>
      %gt3A_747 = arith.cmpf ogt, %add3A_744, %gt3A_746 : vector<16xf32>
      %mul3A_748 = arith.constant 2.000000e-01 : f32
      %mul3A_749 = vector.broadcast %mul3A_748 : f32 to vector<16xf32>
      %mul3A_750 = arith.mulf %add3A_744, %mul3A_749 : vector<16xf32>
      %select_n3A_751 = arith.select %gt3A_747, %add3A_744, %mul3A_750 : vector<16xi1>, vector<16xf32>
      %exp3A_752 = math.exp %select_n3A_751 : vector<16xf32>
      %shift_right_logical3A_753 = arith.constant 7 : i32
      %shift_right_logical3A_754 = vector.broadcast %shift_right_logical3A_753 : i32 to vector<16xi32>
      %shift_right_logical3A_755 = arith.shrui %get3A_739, %shift_right_logical3A_754 : vector<16xi32>
      %and3A_756 = arith.constant 127 : i32
      %and3A_757 = vector.broadcast %and3A_756 : i32 to vector<16xi32>
      %and3A_758 = arith.andi %get3A_739, %and3A_757 : vector<16xi32>
      tpu.vector_store_idx %arg7[%shift_right_logical3A_755, %and3A_758], %exp3A_752 {add = true} : memref<80x128xf32, #tpu.memory_space<vmem>>[vector<16xi32>, vector<16xi32>], vector<16xf32>,
      %swap3A_759 = arith.index_cast %add3A_501 : i32 to index
      %swap3A_760 = arith.constant 112 : index
      %swap3A_761 = tpu.vector_load %arg8[%swap3A_759, %swap3A_760] {strides = array<i32>} : memref<80x128xf32, #tpu.memory_space<vmem>>, vector<16xf32>,
      tpu.vector_store %arg8[%swap3A_759, %swap3A_760], %exp3A_752 {strides = array<i32>} : memref<80x128xf32, #tpu.memory_space<vmem>>, vector<16xf32>,
      %add3A_762 = arith.addi %add3A_5, %add3A_501 : i32
      %add3A_763 = arith.constant 2 : i32
      %add3A_764 = arith.addi %add3A_762, %add3A_763 : i32
      %min3A_765 = arith.constant 2499 : i32
      %min3A_766 = arith.minsi %add3A_764, %min3A_765 : i32
      %dma_start3A_767 = arith.constant 0 : i32
      %dma_start3A_768 = arith.constant 0 : i32
      %dma_start3A_769 = tpu.memref_slice %arg10[%dma_start3A_767, %dma_start3A_768] : memref<2x128xi32, #tpu.memory_space<vmem>> -> memref<1x128xi32, #tpu.memory_space<vmem>>
      %dma_start3A_770 = tpu.memref_squeeze %dma_start3A_769 : memref<1x128xi32, #tpu.memory_space<vmem>> -> memref<128xi32, #tpu.memory_space<vmem>>
      %dma_start3A_771 = arith.constant 0 : i32
      %dma_start3A_772 = tpu.memref_slice %arg4[%min3A_766, %dma_start3A_771] : memref<2500x128xi32, #tpu.memory_space<hbm>> -> memref<1x128xi32, #tpu.memory_space<hbm>>
      %dma_start3A_773 = tpu.memref_squeeze %dma_start3A_772 : memref<1x128xi32, #tpu.memory_space<hbm>> -> memref<128xi32, #tpu.memory_space<hbm>>
      %dma_start3A_774 = arith.constant 0 : i32
      %dma_start3A_775 = tpu.memref_slice %arg10[%dma_start3A_767, %dma_start3A_774] : memref<2x128xi32, #tpu.memory_space<vmem>> -> memref<1x128xi32, #tpu.memory_space<vmem>>
      %dma_start3A_776 = tpu.memref_squeeze %dma_start3A_775 : memref<1x128xi32, #tpu.memory_space<vmem>> -> memref<128xi32, #tpu.memory_space<vmem>>
      %dma_start3A_777 = arith.constant 0 : i32
      %dma_start3A_778 = tpu.memref_slice %arg4[%min3A_766, %dma_start3A_777] : memref<2500x128xi32, #tpu.memory_space<hbm>> -> memref<1x128xi32, #tpu.memory_space<hbm>>
      %dma_start3A_779 = tpu.memref_squeeze %dma_start3A_778 : memref<1x128xi32, #tpu.memory_space<hbm>> -> memref<128xi32, #tpu.memory_space<hbm>>
      tpu.enqueue_dma source(%dma_start3A_779 : memref<128xi32, #tpu.memory_space<hbm>>) target(%dma_start3A_776 : memref<128xi32, #tpu.memory_space<vmem>>) target_semaphore(%arg18 : memref<!tpu.dma_semaphore, #tpu.memory_space<semaphore_mem>>)
      %dma_start3A_780 = arith.constant 1 : i32
      %dma_start3A_781 = arith.constant 0 : i32
      %dma_start3A_782 = tpu.memref_slice %arg10[%dma_start3A_780, %dma_start3A_781] : memref<2x128xi32, #tpu.memory_space<vmem>> -> memref<1x128xi32, #tpu.memory_space<vmem>>
      %dma_start3A_783 = tpu.memref_squeeze %dma_start3A_782 : memref<1x128xi32, #tpu.memory_space<vmem>> -> memref<128xi32, #tpu.memory_space<vmem>>
      %dma_start3A_784 = arith.constant 0 : i32
      %dma_start3A_785 = tpu.memref_slice %arg5[%min3A_766, %dma_start3A_784] : memref<2500x128xi32, #tpu.memory_space<hbm>> -> memref<1x128xi32, #tpu.memory_space<hbm>>
      %dma_start3A_786 = tpu.memref_squeeze %dma_start3A_785 : memref<1x128xi32, #tpu.memory_space<hbm>> -> memref<128xi32, #tpu.memory_space<hbm>>
      %dma_start3A_787 = arith.constant 0 : i32
      %dma_start3A_788 = tpu.memref_slice %arg10[%dma_start3A_780, %dma_start3A_787] : memref<2x128xi32, #tpu.memory_space<vmem>> -> memref<1x128xi32, #tpu.memory_space<vmem>>
      %dma_start3A_789 = tpu.memref_squeeze %dma_start3A_788 : memref<1x128xi32, #tpu.memory_space<vmem>> -> memref<128xi32, #tpu.memory_space<vmem>>
      %dma_start3A_790 = arith.constant 0 : i32
      %dma_start3A_791 = tpu.memref_slice %arg5[%min3A_766, %dma_start3A_790] : memref<2500x128xi32, #tpu.memory_space<hbm>> -> memref<1x128xi32, #tpu.memory_space<hbm>>
      %dma_start3A_792 = tpu.memref_squeeze %dma_start3A_791 : memref<1x128xi32, #tpu.memory_space<hbm>> -> memref<128xi32, #tpu.memory_space<hbm>>
      tpu.enqueue_dma source(%dma_start3A_792 : memref<128xi32, #tpu.memory_space<hbm>>) target(%dma_start3A_789 : memref<128xi32, #tpu.memory_space<vmem>>) target_semaphore(%arg18 : memref<!tpu.dma_semaphore, #tpu.memory_space<semaphore_mem>>)
    }
    %scan3A_150 = arith.constant 39 : i32
    %dma_wait3A_151 = arith.constant 0 : i32
    %dma_wait3A_152 = arith.constant 0 : i32
    %dma_wait3A_153 = arith.constant 0 : i32
    %dma_wait3A_154 = tpu.memref_slice %arg10[%dma_wait3A_152, %dma_wait3A_153] : memref<2x128xi32, #tpu.memory_space<vmem>> -> memref<1x128xi32, #tpu.memory_space<vmem>>
    %dma_wait3A_155 = tpu.memref_squeeze %dma_wait3A_154 : memref<1x128xi32, #tpu.memory_space<vmem>> -> memref<128xi32, #tpu.memory_space<vmem>>
    %dma_wait3A_156 = arith.constant 0 : i32
    %dma_wait3A_157 = tpu.memref_slice %arg4[%dma_wait3A_151, %dma_wait3A_156] : memref<2500x128xi32, #tpu.memory_space<hbm>> -> memref<1x128xi32, #tpu.memory_space<hbm>>
    %dma_wait3A_158 = tpu.memref_squeeze %dma_wait3A_157 : memref<1x128xi32, #tpu.memory_space<hbm>> -> memref<128xi32, #tpu.memory_space<hbm>>
    %dma_wait3A_159 = arith.constant 0 : i32
    %dma_wait3A_160 = tpu.memref_slice %arg10[%dma_wait3A_152, %dma_wait3A_159] : memref<2x128xi32, #tpu.memory_space<vmem>> -> memref<1x128xi32, #tpu.memory_space<vmem>>
    %dma_wait3A_161 = tpu.memref_squeeze %dma_wait3A_160 : memref<1x128xi32, #tpu.memory_space<vmem>> -> memref<128xi32, #tpu.memory_space<vmem>>
    %dma_wait3A_162 = arith.constant 0 : i32
    %dma_wait3A_163 = tpu.memref_slice %arg4[%dma_wait3A_151, %dma_wait3A_162] : memref<2500x128xi32, #tpu.memory_space<hbm>> -> memref<1x128xi32, #tpu.memory_space<hbm>>
    %dma_wait3A_164 = tpu.memref_squeeze %dma_wait3A_163 : memref<1x128xi32, #tpu.memory_space<hbm>> -> memref<128xi32, #tpu.memory_space<hbm>>
    tpu.wait_dma2 semaphore(%arg18 : memref<!tpu.dma_semaphore, #tpu.memory_space<semaphore_mem>>) src(%dma_wait3A_164 : memref<128xi32, #tpu.memory_space<hbm>>) dst(%dma_wait3A_161 : memref<128xi32, #tpu.memory_space<vmem>>)
    %dma_wait3A_165 = arith.constant 0 : i32
    %dma_wait3A_166 = arith.constant 1 : i32
    %dma_wait3A_167 = arith.constant 0 : i32
    %dma_wait3A_168 = tpu.memref_slice %arg10[%dma_wait3A_166, %dma_wait3A_167] : memref<2x128xi32, #tpu.memory_space<vmem>> -> memref<1x128xi32, #tpu.memory_space<vmem>>
    %dma_wait3A_169 = tpu.memref_squeeze %dma_wait3A_168 : memref<1x128xi32, #tpu.memory_space<vmem>> -> memref<128xi32, #tpu.memory_space<vmem>>
    %dma_wait3A_170 = arith.constant 0 : i32
    %dma_wait3A_171 = tpu.memref_slice %arg5[%dma_wait3A_165, %dma_wait3A_170] : memref<2500x128xi32, #tpu.memory_space<hbm>> -> memref<1x128xi32, #tpu.memory_space<hbm>>
    %dma_wait3A_172 = tpu.memref_squeeze %dma_wait3A_171 : memref<1x128xi32, #tpu.memory_space<hbm>> -> memref<128xi32, #tpu.memory_space<hbm>>
    %dma_wait3A_173 = arith.constant 0 : i32
    %dma_wait3A_174 = tpu.memref_slice %arg10[%dma_wait3A_166, %dma_wait3A_173] : memref<2x128xi32, #tpu.memory_space<vmem>> -> memref<1x128xi32, #tpu.memory_space<vmem>>
    %dma_wait3A_175 = tpu.memref_squeeze %dma_wait3A_174 : memref<1x128xi32, #tpu.memory_space<vmem>> -> memref<128xi32, #tpu.memory_space<vmem>>
    %dma_wait3A_176 = arith.constant 0 : i32
    %dma_wait3A_177 = tpu.memref_slice %arg5[%dma_wait3A_165, %dma_wait3A_176] : memref<2500x128xi32, #tpu.memory_space<hbm>> -> memref<1x128xi32, #tpu.memory_space<hbm>>
    %dma_wait3A_178 = tpu.memref_squeeze %dma_wait3A_177 : memref<1x128xi32, #tpu.memory_space<hbm>> -> memref<128xi32, #tpu.memory_space<hbm>>
    tpu.wait_dma2 semaphore(%arg18 : memref<!tpu.dma_semaphore, #tpu.memory_space<semaphore_mem>>) src(%dma_wait3A_178 : memref<128xi32, #tpu.memory_space<hbm>>) dst(%dma_wait3A_175 : memref<128xi32, #tpu.memory_space<vmem>>)
    %dma_wait3A_179 = arith.constant 0 : i32
    %dma_wait3A_180 = arith.constant 0 : i32
    %dma_wait3A_181 = tpu.memref_slice %arg9[%dma_wait3A_179, %dma_wait3A_180] : memref<2x128xi32, #tpu.memory_space<vmem>> -> memref<1x128xi32, #tpu.memory_space<vmem>>
    %dma_wait3A_182 = tpu.memref_squeeze %dma_wait3A_181 : memref<1x128xi32, #tpu.memory_space<vmem>> -> memref<128xi32, #tpu.memory_space<vmem>>
    %dma_wait3A_183 = arith.constant 0 : i32
    %dma_wait3A_184 = tpu.memref_slice %arg2[%dma_wait3A_183] : memref<10000xf32, #tpu.memory_space<hbm>> -> memref<10000xf32, #tpu.memory_space<hbm>>
    tpu.wait_indirect_dma semaphore(%arg19 : memref<!tpu.dma_semaphore, #tpu.memory_space<semaphore_mem>>) src(%dma_wait3A_184 : memref<10000xf32, #tpu.memory_space<hbm>>) dst(%arg11 : memref<128xf32, #tpu.memory_space<vmem>>)
    %dma_wait3A_185 = arith.constant 1 : i32
    %dma_wait3A_186 = arith.constant 0 : i32
    %dma_wait3A_187 = tpu.memref_slice %arg9[%dma_wait3A_185, %dma_wait3A_186] : memref<2x128xi32, #tpu.memory_space<vmem>> -> memref<1x128xi32, #tpu.memory_space<vmem>>
    %dma_wait3A_188 = tpu.memref_squeeze %dma_wait3A_187 : memref<1x128xi32, #tpu.memory_space<vmem>> -> memref<128xi32, #tpu.memory_space<vmem>>
    %dma_wait3A_189 = arith.constant 0 : i32
    %dma_wait3A_190 = tpu.memref_slice %arg3[%dma_wait3A_189] : memref<10000xf32, #tpu.memory_space<hbm>> -> memref<10000xf32, #tpu.memory_space<hbm>>
    tpu.wait_indirect_dma semaphore(%arg19 : memref<!tpu.dma_semaphore, #tpu.memory_space<semaphore_mem>>) src(%dma_wait3A_190 : memref<10000xf32, #tpu.memory_space<hbm>>) dst(%arg12 : memref<128xf32, #tpu.memory_space<vmem>>)
    %lt3A = arith.constant 2 : i32
    %lt3A_191 = arith.cmpi slt, %arg1, %lt3A : i32
    %convert_element_type3A_192 = arith.extui %lt3A_191 : i1 to i32
    %cond3A_193 = arith.constant 0 : i32
    %cond3A_194 = arith.cmpi ne, %convert_element_type3A_192, %cond3A_193 : i32
    scf.if %cond3A_194 {
      %mul3A_204 = arith.constant 1250 : i32
      %mul3A_205 = arith.muli %arg0, %mul3A_204 : i32
      %add3A_206 = arith.constant 1248 : i32
      %add3A_207 = arith.addi %mul3A_205, %add3A_206 : i32
      %add3A_208 = arith.addi %add3A_207, %arg1 : i32
      %run_scoped3A_209 = arith.constant 0 : i32
      "tpu.region"() ({
        %run_scoped3A_423 = tpu.sem_alloc : memref<!tpu.dma_semaphore, #tpu.memory_space<semaphore_mem>>
        %dma_start3A_424 = arith.constant 0 : i32
        %dma_start3A_425 = tpu.memref_slice %arg9[%run_scoped3A_209, %dma_start3A_424] : memref<2x128xi32, #tpu.memory_space<vmem>> -> memref<1x128xi32, #tpu.memory_space<vmem>>
        %dma_start3A_426 = tpu.memref_squeeze %dma_start3A_425 : memref<1x128xi32, #tpu.memory_space<vmem>> -> memref<128xi32, #tpu.memory_space<vmem>>
        %dma_start3A_427 = arith.constant 0 : i32
        %dma_start3A_428 = tpu.memref_slice %arg4[%add3A_208, %dma_start3A_427] : memref<2500x128xi32, #tpu.memory_space<hbm>> -> memref<1x128xi32, #tpu.memory_space<hbm>>
        %dma_start3A_429 = tpu.memref_squeeze %dma_start3A_428 : memref<1x128xi32, #tpu.memory_space<hbm>> -> memref<128xi32, #tpu.memory_space<hbm>>
        %dma_start3A_430 = arith.constant 0 : i32
        %dma_start3A_431 = tpu.memref_slice %arg9[%run_scoped3A_209, %dma_start3A_430] : memref<2x128xi32, #tpu.memory_space<vmem>> -> memref<1x128xi32, #tpu.memory_space<vmem>>
        %dma_start3A_432 = tpu.memref_squeeze %dma_start3A_431 : memref<1x128xi32, #tpu.memory_space<vmem>> -> memref<128xi32, #tpu.memory_space<vmem>>
        %dma_start3A_433 = arith.constant 0 : i32
        %dma_start3A_434 = tpu.memref_slice %arg4[%add3A_208, %dma_start3A_433] : memref<2500x128xi32, #tpu.memory_space<hbm>> -> memref<1x128xi32, #tpu.memory_space<hbm>>
        %dma_start3A_435 = tpu.memref_squeeze %dma_start3A_434 : memref<1x128xi32, #tpu.memory_space<hbm>> -> memref<128xi32, #tpu.memory_space<hbm>>
        tpu.enqueue_dma source(%dma_start3A_435 : memref<128xi32, #tpu.memory_space<hbm>>) target(%dma_start3A_432 : memref<128xi32, #tpu.memory_space<vmem>>) target_semaphore(%run_scoped3A_423 : memref<!tpu.dma_semaphore, #tpu.memory_space<semaphore_mem>>)
        %dma_wait3A_436 = arith.constant 0 : i32
        %dma_wait3A_437 = tpu.memref_slice %arg9[%run_scoped3A_209, %dma_wait3A_436] : memref<2x128xi32, #tpu.memory_space<vmem>> -> memref<1x128xi32, #tpu.memory_space<vmem>>
        %dma_wait3A_438 = tpu.memref_squeeze %dma_wait3A_437 : memref<1x128xi32, #tpu.memory_space<vmem>> -> memref<128xi32, #tpu.memory_space<vmem>>
        %dma_wait3A_439 = arith.constant 0 : i32
        %dma_wait3A_440 = tpu.memref_slice %arg4[%add3A_208, %dma_wait3A_439] : memref<2500x128xi32, #tpu.memory_space<hbm>> -> memref<1x128xi32, #tpu.memory_space<hbm>>
        %dma_wait3A_441 = tpu.memref_squeeze %dma_wait3A_440 : memref<1x128xi32, #tpu.memory_space<hbm>> -> memref<128xi32, #tpu.memory_space<hbm>>
        %dma_wait3A_442 = arith.constant 0 : i32
        %dma_wait3A_443 = tpu.memref_slice %arg9[%run_scoped3A_209, %dma_wait3A_442] : memref<2x128xi32, #tpu.memory_space<vmem>> -> memref<1x128xi32, #tpu.memory_space<vmem>>
        %dma_wait3A_444 = tpu.memref_squeeze %dma_wait3A_443 : memref<1x128xi32, #tpu.memory_space<vmem>> -> memref<128xi32, #tpu.memory_space<vmem>>
        %dma_wait3A_445 = arith.constant 0 : i32
        %dma_wait3A_446 = tpu.memref_slice %arg4[%add3A_208, %dma_wait3A_445] : memref<2500x128xi32, #tpu.memory_space<hbm>> -> memref<1x128xi32, #tpu.memory_space<hbm>>
        %dma_wait3A_447 = tpu.memref_squeeze %dma_wait3A_446 : memref<1x128xi32, #tpu.memory_space<hbm>> -> memref<128xi32, #tpu.memory_space<hbm>>
        tpu.wait_dma2 semaphore(%run_scoped3A_423 : memref<!tpu.dma_semaphore, #tpu.memory_space<semaphore_mem>>) src(%dma_wait3A_447 : memref<128xi32, #tpu.memory_space<hbm>>) dst(%dma_wait3A_444 : memref<128xi32, #tpu.memory_space<vmem>>)
        tpu.yield
      }) : () -> ()
      %run_scoped3A_210 = arith.constant 1 : i32
      "tpu.region"() ({
        %run_scoped3A_423 = tpu.sem_alloc : memref<!tpu.dma_semaphore, #tpu.memory_space<semaphore_mem>>
        %dma_start3A_424 = arith.constant 0 : i32
        %dma_start3A_425 = tpu.memref_slice %arg9[%run_scoped3A_210, %dma_start3A_424] : memref<2x128xi32, #tpu.memory_space<vmem>> -> memref<1x128xi32, #tpu.memory_space<vmem>>
        %dma_start3A_426 = tpu.memref_squeeze %dma_start3A_425 : memref<1x128xi32, #tpu.memory_space<vmem>> -> memref<128xi32, #tpu.memory_space<vmem>>
        %dma_start3A_427 = arith.constant 0 : i32
        %dma_start3A_428 = tpu.memref_slice %arg5[%add3A_208, %dma_start3A_427] : memref<2500x128xi32, #tpu.memory_space<hbm>> -> memref<1x128xi32, #tpu.memory_space<hbm>>
        %dma_start3A_429 = tpu.memref_squeeze %dma_start3A_428 : memref<1x128xi32, #tpu.memory_space<hbm>> -> memref<128xi32, #tpu.memory_space<hbm>>
        %dma_start3A_430 = arith.constant 0 : i32
        %dma_start3A_431 = tpu.memref_slice %arg9[%run_scoped3A_210, %dma_start3A_430] : memref<2x128xi32, #tpu.memory_space<vmem>> -> memref<1x128xi32, #tpu.memory_space<vmem>>
        %dma_start3A_432 = tpu.memref_squeeze %dma_start3A_431 : memref<1x128xi32, #tpu.memory_space<vmem>> -> memref<128xi32, #tpu.memory_space<vmem>>
        %dma_start3A_433 = arith.constant 0 : i32
        %dma_start3A_434 = tpu.memref_slice %arg5[%add3A_208, %dma_start3A_433] : memref<2500x128xi32, #tpu.memory_space<hbm>> -> memref<1x128xi32, #tpu.memory_space<hbm>>
        %dma_start3A_435 = tpu.memref_squeeze %dma_start3A_434 : memref<1x128xi32, #tpu.memory_space<hbm>> -> memref<128xi32, #tpu.memory_space<hbm>>
        tpu.enqueue_dma source(%dma_start3A_435 : memref<128xi32, #tpu.memory_space<hbm>>) target(%dma_start3A_432 : memref<128xi32, #tpu.memory_space<vmem>>) target_semaphore(%run_scoped3A_423 : memref<!tpu.dma_semaphore, #tpu.memory_space<semaphore_mem>>)
        %dma_wait3A_436 = arith.constant 0 : i32
        %dma_wait3A_437 = tpu.memref_slice %arg9[%run_scoped3A_210, %dma_wait3A_436] : memref<2x128xi32, #tpu.memory_space<vmem>> -> memref<1x128xi32, #tpu.memory_space<vmem>>
        %dma_wait3A_438 = tpu.memref_squeeze %dma_wait3A_437 : memref<1x128xi32, #tpu.memory_space<vmem>> -> memref<128xi32, #tpu.memory_space<vmem>>
        %dma_wait3A_439 = arith.constant 0 : i32
        %dma_wait3A_440 = tpu.memref_slice %arg5[%add3A_208, %dma_wait3A_439] : memref<2500x128xi32, #tpu.memory_space<hbm>> -> memref<1x128xi32, #tpu.memory_space<hbm>>
        %dma_wait3A_441 = tpu.memref_squeeze %dma_wait3A_440 : memref<1x128xi32, #tpu.memory_space<hbm>> -> memref<128xi32, #tpu.memory_space<hbm>>
        %dma_wait3A_442 = arith.constant 0 : i32
        %dma_wait3A_443 = tpu.memref_slice %arg9[%run_scoped3A_210, %dma_wait3A_442] : memref<2x128xi32, #tpu.memory_space<vmem>> -> memref<1x128xi32, #tpu.memory_space<vmem>>
        %dma_wait3A_444 = tpu.memref_squeeze %dma_wait3A_443 : memref<1x128xi32, #tpu.memory_space<vmem>> -> memref<128xi32, #tpu.memory_space<vmem>>
        %dma_wait3A_445 = arith.constant 0 : i32
        %dma_wait3A_446 = tpu.memref_slice %arg5[%add3A_208, %dma_wait3A_445] : memref<2500x128xi32, #tpu.memory_space<hbm>> -> memref<1x128xi32, #tpu.memory_space<hbm>>
        %dma_wait3A_447 = tpu.memref_squeeze %dma_wait3A_446 : memref<1x128xi32, #tpu.memory_space<hbm>> -> memref<128xi32, #tpu.memory_space<hbm>>
        tpu.wait_dma2 semaphore(%run_scoped3A_423 : memref<!tpu.dma_semaphore, #tpu.memory_space<semaphore_mem>>) src(%dma_wait3A_447 : memref<128xi32, #tpu.memory_space<hbm>>) dst(%dma_wait3A_444 : memref<128xi32, #tpu.memory_space<vmem>>)
        tpu.yield
      }) : () -> ()
      %run_scoped3A_211 = arith.constant 0 : i32
      "tpu.region"() ({
        %run_scoped3A_423 = tpu.sem_alloc : memref<!tpu.dma_semaphore, #tpu.memory_space<semaphore_mem>>
        %dma_start3A_424 = arith.constant 0 : i32
        %dma_start3A_425 = tpu.memref_slice %arg9[%run_scoped3A_211, %dma_start3A_424] : memref<2x128xi32, #tpu.memory_space<vmem>> -> memref<1x128xi32, #tpu.memory_space<vmem>>
        %dma_start3A_426 = tpu.memref_squeeze %dma_start3A_425 : memref<1x128xi32, #tpu.memory_space<vmem>> -> memref<128xi32, #tpu.memory_space<vmem>>
        %dma_start3A_427 = arith.constant 0 : i32
        %dma_start3A_428 = tpu.memref_slice %arg2[%dma_start3A_427] : memref<10000xf32, #tpu.memory_space<hbm>> -> memref<10000xf32, #tpu.memory_space<hbm>>
        tpu.enqueue_indirect_dma source(%dma_start3A_428 : memref<10000xf32, #tpu.memory_space<hbm>>) target(%arg11 : memref<128xf32, #tpu.memory_space<vmem>>) offsets(%dma_start3A_426 : memref<128xi32, #tpu.memory_space<vmem>>) semaphore(%run_scoped3A_423 : memref<!tpu.dma_semaphore, #tpu.memory_space<semaphore_mem>>)
        %dma_wait3A_429 = arith.constant 0 : i32
        %dma_wait3A_430 = tpu.memref_slice %arg9[%run_scoped3A_211, %dma_wait3A_429] : memref<2x128xi32, #tpu.memory_space<vmem>> -> memref<1x128xi32, #tpu.memory_space<vmem>>
        %dma_wait3A_431 = tpu.memref_squeeze %dma_wait3A_430 : memref<1x128xi32, #tpu.memory_space<vmem>> -> memref<128xi32, #tpu.memory_space<vmem>>
        %dma_wait3A_432 = arith.constant 0 : i32
        %dma_wait3A_433 = tpu.memref_slice %arg2[%dma_wait3A_432] : memref<10000xf32, #tpu.memory_space<hbm>> -> memref<10000xf32, #tpu.memory_space<hbm>>
        tpu.wait_indirect_dma semaphore(%run_scoped3A_423 : memref<!tpu.dma_semaphore, #tpu.memory_space<semaphore_mem>>) src(%dma_wait3A_433 : memref<10000xf32, #tpu.memory_space<hbm>>) dst(%arg11 : memref<128xf32, #tpu.memory_space<vmem>>)
        tpu.yield
      }) : () -> ()
      %run_scoped3A_212 = arith.constant 1 : i32
      "tpu.region"() ({
        %run_scoped3A_423 = tpu.sem_alloc : memref<!tpu.dma_semaphore, #tpu.memory_space<semaphore_mem>>
        %dma_start3A_424 = arith.constant 0 : i32
        %dma_start3A_425 = tpu.memref_slice %arg9[%run_scoped3A_212, %dma_start3A_424] : memref<2x128xi32, #tpu.memory_space<vmem>> -> memref<1x128xi32, #tpu.memory_space<vmem>>
        %dma_start3A_426 = tpu.memref_squeeze %dma_start3A_425 : memref<1x128xi32, #tpu.memory_space<vmem>> -> memref<128xi32, #tpu.memory_space<vmem>>
        %dma_start3A_427 = arith.constant 0 : i32
        %dma_start3A_428 = tpu.memref_slice %arg3[%dma_start3A_427] : memref<10000xf32, #tpu.memory_space<hbm>> -> memref<10000xf32, #tpu.memory_space<hbm>>
        tpu.enqueue_indirect_dma source(%dma_start3A_428 : memref<10000xf32, #tpu.memory_space<hbm>>) target(%arg12 : memref<128xf32, #tpu.memory_space<vmem>>) offsets(%dma_start3A_426 : memref<128xi32, #tpu.memory_space<vmem>>) semaphore(%run_scoped3A_423 : memref<!tpu.dma_semaphore, #tpu.memory_space<semaphore_mem>>)
        %dma_wait3A_429 = arith.constant 0 : i32
        %dma_wait3A_430 = tpu.memref_slice %arg9[%run_scoped3A_212, %dma_wait3A_429] : memref<2x128xi32, #tpu.memory_space<vmem>> -> memref<1x128xi32, #tpu.memory_space<vmem>>
        %dma_wait3A_431 = tpu.memref_squeeze %dma_wait3A_430 : memref<1x128xi32, #tpu.memory_space<vmem>> -> memref<128xi32, #tpu.memory_space<vmem>>
        %dma_wait3A_432 = arith.constant 0 : i32
        %dma_wait3A_433 = tpu.memref_slice %arg3[%dma_wait3A_432] : memref<10000xf32, #tpu.memory_space<hbm>> -> memref<10000xf32, #tpu.memory_space<hbm>>
        tpu.wait_indirect_dma semaphore(%run_scoped3A_423 : memref<!tpu.dma_semaphore, #tpu.memory_space<semaphore_mem>>) src(%dma_wait3A_433 : memref<10000xf32, #tpu.memory_space<hbm>>) dst(%arg12 : memref<128xf32, #tpu.memory_space<vmem>>)
        tpu.yield
      }) : () -> ()
      %get3A = arith.constant 1 : i32
      %get3A_213 = arith.index_cast %get3A : i32 to index
      %get3A_214 = arith.constant 0 : index
      %get3A_215 = tpu.vector_load %arg9[%get3A_213, %get3A_214] {strides = array<i32>} : memref<2x128xi32, #tpu.memory_space<vmem>>, vector<16xi32>,
      %get3A_216 = arith.constant 0 : index
      %get3A_217 = tpu.vector_load %arg11[%get3A_216] {strides = array<i32>} : memref<128xf32, #tpu.memory_space<vmem>>, vector<16xf32>,
      %get3A_218 = arith.constant 0 : index
      %get3A_219 = tpu.vector_load %arg12[%get3A_218] {strides = array<i32>} : memref<128xf32, #tpu.memory_space<vmem>>, vector<16xf32>,
      %add3A_220 = arith.addf %get3A_217, %get3A_219 : vector<16xf32>
      %gt3A = arith.constant 0.000000e+00 : f32
      %gt3A_221 = vector.broadcast %gt3A : f32 to vector<16xf32>
      %gt3A_222 = arith.cmpf ogt, %add3A_220, %gt3A_221 : vector<16xf32>
      %mul3A_223 = arith.constant 2.000000e-01 : f32
      %mul3A_224 = vector.broadcast %mul3A_223 : f32 to vector<16xf32>
      %mul3A_225 = arith.mulf %add3A_220, %mul3A_224 : vector<16xf32>
      %select_n3A = arith.select %gt3A_222, %add3A_220, %mul3A_225 : vector<16xi1>, vector<16xf32>
      %exp3A = math.exp %select_n3A : vector<16xf32>
      %shift_right_logical3A = arith.constant 7 : i32
      %shift_right_logical3A_226 = vector.broadcast %shift_right_logical3A : i32 to vector<16xi32>
      %shift_right_logical3A_227 = arith.shrui %get3A_215, %shift_right_logical3A_226 : vector<16xi32>
      %and3A = arith.constant 127 : i32
      %and3A_228 = vector.broadcast %and3A : i32 to vector<16xi32>
      %and3A_229 = arith.andi %get3A_215, %and3A_228 : vector<16xi32>
      tpu.vector_store_idx %arg7[%shift_right_logical3A_227, %and3A_229], %exp3A {add = true} : memref<80x128xf32, #tpu.memory_space<vmem>>[vector<16xi32>, vector<16xi32>], vector<16xf32>,
      %swap3A_230 = arith.constant 78 : i32
      %swap3A_231 = arith.index_cast %swap3A_230 : i32 to index
      %swap3A_232 = arith.constant 0 : index
      %swap3A_233 = tpu.vector_load %arg8[%swap3A_231, %swap3A_232] {strides = array<i32>} : memref<80x128xf32, #tpu.memory_space<vmem>>, vector<16xf32>,
      tpu.vector_store %arg8[%swap3A_231, %swap3A_232], %exp3A {strides = array<i32>} : memref<80x128xf32, #tpu.memory_space<vmem>>, vector<16xf32>,
      %get3A_234 = arith.constant 1 : i32
      %get3A_235 = arith.index_cast %get3A_234 : i32 to index
      %get3A_236 = arith.constant 16 : index
      %get3A_237 = tpu.vector_load %arg9[%get3A_235, %get3A_236] {strides = array<i32>} : memref<2x128xi32, #tpu.memory_space<vmem>>, vector<16xi32>,
      %get3A_238 = arith.constant 16 : index
      %get3A_239 = tpu.vector_load %arg11[%get3A_238] {strides = array<i32>} : memref<128xf32, #tpu.memory_space<vmem>>, vector<16xf32>,
      %get3A_240 = arith.constant 16 : index
      %get3A_241 = tpu.vector_load %arg12[%get3A_240] {strides = array<i32>} : memref<128xf32, #tpu.memory_space<vmem>>, vector<16xf32>,
      %add3A_242 = arith.addf %get3A_239, %get3A_241 : vector<16xf32>
      %gt3A_243 = arith.constant 0.000000e+00 : f32
      %gt3A_244 = vector.broadcast %gt3A_243 : f32 to vector<16xf32>
      %gt3A_245 = arith.cmpf ogt, %add3A_242, %gt3A_244 : vector<16xf32>
      %mul3A_246 = arith.constant 2.000000e-01 : f32
      %mul3A_247 = vector.broadcast %mul3A_246 : f32 to vector<16xf32>
      %mul3A_248 = arith.mulf %add3A_242, %mul3A_247 : vector<16xf32>
      %select_n3A_249 = arith.select %gt3A_245, %add3A_242, %mul3A_248 : vector<16xi1>, vector<16xf32>
      %exp3A_250 = math.exp %select_n3A_249 : vector<16xf32>
      %shift_right_logical3A_251 = arith.constant 7 : i32
      %shift_right_logical3A_252 = vector.broadcast %shift_right_logical3A_251 : i32 to vector<16xi32>
      %shift_right_logical3A_253 = arith.shrui %get3A_237, %shift_right_logical3A_252 : vector<16xi32>
      %and3A_254 = arith.constant 127 : i32
      %and3A_255 = vector.broadcast %and3A_254 : i32 to vector<16xi32>
      %and3A_256 = arith.andi %get3A_237, %and3A_255 : vector<16xi32>
      tpu.vector_store_idx %arg7[%shift_right_logical3A_253, %and3A_256], %exp3A_250 {add = true} : memref<80x128xf32, #tpu.memory_space<vmem>>[vector<16xi32>, vector<16xi32>], vector<16xf32>,
      %swap3A_257 = arith.constant 78 : i32
      %swap3A_258 = arith.index_cast %swap3A_257 : i32 to index
      %swap3A_259 = arith.constant 16 : index
      %swap3A_260 = tpu.vector_load %arg8[%swap3A_258, %swap3A_259] {strides = array<i32>} : memref<80x128xf32, #tpu.memory_space<vmem>>, vector<16xf32>,
      tpu.vector_store %arg8[%swap3A_258, %swap3A_259], %exp3A_250 {strides = array<i32>} : memref<80x128xf32, #tpu.memory_space<vmem>>, vector<16xf32>,
      %get3A_261 = arith.constant 1 : i32
      %get3A_262 = arith.index_cast %get3A_261 : i32 to index
      %get3A_263 = arith.constant 32 : index
      %get3A_264 = tpu.vector_load %arg9[%get3A_262, %get3A_263] {strides = array<i32>} : memref<2x128xi32, #tpu.memory_space<vmem>>, vector<16xi32>,
      %get3A_265 = arith.constant 32 : index
      %get3A_266 = tpu.vector_load %arg11[%get3A_265] {strides = array<i32>} : memref<128xf32, #tpu.memory_space<vmem>>, vector<16xf32>,
      %get3A_267 = arith.constant 32 : index
      %get3A_268 = tpu.vector_load %arg12[%get3A_267] {strides = array<i32>} : memref<128xf32, #tpu.memory_space<vmem>>, vector<16xf32>,
      %add3A_269 = arith.addf %get3A_266, %get3A_268 : vector<16xf32>
      %gt3A_270 = arith.constant 0.000000e+00 : f32
      %gt3A_271 = vector.broadcast %gt3A_270 : f32 to vector<16xf32>
      %gt3A_272 = arith.cmpf ogt, %add3A_269, %gt3A_271 : vector<16xf32>
      %mul3A_273 = arith.constant 2.000000e-01 : f32
      %mul3A_274 = vector.broadcast %mul3A_273 : f32 to vector<16xf32>
      %mul3A_275 = arith.mulf %add3A_269, %mul3A_274 : vector<16xf32>
      %select_n3A_276 = arith.select %gt3A_272, %add3A_269, %mul3A_275 : vector<16xi1>, vector<16xf32>
      %exp3A_277 = math.exp %select_n3A_276 : vector<16xf32>
      %shift_right_logical3A_278 = arith.constant 7 : i32
      %shift_right_logical3A_279 = vector.broadcast %shift_right_logical3A_278 : i32 to vector<16xi32>
      %shift_right_logical3A_280 = arith.shrui %get3A_264, %shift_right_logical3A_279 : vector<16xi32>
      %and3A_281 = arith.constant 127 : i32
      %and3A_282 = vector.broadcast %and3A_281 : i32 to vector<16xi32>
      %and3A_283 = arith.andi %get3A_264, %and3A_282 : vector<16xi32>
      tpu.vector_store_idx %arg7[%shift_right_logical3A_280, %and3A_283], %exp3A_277 {add = true} : memref<80x128xf32, #tpu.memory_space<vmem>>[vector<16xi32>, vector<16xi32>], vector<16xf32>,
      %swap3A_284 = arith.constant 78 : i32
      %swap3A_285 = arith.index_cast %swap3A_284 : i32 to index
      %swap3A_286 = arith.constant 32 : index
      %swap3A_287 = tpu.vector_load %arg8[%swap3A_285, %swap3A_286] {strides = array<i32>} : memref<80x128xf32, #tpu.memory_space<vmem>>, vector<16xf32>,
      tpu.vector_store %arg8[%swap3A_285, %swap3A_286], %exp3A_277 {strides = array<i32>} : memref<80x128xf32, #tpu.memory_space<vmem>>, vector<16xf32>,
      %get3A_288 = arith.constant 1 : i32
      %get3A_289 = arith.index_cast %get3A_288 : i32 to index
      %get3A_290 = arith.constant 48 : index
      %get3A_291 = tpu.vector_load %arg9[%get3A_289, %get3A_290] {strides = array<i32>} : memref<2x128xi32, #tpu.memory_space<vmem>>, vector<16xi32>,
      %get3A_292 = arith.constant 48 : index
      %get3A_293 = tpu.vector_load %arg11[%get3A_292] {strides = array<i32>} : memref<128xf32, #tpu.memory_space<vmem>>, vector<16xf32>,
      %get3A_294 = arith.constant 48 : index
      %get3A_295 = tpu.vector_load %arg12[%get3A_294] {strides = array<i32>} : memref<128xf32, #tpu.memory_space<vmem>>, vector<16xf32>,
      %add3A_296 = arith.addf %get3A_293, %get3A_295 : vector<16xf32>
      %gt3A_297 = arith.constant 0.000000e+00 : f32
      %gt3A_298 = vector.broadcast %gt3A_297 : f32 to vector<16xf32>
      %gt3A_299 = arith.cmpf ogt, %add3A_296, %gt3A_298 : vector<16xf32>
      %mul3A_300 = arith.constant 2.000000e-01 : f32
      %mul3A_301 = vector.broadcast %mul3A_300 : f32 to vector<16xf32>
      %mul3A_302 = arith.mulf %add3A_296, %mul3A_301 : vector<16xf32>
      %select_n3A_303 = arith.select %gt3A_299, %add3A_296, %mul3A_302 : vector<16xi1>, vector<16xf32>
      %exp3A_304 = math.exp %select_n3A_303 : vector<16xf32>
      %shift_right_logical3A_305 = arith.constant 7 : i32
      %shift_right_logical3A_306 = vector.broadcast %shift_right_logical3A_305 : i32 to vector<16xi32>
      %shift_right_logical3A_307 = arith.shrui %get3A_291, %shift_right_logical3A_306 : vector<16xi32>
      %and3A_308 = arith.constant 127 : i32
      %and3A_309 = vector.broadcast %and3A_308 : i32 to vector<16xi32>
      %and3A_310 = arith.andi %get3A_291, %and3A_309 : vector<16xi32>
      tpu.vector_store_idx %arg7[%shift_right_logical3A_307, %and3A_310], %exp3A_304 {add = true} : memref<80x128xf32, #tpu.memory_space<vmem>>[vector<16xi32>, vector<16xi32>], vector<16xf32>,
      %swap3A_311 = arith.constant 78 : i32
      %swap3A_312 = arith.index_cast %swap3A_311 : i32 to index
      %swap3A_313 = arith.constant 48 : index
      %swap3A_314 = tpu.vector_load %arg8[%swap3A_312, %swap3A_313] {strides = array<i32>} : memref<80x128xf32, #tpu.memory_space<vmem>>, vector<16xf32>,
      tpu.vector_store %arg8[%swap3A_312, %swap3A_313], %exp3A_304 {strides = array<i32>} : memref<80x128xf32, #tpu.memory_space<vmem>>, vector<16xf32>,
      %get3A_315 = arith.constant 1 : i32
      %get3A_316 = arith.index_cast %get3A_315 : i32 to index
      %get3A_317 = arith.constant 64 : index
      %get3A_318 = tpu.vector_load %arg9[%get3A_316, %get3A_317] {strides = array<i32>} : memref<2x128xi32, #tpu.memory_space<vmem>>, vector<16xi32>,
      %get3A_319 = arith.constant 64 : index
      %get3A_320 = tpu.vector_load %arg11[%get3A_319] {strides = array<i32>} : memref<128xf32, #tpu.memory_space<vmem>>, vector<16xf32>,
      %get3A_321 = arith.constant 64 : index
      %get3A_322 = tpu.vector_load %arg12[%get3A_321] {strides = array<i32>} : memref<128xf32, #tpu.memory_space<vmem>>, vector<16xf32>,
      %add3A_323 = arith.addf %get3A_320, %get3A_322 : vector<16xf32>
      %gt3A_324 = arith.constant 0.000000e+00 : f32
      %gt3A_325 = vector.broadcast %gt3A_324 : f32 to vector<16xf32>
      %gt3A_326 = arith.cmpf ogt, %add3A_323, %gt3A_325 : vector<16xf32>
      %mul3A_327 = arith.constant 2.000000e-01 : f32
      %mul3A_328 = vector.broadcast %mul3A_327 : f32 to vector<16xf32>
      %mul3A_329 = arith.mulf %add3A_323, %mul3A_328 : vector<16xf32>
      %select_n3A_330 = arith.select %gt3A_326, %add3A_323, %mul3A_329 : vector<16xi1>, vector<16xf32>
      %exp3A_331 = math.exp %select_n3A_330 : vector<16xf32>
      %shift_right_logical3A_332 = arith.constant 7 : i32
      %shift_right_logical3A_333 = vector.broadcast %shift_right_logical3A_332 : i32 to vector<16xi32>
      %shift_right_logical3A_334 = arith.shrui %get3A_318, %shift_right_logical3A_333 : vector<16xi32>
      %and3A_335 = arith.constant 127 : i32
      %and3A_336 = vector.broadcast %and3A_335 : i32 to vector<16xi32>
      %and3A_337 = arith.andi %get3A_318, %and3A_336 : vector<16xi32>
      tpu.vector_store_idx %arg7[%shift_right_logical3A_334, %and3A_337], %exp3A_331 {add = true} : memref<80x128xf32, #tpu.memory_space<vmem>>[vector<16xi32>, vector<16xi32>], vector<16xf32>,
      %swap3A_338 = arith.constant 78 : i32
      %swap3A_339 = arith.index_cast %swap3A_338 : i32 to index
      %swap3A_340 = arith.constant 64 : index
      %swap3A_341 = tpu.vector_load %arg8[%swap3A_339, %swap3A_340] {strides = array<i32>} : memref<80x128xf32, #tpu.memory_space<vmem>>, vector<16xf32>,
      tpu.vector_store %arg8[%swap3A_339, %swap3A_340], %exp3A_331 {strides = array<i32>} : memref<80x128xf32, #tpu.memory_space<vmem>>, vector<16xf32>,
      %get3A_342 = arith.constant 1 : i32
      %get3A_343 = arith.index_cast %get3A_342 : i32 to index
      %get3A_344 = arith.constant 80 : index
      %get3A_345 = tpu.vector_load %arg9[%get3A_343, %get3A_344] {strides = array<i32>} : memref<2x128xi32, #tpu.memory_space<vmem>>, vector<16xi32>,
      %get3A_346 = arith.constant 80 : index
      %get3A_347 = tpu.vector_load %arg11[%get3A_346] {strides = array<i32>} : memref<128xf32, #tpu.memory_space<vmem>>, vector<16xf32>,
      %get3A_348 = arith.constant 80 : index
      %get3A_349 = tpu.vector_load %arg12[%get3A_348] {strides = array<i32>} : memref<128xf32, #tpu.memory_space<vmem>>, vector<16xf32>,
      %add3A_350 = arith.addf %get3A_347, %get3A_349 : vector<16xf32>
      %gt3A_351 = arith.constant 0.000000e+00 : f32
      %gt3A_352 = vector.broadcast %gt3A_351 : f32 to vector<16xf32>
      %gt3A_353 = arith.cmpf ogt, %add3A_350, %gt3A_352 : vector<16xf32>
      %mul3A_354 = arith.constant 2.000000e-01 : f32
      %mul3A_355 = vector.broadcast %mul3A_354 : f32 to vector<16xf32>
      %mul3A_356 = arith.mulf %add3A_350, %mul3A_355 : vector<16xf32>
      %select_n3A_357 = arith.select %gt3A_353, %add3A_350, %mul3A_356 : vector<16xi1>, vector<16xf32>
      %exp3A_358 = math.exp %select_n3A_357 : vector<16xf32>
      %shift_right_logical3A_359 = arith.constant 7 : i32
      %shift_right_logical3A_360 = vector.broadcast %shift_right_logical3A_359 : i32 to vector<16xi32>
      %shift_right_logical3A_361 = arith.shrui %get3A_345, %shift_right_logical3A_360 : vector<16xi32>
      %and3A_362 = arith.constant 127 : i32
      %and3A_363 = vector.broadcast %and3A_362 : i32 to vector<16xi32>
      %and3A_364 = arith.andi %get3A_345, %and3A_363 : vector<16xi32>
      tpu.vector_store_idx %arg7[%shift_right_logical3A_361, %and3A_364], %exp3A_358 {add = true} : memref<80x128xf32, #tpu.memory_space<vmem>>[vector<16xi32>, vector<16xi32>], vector<16xf32>,
      %swap3A_365 = arith.constant 78 : i32
      %swap3A_366 = arith.index_cast %swap3A_365 : i32 to index
      %swap3A_367 = arith.constant 80 : index
      %swap3A_368 = tpu.vector_load %arg8[%swap3A_366, %swap3A_367] {strides = array<i32>} : memref<80x128xf32, #tpu.memory_space<vmem>>, vector<16xf32>,
      tpu.vector_store %arg8[%swap3A_366, %swap3A_367], %exp3A_358 {strides = array<i32>} : memref<80x128xf32, #tpu.memory_space<vmem>>, vector<16xf32>,
      %get3A_369 = arith.constant 1 : i32
      %get3A_370 = arith.index_cast %get3A_369 : i32 to index
      %get3A_371 = arith.constant 96 : index
      %get3A_372 = tpu.vector_load %arg9[%get3A_370, %get3A_371] {strides = array<i32>} : memref<2x128xi32, #tpu.memory_space<vmem>>, vector<16xi32>,
      %get3A_373 = arith.constant 96 : index
      %get3A_374 = tpu.vector_load %arg11[%get3A_373] {strides = array<i32>} : memref<128xf32, #tpu.memory_space<vmem>>, vector<16xf32>,
      %get3A_375 = arith.constant 96 : index
      %get3A_376 = tpu.vector_load %arg12[%get3A_375] {strides = array<i32>} : memref<128xf32, #tpu.memory_space<vmem>>, vector<16xf32>,
      %add3A_377 = arith.addf %get3A_374, %get3A_376 : vector<16xf32>
      %gt3A_378 = arith.constant 0.000000e+00 : f32
      %gt3A_379 = vector.broadcast %gt3A_378 : f32 to vector<16xf32>
      %gt3A_380 = arith.cmpf ogt, %add3A_377, %gt3A_379 : vector<16xf32>
      %mul3A_381 = arith.constant 2.000000e-01 : f32
      %mul3A_382 = vector.broadcast %mul3A_381 : f32 to vector<16xf32>
      %mul3A_383 = arith.mulf %add3A_377, %mul3A_382 : vector<16xf32>
      %select_n3A_384 = arith.select %gt3A_380, %add3A_377, %mul3A_383 : vector<16xi1>, vector<16xf32>
      %exp3A_385 = math.exp %select_n3A_384 : vector<16xf32>
      %shift_right_logical3A_386 = arith.constant 7 : i32
      %shift_right_logical3A_387 = vector.broadcast %shift_right_logical3A_386 : i32 to vector<16xi32>
      %shift_right_logical3A_388 = arith.shrui %get3A_372, %shift_right_logical3A_387 : vector<16xi32>
      %and3A_389 = arith.constant 127 : i32
      %and3A_390 = vector.broadcast %and3A_389 : i32 to vector<16xi32>
      %and3A_391 = arith.andi %get3A_372, %and3A_390 : vector<16xi32>
      tpu.vector_store_idx %arg7[%shift_right_logical3A_388, %and3A_391], %exp3A_385 {add = true} : memref<80x128xf32, #tpu.memory_space<vmem>>[vector<16xi32>, vector<16xi32>], vector<16xf32>,
      %swap3A_392 = arith.constant 78 : i32
      %swap3A_393 = arith.index_cast %swap3A_392 : i32 to index
      %swap3A_394 = arith.constant 96 : index
      %swap3A_395 = tpu.vector_load %arg8[%swap3A_393, %swap3A_394] {strides = array<i32>} : memref<80x128xf32, #tpu.memory_space<vmem>>, vector<16xf32>,
      tpu.vector_store %arg8[%swap3A_393, %swap3A_394], %exp3A_385 {strides = array<i32>} : memref<80x128xf32, #tpu.memory_space<vmem>>, vector<16xf32>,
      %get3A_396 = arith.constant 1 : i32
      %get3A_397 = arith.index_cast %get3A_396 : i32 to index
      %get3A_398 = arith.constant 112 : index
      %get3A_399 = tpu.vector_load %arg9[%get3A_397, %get3A_398] {strides = array<i32>} : memref<2x128xi32, #tpu.memory_space<vmem>>, vector<16xi32>,
      %get3A_400 = arith.constant 112 : index
      %get3A_401 = tpu.vector_load %arg11[%get3A_400] {strides = array<i32>} : memref<128xf32, #tpu.memory_space<vmem>>, vector<16xf32>,
      %get3A_402 = arith.constant 112 : index
      %get3A_403 = tpu.vector_load %arg12[%get3A_402] {strides = array<i32>} : memref<128xf32, #tpu.memory_space<vmem>>, vector<16xf32>,
      %add3A_404 = arith.addf %get3A_401, %get3A_403 : vector<16xf32>
      %gt3A_405 = arith.constant 0.000000e+00 : f32
      %gt3A_406 = vector.broadcast %gt3A_405 : f32 to vector<16xf32>
      %gt3A_407 = arith.cmpf ogt, %add3A_404, %gt3A_406 : vector<16xf32>
      %mul3A_408 = arith.constant 2.000000e-01 : f32
      %mul3A_409 = vector.broadcast %mul3A_408 : f32 to vector<16xf32>
      %mul3A_410 = arith.mulf %add3A_404, %mul3A_409 : vector<16xf32>
      %select_n3A_411 = arith.select %gt3A_407, %add3A_404, %mul3A_410 : vector<16xi1>, vector<16xf32>
      %exp3A_412 = math.exp %select_n3A_411 : vector<16xf32>
      %shift_right_logical3A_413 = arith.constant 7 : i32
      %shift_right_logical3A_414 = vector.broadcast %shift_right_logical3A_413 : i32 to vector<16xi32>
      %shift_right_logical3A_415 = arith.shrui %get3A_399, %shift_right_logical3A_414 : vector<16xi32>
      %and3A_416 = arith.constant 127 : i32
      %and3A_417 = vector.broadcast %and3A_416 : i32 to vector<16xi32>
      %and3A_418 = arith.andi %get3A_399, %and3A_417 : vector<16xi32>
      tpu.vector_store_idx %arg7[%shift_right_logical3A_415, %and3A_418], %exp3A_412 {add = true} : memref<80x128xf32, #tpu.memory_space<vmem>>[vector<16xi32>, vector<16xi32>], vector<16xf32>,
      %swap3A_419 = arith.constant 78 : i32
      %swap3A_420 = arith.index_cast %swap3A_419 : i32 to index
      %swap3A_421 = arith.constant 112 : index
      %swap3A_422 = tpu.vector_load %arg8[%swap3A_420, %swap3A_421] {strides = array<i32>} : memref<80x128xf32, #tpu.memory_space<vmem>>, vector<16xf32>,
      tpu.vector_store %arg8[%swap3A_420, %swap3A_421], %exp3A_412 {strides = array<i32>} : memref<80x128xf32, #tpu.memory_space<vmem>>, vector<16xf32>,
    } else {
    }
    %mul3A_195 = arith.constant 80 : i32
    %mul3A_196 = arith.muli %add3A, %mul3A_195 : i32
    "tpu.region"() ({
      %run_scoped3A_204 = tpu.sem_alloc : memref<!tpu.dma_semaphore, #tpu.memory_space<semaphore_mem>>
      %dma_start3A_205 = arith.constant 0 : i32
      %dma_start3A_206 = tpu.memref_slice %arg6[%mul3A_196, %dma_start3A_205] : memref<2720x128xf32, #tpu.memory_space<hbm>> -> memref<80x128xf32, #tpu.memory_space<hbm>>
      %dma_start3A_207 = arith.constant 0 : i32
      %dma_start3A_208 = tpu.memref_slice %arg6[%mul3A_196, %dma_start3A_207] : memref<2720x128xf32, #tpu.memory_space<hbm>> -> memref<80x128xf32, #tpu.memory_space<hbm>>
      tpu.enqueue_dma source(%arg8 : memref<80x128xf32, #tpu.memory_space<vmem>>) target(%dma_start3A_208 : memref<80x128xf32, #tpu.memory_space<hbm>>) target_semaphore(%run_scoped3A_204 : memref<!tpu.dma_semaphore, #tpu.memory_space<semaphore_mem>>)
      %dma_wait3A_209 = arith.constant 0 : i32
      %dma_wait3A_210 = tpu.memref_slice %arg6[%mul3A_196, %dma_wait3A_209] : memref<2720x128xf32, #tpu.memory_space<hbm>> -> memref<80x128xf32, #tpu.memory_space<hbm>>
      %dma_wait3A_211 = arith.constant 0 : i32
      %dma_wait3A_212 = tpu.memref_slice %arg6[%mul3A_196, %dma_wait3A_211] : memref<2720x128xf32, #tpu.memory_space<hbm>> -> memref<80x128xf32, #tpu.memory_space<hbm>>
      tpu.wait_dma2 semaphore(%run_scoped3A_204 : memref<!tpu.dma_semaphore, #tpu.memory_space<semaphore_mem>>) src(%arg8 : memref<80x128xf32, #tpu.memory_space<vmem>>) dst(%dma_wait3A_212 : memref<80x128xf32, #tpu.memory_space<hbm>>)
      tpu.yield
    }) : () -> ()
    %barrier3A_197 = arith.constant 0 : index
    tpu.barrier barrier_id(%barrier3A_197)
    %run_scoped3A = arith.constant 0 : i32
    "tpu.region"() ({
      %run_scoped3A_204 = tpu.sem_alloc : memref<!tpu.dma_semaphore, #tpu.memory_space<semaphore_mem>>
      %dma_start3A_205 = arith.constant 0 : i32
      %dma_start3A_206 = tpu.memref_slice %arg15[%run_scoped3A, %dma_start3A_205] : memref<1x80xi32, #tpu.memory_space<vmem>> -> memref<1x80xi32, #tpu.memory_space<vmem>>
      %dma_start3A_207 = tpu.memref_squeeze %dma_start3A_206 : memref<1x80xi32, #tpu.memory_space<vmem>> -> memref<80xi32, #tpu.memory_space<vmem>>
      %dma_start3A_208 = arith.constant 0 : i32
      %dma_start3A_209 = arith.constant 0 : i32
      %dma_start3A_210 = tpu.memref_slice %arg16[%dma_start3A_208, %dma_start3A_209] : memref<80x128xf32, #tpu.memory_space<vmem_shared>> -> memref<80x128xf32, #tpu.memory_space<vmem_shared>>
      tpu.enqueue_indirect_dma source(%arg7 : memref<80x128xf32, #tpu.memory_space<vmem>>) target(%dma_start3A_210 : memref<80x128xf32, #tpu.memory_space<vmem_shared>>) offsets(%dma_start3A_207 : memref<80xi32, #tpu.memory_space<vmem>>) semaphore(%run_scoped3A_204 : memref<!tpu.dma_semaphore, #tpu.memory_space<semaphore_mem>>) {add = true}
      %dma_wait3A_211 = arith.constant 0 : i32
      %dma_wait3A_212 = tpu.memref_slice %arg15[%run_scoped3A, %dma_wait3A_211] : memref<1x80xi32, #tpu.memory_space<vmem>> -> memref<1x80xi32, #tpu.memory_space<vmem>>
      %dma_wait3A_213 = tpu.memref_squeeze %dma_wait3A_212 : memref<1x80xi32, #tpu.memory_space<vmem>> -> memref<80xi32, #tpu.memory_space<vmem>>
      %dma_wait3A_214 = arith.constant 0 : i32
      %dma_wait3A_215 = arith.constant 0 : i32
      %dma_wait3A_216 = tpu.memref_slice %arg16[%dma_wait3A_214, %dma_wait3A_215] : memref<80x128xf32, #tpu.memory_space<vmem_shared>> -> memref<80x128xf32, #tpu.memory_space<vmem_shared>>
      tpu.wait_indirect_dma semaphore(%run_scoped3A_204 : memref<!tpu.dma_semaphore, #tpu.memory_space<semaphore_mem>>) src(%arg7 : memref<80x128xf32, #tpu.memory_space<vmem>>) dst(%dma_wait3A_216 : memref<80x128xf32, #tpu.memory_space<vmem_shared>>)
      tpu.yield
    }) : () -> ()
    %barrier3A_198 = arith.constant 0 : index
    tpu.barrier barrier_id(%barrier3A_198)
    %eq3A_199 = arith.constant 0 : i32
    %eq3A_200 = arith.cmpi eq, %arg1, %eq3A_199 : i32
    %convert_element_type3A_201 = arith.extui %eq3A_200 : i1 to i32
    %cond3A_202 = arith.constant 0 : i32
    %cond3A_203 = arith.cmpi ne, %convert_element_type3A_201, %cond3A_202 : i32
    scf.if %cond3A_203 {
      %mul3A_204 = arith.constant 80 : i32
      %mul3A_205 = arith.muli %arg0, %mul3A_204 : i32
      %add3A_206 = arith.constant 2560 : i32
      %add3A_207 = arith.addi %add3A_206, %mul3A_205 : i32
      "tpu.region"() ({
        %run_scoped3A_208 = tpu.sem_alloc : memref<!tpu.dma_semaphore, #tpu.memory_space<semaphore_mem>>
        %dma_start3A_209 = arith.constant 0 : i32
        %dma_start3A_210 = tpu.memref_slice %arg6[%add3A_207, %dma_start3A_209] : memref<2720x128xf32, #tpu.memory_space<hbm>> -> memref<80x128xf32, #tpu.memory_space<hbm>>
        tpu.enqueue_dma source(%arg16 : memref<80x128xf32, #tpu.memory_space<vmem_shared>>) target(%dma_start3A_210 : memref<80x128xf32, #tpu.memory_space<hbm>>) target_semaphore(%run_scoped3A_208 : memref<!tpu.dma_semaphore, #tpu.memory_space<semaphore_mem>>)
        %dma_wait3A_211 = arith.constant 0 : i32
        %dma_wait3A_212 = tpu.memref_slice %arg6[%add3A_207, %dma_wait3A_211] : memref<2720x128xf32, #tpu.memory_space<hbm>> -> memref<80x128xf32, #tpu.memory_space<hbm>>
        tpu.wait_dma2 semaphore(%run_scoped3A_208 : memref<!tpu.dma_semaphore, #tpu.memory_space<semaphore_mem>>) src(%arg16 : memref<80x128xf32, #tpu.memory_space<vmem_shared>>) dst(%dma_wait3A_212 : memref<80x128xf32, #tpu.memory_space<hbm>>)
        tpu.yield
      }) : () -> ()
    } else {
    }
    return
  }
}

#map = affine_map<(d0, d1) -> (0, 0)>
module attributes {stable_mosaic.version = 14 : i64} {
  func.func @_sc_b_body(%arg0: i32, %arg1: i32, %arg2: memref<10000x128xf32, #tpu.memory_space<hbm>>, %arg3: memref<2500x128xi32, #tpu.memory_space<hbm>>, %arg4: memref<2500x128xi32, #tpu.memory_space<hbm>>, %arg5: memref<2560x128xf32, #tpu.memory_space<hbm>>, %arg6: memref<20000x128xf32, #tpu.memory_space<hbm>>, %arg7: memref<128xi32, #tpu.memory_space<vmem>>, %arg8: memref<128xi32, #tpu.memory_space<vmem>>, %arg9: memref<128xf32, #tpu.memory_space<vmem>>, %arg10: memref<128xi32, #tpu.memory_space<vmem>>, %arg11: memref<128xi32, #tpu.memory_space<vmem>>, %arg12: memref<128xf32, #tpu.memory_space<vmem>>, %arg13: memref<128xi32, #tpu.memory_space<vmem>>, %arg14: memref<128xi32, #tpu.memory_space<vmem>>, %arg15: memref<128xf32, #tpu.memory_space<vmem>>, %arg16: memref<1x128xi32, #tpu.memory_space<vmem>>, %arg17: memref<1x128xi32, #tpu.memory_space<vmem>>, %arg18: memref<1x128xi32, #tpu.memory_space<vmem>>, %arg19: memref<128x128xf32, #tpu.memory_space<vmem>>, %arg20: memref<128x128xf32, #tpu.memory_space<vmem>>, %arg21: memref<128x128xf32, #tpu.memory_space<vmem>>, %arg22: memref<10000x128xf32, #tpu.memory_space<vmem_shared>>, %arg23: memref<!tpu.dma_semaphore, #tpu.memory_space<semaphore_mem>>, %arg24: memref<!tpu.dma_semaphore, #tpu.memory_space<semaphore_mem>>, %arg25: memref<!tpu.dma_semaphore, #tpu.memory_space<semaphore_mem>>, %arg26: memref<!tpu.dma_semaphore, #tpu.memory_space<semaphore_mem>>, %arg27: memref<!tpu.dma_semaphore, #tpu.memory_space<semaphore_mem>>, %arg28: memref<!tpu.dma_semaphore, #tpu.memory_space<semaphore_mem>>, %arg29: memref<!tpu.dma_semaphore, #tpu.memory_space<semaphore_mem>>, %arg30: memref<!tpu.dma_semaphore, #tpu.memory_space<semaphore_mem>>, %arg31: memref<!tpu.dma_semaphore, #tpu.memory_space<semaphore_mem>>) attributes {dimension_semantics = [#tpu.dimension_semantics<core_parallel>, #tpu.dimension_semantics<subcore_parallel>], iteration_bounds = array<i64: 2, 16>, scalar_prefetch = 0 : i64, scratch_operands = 25 : i64, tpu.core_type = #tpu.core_type<sc_vector_subcore>, window_params = [{transform_indices = #map}, {transform_indices = #map}, {transform_indices = #map}, {transform_indices = #map}, {transform_indices = #map}]} {
    %mul3A = arith.constant 16 : i32
    %mul3A_0 = arith.muli %arg0, %mul3A : i32
    %add3A = arith.addi %mul3A_0, %arg1 : i32
    %mul3A_1 = arith.constant 1250 : i32
    %mul3A_2 = arith.muli %arg0, %mul3A_1 : i32
    %mul3A_3 = arith.constant 78 : i32
    %mul3A_4 = arith.muli %arg1, %mul3A_3 : i32
    %add3A_5 = arith.addi %mul3A_2, %mul3A_4 : i32
    %mul3A_6 = arith.constant 624 : i32
    %mul3A_7 = arith.muli %arg1, %mul3A_6 : i32
    %broadcast_in_dim3A = arith.constant 0.000000e+00 : f32
    %broadcast_in_dim3A_8 = vector.broadcast %broadcast_in_dim3A : f32 to vector<16xf32>
    %scan3A = arith.constant 0 : i32
    %scan3A_9 = arith.constant 128 : i32
    %scan3A_10 = arith.addi %scan3A, %scan3A_9 : i32
    %scan3A_11 = arith.constant 1 : i32
    scf.for %scan3A_190 = %scan3A to %scan3A_10 step %scan3A_11  : i32 {
      %mul3A_191 = arith.constant 1 : i32
      %mul3A_192 = arith.muli %scan3A_190, %mul3A_191 : i32
      %add3A_193 = arith.constant 0 : i32
      %add3A_194 = arith.addi %add3A_193, %mul3A_192 : i32
      %swap3A = arith.index_cast %add3A_194 : i32 to index
      %swap3A_195 = arith.constant 0 : index
      %swap3A_196 = tpu.vector_load %arg19[%swap3A, %swap3A_195] {strides = array<i32>} : memref<128x128xf32, #tpu.memory_space<vmem>>, vector<16xf32>,
      tpu.vector_store %arg19[%swap3A, %swap3A_195], %broadcast_in_dim3A_8 {strides = array<i32>} : memref<128x128xf32, #tpu.memory_space<vmem>>, vector<16xf32>,
      %swap3A_197 = arith.index_cast %add3A_194 : i32 to index
      %swap3A_198 = arith.constant 16 : index
      %swap3A_199 = tpu.vector_load %arg19[%swap3A_197, %swap3A_198] {strides = array<i32>} : memref<128x128xf32, #tpu.memory_space<vmem>>, vector<16xf32>,
      tpu.vector_store %arg19[%swap3A_197, %swap3A_198], %broadcast_in_dim3A_8 {strides = array<i32>} : memref<128x128xf32, #tpu.memory_space<vmem>>, vector<16xf32>,
      %swap3A_200 = arith.index_cast %add3A_194 : i32 to index
      %swap3A_201 = arith.constant 32 : index
      %swap3A_202 = tpu.vector_load %arg19[%swap3A_200, %swap3A_201] {strides = array<i32>} : memref<128x128xf32, #tpu.memory_space<vmem>>, vector<16xf32>,
      tpu.vector_store %arg19[%swap3A_200, %swap3A_201], %broadcast_in_dim3A_8 {strides = array<i32>} : memref<128x128xf32, #tpu.memory_space<vmem>>, vector<16xf32>,
      %swap3A_203 = arith.index_cast %add3A_194 : i32 to index
      %swap3A_204 = arith.constant 48 : index
      %swap3A_205 = tpu.vector_load %arg19[%swap3A_203, %swap3A_204] {strides = array<i32>} : memref<128x128xf32, #tpu.memory_space<vmem>>, vector<16xf32>,
      tpu.vector_store %arg19[%swap3A_203, %swap3A_204], %broadcast_in_dim3A_8 {strides = array<i32>} : memref<128x128xf32, #tpu.memory_space<vmem>>, vector<16xf32>,
      %swap3A_206 = arith.index_cast %add3A_194 : i32 to index
      %swap3A_207 = arith.constant 64 : index
      %swap3A_208 = tpu.vector_load %arg19[%swap3A_206, %swap3A_207] {strides = array<i32>} : memref<128x128xf32, #tpu.memory_space<vmem>>, vector<16xf32>,
      tpu.vector_store %arg19[%swap3A_206, %swap3A_207], %broadcast_in_dim3A_8 {strides = array<i32>} : memref<128x128xf32, #tpu.memory_space<vmem>>, vector<16xf32>,
      %swap3A_209 = arith.index_cast %add3A_194 : i32 to index
      %swap3A_210 = arith.constant 80 : index
      %swap3A_211 = tpu.vector_load %arg19[%swap3A_209, %swap3A_210] {strides = array<i32>} : memref<128x128xf32, #tpu.memory_space<vmem>>, vector<16xf32>,
      tpu.vector_store %arg19[%swap3A_209, %swap3A_210], %broadcast_in_dim3A_8 {strides = array<i32>} : memref<128x128xf32, #tpu.memory_space<vmem>>, vector<16xf32>,
      %swap3A_212 = arith.index_cast %add3A_194 : i32 to index
      %swap3A_213 = arith.constant 96 : index
      %swap3A_214 = tpu.vector_load %arg19[%swap3A_212, %swap3A_213] {strides = array<i32>} : memref<128x128xf32, #tpu.memory_space<vmem>>, vector<16xf32>,
      tpu.vector_store %arg19[%swap3A_212, %swap3A_213], %broadcast_in_dim3A_8 {strides = array<i32>} : memref<128x128xf32, #tpu.memory_space<vmem>>, vector<16xf32>,
      %swap3A_215 = arith.index_cast %add3A_194 : i32 to index
      %swap3A_216 = arith.constant 112 : index
      %swap3A_217 = tpu.vector_load %arg19[%swap3A_215, %swap3A_216] {strides = array<i32>} : memref<128x128xf32, #tpu.memory_space<vmem>>, vector<16xf32>,
      tpu.vector_store %arg19[%swap3A_215, %swap3A_216], %broadcast_in_dim3A_8 {strides = array<i32>} : memref<128x128xf32, #tpu.memory_space<vmem>>, vector<16xf32>,
    }
    %scan3A_12 = arith.constant 128 : i32
    %add3A_13 = arith.constant 0 : i32
    %add3A_14 = arith.addi %mul3A_7, %add3A_13 : i32
    "tpu.region"() ({
      %run_scoped3A = tpu.sem_alloc : memref<!tpu.dma_semaphore, #tpu.memory_space<semaphore_mem>>
      %dma_start3A_190 = arith.constant 0 : i32
      %dma_start3A_191 = tpu.memref_slice %arg22[%add3A_14, %dma_start3A_190] : memref<10000x128xf32, #tpu.memory_space<vmem_shared>> -> memref<128x128xf32, #tpu.memory_space<vmem_shared>>
      %dma_start3A_192 = arith.constant 0 : i32
      %dma_start3A_193 = tpu.memref_slice %arg22[%add3A_14, %dma_start3A_192] : memref<10000x128xf32, #tpu.memory_space<vmem_shared>> -> memref<128x128xf32, #tpu.memory_space<vmem_shared>>
      tpu.enqueue_dma source(%arg19 : memref<128x128xf32, #tpu.memory_space<vmem>>) target(%dma_start3A_193 : memref<128x128xf32, #tpu.memory_space<vmem_shared>>) target_semaphore(%run_scoped3A : memref<!tpu.dma_semaphore, #tpu.memory_space<semaphore_mem>>)
      %dma_wait3A_194 = arith.constant 0 : i32
      %dma_wait3A_195 = tpu.memref_slice %arg22[%add3A_14, %dma_wait3A_194] : memref<10000x128xf32, #tpu.memory_space<vmem_shared>> -> memref<128x128xf32, #tpu.memory_space<vmem_shared>>
      %dma_wait3A_196 = arith.constant 0 : i32
      %dma_wait3A_197 = tpu.memref_slice %arg22[%add3A_14, %dma_wait3A_196] : memref<10000x128xf32, #tpu.memory_space<vmem_shared>> -> memref<128x128xf32, #tpu.memory_space<vmem_shared>>
      tpu.wait_dma2 semaphore(%run_scoped3A : memref<!tpu.dma_semaphore, #tpu.memory_space<semaphore_mem>>) src(%arg19 : memref<128x128xf32, #tpu.memory_space<vmem>>) dst(%dma_wait3A_197 : memref<128x128xf32, #tpu.memory_space<vmem_shared>>)
      tpu.yield
    }) : () -> ()
    %add3A_15 = arith.constant 128 : i32
    %add3A_16 = arith.addi %mul3A_7, %add3A_15 : i32
    "tpu.region"() ({
      %run_scoped3A = tpu.sem_alloc : memref<!tpu.dma_semaphore, #tpu.memory_space<semaphore_mem>>
      %dma_start3A_190 = arith.constant 0 : i32
      %dma_start3A_191 = tpu.memref_slice %arg22[%add3A_16, %dma_start3A_190] : memref<10000x128xf32, #tpu.memory_space<vmem_shared>> -> memref<128x128xf32, #tpu.memory_space<vmem_shared>>
      %dma_start3A_192 = arith.constant 0 : i32
      %dma_start3A_193 = tpu.memref_slice %arg22[%add3A_16, %dma_start3A_192] : memref<10000x128xf32, #tpu.memory_space<vmem_shared>> -> memref<128x128xf32, #tpu.memory_space<vmem_shared>>
      tpu.enqueue_dma source(%arg19 : memref<128x128xf32, #tpu.memory_space<vmem>>) target(%dma_start3A_193 : memref<128x128xf32, #tpu.memory_space<vmem_shared>>) target_semaphore(%run_scoped3A : memref<!tpu.dma_semaphore, #tpu.memory_space<semaphore_mem>>)
      %dma_wait3A_194 = arith.constant 0 : i32
      %dma_wait3A_195 = tpu.memref_slice %arg22[%add3A_16, %dma_wait3A_194] : memref<10000x128xf32, #tpu.memory_space<vmem_shared>> -> memref<128x128xf32, #tpu.memory_space<vmem_shared>>
      %dma_wait3A_196 = arith.constant 0 : i32
      %dma_wait3A_197 = tpu.memref_slice %arg22[%add3A_16, %dma_wait3A_196] : memref<10000x128xf32, #tpu.memory_space<vmem_shared>> -> memref<128x128xf32, #tpu.memory_space<vmem_shared>>
      tpu.wait_dma2 semaphore(%run_scoped3A : memref<!tpu.dma_semaphore, #tpu.memory_space<semaphore_mem>>) src(%arg19 : memref<128x128xf32, #tpu.memory_space<vmem>>) dst(%dma_wait3A_197 : memref<128x128xf32, #tpu.memory_space<vmem_shared>>)
      tpu.yield
    }) : () -> ()
    %add3A_17 = arith.constant 256 : i32
    %add3A_18 = arith.addi %mul3A_7, %add3A_17 : i32
    "tpu.region"() ({
      %run_scoped3A = tpu.sem_alloc : memref<!tpu.dma_semaphore, #tpu.memory_space<semaphore_mem>>
      %dma_start3A_190 = arith.constant 0 : i32
      %dma_start3A_191 = tpu.memref_slice %arg22[%add3A_18, %dma_start3A_190] : memref<10000x128xf32, #tpu.memory_space<vmem_shared>> -> memref<128x128xf32, #tpu.memory_space<vmem_shared>>
      %dma_start3A_192 = arith.constant 0 : i32
      %dma_start3A_193 = tpu.memref_slice %arg22[%add3A_18, %dma_start3A_192] : memref<10000x128xf32, #tpu.memory_space<vmem_shared>> -> memref<128x128xf32, #tpu.memory_space<vmem_shared>>
      tpu.enqueue_dma source(%arg19 : memref<128x128xf32, #tpu.memory_space<vmem>>) target(%dma_start3A_193 : memref<128x128xf32, #tpu.memory_space<vmem_shared>>) target_semaphore(%run_scoped3A : memref<!tpu.dma_semaphore, #tpu.memory_space<semaphore_mem>>)
      %dma_wait3A_194 = arith.constant 0 : i32
      %dma_wait3A_195 = tpu.memref_slice %arg22[%add3A_18, %dma_wait3A_194] : memref<10000x128xf32, #tpu.memory_space<vmem_shared>> -> memref<128x128xf32, #tpu.memory_space<vmem_shared>>
      %dma_wait3A_196 = arith.constant 0 : i32
      %dma_wait3A_197 = tpu.memref_slice %arg22[%add3A_18, %dma_wait3A_196] : memref<10000x128xf32, #tpu.memory_space<vmem_shared>> -> memref<128x128xf32, #tpu.memory_space<vmem_shared>>
      tpu.wait_dma2 semaphore(%run_scoped3A : memref<!tpu.dma_semaphore, #tpu.memory_space<semaphore_mem>>) src(%arg19 : memref<128x128xf32, #tpu.memory_space<vmem>>) dst(%dma_wait3A_197 : memref<128x128xf32, #tpu.memory_space<vmem_shared>>)
      tpu.yield
    }) : () -> ()
    %add3A_19 = arith.constant 384 : i32
    %add3A_20 = arith.addi %mul3A_7, %add3A_19 : i32
    "tpu.region"() ({
      %run_scoped3A = tpu.sem_alloc : memref<!tpu.dma_semaphore, #tpu.memory_space<semaphore_mem>>
      %dma_start3A_190 = arith.constant 0 : i32
      %dma_start3A_191 = tpu.memref_slice %arg22[%add3A_20, %dma_start3A_190] : memref<10000x128xf32, #tpu.memory_space<vmem_shared>> -> memref<128x128xf32, #tpu.memory_space<vmem_shared>>
      %dma_start3A_192 = arith.constant 0 : i32
      %dma_start3A_193 = tpu.memref_slice %arg22[%add3A_20, %dma_start3A_192] : memref<10000x128xf32, #tpu.memory_space<vmem_shared>> -> memref<128x128xf32, #tpu.memory_space<vmem_shared>>
      tpu.enqueue_dma source(%arg19 : memref<128x128xf32, #tpu.memory_space<vmem>>) target(%dma_start3A_193 : memref<128x128xf32, #tpu.memory_space<vmem_shared>>) target_semaphore(%run_scoped3A : memref<!tpu.dma_semaphore, #tpu.memory_space<semaphore_mem>>)
      %dma_wait3A_194 = arith.constant 0 : i32
      %dma_wait3A_195 = tpu.memref_slice %arg22[%add3A_20, %dma_wait3A_194] : memref<10000x128xf32, #tpu.memory_space<vmem_shared>> -> memref<128x128xf32, #tpu.memory_space<vmem_shared>>
      %dma_wait3A_196 = arith.constant 0 : i32
      %dma_wait3A_197 = tpu.memref_slice %arg22[%add3A_20, %dma_wait3A_196] : memref<10000x128xf32, #tpu.memory_space<vmem_shared>> -> memref<128x128xf32, #tpu.memory_space<vmem_shared>>
      tpu.wait_dma2 semaphore(%run_scoped3A : memref<!tpu.dma_semaphore, #tpu.memory_space<semaphore_mem>>) src(%arg19 : memref<128x128xf32, #tpu.memory_space<vmem>>) dst(%dma_wait3A_197 : memref<128x128xf32, #tpu.memory_space<vmem_shared>>)
      tpu.yield
    }) : () -> ()
    %add3A_21 = arith.constant 512 : i32
    %add3A_22 = arith.addi %mul3A_7, %add3A_21 : i32
    "tpu.region"() ({
      %run_scoped3A = tpu.sem_alloc : memref<!tpu.dma_semaphore, #tpu.memory_space<semaphore_mem>>
      %dma_start3A_190 = arith.constant 0 : i32
      %dma_start3A_191 = arith.constant 0 : i32
      %dma_start3A_192 = tpu.memref_slice %arg19[%dma_start3A_190, %dma_start3A_191] : memref<128x128xf32, #tpu.memory_space<vmem>> -> memref<112x128xf32, #tpu.memory_space<vmem>>
      %dma_start3A_193 = arith.constant 0 : i32
      %dma_start3A_194 = tpu.memref_slice %arg22[%add3A_22, %dma_start3A_193] : memref<10000x128xf32, #tpu.memory_space<vmem_shared>> -> memref<112x128xf32, #tpu.memory_space<vmem_shared>>
      %dma_start3A_195 = arith.constant 0 : i32
      %dma_start3A_196 = tpu.memref_slice %arg22[%add3A_22, %dma_start3A_195] : memref<10000x128xf32, #tpu.memory_space<vmem_shared>> -> memref<112x128xf32, #tpu.memory_space<vmem_shared>>
      %dma_start3A_197 = arith.constant 0 : i32
      %dma_start3A_198 = arith.constant 0 : i32
      %dma_start3A_199 = tpu.memref_slice %arg19[%dma_start3A_197, %dma_start3A_198] : memref<128x128xf32, #tpu.memory_space<vmem>> -> memref<112x128xf32, #tpu.memory_space<vmem>>
      tpu.enqueue_dma source(%dma_start3A_199 : memref<112x128xf32, #tpu.memory_space<vmem>>) target(%dma_start3A_196 : memref<112x128xf32, #tpu.memory_space<vmem_shared>>) target_semaphore(%run_scoped3A : memref<!tpu.dma_semaphore, #tpu.memory_space<semaphore_mem>>)
      %dma_wait3A_200 = arith.constant 0 : i32
      %dma_wait3A_201 = arith.constant 0 : i32
      %dma_wait3A_202 = tpu.memref_slice %arg19[%dma_wait3A_200, %dma_wait3A_201] : memref<128x128xf32, #tpu.memory_space<vmem>> -> memref<112x128xf32, #tpu.memory_space<vmem>>
      %dma_wait3A_203 = arith.constant 0 : i32
      %dma_wait3A_204 = tpu.memref_slice %arg22[%add3A_22, %dma_wait3A_203] : memref<10000x128xf32, #tpu.memory_space<vmem_shared>> -> memref<112x128xf32, #tpu.memory_space<vmem_shared>>
      %dma_wait3A_205 = arith.constant 0 : i32
      %dma_wait3A_206 = tpu.memref_slice %arg22[%add3A_22, %dma_wait3A_205] : memref<10000x128xf32, #tpu.memory_space<vmem_shared>> -> memref<112x128xf32, #tpu.memory_space<vmem_shared>>
      %dma_wait3A_207 = arith.constant 0 : i32
      %dma_wait3A_208 = arith.constant 0 : i32
      %dma_wait3A_209 = tpu.memref_slice %arg19[%dma_wait3A_207, %dma_wait3A_208] : memref<128x128xf32, #tpu.memory_space<vmem>> -> memref<112x128xf32, #tpu.memory_space<vmem>>
      tpu.wait_dma2 semaphore(%run_scoped3A : memref<!tpu.dma_semaphore, #tpu.memory_space<semaphore_mem>>) src(%dma_wait3A_209 : memref<112x128xf32, #tpu.memory_space<vmem>>) dst(%dma_wait3A_206 : memref<112x128xf32, #tpu.memory_space<vmem_shared>>)
      tpu.yield
    }) : () -> ()
    %eq3A = arith.constant 15 : i32
    %eq3A_23 = arith.cmpi eq, %arg1, %eq3A : i32
    %convert_element_type3A = arith.extui %eq3A_23 : i1 to i32
    %cond3A = arith.constant 0 : i32
    %cond3A_24 = arith.cmpi ne, %convert_element_type3A, %cond3A : i32
    scf.if %cond3A_24 {
      "tpu.region"() ({
        %run_scoped3A = tpu.sem_alloc : memref<!tpu.dma_semaphore, #tpu.memory_space<semaphore_mem>>
        %dma_start3A_190 = arith.constant 0 : i32
        %dma_start3A_191 = arith.constant 0 : i32
        %dma_start3A_192 = tpu.memref_slice %arg19[%dma_start3A_190, %dma_start3A_191] : memref<128x128xf32, #tpu.memory_space<vmem>> -> memref<112x128xf32, #tpu.memory_space<vmem>>
        %dma_start3A_193 = arith.constant 9888 : i32
        %dma_start3A_194 = arith.constant 0 : i32
        %dma_start3A_195 = tpu.memref_slice %arg22[%dma_start3A_193, %dma_start3A_194] : memref<10000x128xf32, #tpu.memory_space<vmem_shared>> -> memref<112x128xf32, #tpu.memory_space<vmem_shared>>
        %dma_start3A_196 = arith.constant 9888 : i32
        %dma_start3A_197 = arith.constant 0 : i32
        %dma_start3A_198 = tpu.memref_slice %arg22[%dma_start3A_196, %dma_start3A_197] : memref<10000x128xf32, #tpu.memory_space<vmem_shared>> -> memref<112x128xf32, #tpu.memory_space<vmem_shared>>
        %dma_start3A_199 = arith.constant 0 : i32
        %dma_start3A_200 = arith.constant 0 : i32
        %dma_start3A_201 = tpu.memref_slice %arg19[%dma_start3A_199, %dma_start3A_200] : memref<128x128xf32, #tpu.memory_space<vmem>> -> memref<112x128xf32, #tpu.memory_space<vmem>>
        tpu.enqueue_dma source(%dma_start3A_201 : memref<112x128xf32, #tpu.memory_space<vmem>>) target(%dma_start3A_198 : memref<112x128xf32, #tpu.memory_space<vmem_shared>>) target_semaphore(%run_scoped3A : memref<!tpu.dma_semaphore, #tpu.memory_space<semaphore_mem>>)
        %dma_wait3A_202 = arith.constant 0 : i32
        %dma_wait3A_203 = arith.constant 0 : i32
        %dma_wait3A_204 = tpu.memref_slice %arg19[%dma_wait3A_202, %dma_wait3A_203] : memref<128x128xf32, #tpu.memory_space<vmem>> -> memref<112x128xf32, #tpu.memory_space<vmem>>
        %dma_wait3A_205 = arith.constant 9888 : i32
        %dma_wait3A_206 = arith.constant 0 : i32
        %dma_wait3A_207 = tpu.memref_slice %arg22[%dma_wait3A_205, %dma_wait3A_206] : memref<10000x128xf32, #tpu.memory_space<vmem_shared>> -> memref<112x128xf32, #tpu.memory_space<vmem_shared>>
        %dma_wait3A_208 = arith.constant 9888 : i32
        %dma_wait3A_209 = arith.constant 0 : i32
        %dma_wait3A_210 = tpu.memref_slice %arg22[%dma_wait3A_208, %dma_wait3A_209] : memref<10000x128xf32, #tpu.memory_space<vmem_shared>> -> memref<112x128xf32, #tpu.memory_space<vmem_shared>>
        %dma_wait3A_211 = arith.constant 0 : i32
        %dma_wait3A_212 = arith.constant 0 : i32
        %dma_wait3A_213 = tpu.memref_slice %arg19[%dma_wait3A_211, %dma_wait3A_212] : memref<128x128xf32, #tpu.memory_space<vmem>> -> memref<112x128xf32, #tpu.memory_space<vmem>>
        tpu.wait_dma2 semaphore(%run_scoped3A : memref<!tpu.dma_semaphore, #tpu.memory_space<semaphore_mem>>) src(%dma_wait3A_213 : memref<112x128xf32, #tpu.memory_space<vmem>>) dst(%dma_wait3A_210 : memref<112x128xf32, #tpu.memory_space<vmem_shared>>)
        tpu.yield
      }) : () -> ()
    } else {
    }
    %barrier3A = arith.constant 0 : index
    tpu.barrier barrier_id(%barrier3A)
    %min3A = arith.constant 0 : i32
    %min3A_25 = arith.constant 77 : i32
    %min3A_26 = arith.minsi %min3A, %min3A_25 : i32
    %add3A_27 = arith.addi %add3A_5, %min3A_26 : i32
    %mul3A_28 = arith.constant 80 : i32
    %mul3A_29 = arith.muli %add3A, %mul3A_28 : i32
    %min3A_30 = arith.constant 0 : i32
    %min3A_31 = arith.constant 77 : i32
    %min3A_32 = arith.minsi %min3A_30, %min3A_31 : i32
    %add3A_33 = arith.addi %mul3A_29, %min3A_32 : i32
    %dma_start3A = arith.constant 0 : i32
    %dma_start3A_34 = tpu.memref_slice %arg3[%add3A_27, %dma_start3A] : memref<2500x128xi32, #tpu.memory_space<hbm>> -> memref<1x128xi32, #tpu.memory_space<hbm>>
    %dma_start3A_35 = tpu.memref_squeeze %dma_start3A_34 : memref<1x128xi32, #tpu.memory_space<hbm>> -> memref<128xi32, #tpu.memory_space<hbm>>
    %dma_start3A_36 = arith.constant 0 : i32
    %dma_start3A_37 = tpu.memref_slice %arg3[%add3A_27, %dma_start3A_36] : memref<2500x128xi32, #tpu.memory_space<hbm>> -> memref<1x128xi32, #tpu.memory_space<hbm>>
    %dma_start3A_38 = tpu.memref_squeeze %dma_start3A_37 : memref<1x128xi32, #tpu.memory_space<hbm>> -> memref<128xi32, #tpu.memory_space<hbm>>
    tpu.enqueue_dma source(%dma_start3A_38 : memref<128xi32, #tpu.memory_space<hbm>>) target(%arg7 : memref<128xi32, #tpu.memory_space<vmem>>) target_semaphore(%arg23 : memref<!tpu.dma_semaphore, #tpu.memory_space<semaphore_mem>>)
    %dma_start3A_39 = arith.constant 0 : i32
    %dma_start3A_40 = tpu.memref_slice %arg4[%add3A_27, %dma_start3A_39] : memref<2500x128xi32, #tpu.memory_space<hbm>> -> memref<1x128xi32, #tpu.memory_space<hbm>>
    %dma_start3A_41 = tpu.memref_squeeze %dma_start3A_40 : memref<1x128xi32, #tpu.memory_space<hbm>> -> memref<128xi32, #tpu.memory_space<hbm>>
    %dma_start3A_42 = arith.constant 0 : i32
    %dma_start3A_43 = tpu.memref_slice %arg4[%add3A_27, %dma_start3A_42] : memref<2500x128xi32, #tpu.memory_space<hbm>> -> memref<1x128xi32, #tpu.memory_space<hbm>>
    %dma_start3A_44 = tpu.memref_squeeze %dma_start3A_43 : memref<1x128xi32, #tpu.memory_space<hbm>> -> memref<128xi32, #tpu.memory_space<hbm>>
    tpu.enqueue_dma source(%dma_start3A_44 : memref<128xi32, #tpu.memory_space<hbm>>) target(%arg8 : memref<128xi32, #tpu.memory_space<vmem>>) target_semaphore(%arg23 : memref<!tpu.dma_semaphore, #tpu.memory_space<semaphore_mem>>)
    %dma_start3A_45 = arith.constant 0 : i32
    %dma_start3A_46 = tpu.memref_slice %arg5[%add3A_33, %dma_start3A_45] : memref<2560x128xf32, #tpu.memory_space<hbm>> -> memref<1x128xf32, #tpu.memory_space<hbm>>
    %dma_start3A_47 = tpu.memref_squeeze %dma_start3A_46 : memref<1x128xf32, #tpu.memory_space<hbm>> -> memref<128xf32, #tpu.memory_space<hbm>>
    %dma_start3A_48 = arith.constant 0 : i32
    %dma_start3A_49 = tpu.memref_slice %arg5[%add3A_33, %dma_start3A_48] : memref<2560x128xf32, #tpu.memory_space<hbm>> -> memref<1x128xf32, #tpu.memory_space<hbm>>
    %dma_start3A_50 = tpu.memref_squeeze %dma_start3A_49 : memref<1x128xf32, #tpu.memory_space<hbm>> -> memref<128xf32, #tpu.memory_space<hbm>>
    tpu.enqueue_dma source(%dma_start3A_50 : memref<128xf32, #tpu.memory_space<hbm>>) target(%arg9 : memref<128xf32, #tpu.memory_space<vmem>>) target_semaphore(%arg23 : memref<!tpu.dma_semaphore, #tpu.memory_space<semaphore_mem>>)
    %dma_wait3A = arith.constant 0 : i32
    %dma_wait3A_51 = arith.constant 0 : i32
    %dma_wait3A_52 = tpu.memref_slice %arg3[%dma_wait3A, %dma_wait3A_51] : memref<2500x128xi32, #tpu.memory_space<hbm>> -> memref<1x128xi32, #tpu.memory_space<hbm>>
    %dma_wait3A_53 = tpu.memref_squeeze %dma_wait3A_52 : memref<1x128xi32, #tpu.memory_space<hbm>> -> memref<128xi32, #tpu.memory_space<hbm>>
    %dma_wait3A_54 = arith.constant 0 : i32
    %dma_wait3A_55 = tpu.memref_slice %arg3[%dma_wait3A, %dma_wait3A_54] : memref<2500x128xi32, #tpu.memory_space<hbm>> -> memref<1x128xi32, #tpu.memory_space<hbm>>
    %dma_wait3A_56 = tpu.memref_squeeze %dma_wait3A_55 : memref<1x128xi32, #tpu.memory_space<hbm>> -> memref<128xi32, #tpu.memory_space<hbm>>
    tpu.wait_dma2 semaphore(%arg23 : memref<!tpu.dma_semaphore, #tpu.memory_space<semaphore_mem>>) src(%dma_wait3A_56 : memref<128xi32, #tpu.memory_space<hbm>>) dst(%arg7 : memref<128xi32, #tpu.memory_space<vmem>>)
    %dma_wait3A_57 = arith.constant 0 : i32
    %dma_wait3A_58 = arith.constant 0 : i32
    %dma_wait3A_59 = tpu.memref_slice %arg4[%dma_wait3A_57, %dma_wait3A_58] : memref<2500x128xi32, #tpu.memory_space<hbm>> -> memref<1x128xi32, #tpu.memory_space<hbm>>
    %dma_wait3A_60 = tpu.memref_squeeze %dma_wait3A_59 : memref<1x128xi32, #tpu.memory_space<hbm>> -> memref<128xi32, #tpu.memory_space<hbm>>
    %dma_wait3A_61 = arith.constant 0 : i32
    %dma_wait3A_62 = tpu.memref_slice %arg4[%dma_wait3A_57, %dma_wait3A_61] : memref<2500x128xi32, #tpu.memory_space<hbm>> -> memref<1x128xi32, #tpu.memory_space<hbm>>
    %dma_wait3A_63 = tpu.memref_squeeze %dma_wait3A_62 : memref<1x128xi32, #tpu.memory_space<hbm>> -> memref<128xi32, #tpu.memory_space<hbm>>
    tpu.wait_dma2 semaphore(%arg23 : memref<!tpu.dma_semaphore, #tpu.memory_space<semaphore_mem>>) src(%dma_wait3A_63 : memref<128xi32, #tpu.memory_space<hbm>>) dst(%arg8 : memref<128xi32, #tpu.memory_space<vmem>>)
    %dma_wait3A_64 = arith.constant 0 : i32
    %dma_wait3A_65 = arith.constant 0 : i32
    %dma_wait3A_66 = tpu.memref_slice %arg5[%dma_wait3A_64, %dma_wait3A_65] : memref<2560x128xf32, #tpu.memory_space<hbm>> -> memref<1x128xf32, #tpu.memory_space<hbm>>
    %dma_wait3A_67 = tpu.memref_squeeze %dma_wait3A_66 : memref<1x128xf32, #tpu.memory_space<hbm>> -> memref<128xf32, #tpu.memory_space<hbm>>
    %dma_wait3A_68 = arith.constant 0 : i32
    %dma_wait3A_69 = tpu.memref_slice %arg5[%dma_wait3A_64, %dma_wait3A_68] : memref<2560x128xf32, #tpu.memory_space<hbm>> -> memref<1x128xf32, #tpu.memory_space<hbm>>
    %dma_wait3A_70 = tpu.memref_squeeze %dma_wait3A_69 : memref<1x128xf32, #tpu.memory_space<hbm>> -> memref<128xf32, #tpu.memory_space<hbm>>
    tpu.wait_dma2 semaphore(%arg23 : memref<!tpu.dma_semaphore, #tpu.memory_space<semaphore_mem>>) src(%dma_wait3A_70 : memref<128xf32, #tpu.memory_space<hbm>>) dst(%arg9 : memref<128xf32, #tpu.memory_space<vmem>>)
    %dma_start3A_71 = arith.constant 0 : i32
    %dma_start3A_72 = arith.constant 0 : i32
    %dma_start3A_73 = tpu.memref_slice %arg2[%dma_start3A_71, %dma_start3A_72] : memref<10000x128xf32, #tpu.memory_space<hbm>> -> memref<10000x128xf32, #tpu.memory_space<hbm>>
    tpu.enqueue_indirect_dma source(%dma_start3A_73 : memref<10000x128xf32, #tpu.memory_space<hbm>>) target(%arg19 : memref<128x128xf32, #tpu.memory_space<vmem>>) offsets(%arg7 : memref<128xi32, #tpu.memory_space<vmem>>) semaphore(%arg26 : memref<!tpu.dma_semaphore, #tpu.memory_space<semaphore_mem>>)
    %min3A_74 = arith.constant 1 : i32
    %min3A_75 = arith.constant 77 : i32
    %min3A_76 = arith.minsi %min3A_74, %min3A_75 : i32
    %add3A_77 = arith.addi %add3A_5, %min3A_76 : i32
    %mul3A_78 = arith.constant 80 : i32
    %mul3A_79 = arith.muli %add3A, %mul3A_78 : i32
    %min3A_80 = arith.constant 1 : i32
    %min3A_81 = arith.constant 77 : i32
    %min3A_82 = arith.minsi %min3A_80, %min3A_81 : i32
    %add3A_83 = arith.addi %mul3A_79, %min3A_82 : i32
    %dma_start3A_84 = arith.constant 0 : i32
    %dma_start3A_85 = tpu.memref_slice %arg3[%add3A_77, %dma_start3A_84] : memref<2500x128xi32, #tpu.memory_space<hbm>> -> memref<1x128xi32, #tpu.memory_space<hbm>>
    %dma_start3A_86 = tpu.memref_squeeze %dma_start3A_85 : memref<1x128xi32, #tpu.memory_space<hbm>> -> memref<128xi32, #tpu.memory_space<hbm>>
    %dma_start3A_87 = arith.constant 0 : i32
    %dma_start3A_88 = tpu.memref_slice %arg3[%add3A_77, %dma_start3A_87] : memref<2500x128xi32, #tpu.memory_space<hbm>> -> memref<1x128xi32, #tpu.memory_space<hbm>>
    %dma_start3A_89 = tpu.memref_squeeze %dma_start3A_88 : memref<1x128xi32, #tpu.memory_space<hbm>> -> memref<128xi32, #tpu.memory_space<hbm>>
    tpu.enqueue_dma source(%dma_start3A_89 : memref<128xi32, #tpu.memory_space<hbm>>) target(%arg10 : memref<128xi32, #tpu.memory_space<vmem>>) target_semaphore(%arg24 : memref<!tpu.dma_semaphore, #tpu.memory_space<semaphore_mem>>)
    %dma_start3A_90 = arith.constant 0 : i32
    %dma_start3A_91 = tpu.memref_slice %arg4[%add3A_77, %dma_start3A_90] : memref<2500x128xi32, #tpu.memory_space<hbm>> -> memref<1x128xi32, #tpu.memory_space<hbm>>
    %dma_start3A_92 = tpu.memref_squeeze %dma_start3A_91 : memref<1x128xi32, #tpu.memory_space<hbm>> -> memref<128xi32, #tpu.memory_space<hbm>>
    %dma_start3A_93 = arith.constant 0 : i32
    %dma_start3A_94 = tpu.memref_slice %arg4[%add3A_77, %dma_start3A_93] : memref<2500x128xi32, #tpu.memory_space<hbm>> -> memref<1x128xi32, #tpu.memory_space<hbm>>
    %dma_start3A_95 = tpu.memref_squeeze %dma_start3A_94 : memref<1x128xi32, #tpu.memory_space<hbm>> -> memref<128xi32, #tpu.memory_space<hbm>>
    tpu.enqueue_dma source(%dma_start3A_95 : memref<128xi32, #tpu.memory_space<hbm>>) target(%arg11 : memref<128xi32, #tpu.memory_space<vmem>>) target_semaphore(%arg24 : memref<!tpu.dma_semaphore, #tpu.memory_space<semaphore_mem>>)
    %dma_start3A_96 = arith.constant 0 : i32
    %dma_start3A_97 = tpu.memref_slice %arg5[%add3A_83, %dma_start3A_96] : memref<2560x128xf32, #tpu.memory_space<hbm>> -> memref<1x128xf32, #tpu.memory_space<hbm>>
    %dma_start3A_98 = tpu.memref_squeeze %dma_start3A_97 : memref<1x128xf32, #tpu.memory_space<hbm>> -> memref<128xf32, #tpu.memory_space<hbm>>
    %dma_start3A_99 = arith.constant 0 : i32
    %dma_start3A_100 = tpu.memref_slice %arg5[%add3A_83, %dma_start3A_99] : memref<2560x128xf32, #tpu.memory_space<hbm>> -> memref<1x128xf32, #tpu.memory_space<hbm>>
    %dma_start3A_101 = tpu.memref_squeeze %dma_start3A_100 : memref<1x128xf32, #tpu.memory_space<hbm>> -> memref<128xf32, #tpu.memory_space<hbm>>
    tpu.enqueue_dma source(%dma_start3A_101 : memref<128xf32, #tpu.memory_space<hbm>>) target(%arg12 : memref<128xf32, #tpu.memory_space<vmem>>) target_semaphore(%arg24 : memref<!tpu.dma_semaphore, #tpu.memory_space<semaphore_mem>>)
    %scan3A_102 = arith.constant 0 : i32
    %scan3A_103 = arith.constant 26 : i32
    %scan3A_104 = arith.addi %scan3A_102, %scan3A_103 : i32
    %scan3A_105 = arith.constant 1 : i32
    scf.for %scan3A_190 = %scan3A_102 to %scan3A_104 step %scan3A_105  : i32 {
      %mul3A_191 = arith.constant 1 : i32
      %mul3A_192 = arith.muli %scan3A_190, %mul3A_191 : i32
      %add3A_193 = arith.constant 0 : i32
      %add3A_194 = arith.addi %add3A_193, %mul3A_192 : i32
      %mul3A_195 = arith.constant 3 : i32
      %mul3A_196 = arith.muli %mul3A_195, %add3A_194 : i32
      %add3A_197 = arith.constant 0 : i32
      %add3A_198 = arith.addi %mul3A_196, %add3A_197 : i32
      %dma_wait3A_199 = arith.constant 0 : i32
      %dma_wait3A_200 = arith.constant 0 : i32
      %dma_wait3A_201 = tpu.memref_slice %arg3[%dma_wait3A_199, %dma_wait3A_200] : memref<2500x128xi32, #tpu.memory_space<hbm>> -> memref<1x128xi32, #tpu.memory_space<hbm>>
      %dma_wait3A_202 = tpu.memref_squeeze %dma_wait3A_201 : memref<1x128xi32, #tpu.memory_space<hbm>> -> memref<128xi32, #tpu.memory_space<hbm>>
      %dma_wait3A_203 = arith.constant 0 : i32
      %dma_wait3A_204 = tpu.memref_slice %arg3[%dma_wait3A_199, %dma_wait3A_203] : memref<2500x128xi32, #tpu.memory_space<hbm>> -> memref<1x128xi32, #tpu.memory_space<hbm>>
      %dma_wait3A_205 = tpu.memref_squeeze %dma_wait3A_204 : memref<1x128xi32, #tpu.memory_space<hbm>> -> memref<128xi32, #tpu.memory_space<hbm>>
      tpu.wait_dma2 semaphore(%arg24 : memref<!tpu.dma_semaphore, #tpu.memory_space<semaphore_mem>>) src(%dma_wait3A_205 : memref<128xi32, #tpu.memory_space<hbm>>) dst(%arg10 : memref<128xi32, #tpu.memory_space<vmem>>)
      %dma_wait3A_206 = arith.constant 0 : i32
      %dma_wait3A_207 = arith.constant 0 : i32
      %dma_wait3A_208 = tpu.memref_slice %arg4[%dma_wait3A_206, %dma_wait3A_207] : memref<2500x128xi32, #tpu.memory_space<hbm>> -> memref<1x128xi32, #tpu.memory_space<hbm>>
      %dma_wait3A_209 = tpu.memref_squeeze %dma_wait3A_208 : memref<1x128xi32, #tpu.memory_space<hbm>> -> memref<128xi32, #tpu.memory_space<hbm>>
      %dma_wait3A_210 = arith.constant 0 : i32
      %dma_wait3A_211 = tpu.memref_slice %arg4[%dma_wait3A_206, %dma_wait3A_210] : memref<2500x128xi32, #tpu.memory_space<hbm>> -> memref<1x128xi32, #tpu.memory_space<hbm>>
      %dma_wait3A_212 = tpu.memref_squeeze %dma_wait3A_211 : memref<1x128xi32, #tpu.memory_space<hbm>> -> memref<128xi32, #tpu.memory_space<hbm>>
      tpu.wait_dma2 semaphore(%arg24 : memref<!tpu.dma_semaphore, #tpu.memory_space<semaphore_mem>>) src(%dma_wait3A_212 : memref<128xi32, #tpu.memory_space<hbm>>) dst(%arg11 : memref<128xi32, #tpu.memory_space<vmem>>)
      %dma_wait3A_213 = arith.constant 0 : i32
      %dma_wait3A_214 = arith.constant 0 : i32
      %dma_wait3A_215 = tpu.memref_slice %arg5[%dma_wait3A_213, %dma_wait3A_214] : memref<2560x128xf32, #tpu.memory_space<hbm>> -> memref<1x128xf32, #tpu.memory_space<hbm>>
      %dma_wait3A_216 = tpu.memref_squeeze %dma_wait3A_215 : memref<1x128xf32, #tpu.memory_space<hbm>> -> memref<128xf32, #tpu.memory_space<hbm>>
      %dma_wait3A_217 = arith.constant 0 : i32
      %dma_wait3A_218 = tpu.memref_slice %arg5[%dma_wait3A_213, %dma_wait3A_217] : memref<2560x128xf32, #tpu.memory_space<hbm>> -> memref<1x128xf32, #tpu.memory_space<hbm>>
      %dma_wait3A_219 = tpu.memref_squeeze %dma_wait3A_218 : memref<1x128xf32, #tpu.memory_space<hbm>> -> memref<128xf32, #tpu.memory_space<hbm>>
      tpu.wait_dma2 semaphore(%arg24 : memref<!tpu.dma_semaphore, #tpu.memory_space<semaphore_mem>>) src(%dma_wait3A_219 : memref<128xf32, #tpu.memory_space<hbm>>) dst(%arg12 : memref<128xf32, #tpu.memory_space<vmem>>)
      %ge3A = arith.constant 2 : i32
      %ge3A_220 = arith.cmpi sge, %add3A_198, %ge3A : i32
      %convert_element_type3A_221 = arith.extui %ge3A_220 : i1 to i32
      %cond3A_222 = arith.constant 0 : i32
      %cond3A_223 = arith.cmpi ne, %convert_element_type3A_221, %cond3A_222 : i32
      scf.if %cond3A_223 {
        %dma_wait3A_564 = arith.constant 0 : i32
        %dma_wait3A_565 = arith.constant 0 : i32
        %dma_wait3A_566 = tpu.memref_slice %arg17[%dma_wait3A_564, %dma_wait3A_565] : memref<1x128xi32, #tpu.memory_space<vmem>> -> memref<1x128xi32, #tpu.memory_space<vmem>>
        %dma_wait3A_567 = tpu.memref_squeeze %dma_wait3A_566 : memref<1x128xi32, #tpu.memory_space<vmem>> -> memref<128xi32, #tpu.memory_space<vmem>>
        %dma_wait3A_568 = arith.constant 0 : i32
        %dma_wait3A_569 = arith.constant 0 : i32
        %dma_wait3A_570 = tpu.memref_slice %arg22[%dma_wait3A_568, %dma_wait3A_569] : memref<10000x128xf32, #tpu.memory_space<vmem_shared>> -> memref<10000x128xf32, #tpu.memory_space<vmem_shared>>
        tpu.wait_indirect_dma semaphore(%arg30 : memref<!tpu.dma_semaphore, #tpu.memory_space<semaphore_mem>>) src(%arg20 : memref<128x128xf32, #tpu.memory_space<vmem>>) dst(%dma_wait3A_570 : memref<10000x128xf32, #tpu.memory_space<vmem_shared>>)
      } else {
      }
      %dma_start3A_224 = arith.constant 0 : i32
      %dma_start3A_225 = arith.constant 0 : i32
      %dma_start3A_226 = tpu.memref_slice %arg2[%dma_start3A_224, %dma_start3A_225] : memref<10000x128xf32, #tpu.memory_space<hbm>> -> memref<10000x128xf32, #tpu.memory_space<hbm>>
      tpu.enqueue_indirect_dma source(%dma_start3A_226 : memref<10000x128xf32, #tpu.memory_space<hbm>>) target(%arg20 : memref<128x128xf32, #tpu.memory_space<vmem>>) offsets(%arg10 : memref<128xi32, #tpu.memory_space<vmem>>) semaphore(%arg27 : memref<!tpu.dma_semaphore, #tpu.memory_space<semaphore_mem>>)
      %add3A_227 = arith.constant 2 : i32
      %add3A_228 = arith.addi %add3A_198, %add3A_227 : i32
      %min3A_229 = arith.constant 77 : i32
      %min3A_230 = arith.minsi %add3A_228, %min3A_229 : i32
      %add3A_231 = arith.addi %add3A_5, %min3A_230 : i32
      %mul3A_232 = arith.constant 80 : i32
      %mul3A_233 = arith.muli %add3A, %mul3A_232 : i32
      %min3A_234 = arith.constant 77 : i32
      %min3A_235 = arith.minsi %add3A_228, %min3A_234 : i32
      %add3A_236 = arith.addi %mul3A_233, %min3A_235 : i32
      %dma_start3A_237 = arith.constant 0 : i32
      %dma_start3A_238 = tpu.memref_slice %arg3[%add3A_231, %dma_start3A_237] : memref<2500x128xi32, #tpu.memory_space<hbm>> -> memref<1x128xi32, #tpu.memory_space<hbm>>
      %dma_start3A_239 = tpu.memref_squeeze %dma_start3A_238 : memref<1x128xi32, #tpu.memory_space<hbm>> -> memref<128xi32, #tpu.memory_space<hbm>>
      %dma_start3A_240 = arith.constant 0 : i32
      %dma_start3A_241 = tpu.memref_slice %arg3[%add3A_231, %dma_start3A_240] : memref<2500x128xi32, #tpu.memory_space<hbm>> -> memref<1x128xi32, #tpu.memory_space<hbm>>
      %dma_start3A_242 = tpu.memref_squeeze %dma_start3A_241 : memref<1x128xi32, #tpu.memory_space<hbm>> -> memref<128xi32, #tpu.memory_space<hbm>>
      tpu.enqueue_dma source(%dma_start3A_242 : memref<128xi32, #tpu.memory_space<hbm>>) target(%arg13 : memref<128xi32, #tpu.memory_space<vmem>>) target_semaphore(%arg25 : memref<!tpu.dma_semaphore, #tpu.memory_space<semaphore_mem>>)
      %dma_start3A_243 = arith.constant 0 : i32
      %dma_start3A_244 = tpu.memref_slice %arg4[%add3A_231, %dma_start3A_243] : memref<2500x128xi32, #tpu.memory_space<hbm>> -> memref<1x128xi32, #tpu.memory_space<hbm>>
      %dma_start3A_245 = tpu.memref_squeeze %dma_start3A_244 : memref<1x128xi32, #tpu.memory_space<hbm>> -> memref<128xi32, #tpu.memory_space<hbm>>
      %dma_start3A_246 = arith.constant 0 : i32
      %dma_start3A_247 = tpu.memref_slice %arg4[%add3A_231, %dma_start3A_246] : memref<2500x128xi32, #tpu.memory_space<hbm>> -> memref<1x128xi32, #tpu.memory_space<hbm>>
      %dma_start3A_248 = tpu.memref_squeeze %dma_start3A_247 : memref<1x128xi32, #tpu.memory_space<hbm>> -> memref<128xi32, #tpu.memory_space<hbm>>
      tpu.enqueue_dma source(%dma_start3A_248 : memref<128xi32, #tpu.memory_space<hbm>>) target(%arg14 : memref<128xi32, #tpu.memory_space<vmem>>) target_semaphore(%arg25 : memref<!tpu.dma_semaphore, #tpu.memory_space<semaphore_mem>>)
      %dma_start3A_249 = arith.constant 0 : i32
      %dma_start3A_250 = tpu.memref_slice %arg5[%add3A_236, %dma_start3A_249] : memref<2560x128xf32, #tpu.memory_space<hbm>> -> memref<1x128xf32, #tpu.memory_space<hbm>>
      %dma_start3A_251 = tpu.memref_squeeze %dma_start3A_250 : memref<1x128xf32, #tpu.memory_space<hbm>> -> memref<128xf32, #tpu.memory_space<hbm>>
      %dma_start3A_252 = arith.constant 0 : i32
      %dma_start3A_253 = tpu.memref_slice %arg5[%add3A_236, %dma_start3A_252] : memref<2560x128xf32, #tpu.memory_space<hbm>> -> memref<1x128xf32, #tpu.memory_space<hbm>>
      %dma_start3A_254 = tpu.memref_squeeze %dma_start3A_253 : memref<1x128xf32, #tpu.memory_space<hbm>> -> memref<128xf32, #tpu.memory_space<hbm>>
      tpu.enqueue_dma source(%dma_start3A_254 : memref<128xf32, #tpu.memory_space<hbm>>) target(%arg15 : memref<128xf32, #tpu.memory_space<vmem>>) target_semaphore(%arg25 : memref<!tpu.dma_semaphore, #tpu.memory_space<semaphore_mem>>)
      %dma_wait3A_255 = arith.constant 0 : i32
      %dma_wait3A_256 = arith.constant 0 : i32
      %dma_wait3A_257 = tpu.memref_slice %arg2[%dma_wait3A_255, %dma_wait3A_256] : memref<10000x128xf32, #tpu.memory_space<hbm>> -> memref<10000x128xf32, #tpu.memory_space<hbm>>
      tpu.wait_indirect_dma semaphore(%arg26 : memref<!tpu.dma_semaphore, #tpu.memory_space<semaphore_mem>>) src(%dma_wait3A_257 : memref<10000x128xf32, #tpu.memory_space<hbm>>) dst(%arg19 : memref<128x128xf32, #tpu.memory_space<vmem>>)
      %get3A = arith.constant 0 : index
      %get3A_258 = tpu.vector_load %arg8[%get3A] {strides = array<i32>} : memref<128xi32, #tpu.memory_space<vmem>>, vector<16xi32>,
      %swap3A = arith.constant 0 : i32
      %swap3A_259 = arith.index_cast %swap3A : i32 to index
      %swap3A_260 = arith.constant 0 : index
      %swap3A_261 = tpu.vector_load %arg16[%swap3A_259, %swap3A_260] {strides = array<i32>} : memref<1x128xi32, #tpu.memory_space<vmem>>, vector<16xi32>,
      tpu.vector_store %arg16[%swap3A_259, %swap3A_260], %get3A_258 {strides = array<i32>} : memref<1x128xi32, #tpu.memory_space<vmem>>, vector<16xi32>,
      %get3A_262 = arith.constant 16 : index
      %get3A_263 = tpu.vector_load %arg8[%get3A_262] {strides = array<i32>} : memref<128xi32, #tpu.memory_space<vmem>>, vector<16xi32>,
      %swap3A_264 = arith.constant 0 : i32
      %swap3A_265 = arith.index_cast %swap3A_264 : i32 to index
      %swap3A_266 = arith.constant 16 : index
      %swap3A_267 = tpu.vector_load %arg16[%swap3A_265, %swap3A_266] {strides = array<i32>} : memref<1x128xi32, #tpu.memory_space<vmem>>, vector<16xi32>,
      tpu.vector_store %arg16[%swap3A_265, %swap3A_266], %get3A_263 {strides = array<i32>} : memref<1x128xi32, #tpu.memory_space<vmem>>, vector<16xi32>,
      %get3A_268 = arith.constant 32 : index
      %get3A_269 = tpu.vector_load %arg8[%get3A_268] {strides = array<i32>} : memref<128xi32, #tpu.memory_space<vmem>>, vector<16xi32>,
      %swap3A_270 = arith.constant 0 : i32
      %swap3A_271 = arith.index_cast %swap3A_270 : i32 to index
      %swap3A_272 = arith.constant 32 : index
      %swap3A_273 = tpu.vector_load %arg16[%swap3A_271, %swap3A_272] {strides = array<i32>} : memref<1x128xi32, #tpu.memory_space<vmem>>, vector<16xi32>,
      tpu.vector_store %arg16[%swap3A_271, %swap3A_272], %get3A_269 {strides = array<i32>} : memref<1x128xi32, #tpu.memory_space<vmem>>, vector<16xi32>,
      %get3A_274 = arith.constant 48 : index
      %get3A_275 = tpu.vector_load %arg8[%get3A_274] {strides = array<i32>} : memref<128xi32, #tpu.memory_space<vmem>>, vector<16xi32>,
      %swap3A_276 = arith.constant 0 : i32
      %swap3A_277 = arith.index_cast %swap3A_276 : i32 to index
      %swap3A_278 = arith.constant 48 : index
      %swap3A_279 = tpu.vector_load %arg16[%swap3A_277, %swap3A_278] {strides = array<i32>} : memref<1x128xi32, #tpu.memory_space<vmem>>, vector<16xi32>,
      tpu.vector_store %arg16[%swap3A_277, %swap3A_278], %get3A_275 {strides = array<i32>} : memref<1x128xi32, #tpu.memory_space<vmem>>, vector<16xi32>,
      %get3A_280 = arith.constant 64 : index
      %get3A_281 = tpu.vector_load %arg8[%get3A_280] {strides = array<i32>} : memref<128xi32, #tpu.memory_space<vmem>>, vector<16xi32>,
      %swap3A_282 = arith.constant 0 : i32
      %swap3A_283 = arith.index_cast %swap3A_282 : i32 to index
      %swap3A_284 = arith.constant 64 : index
      %swap3A_285 = tpu.vector_load %arg16[%swap3A_283, %swap3A_284] {strides = array<i32>} : memref<1x128xi32, #tpu.memory_space<vmem>>, vector<16xi32>,
      tpu.vector_store %arg16[%swap3A_283, %swap3A_284], %get3A_281 {strides = array<i32>} : memref<1x128xi32, #tpu.memory_space<vmem>>, vector<16xi32>,
      %get3A_286 = arith.constant 80 : index
      %get3A_287 = tpu.vector_load %arg8[%get3A_286] {strides = array<i32>} : memref<128xi32, #tpu.memory_space<vmem>>, vector<16xi32>,
      %swap3A_288 = arith.constant 0 : i32
      %swap3A_289 = arith.index_cast %swap3A_288 : i32 to index
      %swap3A_290 = arith.constant 80 : index
      %swap3A_291 = tpu.vector_load %arg16[%swap3A_289, %swap3A_290] {strides = array<i32>} : memref<1x128xi32, #tpu.memory_space<vmem>>, vector<16xi32>,
      tpu.vector_store %arg16[%swap3A_289, %swap3A_290], %get3A_287 {strides = array<i32>} : memref<1x128xi32, #tpu.memory_space<vmem>>, vector<16xi32>,
      %get3A_292 = arith.constant 96 : index
      %get3A_293 = tpu.vector_load %arg8[%get3A_292] {strides = array<i32>} : memref<128xi32, #tpu.memory_space<vmem>>, vector<16xi32>,
      %swap3A_294 = arith.constant 0 : i32
      %swap3A_295 = arith.index_cast %swap3A_294 : i32 to index
      %swap3A_296 = arith.constant 96 : index
      %swap3A_297 = tpu.vector_load %arg16[%swap3A_295, %swap3A_296] {strides = array<i32>} : memref<1x128xi32, #tpu.memory_space<vmem>>, vector<16xi32>,
      tpu.vector_store %arg16[%swap3A_295, %swap3A_296], %get3A_293 {strides = array<i32>} : memref<1x128xi32, #tpu.memory_space<vmem>>, vector<16xi32>,
      %get3A_298 = arith.constant 112 : index
      %get3A_299 = tpu.vector_load %arg8[%get3A_298] {strides = array<i32>} : memref<128xi32, #tpu.memory_space<vmem>>, vector<16xi32>,
      %swap3A_300 = arith.constant 0 : i32
      %swap3A_301 = arith.index_cast %swap3A_300 : i32 to index
      %swap3A_302 = arith.constant 112 : index
      %swap3A_303 = tpu.vector_load %arg16[%swap3A_301, %swap3A_302] {strides = array<i32>} : memref<1x128xi32, #tpu.memory_space<vmem>>, vector<16xi32>,
      tpu.vector_store %arg16[%swap3A_301, %swap3A_302], %get3A_299 {strides = array<i32>} : memref<1x128xi32, #tpu.memory_space<vmem>>, vector<16xi32>,
      %scan3A_304 = arith.constant 0 : i32
      %scan3A_305 = arith.constant 128 : i32
      %scan3A_306 = arith.addi %scan3A_304, %scan3A_305 : i32
      %scan3A_307 = arith.constant 4 : i32
      scf.for %scan3A_564 = %scan3A_304 to %scan3A_306 step %scan3A_307  : i32 {
        %mul3A_565 = arith.constant 1 : i32
        %mul3A_566 = arith.muli %scan3A_564, %mul3A_565 : i32
        %add3A_567 = arith.constant 0 : i32
        %add3A_568 = arith.addi %add3A_567, %mul3A_566 : i32
        %broadcast_in_dim3A_569 = vector.broadcast %add3A_568 : i32 to vector<16xi32>
        %gather3A = tpu.vector_load_idx %arg9[%broadcast_in_dim3A_569] : memref<128xf32, #tpu.memory_space<vmem>>[vector<16xi32>], vector<16xf32>,
        %get3A_570 = arith.index_cast %add3A_568 : i32 to index
        %get3A_571 = arith.constant 0 : index
        %get3A_572 = tpu.vector_load %arg19[%get3A_570, %get3A_571] {strides = array<i32>} : memref<128x128xf32, #tpu.memory_space<vmem>>, vector<16xf32>,
        %mul3A_573 = arith.mulf %get3A_572, %gather3A : vector<16xf32>
        %swap3A_574 = arith.index_cast %add3A_568 : i32 to index
        %swap3A_575 = arith.constant 0 : index
        %swap3A_576 = tpu.vector_load %arg19[%swap3A_574, %swap3A_575] {strides = array<i32>} : memref<128x128xf32, #tpu.memory_space<vmem>>, vector<16xf32>,
        tpu.vector_store %arg19[%swap3A_574, %swap3A_575], %mul3A_573 {strides = array<i32>} : memref<128x128xf32, #tpu.memory_space<vmem>>, vector<16xf32>,
        %get3A_577 = arith.index_cast %add3A_568 : i32 to index
        %get3A_578 = arith.constant 16 : index
        %get3A_579 = tpu.vector_load %arg19[%get3A_577, %get3A_578] {strides = array<i32>} : memref<128x128xf32, #tpu.memory_space<vmem>>, vector<16xf32>,
        %mul3A_580 = arith.mulf %get3A_579, %gather3A : vector<16xf32>
        %swap3A_581 = arith.index_cast %add3A_568 : i32 to index
        %swap3A_582 = arith.constant 16 : index
        %swap3A_583 = tpu.vector_load %arg19[%swap3A_581, %swap3A_582] {strides = array<i32>} : memref<128x128xf32, #tpu.memory_space<vmem>>, vector<16xf32>,
        tpu.vector_store %arg19[%swap3A_581, %swap3A_582], %mul3A_580 {strides = array<i32>} : memref<128x128xf32, #tpu.memory_space<vmem>>, vector<16xf32>,
        %get3A_584 = arith.index_cast %add3A_568 : i32 to index
        %get3A_585 = arith.constant 32 : index
        %get3A_586 = tpu.vector_load %arg19[%get3A_584, %get3A_585] {strides = array<i32>} : memref<128x128xf32, #tpu.memory_space<vmem>>, vector<16xf32>,
        %mul3A_587 = arith.mulf %get3A_586, %gather3A : vector<16xf32>
        %swap3A_588 = arith.index_cast %add3A_568 : i32 to index
        %swap3A_589 = arith.constant 32 : index
        %swap3A_590 = tpu.vector_load %arg19[%swap3A_588, %swap3A_589] {strides = array<i32>} : memref<128x128xf32, #tpu.memory_space<vmem>>, vector<16xf32>,
        tpu.vector_store %arg19[%swap3A_588, %swap3A_589], %mul3A_587 {strides = array<i32>} : memref<128x128xf32, #tpu.memory_space<vmem>>, vector<16xf32>,
        %get3A_591 = arith.index_cast %add3A_568 : i32 to index
        %get3A_592 = arith.constant 48 : index
        %get3A_593 = tpu.vector_load %arg19[%get3A_591, %get3A_592] {strides = array<i32>} : memref<128x128xf32, #tpu.memory_space<vmem>>, vector<16xf32>,
        %mul3A_594 = arith.mulf %get3A_593, %gather3A : vector<16xf32>
        %swap3A_595 = arith.index_cast %add3A_568 : i32 to index
        %swap3A_596 = arith.constant 48 : index
        %swap3A_597 = tpu.vector_load %arg19[%swap3A_595, %swap3A_596] {strides = array<i32>} : memref<128x128xf32, #tpu.memory_space<vmem>>, vector<16xf32>,
        tpu.vector_store %arg19[%swap3A_595, %swap3A_596], %mul3A_594 {strides = array<i32>} : memref<128x128xf32, #tpu.memory_space<vmem>>, vector<16xf32>,
        %get3A_598 = arith.index_cast %add3A_568 : i32 to index
        %get3A_599 = arith.constant 64 : index
        %get3A_600 = tpu.vector_load %arg19[%get3A_598, %get3A_599] {strides = array<i32>} : memref<128x128xf32, #tpu.memory_space<vmem>>, vector<16xf32>,
        %mul3A_601 = arith.mulf %get3A_600, %gather3A : vector<16xf32>
        %swap3A_602 = arith.index_cast %add3A_568 : i32 to index
        %swap3A_603 = arith.constant 64 : index
        %swap3A_604 = tpu.vector_load %arg19[%swap3A_602, %swap3A_603] {strides = array<i32>} : memref<128x128xf32, #tpu.memory_space<vmem>>, vector<16xf32>,
        tpu.vector_store %arg19[%swap3A_602, %swap3A_603], %mul3A_601 {strides = array<i32>} : memref<128x128xf32, #tpu.memory_space<vmem>>, vector<16xf32>,
        %get3A_605 = arith.index_cast %add3A_568 : i32 to index
        %get3A_606 = arith.constant 80 : index
        %get3A_607 = tpu.vector_load %arg19[%get3A_605, %get3A_606] {strides = array<i32>} : memref<128x128xf32, #tpu.memory_space<vmem>>, vector<16xf32>,
        %mul3A_608 = arith.mulf %get3A_607, %gather3A : vector<16xf32>
        %swap3A_609 = arith.index_cast %add3A_568 : i32 to index
        %swap3A_610 = arith.constant 80 : index
        %swap3A_611 = tpu.vector_load %arg19[%swap3A_609, %swap3A_610] {strides = array<i32>} : memref<128x128xf32, #tpu.memory_space<vmem>>, vector<16xf32>,
        tpu.vector_store %arg19[%swap3A_609, %swap3A_610], %mul3A_608 {strides = array<i32>} : memref<128x128xf32, #tpu.memory_space<vmem>>, vector<16xf32>,
        %get3A_612 = arith.index_cast %add3A_568 : i32 to index
        %get3A_613 = arith.constant 96 : index
        %get3A_614 = tpu.vector_load %arg19[%get3A_612, %get3A_613] {strides = array<i32>} : memref<128x128xf32, #tpu.memory_space<vmem>>, vector<16xf32>,
        %mul3A_615 = arith.mulf %get3A_614, %gather3A : vector<16xf32>
        %swap3A_616 = arith.index_cast %add3A_568 : i32 to index
        %swap3A_617 = arith.constant 96 : index
        %swap3A_618 = tpu.vector_load %arg19[%swap3A_616, %swap3A_617] {strides = array<i32>} : memref<128x128xf32, #tpu.memory_space<vmem>>, vector<16xf32>,
        tpu.vector_store %arg19[%swap3A_616, %swap3A_617], %mul3A_615 {strides = array<i32>} : memref<128x128xf32, #tpu.memory_space<vmem>>, vector<16xf32>,
        %get3A_619 = arith.index_cast %add3A_568 : i32 to index
        %get3A_620 = arith.constant 112 : index
        %get3A_621 = tpu.vector_load %arg19[%get3A_619, %get3A_620] {strides = array<i32>} : memref<128x128xf32, #tpu.memory_space<vmem>>, vector<16xf32>,
        %mul3A_622 = arith.mulf %get3A_621, %gather3A : vector<16xf32>
        %swap3A_623 = arith.index_cast %add3A_568 : i32 to index
        %swap3A_624 = arith.constant 112 : index
        %swap3A_625 = tpu.vector_load %arg19[%swap3A_623, %swap3A_624] {strides = array<i32>} : memref<128x128xf32, #tpu.memory_space<vmem>>, vector<16xf32>,
        tpu.vector_store %arg19[%swap3A_623, %swap3A_624], %mul3A_622 {strides = array<i32>} : memref<128x128xf32, #tpu.memory_space<vmem>>, vector<16xf32>,
        %scan3A_626 = arith.constant 1 : i32
        %scan3A_627 = arith.addi %scan3A_564, %scan3A_626 : i32
        %mul3A_628 = arith.constant 1 : i32
        %mul3A_629 = arith.muli %scan3A_627, %mul3A_628 : i32
        %add3A_630 = arith.constant 0 : i32
        %add3A_631 = arith.addi %add3A_630, %mul3A_629 : i32
        %broadcast_in_dim3A_632 = vector.broadcast %add3A_631 : i32 to vector<16xi32>
        %gather3A_633 = tpu.vector_load_idx %arg9[%broadcast_in_dim3A_632] : memref<128xf32, #tpu.memory_space<vmem>>[vector<16xi32>], vector<16xf32>,
        %get3A_634 = arith.index_cast %add3A_631 : i32 to index
        %get3A_635 = arith.constant 0 : index
        %get3A_636 = tpu.vector_load %arg19[%get3A_634, %get3A_635] {strides = array<i32>} : memref<128x128xf32, #tpu.memory_space<vmem>>, vector<16xf32>,
        %mul3A_637 = arith.mulf %get3A_636, %gather3A_633 : vector<16xf32>
        %swap3A_638 = arith.index_cast %add3A_631 : i32 to index
        %swap3A_639 = arith.constant 0 : index
        %swap3A_640 = tpu.vector_load %arg19[%swap3A_638, %swap3A_639] {strides = array<i32>} : memref<128x128xf32, #tpu.memory_space<vmem>>, vector<16xf32>,
        tpu.vector_store %arg19[%swap3A_638, %swap3A_639], %mul3A_637 {strides = array<i32>} : memref<128x128xf32, #tpu.memory_space<vmem>>, vector<16xf32>,
        %get3A_641 = arith.index_cast %add3A_631 : i32 to index
        %get3A_642 = arith.constant 16 : index
        %get3A_643 = tpu.vector_load %arg19[%get3A_641, %get3A_642] {strides = array<i32>} : memref<128x128xf32, #tpu.memory_space<vmem>>, vector<16xf32>,
        %mul3A_644 = arith.mulf %get3A_643, %gather3A_633 : vector<16xf32>
        %swap3A_645 = arith.index_cast %add3A_631 : i32 to index
        %swap3A_646 = arith.constant 16 : index
        %swap3A_647 = tpu.vector_load %arg19[%swap3A_645, %swap3A_646] {strides = array<i32>} : memref<128x128xf32, #tpu.memory_space<vmem>>, vector<16xf32>,
        tpu.vector_store %arg19[%swap3A_645, %swap3A_646], %mul3A_644 {strides = array<i32>} : memref<128x128xf32, #tpu.memory_space<vmem>>, vector<16xf32>,
        %get3A_648 = arith.index_cast %add3A_631 : i32 to index
        %get3A_649 = arith.constant 32 : index
        %get3A_650 = tpu.vector_load %arg19[%get3A_648, %get3A_649] {strides = array<i32>} : memref<128x128xf32, #tpu.memory_space<vmem>>, vector<16xf32>,
        %mul3A_651 = arith.mulf %get3A_650, %gather3A_633 : vector<16xf32>
        %swap3A_652 = arith.index_cast %add3A_631 : i32 to index
        %swap3A_653 = arith.constant 32 : index
        %swap3A_654 = tpu.vector_load %arg19[%swap3A_652, %swap3A_653] {strides = array<i32>} : memref<128x128xf32, #tpu.memory_space<vmem>>, vector<16xf32>,
        tpu.vector_store %arg19[%swap3A_652, %swap3A_653], %mul3A_651 {strides = array<i32>} : memref<128x128xf32, #tpu.memory_space<vmem>>, vector<16xf32>,
        %get3A_655 = arith.index_cast %add3A_631 : i32 to index
        %get3A_656 = arith.constant 48 : index
        %get3A_657 = tpu.vector_load %arg19[%get3A_655, %get3A_656] {strides = array<i32>} : memref<128x128xf32, #tpu.memory_space<vmem>>, vector<16xf32>,
        %mul3A_658 = arith.mulf %get3A_657, %gather3A_633 : vector<16xf32>
        %swap3A_659 = arith.index_cast %add3A_631 : i32 to index
        %swap3A_660 = arith.constant 48 : index
        %swap3A_661 = tpu.vector_load %arg19[%swap3A_659, %swap3A_660] {strides = array<i32>} : memref<128x128xf32, #tpu.memory_space<vmem>>, vector<16xf32>,
        tpu.vector_store %arg19[%swap3A_659, %swap3A_660], %mul3A_658 {strides = array<i32>} : memref<128x128xf32, #tpu.memory_space<vmem>>, vector<16xf32>,
        %get3A_662 = arith.index_cast %add3A_631 : i32 to index
        %get3A_663 = arith.constant 64 : index
        %get3A_664 = tpu.vector_load %arg19[%get3A_662, %get3A_663] {strides = array<i32>} : memref<128x128xf32, #tpu.memory_space<vmem>>, vector<16xf32>,
        %mul3A_665 = arith.mulf %get3A_664, %gather3A_633 : vector<16xf32>
        %swap3A_666 = arith.index_cast %add3A_631 : i32 to index
        %swap3A_667 = arith.constant 64 : index
        %swap3A_668 = tpu.vector_load %arg19[%swap3A_666, %swap3A_667] {strides = array<i32>} : memref<128x128xf32, #tpu.memory_space<vmem>>, vector<16xf32>,
        tpu.vector_store %arg19[%swap3A_666, %swap3A_667], %mul3A_665 {strides = array<i32>} : memref<128x128xf32, #tpu.memory_space<vmem>>, vector<16xf32>,
        %get3A_669 = arith.index_cast %add3A_631 : i32 to index
        %get3A_670 = arith.constant 80 : index
        %get3A_671 = tpu.vector_load %arg19[%get3A_669, %get3A_670] {strides = array<i32>} : memref<128x128xf32, #tpu.memory_space<vmem>>, vector<16xf32>,
        %mul3A_672 = arith.mulf %get3A_671, %gather3A_633 : vector<16xf32>
        %swap3A_673 = arith.index_cast %add3A_631 : i32 to index
        %swap3A_674 = arith.constant 80 : index
        %swap3A_675 = tpu.vector_load %arg19[%swap3A_673, %swap3A_674] {strides = array<i32>} : memref<128x128xf32, #tpu.memory_space<vmem>>, vector<16xf32>,
        tpu.vector_store %arg19[%swap3A_673, %swap3A_674], %mul3A_672 {strides = array<i32>} : memref<128x128xf32, #tpu.memory_space<vmem>>, vector<16xf32>,
        %get3A_676 = arith.index_cast %add3A_631 : i32 to index
        %get3A_677 = arith.constant 96 : index
        %get3A_678 = tpu.vector_load %arg19[%get3A_676, %get3A_677] {strides = array<i32>} : memref<128x128xf32, #tpu.memory_space<vmem>>, vector<16xf32>,
        %mul3A_679 = arith.mulf %get3A_678, %gather3A_633 : vector<16xf32>
        %swap3A_680 = arith.index_cast %add3A_631 : i32 to index
        %swap3A_681 = arith.constant 96 : index
        %swap3A_682 = tpu.vector_load %arg19[%swap3A_680, %swap3A_681] {strides = array<i32>} : memref<128x128xf32, #tpu.memory_space<vmem>>, vector<16xf32>,
        tpu.vector_store %arg19[%swap3A_680, %swap3A_681], %mul3A_679 {strides = array<i32>} : memref<128x128xf32, #tpu.memory_space<vmem>>, vector<16xf32>,
        %get3A_683 = arith.index_cast %add3A_631 : i32 to index
        %get3A_684 = arith.constant 112 : index
        %get3A_685 = tpu.vector_load %arg19[%get3A_683, %get3A_684] {strides = array<i32>} : memref<128x128xf32, #tpu.memory_space<vmem>>, vector<16xf32>,
        %mul3A_686 = arith.mulf %get3A_685, %gather3A_633 : vector<16xf32>
        %swap3A_687 = arith.index_cast %add3A_631 : i32 to index
        %swap3A_688 = arith.constant 112 : index
        %swap3A_689 = tpu.vector_load %arg19[%swap3A_687, %swap3A_688] {strides = array<i32>} : memref<128x128xf32, #tpu.memory_space<vmem>>, vector<16xf32>,
        tpu.vector_store %arg19[%swap3A_687, %swap3A_688], %mul3A_686 {strides = array<i32>} : memref<128x128xf32, #tpu.memory_space<vmem>>, vector<16xf32>,
        %scan3A_690 = arith.constant 2 : i32
        %scan3A_691 = arith.addi %scan3A_564, %scan3A_690 : i32
        %mul3A_692 = arith.constant 1 : i32
        %mul3A_693 = arith.muli %scan3A_691, %mul3A_692 : i32
        %add3A_694 = arith.constant 0 : i32
        %add3A_695 = arith.addi %add3A_694, %mul3A_693 : i32
        %broadcast_in_dim3A_696 = vector.broadcast %add3A_695 : i32 to vector<16xi32>
        %gather3A_697 = tpu.vector_load_idx %arg9[%broadcast_in_dim3A_696] : memref<128xf32, #tpu.memory_space<vmem>>[vector<16xi32>], vector<16xf32>,
        %get3A_698 = arith.index_cast %add3A_695 : i32 to index
        %get3A_699 = arith.constant 0 : index
        %get3A_700 = tpu.vector_load %arg19[%get3A_698, %get3A_699] {strides = array<i32>} : memref<128x128xf32, #tpu.memory_space<vmem>>, vector<16xf32>,
        %mul3A_701 = arith.mulf %get3A_700, %gather3A_697 : vector<16xf32>
        %swap3A_702 = arith.index_cast %add3A_695 : i32 to index
        %swap3A_703 = arith.constant 0 : index
        %swap3A_704 = tpu.vector_load %arg19[%swap3A_702, %swap3A_703] {strides = array<i32>} : memref<128x128xf32, #tpu.memory_space<vmem>>, vector<16xf32>,
        tpu.vector_store %arg19[%swap3A_702, %swap3A_703], %mul3A_701 {strides = array<i32>} : memref<128x128xf32, #tpu.memory_space<vmem>>, vector<16xf32>,
        %get3A_705 = arith.index_cast %add3A_695 : i32 to index
        %get3A_706 = arith.constant 16 : index
        %get3A_707 = tpu.vector_load %arg19[%get3A_705, %get3A_706] {strides = array<i32>} : memref<128x128xf32, #tpu.memory_space<vmem>>, vector<16xf32>,
        %mul3A_708 = arith.mulf %get3A_707, %gather3A_697 : vector<16xf32>
        %swap3A_709 = arith.index_cast %add3A_695 : i32 to index
        %swap3A_710 = arith.constant 16 : index
        %swap3A_711 = tpu.vector_load %arg19[%swap3A_709, %swap3A_710] {strides = array<i32>} : memref<128x128xf32, #tpu.memory_space<vmem>>, vector<16xf32>,
        tpu.vector_store %arg19[%swap3A_709, %swap3A_710], %mul3A_708 {strides = array<i32>} : memref<128x128xf32, #tpu.memory_space<vmem>>, vector<16xf32>,
        %get3A_712 = arith.index_cast %add3A_695 : i32 to index
        %get3A_713 = arith.constant 32 : index
        %get3A_714 = tpu.vector_load %arg19[%get3A_712, %get3A_713] {strides = array<i32>} : memref<128x128xf32, #tpu.memory_space<vmem>>, vector<16xf32>,
        %mul3A_715 = arith.mulf %get3A_714, %gather3A_697 : vector<16xf32>
        %swap3A_716 = arith.index_cast %add3A_695 : i32 to index
        %swap3A_717 = arith.constant 32 : index
        %swap3A_718 = tpu.vector_load %arg19[%swap3A_716, %swap3A_717] {strides = array<i32>} : memref<128x128xf32, #tpu.memory_space<vmem>>, vector<16xf32>,
        tpu.vector_store %arg19[%swap3A_716, %swap3A_717], %mul3A_715 {strides = array<i32>} : memref<128x128xf32, #tpu.memory_space<vmem>>, vector<16xf32>,
        %get3A_719 = arith.index_cast %add3A_695 : i32 to index
        %get3A_720 = arith.constant 48 : index
        %get3A_721 = tpu.vector_load %arg19[%get3A_719, %get3A_720] {strides = array<i32>} : memref<128x128xf32, #tpu.memory_space<vmem>>, vector<16xf32>,
        %mul3A_722 = arith.mulf %get3A_721, %gather3A_697 : vector<16xf32>
        %swap3A_723 = arith.index_cast %add3A_695 : i32 to index
        %swap3A_724 = arith.constant 48 : index
        %swap3A_725 = tpu.vector_load %arg19[%swap3A_723, %swap3A_724] {strides = array<i32>} : memref<128x128xf32, #tpu.memory_space<vmem>>, vector<16xf32>,
        tpu.vector_store %arg19[%swap3A_723, %swap3A_724], %mul3A_722 {strides = array<i32>} : memref<128x128xf32, #tpu.memory_space<vmem>>, vector<16xf32>,
        %get3A_726 = arith.index_cast %add3A_695 : i32 to index
        %get3A_727 = arith.constant 64 : index
        %get3A_728 = tpu.vector_load %arg19[%get3A_726, %get3A_727] {strides = array<i32>} : memref<128x128xf32, #tpu.memory_space<vmem>>, vector<16xf32>,
        %mul3A_729 = arith.mulf %get3A_728, %gather3A_697 : vector<16xf32>
        %swap3A_730 = arith.index_cast %add3A_695 : i32 to index
        %swap3A_731 = arith.constant 64 : index
        %swap3A_732 = tpu.vector_load %arg19[%swap3A_730, %swap3A_731] {strides = array<i32>} : memref<128x128xf32, #tpu.memory_space<vmem>>, vector<16xf32>,
        tpu.vector_store %arg19[%swap3A_730, %swap3A_731], %mul3A_729 {strides = array<i32>} : memref<128x128xf32, #tpu.memory_space<vmem>>, vector<16xf32>,
        %get3A_733 = arith.index_cast %add3A_695 : i32 to index
        %get3A_734 = arith.constant 80 : index
        %get3A_735 = tpu.vector_load %arg19[%get3A_733, %get3A_734] {strides = array<i32>} : memref<128x128xf32, #tpu.memory_space<vmem>>, vector<16xf32>,
        %mul3A_736 = arith.mulf %get3A_735, %gather3A_697 : vector<16xf32>
        %swap3A_737 = arith.index_cast %add3A_695 : i32 to index
        %swap3A_738 = arith.constant 80 : index
        %swap3A_739 = tpu.vector_load %arg19[%swap3A_737, %swap3A_738] {strides = array<i32>} : memref<128x128xf32, #tpu.memory_space<vmem>>, vector<16xf32>,
        tpu.vector_store %arg19[%swap3A_737, %swap3A_738], %mul3A_736 {strides = array<i32>} : memref<128x128xf32, #tpu.memory_space<vmem>>, vector<16xf32>,
        %get3A_740 = arith.index_cast %add3A_695 : i32 to index
        %get3A_741 = arith.constant 96 : index
        %get3A_742 = tpu.vector_load %arg19[%get3A_740, %get3A_741] {strides = array<i32>} : memref<128x128xf32, #tpu.memory_space<vmem>>, vector<16xf32>,
        %mul3A_743 = arith.mulf %get3A_742, %gather3A_697 : vector<16xf32>
        %swap3A_744 = arith.index_cast %add3A_695 : i32 to index
        %swap3A_745 = arith.constant 96 : index
        %swap3A_746 = tpu.vector_load %arg19[%swap3A_744, %swap3A_745] {strides = array<i32>} : memref<128x128xf32, #tpu.memory_space<vmem>>, vector<16xf32>,
        tpu.vector_store %arg19[%swap3A_744, %swap3A_745], %mul3A_743 {strides = array<i32>} : memref<128x128xf32, #tpu.memory_space<vmem>>, vector<16xf32>,
        %get3A_747 = arith.index_cast %add3A_695 : i32 to index
        %get3A_748 = arith.constant 112 : index
        %get3A_749 = tpu.vector_load %arg19[%get3A_747, %get3A_748] {strides = array<i32>} : memref<128x128xf32, #tpu.memory_space<vmem>>, vector<16xf32>,
        %mul3A_750 = arith.mulf %get3A_749, %gather3A_697 : vector<16xf32>
        %swap3A_751 = arith.index_cast %add3A_695 : i32 to index
        %swap3A_752 = arith.constant 112 : index
        %swap3A_753 = tpu.vector_load %arg19[%swap3A_751, %swap3A_752] {strides = array<i32>} : memref<128x128xf32, #tpu.memory_space<vmem>>, vector<16xf32>,
        tpu.vector_store %arg19[%swap3A_751, %swap3A_752], %mul3A_750 {strides = array<i32>} : memref<128x128xf32, #tpu.memory_space<vmem>>, vector<16xf32>,
        %scan3A_754 = arith.constant 3 : i32
        %scan3A_755 = arith.addi %scan3A_564, %scan3A_754 : i32
        %mul3A_756 = arith.constant 1 : i32
        %mul3A_757 = arith.muli %scan3A_755, %mul3A_756 : i32
        %add3A_758 = arith.constant 0 : i32
        %add3A_759 = arith.addi %add3A_758, %mul3A_757 : i32
        %broadcast_in_dim3A_760 = vector.broadcast %add3A_759 : i32 to vector<16xi32>
        %gather3A_761 = tpu.vector_load_idx %arg9[%broadcast_in_dim3A_760] : memref<128xf32, #tpu.memory_space<vmem>>[vector<16xi32>], vector<16xf32>,
        %get3A_762 = arith.index_cast %add3A_759 : i32 to index
        %get3A_763 = arith.constant 0 : index
        %get3A_764 = tpu.vector_load %arg19[%get3A_762, %get3A_763] {strides = array<i32>} : memref<128x128xf32, #tpu.memory_space<vmem>>, vector<16xf32>,
        %mul3A_765 = arith.mulf %get3A_764, %gather3A_761 : vector<16xf32>
        %swap3A_766 = arith.index_cast %add3A_759 : i32 to index
        %swap3A_767 = arith.constant 0 : index
        %swap3A_768 = tpu.vector_load %arg19[%swap3A_766, %swap3A_767] {strides = array<i32>} : memref<128x128xf32, #tpu.memory_space<vmem>>, vector<16xf32>,
        tpu.vector_store %arg19[%swap3A_766, %swap3A_767], %mul3A_765 {strides = array<i32>} : memref<128x128xf32, #tpu.memory_space<vmem>>, vector<16xf32>,
        %get3A_769 = arith.index_cast %add3A_759 : i32 to index
        %get3A_770 = arith.constant 16 : index
        %get3A_771 = tpu.vector_load %arg19[%get3A_769, %get3A_770] {strides = array<i32>} : memref<128x128xf32, #tpu.memory_space<vmem>>, vector<16xf32>,
        %mul3A_772 = arith.mulf %get3A_771, %gather3A_761 : vector<16xf32>
        %swap3A_773 = arith.index_cast %add3A_759 : i32 to index
        %swap3A_774 = arith.constant 16 : index
        %swap3A_775 = tpu.vector_load %arg19[%swap3A_773, %swap3A_774] {strides = array<i32>} : memref<128x128xf32, #tpu.memory_space<vmem>>, vector<16xf32>,
        tpu.vector_store %arg19[%swap3A_773, %swap3A_774], %mul3A_772 {strides = array<i32>} : memref<128x128xf32, #tpu.memory_space<vmem>>, vector<16xf32>,
        %get3A_776 = arith.index_cast %add3A_759 : i32 to index
        %get3A_777 = arith.constant 32 : index
        %get3A_778 = tpu.vector_load %arg19[%get3A_776, %get3A_777] {strides = array<i32>} : memref<128x128xf32, #tpu.memory_space<vmem>>, vector<16xf32>,
        %mul3A_779 = arith.mulf %get3A_778, %gather3A_761 : vector<16xf32>
        %swap3A_780 = arith.index_cast %add3A_759 : i32 to index
        %swap3A_781 = arith.constant 32 : index
        %swap3A_782 = tpu.vector_load %arg19[%swap3A_780, %swap3A_781] {strides = array<i32>} : memref<128x128xf32, #tpu.memory_space<vmem>>, vector<16xf32>,
        tpu.vector_store %arg19[%swap3A_780, %swap3A_781], %mul3A_779 {strides = array<i32>} : memref<128x128xf32, #tpu.memory_space<vmem>>, vector<16xf32>,
        %get3A_783 = arith.index_cast %add3A_759 : i32 to index
        %get3A_784 = arith.constant 48 : index
        %get3A_785 = tpu.vector_load %arg19[%get3A_783, %get3A_784] {strides = array<i32>} : memref<128x128xf32, #tpu.memory_space<vmem>>, vector<16xf32>,
        %mul3A_786 = arith.mulf %get3A_785, %gather3A_761 : vector<16xf32>
        %swap3A_787 = arith.index_cast %add3A_759 : i32 to index
        %swap3A_788 = arith.constant 48 : index
        %swap3A_789 = tpu.vector_load %arg19[%swap3A_787, %swap3A_788] {strides = array<i32>} : memref<128x128xf32, #tpu.memory_space<vmem>>, vector<16xf32>,
        tpu.vector_store %arg19[%swap3A_787, %swap3A_788], %mul3A_786 {strides = array<i32>} : memref<128x128xf32, #tpu.memory_space<vmem>>, vector<16xf32>,
        %get3A_790 = arith.index_cast %add3A_759 : i32 to index
        %get3A_791 = arith.constant 64 : index
        %get3A_792 = tpu.vector_load %arg19[%get3A_790, %get3A_791] {strides = array<i32>} : memref<128x128xf32, #tpu.memory_space<vmem>>, vector<16xf32>,
        %mul3A_793 = arith.mulf %get3A_792, %gather3A_761 : vector<16xf32>
        %swap3A_794 = arith.index_cast %add3A_759 : i32 to index
        %swap3A_795 = arith.constant 64 : index
        %swap3A_796 = tpu.vector_load %arg19[%swap3A_794, %swap3A_795] {strides = array<i32>} : memref<128x128xf32, #tpu.memory_space<vmem>>, vector<16xf32>,
        tpu.vector_store %arg19[%swap3A_794, %swap3A_795], %mul3A_793 {strides = array<i32>} : memref<128x128xf32, #tpu.memory_space<vmem>>, vector<16xf32>,
        %get3A_797 = arith.index_cast %add3A_759 : i32 to index
        %get3A_798 = arith.constant 80 : index
        %get3A_799 = tpu.vector_load %arg19[%get3A_797, %get3A_798] {strides = array<i32>} : memref<128x128xf32, #tpu.memory_space<vmem>>, vector<16xf32>,
        %mul3A_800 = arith.mulf %get3A_799, %gather3A_761 : vector<16xf32>
        %swap3A_801 = arith.index_cast %add3A_759 : i32 to index
        %swap3A_802 = arith.constant 80 : index
        %swap3A_803 = tpu.vector_load %arg19[%swap3A_801, %swap3A_802] {strides = array<i32>} : memref<128x128xf32, #tpu.memory_space<vmem>>, vector<16xf32>,
        tpu.vector_store %arg19[%swap3A_801, %swap3A_802], %mul3A_800 {strides = array<i32>} : memref<128x128xf32, #tpu.memory_space<vmem>>, vector<16xf32>,
        %get3A_804 = arith.index_cast %add3A_759 : i32 to index
        %get3A_805 = arith.constant 96 : index
        %get3A_806 = tpu.vector_load %arg19[%get3A_804, %get3A_805] {strides = array<i32>} : memref<128x128xf32, #tpu.memory_space<vmem>>, vector<16xf32>,
        %mul3A_807 = arith.mulf %get3A_806, %gather3A_761 : vector<16xf32>
        %swap3A_808 = arith.index_cast %add3A_759 : i32 to index
        %swap3A_809 = arith.constant 96 : index
        %swap3A_810 = tpu.vector_load %arg19[%swap3A_808, %swap3A_809] {strides = array<i32>} : memref<128x128xf32, #tpu.memory_space<vmem>>, vector<16xf32>,
        tpu.vector_store %arg19[%swap3A_808, %swap3A_809], %mul3A_807 {strides = array<i32>} : memref<128x128xf32, #tpu.memory_space<vmem>>, vector<16xf32>,
        %get3A_811 = arith.index_cast %add3A_759 : i32 to index
        %get3A_812 = arith.constant 112 : index
        %get3A_813 = tpu.vector_load %arg19[%get3A_811, %get3A_812] {strides = array<i32>} : memref<128x128xf32, #tpu.memory_space<vmem>>, vector<16xf32>,
        %mul3A_814 = arith.mulf %get3A_813, %gather3A_761 : vector<16xf32>
        %swap3A_815 = arith.index_cast %add3A_759 : i32 to index
        %swap3A_816 = arith.constant 112 : index
        %swap3A_817 = tpu.vector_load %arg19[%swap3A_815, %swap3A_816] {strides = array<i32>} : memref<128x128xf32, #tpu.memory_space<vmem>>, vector<16xf32>,
        tpu.vector_store %arg19[%swap3A_815, %swap3A_816], %mul3A_814 {strides = array<i32>} : memref<128x128xf32, #tpu.memory_space<vmem>>, vector<16xf32>,
      }
      %scan3A_308 = arith.constant 128 : i32
      %dma_start3A_309 = arith.constant 0 : i32
      %dma_start3A_310 = arith.constant 0 : i32
      %dma_start3A_311 = tpu.memref_slice %arg16[%dma_start3A_309, %dma_start3A_310] : memref<1x128xi32, #tpu.memory_space<vmem>> -> memref<1x128xi32, #tpu.memory_space<vmem>>
      %dma_start3A_312 = tpu.memref_squeeze %dma_start3A_311 : memref<1x128xi32, #tpu.memory_space<vmem>> -> memref<128xi32, #tpu.memory_space<vmem>>
      %dma_start3A_313 = arith.constant 0 : i32
      %dma_start3A_314 = arith.constant 0 : i32
      %dma_start3A_315 = tpu.memref_slice %arg22[%dma_start3A_313, %dma_start3A_314] : memref<10000x128xf32, #tpu.memory_space<vmem_shared>> -> memref<10000x128xf32, #tpu.memory_space<vmem_shared>>
      tpu.enqueue_indirect_dma source(%arg19 : memref<128x128xf32, #tpu.memory_space<vmem>>) target(%dma_start3A_315 : memref<10000x128xf32, #tpu.memory_space<vmem_shared>>) offsets(%dma_start3A_312 : memref<128xi32, #tpu.memory_space<vmem>>) semaphore(%arg29 : memref<!tpu.dma_semaphore, #tpu.memory_space<semaphore_mem>>) {add = true}
      %mul3A_316 = arith.constant 3 : i32
      %mul3A_317 = arith.muli %mul3A_316, %add3A_194 : i32
      %add3A_318 = arith.constant 1 : i32
      %add3A_319 = arith.addi %mul3A_317, %add3A_318 : i32
      %dma_wait3A_320 = arith.constant 0 : i32
      %dma_wait3A_321 = arith.constant 0 : i32
      %dma_wait3A_322 = tpu.memref_slice %arg3[%dma_wait3A_320, %dma_wait3A_321] : memref<2500x128xi32, #tpu.memory_space<hbm>> -> memref<1x128xi32, #tpu.memory_space<hbm>>
      %dma_wait3A_323 = tpu.memref_squeeze %dma_wait3A_322 : memref<1x128xi32, #tpu.memory_space<hbm>> -> memref<128xi32, #tpu.memory_space<hbm>>
      %dma_wait3A_324 = arith.constant 0 : i32
      %dma_wait3A_325 = tpu.memref_slice %arg3[%dma_wait3A_320, %dma_wait3A_324] : memref<2500x128xi32, #tpu.memory_space<hbm>> -> memref<1x128xi32, #tpu.memory_space<hbm>>
      %dma_wait3A_326 = tpu.memref_squeeze %dma_wait3A_325 : memref<1x128xi32, #tpu.memory_space<hbm>> -> memref<128xi32, #tpu.memory_space<hbm>>
      tpu.wait_dma2 semaphore(%arg25 : memref<!tpu.dma_semaphore, #tpu.memory_space<semaphore_mem>>) src(%dma_wait3A_326 : memref<128xi32, #tpu.memory_space<hbm>>) dst(%arg13 : memref<128xi32, #tpu.memory_space<vmem>>)
      %dma_wait3A_327 = arith.constant 0 : i32
      %dma_wait3A_328 = arith.constant 0 : i32
      %dma_wait3A_329 = tpu.memref_slice %arg4[%dma_wait3A_327, %dma_wait3A_328] : memref<2500x128xi32, #tpu.memory_space<hbm>> -> memref<1x128xi32, #tpu.memory_space<hbm>>
      %dma_wait3A_330 = tpu.memref_squeeze %dma_wait3A_329 : memref<1x128xi32, #tpu.memory_space<hbm>> -> memref<128xi32, #tpu.memory_space<hbm>>
      %dma_wait3A_331 = arith.constant 0 : i32
      %dma_wait3A_332 = tpu.memref_slice %arg4[%dma_wait3A_327, %dma_wait3A_331] : memref<2500x128xi32, #tpu.memory_space<hbm>> -> memref<1x128xi32, #tpu.memory_space<hbm>>
      %dma_wait3A_333 = tpu.memref_squeeze %dma_wait3A_332 : memref<1x128xi32, #tpu.memory_space<hbm>> -> memref<128xi32, #tpu.memory_space<hbm>>
      tpu.wait_dma2 semaphore(%arg25 : memref<!tpu.dma_semaphore, #tpu.memory_space<semaphore_mem>>) src(%dma_wait3A_333 : memref<128xi32, #tpu.memory_space<hbm>>) dst(%arg14 : memref<128xi32, #tpu.memory_space<vmem>>)
      %dma_wait3A_334 = arith.constant 0 : i32
      %dma_wait3A_335 = arith.constant 0 : i32
      %dma_wait3A_336 = tpu.memref_slice %arg5[%dma_wait3A_334, %dma_wait3A_335] : memref<2560x128xf32, #tpu.memory_space<hbm>> -> memref<1x128xf32, #tpu.memory_space<hbm>>
      %dma_wait3A_337 = tpu.memref_squeeze %dma_wait3A_336 : memref<1x128xf32, #tpu.memory_space<hbm>> -> memref<128xf32, #tpu.memory_space<hbm>>
      %dma_wait3A_338 = arith.constant 0 : i32
      %dma_wait3A_339 = tpu.memref_slice %arg5[%dma_wait3A_334, %dma_wait3A_338] : memref<2560x128xf32, #tpu.memory_space<hbm>> -> memref<1x128xf32, #tpu.memory_space<hbm>>
      %dma_wait3A_340 = tpu.memref_squeeze %dma_wait3A_339 : memref<1x128xf32, #tpu.memory_space<hbm>> -> memref<128xf32, #tpu.memory_space<hbm>>
      tpu.wait_dma2 semaphore(%arg25 : memref<!tpu.dma_semaphore, #tpu.memory_space<semaphore_mem>>) src(%dma_wait3A_340 : memref<128xf32, #tpu.memory_space<hbm>>) dst(%arg15 : memref<128xf32, #tpu.memory_space<vmem>>)
      %ge3A_341 = arith.constant 2 : i32
      %ge3A_342 = arith.cmpi sge, %add3A_319, %ge3A_341 : i32
      %convert_element_type3A_343 = arith.extui %ge3A_342 : i1 to i32
      %cond3A_344 = arith.constant 0 : i32
      %cond3A_345 = arith.cmpi ne, %convert_element_type3A_343, %cond3A_344 : i32
      scf.if %cond3A_345 {
        %dma_wait3A_564 = arith.constant 0 : i32
        %dma_wait3A_565 = arith.constant 0 : i32
        %dma_wait3A_566 = tpu.memref_slice %arg18[%dma_wait3A_564, %dma_wait3A_565] : memref<1x128xi32, #tpu.memory_space<vmem>> -> memref<1x128xi32, #tpu.memory_space<vmem>>
        %dma_wait3A_567 = tpu.memref_squeeze %dma_wait3A_566 : memref<1x128xi32, #tpu.memory_space<vmem>> -> memref<128xi32, #tpu.memory_space<vmem>>
        %dma_wait3A_568 = arith.constant 0 : i32
        %dma_wait3A_569 = arith.constant 0 : i32
        %dma_wait3A_570 = tpu.memref_slice %arg22[%dma_wait3A_568, %dma_wait3A_569] : memref<10000x128xf32, #tpu.memory_space<vmem_shared>> -> memref<10000x128xf32, #tpu.memory_space<vmem_shared>>
        tpu.wait_indirect_dma semaphore(%arg31 : memref<!tpu.dma_semaphore, #tpu.memory_space<semaphore_mem>>) src(%arg21 : memref<128x128xf32, #tpu.memory_space<vmem>>) dst(%dma_wait3A_570 : memref<10000x128xf32, #tpu.memory_space<vmem_shared>>)
      } else {
      }
      %dma_start3A_346 = arith.constant 0 : i32
      %dma_start3A_347 = arith.constant 0 : i32
      %dma_start3A_348 = tpu.memref_slice %arg2[%dma_start3A_346, %dma_start3A_347] : memref<10000x128xf32, #tpu.memory_space<hbm>> -> memref<10000x128xf32, #tpu.memory_space<hbm>>
      tpu.enqueue_indirect_dma source(%dma_start3A_348 : memref<10000x128xf32, #tpu.memory_space<hbm>>) target(%arg21 : memref<128x128xf32, #tpu.memory_space<vmem>>) offsets(%arg13 : memref<128xi32, #tpu.memory_space<vmem>>) semaphore(%arg28 : memref<!tpu.dma_semaphore, #tpu.memory_space<semaphore_mem>>)
      %add3A_349 = arith.constant 2 : i32
      %add3A_350 = arith.addi %add3A_319, %add3A_349 : i32
      %min3A_351 = arith.constant 77 : i32
      %min3A_352 = arith.minsi %add3A_350, %min3A_351 : i32
      %add3A_353 = arith.addi %add3A_5, %min3A_352 : i32
      %mul3A_354 = arith.constant 80 : i32
      %mul3A_355 = arith.muli %add3A, %mul3A_354 : i32
      %min3A_356 = arith.constant 77 : i32
      %min3A_357 = arith.minsi %add3A_350, %min3A_356 : i32
      %add3A_358 = arith.addi %mul3A_355, %min3A_357 : i32
      %dma_start3A_359 = arith.constant 0 : i32
      %dma_start3A_360 = tpu.memref_slice %arg3[%add3A_353, %dma_start3A_359] : memref<2500x128xi32, #tpu.memory_space<hbm>> -> memref<1x128xi32, #tpu.memory_space<hbm>>
      %dma_start3A_361 = tpu.memref_squeeze %dma_start3A_360 : memref<1x128xi32, #tpu.memory_space<hbm>> -> memref<128xi32, #tpu.memory_space<hbm>>
      %dma_start3A_362 = arith.constant 0 : i32
      %dma_start3A_363 = tpu.memref_slice %arg3[%add3A_353, %dma_start3A_362] : memref<2500x128xi32, #tpu.memory_space<hbm>> -> memref<1x128xi32, #tpu.memory_space<hbm>>
      %dma_start3A_364 = tpu.memref_squeeze %dma_start3A_363 : memref<1x128xi32, #tpu.memory_space<hbm>> -> memref<128xi32, #tpu.memory_space<hbm>>
      tpu.enqueue_dma source(%dma_start3A_364 : memref<128xi32, #tpu.memory_space<hbm>>) target(%arg7 : memref<128xi32, #tpu.memory_space<vmem>>) target_semaphore(%arg23 : memref<!tpu.dma_semaphore, #tpu.memory_space<semaphore_mem>>)
      %dma_start3A_365 = arith.constant 0 : i32
      %dma_start3A_366 = tpu.memref_slice %arg4[%add3A_353, %dma_start3A_365] : memref<2500x128xi32, #tpu.memory_space<hbm>> -> memref<1x128xi32, #tpu.memory_space<hbm>>
      %dma_start3A_367 = tpu.memref_squeeze %dma_start3A_366 : memref<1x128xi32, #tpu.memory_space<hbm>> -> memref<128xi32, #tpu.memory_space<hbm>>
      %dma_start3A_368 = arith.constant 0 : i32
      %dma_start3A_369 = tpu.memref_slice %arg4[%add3A_353, %dma_start3A_368] : memref<2500x128xi32, #tpu.memory_space<hbm>> -> memref<1x128xi32, #tpu.memory_space<hbm>>
      %dma_start3A_370 = tpu.memref_squeeze %dma_start3A_369 : memref<1x128xi32, #tpu.memory_space<hbm>> -> memref<128xi32, #tpu.memory_space<hbm>>
      tpu.enqueue_dma source(%dma_start3A_370 : memref<128xi32, #tpu.memory_space<hbm>>) target(%arg8 : memref<128xi32, #tpu.memory_space<vmem>>) target_semaphore(%arg23 : memref<!tpu.dma_semaphore, #tpu.memory_space<semaphore_mem>>)
      %dma_start3A_371 = arith.constant 0 : i32
      %dma_start3A_372 = tpu.memref_slice %arg5[%add3A_358, %dma_start3A_371] : memref<2560x128xf32, #tpu.memory_space<hbm>> -> memref<1x128xf32, #tpu.memory_space<hbm>>
      %dma_start3A_373 = tpu.memref_squeeze %dma_start3A_372 : memref<1x128xf32, #tpu.memory_space<hbm>> -> memref<128xf32, #tpu.memory_space<hbm>>
      %dma_start3A_374 = arith.constant 0 : i32
      %dma_start3A_375 = tpu.memref_slice %arg5[%add3A_358, %dma_start3A_374] : memref<2560x128xf32, #tpu.memory_space<hbm>> -> memref<1x128xf32, #tpu.memory_space<hbm>>
      %dma_start3A_376 = tpu.memref_squeeze %dma_start3A_375 : memref<1x128xf32, #tpu.memory_space<hbm>> -> memref<128xf32, #tpu.memory_space<hbm>>
      tpu.enqueue_dma source(%dma_start3A_376 : memref<128xf32, #tpu.memory_space<hbm>>) target(%arg9 : memref<128xf32, #tpu.memory_space<vmem>>) target_semaphore(%arg23 : memref<!tpu.dma_semaphore, #tpu.memory_space<semaphore_mem>>)
      %dma_wait3A_377 = arith.constant 0 : i32
      %dma_wait3A_378 = arith.constant 0 : i32
      %dma_wait3A_379 = tpu.memref_slice %arg2[%dma_wait3A_377, %dma_wait3A_378] : memref<10000x128xf32, #tpu.memory_space<hbm>> -> memref<10000x128xf32, #tpu.memory_space<hbm>>
      tpu.wait_indirect_dma semaphore(%arg27 : memref<!tpu.dma_semaphore, #tpu.memory_space<semaphore_mem>>) src(%dma_wait3A_379 : memref<10000x128xf32, #tpu.memory_space<hbm>>) dst(%arg20 : memref<128x128xf32, #tpu.memory_space<vmem>>)
      %get3A_380 = arith.constant 0 : index
      %get3A_381 = tpu.vector_load %arg11[%get3A_380] {strides = array<i32>} : memref<128xi32, #tpu.memory_space<vmem>>, vector<16xi32>,
      %swap3A_382 = arith.constant 0 : i32
      %swap3A_383 = arith.index_cast %swap3A_382 : i32 to index
      %swap3A_384 = arith.constant 0 : index
      %swap3A_385 = tpu.vector_load %arg17[%swap3A_383, %swap3A_384] {strides = array<i32>} : memref<1x128xi32, #tpu.memory_space<vmem>>, vector<16xi32>,
      tpu.vector_store %arg17[%swap3A_383, %swap3A_384], %get3A_381 {strides = array<i32>} : memref<1x128xi32, #tpu.memory_space<vmem>>, vector<16xi32>,
      %get3A_386 = arith.constant 16 : index
      %get3A_387 = tpu.vector_load %arg11[%get3A_386] {strides = array<i32>} : memref<128xi32, #tpu.memory_space<vmem>>, vector<16xi32>,
      %swap3A_388 = arith.constant 0 : i32
      %swap3A_389 = arith.index_cast %swap3A_388 : i32 to index
      %swap3A_390 = arith.constant 16 : index
      %swap3A_391 = tpu.vector_load %arg17[%swap3A_389, %swap3A_390] {strides = array<i32>} : memref<1x128xi32, #tpu.memory_space<vmem>>, vector<16xi32>,
      tpu.vector_store %arg17[%swap3A_389, %swap3A_390], %get3A_387 {strides = array<i32>} : memref<1x128xi32, #tpu.memory_space<vmem>>, vector<16xi32>,
      %get3A_392 = arith.constant 32 : index
      %get3A_393 = tpu.vector_load %arg11[%get3A_392] {strides = array<i32>} : memref<128xi32, #tpu.memory_space<vmem>>, vector<16xi32>,
      %swap3A_394 = arith.constant 0 : i32
      %swap3A_395 = arith.index_cast %swap3A_394 : i32 to index
      %swap3A_396 = arith.constant 32 : index
      %swap3A_397 = tpu.vector_load %arg17[%swap3A_395, %swap3A_396] {strides = array<i32>} : memref<1x128xi32, #tpu.memory_space<vmem>>, vector<16xi32>,
      tpu.vector_store %arg17[%swap3A_395, %swap3A_396], %get3A_393 {strides = array<i32>} : memref<1x128xi32, #tpu.memory_space<vmem>>, vector<16xi32>,
      %get3A_398 = arith.constant 48 : index
      %get3A_399 = tpu.vector_load %arg11[%get3A_398] {strides = array<i32>} : memref<128xi32, #tpu.memory_space<vmem>>, vector<16xi32>,
      %swap3A_400 = arith.constant 0 : i32
      %swap3A_401 = arith.index_cast %swap3A_400 : i32 to index
      %swap3A_402 = arith.constant 48 : index
      %swap3A_403 = tpu.vector_load %arg17[%swap3A_401, %swap3A_402] {strides = array<i32>} : memref<1x128xi32, #tpu.memory_space<vmem>>, vector<16xi32>,
      tpu.vector_store %arg17[%swap3A_401, %swap3A_402], %get3A_399 {strides = array<i32>} : memref<1x128xi32, #tpu.memory_space<vmem>>, vector<16xi32>,
      %get3A_404 = arith.constant 64 : index
      %get3A_405 = tpu.vector_load %arg11[%get3A_404] {strides = array<i32>} : memref<128xi32, #tpu.memory_space<vmem>>, vector<16xi32>,
      %swap3A_406 = arith.constant 0 : i32
      %swap3A_407 = arith.index_cast %swap3A_406 : i32 to index
      %swap3A_408 = arith.constant 64 : index
      %swap3A_409 = tpu.vector_load %arg17[%swap3A_407, %swap3A_408] {strides = array<i32>} : memref<1x128xi32, #tpu.memory_space<vmem>>, vector<16xi32>,
      tpu.vector_store %arg17[%swap3A_407, %swap3A_408], %get3A_405 {strides = array<i32>} : memref<1x128xi32, #tpu.memory_space<vmem>>, vector<16xi32>,
      %get3A_410 = arith.constant 80 : index
      %get3A_411 = tpu.vector_load %arg11[%get3A_410] {strides = array<i32>} : memref<128xi32, #tpu.memory_space<vmem>>, vector<16xi32>,
      %swap3A_412 = arith.constant 0 : i32
      %swap3A_413 = arith.index_cast %swap3A_412 : i32 to index
      %swap3A_414 = arith.constant 80 : index
      %swap3A_415 = tpu.vector_load %arg17[%swap3A_413, %swap3A_414] {strides = array<i32>} : memref<1x128xi32, #tpu.memory_space<vmem>>, vector<16xi32>,
      tpu.vector_store %arg17[%swap3A_413, %swap3A_414], %get3A_411 {strides = array<i32>} : memref<1x128xi32, #tpu.memory_space<vmem>>, vector<16xi32>,
      %get3A_416 = arith.constant 96 : index
      %get3A_417 = tpu.vector_load %arg11[%get3A_416] {strides = array<i32>} : memref<128xi32, #tpu.memory_space<vmem>>, vector<16xi32>,
      %swap3A_418 = arith.constant 0 : i32
      %swap3A_419 = arith.index_cast %swap3A_418 : i32 to index
      %swap3A_420 = arith.constant 96 : index
      %swap3A_421 = tpu.vector_load %arg17[%swap3A_419, %swap3A_420] {strides = array<i32>} : memref<1x128xi32, #tpu.memory_space<vmem>>, vector<16xi32>,
      tpu.vector_store %arg17[%swap3A_419, %swap3A_420], %get3A_417 {strides = array<i32>} : memref<1x128xi32, #tpu.memory_space<vmem>>, vector<16xi32>,
      %get3A_422 = arith.constant 112 : index
      %get3A_423 = tpu.vector_load %arg11[%get3A_422] {strides = array<i32>} : memref<128xi32, #tpu.memory_space<vmem>>, vector<16xi32>,
      %swap3A_424 = arith.constant 0 : i32
      %swap3A_425 = arith.index_cast %swap3A_424 : i32 to index
      %swap3A_426 = arith.constant 112 : index
      %swap3A_427 = tpu.vector_load %arg17[%swap3A_425, %swap3A_426] {strides = array<i32>} : memref<1x128xi32, #tpu.memory_space<vmem>>, vector<16xi32>,
      tpu.vector_store %arg17[%swap3A_425, %swap3A_426], %get3A_423 {strides = array<i32>} : memref<1x128xi32, #tpu.memory_space<vmem>>, vector<16xi32>,
      %scan3A_428 = arith.constant 0 : i32
      %scan3A_429 = arith.constant 128 : i32
      %scan3A_430 = arith.addi %scan3A_428, %scan3A_429 : i32
      %scan3A_431 = arith.constant 4 : i32
      scf.for %scan3A_564 = %scan3A_428 to %scan3A_430 step %scan3A_431  : i32 {
        %mul3A_565 = arith.constant 1 : i32
        %mul3A_566 = arith.muli %scan3A_564, %mul3A_565 : i32
        %add3A_567 = arith.constant 0 : i32
        %add3A_568 = arith.addi %add3A_567, %mul3A_566 : i32
        %broadcast_in_dim3A_569 = vector.broadcast %add3A_568 : i32 to vector<16xi32>
        %gather3A = tpu.vector_load_idx %arg12[%broadcast_in_dim3A_569] : memref<128xf32, #tpu.memory_space<vmem>>[vector<16xi32>], vector<16xf32>,
        %get3A_570 = arith.index_cast %add3A_568 : i32 to index
        %get3A_571 = arith.constant 0 : index
        %get3A_572 = tpu.vector_load %arg20[%get3A_570, %get3A_571] {strides = array<i32>} : memref<128x128xf32, #tpu.memory_space<vmem>>, vector<16xf32>,
        %mul3A_573 = arith.mulf %get3A_572, %gather3A : vector<16xf32>
        %swap3A_574 = arith.index_cast %add3A_568 : i32 to index
        %swap3A_575 = arith.constant 0 : index
        %swap3A_576 = tpu.vector_load %arg20[%swap3A_574, %swap3A_575] {strides = array<i32>} : memref<128x128xf32, #tpu.memory_space<vmem>>, vector<16xf32>,
        tpu.vector_store %arg20[%swap3A_574, %swap3A_575], %mul3A_573 {strides = array<i32>} : memref<128x128xf32, #tpu.memory_space<vmem>>, vector<16xf32>,
        %get3A_577 = arith.index_cast %add3A_568 : i32 to index
        %get3A_578 = arith.constant 16 : index
        %get3A_579 = tpu.vector_load %arg20[%get3A_577, %get3A_578] {strides = array<i32>} : memref<128x128xf32, #tpu.memory_space<vmem>>, vector<16xf32>,
        %mul3A_580 = arith.mulf %get3A_579, %gather3A : vector<16xf32>
        %swap3A_581 = arith.index_cast %add3A_568 : i32 to index
        %swap3A_582 = arith.constant 16 : index
        %swap3A_583 = tpu.vector_load %arg20[%swap3A_581, %swap3A_582] {strides = array<i32>} : memref<128x128xf32, #tpu.memory_space<vmem>>, vector<16xf32>,
        tpu.vector_store %arg20[%swap3A_581, %swap3A_582], %mul3A_580 {strides = array<i32>} : memref<128x128xf32, #tpu.memory_space<vmem>>, vector<16xf32>,
        %get3A_584 = arith.index_cast %add3A_568 : i32 to index
        %get3A_585 = arith.constant 32 : index
        %get3A_586 = tpu.vector_load %arg20[%get3A_584, %get3A_585] {strides = array<i32>} : memref<128x128xf32, #tpu.memory_space<vmem>>, vector<16xf32>,
        %mul3A_587 = arith.mulf %get3A_586, %gather3A : vector<16xf32>
        %swap3A_588 = arith.index_cast %add3A_568 : i32 to index
        %swap3A_589 = arith.constant 32 : index
        %swap3A_590 = tpu.vector_load %arg20[%swap3A_588, %swap3A_589] {strides = array<i32>} : memref<128x128xf32, #tpu.memory_space<vmem>>, vector<16xf32>,
        tpu.vector_store %arg20[%swap3A_588, %swap3A_589], %mul3A_587 {strides = array<i32>} : memref<128x128xf32, #tpu.memory_space<vmem>>, vector<16xf32>,
        %get3A_591 = arith.index_cast %add3A_568 : i32 to index
        %get3A_592 = arith.constant 48 : index
        %get3A_593 = tpu.vector_load %arg20[%get3A_591, %get3A_592] {strides = array<i32>} : memref<128x128xf32, #tpu.memory_space<vmem>>, vector<16xf32>,
        %mul3A_594 = arith.mulf %get3A_593, %gather3A : vector<16xf32>
        %swap3A_595 = arith.index_cast %add3A_568 : i32 to index
        %swap3A_596 = arith.constant 48 : index
        %swap3A_597 = tpu.vector_load %arg20[%swap3A_595, %swap3A_596] {strides = array<i32>} : memref<128x128xf32, #tpu.memory_space<vmem>>, vector<16xf32>,
        tpu.vector_store %arg20[%swap3A_595, %swap3A_596], %mul3A_594 {strides = array<i32>} : memref<128x128xf32, #tpu.memory_space<vmem>>, vector<16xf32>,
        %get3A_598 = arith.index_cast %add3A_568 : i32 to index
        %get3A_599 = arith.constant 64 : index
        %get3A_600 = tpu.vector_load %arg20[%get3A_598, %get3A_599] {strides = array<i32>} : memref<128x128xf32, #tpu.memory_space<vmem>>, vector<16xf32>,
        %mul3A_601 = arith.mulf %get3A_600, %gather3A : vector<16xf32>
        %swap3A_602 = arith.index_cast %add3A_568 : i32 to index
        %swap3A_603 = arith.constant 64 : index
        %swap3A_604 = tpu.vector_load %arg20[%swap3A_602, %swap3A_603] {strides = array<i32>} : memref<128x128xf32, #tpu.memory_space<vmem>>, vector<16xf32>,
        tpu.vector_store %arg20[%swap3A_602, %swap3A_603], %mul3A_601 {strides = array<i32>} : memref<128x128xf32, #tpu.memory_space<vmem>>, vector<16xf32>,
        %get3A_605 = arith.index_cast %add3A_568 : i32 to index
        %get3A_606 = arith.constant 80 : index
        %get3A_607 = tpu.vector_load %arg20[%get3A_605, %get3A_606] {strides = array<i32>} : memref<128x128xf32, #tpu.memory_space<vmem>>, vector<16xf32>,
        %mul3A_608 = arith.mulf %get3A_607, %gather3A : vector<16xf32>
        %swap3A_609 = arith.index_cast %add3A_568 : i32 to index
        %swap3A_610 = arith.constant 80 : index
        %swap3A_611 = tpu.vector_load %arg20[%swap3A_609, %swap3A_610] {strides = array<i32>} : memref<128x128xf32, #tpu.memory_space<vmem>>, vector<16xf32>,
        tpu.vector_store %arg20[%swap3A_609, %swap3A_610], %mul3A_608 {strides = array<i32>} : memref<128x128xf32, #tpu.memory_space<vmem>>, vector<16xf32>,
        %get3A_612 = arith.index_cast %add3A_568 : i32 to index
        %get3A_613 = arith.constant 96 : index
        %get3A_614 = tpu.vector_load %arg20[%get3A_612, %get3A_613] {strides = array<i32>} : memref<128x128xf32, #tpu.memory_space<vmem>>, vector<16xf32>,
        %mul3A_615 = arith.mulf %get3A_614, %gather3A : vector<16xf32>
        %swap3A_616 = arith.index_cast %add3A_568 : i32 to index
        %swap3A_617 = arith.constant 96 : index
        %swap3A_618 = tpu.vector_load %arg20[%swap3A_616, %swap3A_617] {strides = array<i32>} : memref<128x128xf32, #tpu.memory_space<vmem>>, vector<16xf32>,
        tpu.vector_store %arg20[%swap3A_616, %swap3A_617], %mul3A_615 {strides = array<i32>} : memref<128x128xf32, #tpu.memory_space<vmem>>, vector<16xf32>,
        %get3A_619 = arith.index_cast %add3A_568 : i32 to index
        %get3A_620 = arith.constant 112 : index
        %get3A_621 = tpu.vector_load %arg20[%get3A_619, %get3A_620] {strides = array<i32>} : memref<128x128xf32, #tpu.memory_space<vmem>>, vector<16xf32>,
        %mul3A_622 = arith.mulf %get3A_621, %gather3A : vector<16xf32>
        %swap3A_623 = arith.index_cast %add3A_568 : i32 to index
        %swap3A_624 = arith.constant 112 : index
        %swap3A_625 = tpu.vector_load %arg20[%swap3A_623, %swap3A_624] {strides = array<i32>} : memref<128x128xf32, #tpu.memory_space<vmem>>, vector<16xf32>,
        tpu.vector_store %arg20[%swap3A_623, %swap3A_624], %mul3A_622 {strides = array<i32>} : memref<128x128xf32, #tpu.memory_space<vmem>>, vector<16xf32>,
        %scan3A_626 = arith.constant 1 : i32
        %scan3A_627 = arith.addi %scan3A_564, %scan3A_626 : i32
        %mul3A_628 = arith.constant 1 : i32
        %mul3A_629 = arith.muli %scan3A_627, %mul3A_628 : i32
        %add3A_630 = arith.constant 0 : i32
        %add3A_631 = arith.addi %add3A_630, %mul3A_629 : i32
        %broadcast_in_dim3A_632 = vector.broadcast %add3A_631 : i32 to vector<16xi32>
        %gather3A_633 = tpu.vector_load_idx %arg12[%broadcast_in_dim3A_632] : memref<128xf32, #tpu.memory_space<vmem>>[vector<16xi32>], vector<16xf32>,
        %get3A_634 = arith.index_cast %add3A_631 : i32 to index
        %get3A_635 = arith.constant 0 : index
        %get3A_636 = tpu.vector_load %arg20[%get3A_634, %get3A_635] {strides = array<i32>} : memref<128x128xf32, #tpu.memory_space<vmem>>, vector<16xf32>,
        %mul3A_637 = arith.mulf %get3A_636, %gather3A_633 : vector<16xf32>
        %swap3A_638 = arith.index_cast %add3A_631 : i32 to index
        %swap3A_639 = arith.constant 0 : index
        %swap3A_640 = tpu.vector_load %arg20[%swap3A_638, %swap3A_639] {strides = array<i32>} : memref<128x128xf32, #tpu.memory_space<vmem>>, vector<16xf32>,
        tpu.vector_store %arg20[%swap3A_638, %swap3A_639], %mul3A_637 {strides = array<i32>} : memref<128x128xf32, #tpu.memory_space<vmem>>, vector<16xf32>,
        %get3A_641 = arith.index_cast %add3A_631 : i32 to index
        %get3A_642 = arith.constant 16 : index
        %get3A_643 = tpu.vector_load %arg20[%get3A_641, %get3A_642] {strides = array<i32>} : memref<128x128xf32, #tpu.memory_space<vmem>>, vector<16xf32>,
        %mul3A_644 = arith.mulf %get3A_643, %gather3A_633 : vector<16xf32>
        %swap3A_645 = arith.index_cast %add3A_631 : i32 to index
        %swap3A_646 = arith.constant 16 : index
        %swap3A_647 = tpu.vector_load %arg20[%swap3A_645, %swap3A_646] {strides = array<i32>} : memref<128x128xf32, #tpu.memory_space<vmem>>, vector<16xf32>,
        tpu.vector_store %arg20[%swap3A_645, %swap3A_646], %mul3A_644 {strides = array<i32>} : memref<128x128xf32, #tpu.memory_space<vmem>>, vector<16xf32>,
        %get3A_648 = arith.index_cast %add3A_631 : i32 to index
        %get3A_649 = arith.constant 32 : index
        %get3A_650 = tpu.vector_load %arg20[%get3A_648, %get3A_649] {strides = array<i32>} : memref<128x128xf32, #tpu.memory_space<vmem>>, vector<16xf32>,
        %mul3A_651 = arith.mulf %get3A_650, %gather3A_633 : vector<16xf32>
        %swap3A_652 = arith.index_cast %add3A_631 : i32 to index
        %swap3A_653 = arith.constant 32 : index
        %swap3A_654 = tpu.vector_load %arg20[%swap3A_652, %swap3A_653] {strides = array<i32>} : memref<128x128xf32, #tpu.memory_space<vmem>>, vector<16xf32>,
        tpu.vector_store %arg20[%swap3A_652, %swap3A_653], %mul3A_651 {strides = array<i32>} : memref<128x128xf32, #tpu.memory_space<vmem>>, vector<16xf32>,
        %get3A_655 = arith.index_cast %add3A_631 : i32 to index
        %get3A_656 = arith.constant 48 : index
        %get3A_657 = tpu.vector_load %arg20[%get3A_655, %get3A_656] {strides = array<i32>} : memref<128x128xf32, #tpu.memory_space<vmem>>, vector<16xf32>,
        %mul3A_658 = arith.mulf %get3A_657, %gather3A_633 : vector<16xf32>
        %swap3A_659 = arith.index_cast %add3A_631 : i32 to index
        %swap3A_660 = arith.constant 48 : index
        %swap3A_661 = tpu.vector_load %arg20[%swap3A_659, %swap3A_660] {strides = array<i32>} : memref<128x128xf32, #tpu.memory_space<vmem>>, vector<16xf32>,
        tpu.vector_store %arg20[%swap3A_659, %swap3A_660], %mul3A_658 {strides = array<i32>} : memref<128x128xf32, #tpu.memory_space<vmem>>, vector<16xf32>,
        %get3A_662 = arith.index_cast %add3A_631 : i32 to index
        %get3A_663 = arith.constant 64 : index
        %get3A_664 = tpu.vector_load %arg20[%get3A_662, %get3A_663] {strides = array<i32>} : memref<128x128xf32, #tpu.memory_space<vmem>>, vector<16xf32>,
        %mul3A_665 = arith.mulf %get3A_664, %gather3A_633 : vector<16xf32>
        %swap3A_666 = arith.index_cast %add3A_631 : i32 to index
        %swap3A_667 = arith.constant 64 : index
        %swap3A_668 = tpu.vector_load %arg20[%swap3A_666, %swap3A_667] {strides = array<i32>} : memref<128x128xf32, #tpu.memory_space<vmem>>, vector<16xf32>,
        tpu.vector_store %arg20[%swap3A_666, %swap3A_667], %mul3A_665 {strides = array<i32>} : memref<128x128xf32, #tpu.memory_space<vmem>>, vector<16xf32>,
        %get3A_669 = arith.index_cast %add3A_631 : i32 to index
        %get3A_670 = arith.constant 80 : index
        %get3A_671 = tpu.vector_load %arg20[%get3A_669, %get3A_670] {strides = array<i32>} : memref<128x128xf32, #tpu.memory_space<vmem>>, vector<16xf32>,
        %mul3A_672 = arith.mulf %get3A_671, %gather3A_633 : vector<16xf32>
        %swap3A_673 = arith.index_cast %add3A_631 : i32 to index
        %swap3A_674 = arith.constant 80 : index
        %swap3A_675 = tpu.vector_load %arg20[%swap3A_673, %swap3A_674] {strides = array<i32>} : memref<128x128xf32, #tpu.memory_space<vmem>>, vector<16xf32>,
        tpu.vector_store %arg20[%swap3A_673, %swap3A_674], %mul3A_672 {strides = array<i32>} : memref<128x128xf32, #tpu.memory_space<vmem>>, vector<16xf32>,
        %get3A_676 = arith.index_cast %add3A_631 : i32 to index
        %get3A_677 = arith.constant 96 : index
        %get3A_678 = tpu.vector_load %arg20[%get3A_676, %get3A_677] {strides = array<i32>} : memref<128x128xf32, #tpu.memory_space<vmem>>, vector<16xf32>,
        %mul3A_679 = arith.mulf %get3A_678, %gather3A_633 : vector<16xf32>
        %swap3A_680 = arith.index_cast %add3A_631 : i32 to index
        %swap3A_681 = arith.constant 96 : index
        %swap3A_682 = tpu.vector_load %arg20[%swap3A_680, %swap3A_681] {strides = array<i32>} : memref<128x128xf32, #tpu.memory_space<vmem>>, vector<16xf32>,
        tpu.vector_store %arg20[%swap3A_680, %swap3A_681], %mul3A_679 {strides = array<i32>} : memref<128x128xf32, #tpu.memory_space<vmem>>, vector<16xf32>,
        %get3A_683 = arith.index_cast %add3A_631 : i32 to index
        %get3A_684 = arith.constant 112 : index
        %get3A_685 = tpu.vector_load %arg20[%get3A_683, %get3A_684] {strides = array<i32>} : memref<128x128xf32, #tpu.memory_space<vmem>>, vector<16xf32>,
        %mul3A_686 = arith.mulf %get3A_685, %gather3A_633 : vector<16xf32>
        %swap3A_687 = arith.index_cast %add3A_631 : i32 to index
        %swap3A_688 = arith.constant 112 : index
        %swap3A_689 = tpu.vector_load %arg20[%swap3A_687, %swap3A_688] {strides = array<i32>} : memref<128x128xf32, #tpu.memory_space<vmem>>, vector<16xf32>,
        tpu.vector_store %arg20[%swap3A_687, %swap3A_688], %mul3A_686 {strides = array<i32>} : memref<128x128xf32, #tpu.memory_space<vmem>>, vector<16xf32>,
        %scan3A_690 = arith.constant 2 : i32
        %scan3A_691 = arith.addi %scan3A_564, %scan3A_690 : i32
        %mul3A_692 = arith.constant 1 : i32
        %mul3A_693 = arith.muli %scan3A_691, %mul3A_692 : i32
        %add3A_694 = arith.constant 0 : i32
        %add3A_695 = arith.addi %add3A_694, %mul3A_693 : i32
        %broadcast_in_dim3A_696 = vector.broadcast %add3A_695 : i32 to vector<16xi32>
        %gather3A_697 = tpu.vector_load_idx %arg12[%broadcast_in_dim3A_696] : memref<128xf32, #tpu.memory_space<vmem>>[vector<16xi32>], vector<16xf32>,
        %get3A_698 = arith.index_cast %add3A_695 : i32 to index
        %get3A_699 = arith.constant 0 : index
        %get3A_700 = tpu.vector_load %arg20[%get3A_698, %get3A_699] {strides = array<i32>} : memref<128x128xf32, #tpu.memory_space<vmem>>, vector<16xf32>,
        %mul3A_701 = arith.mulf %get3A_700, %gather3A_697 : vector<16xf32>
        %swap3A_702 = arith.index_cast %add3A_695 : i32 to index
        %swap3A_703 = arith.constant 0 : index
        %swap3A_704 = tpu.vector_load %arg20[%swap3A_702, %swap3A_703] {strides = array<i32>} : memref<128x128xf32, #tpu.memory_space<vmem>>, vector<16xf32>,
        tpu.vector_store %arg20[%swap3A_702, %swap3A_703], %mul3A_701 {strides = array<i32>} : memref<128x128xf32, #tpu.memory_space<vmem>>, vector<16xf32>,
        %get3A_705 = arith.index_cast %add3A_695 : i32 to index
        %get3A_706 = arith.constant 16 : index
        %get3A_707 = tpu.vector_load %arg20[%get3A_705, %get3A_706] {strides = array<i32>} : memref<128x128xf32, #tpu.memory_space<vmem>>, vector<16xf32>,
        %mul3A_708 = arith.mulf %get3A_707, %gather3A_697 : vector<16xf32>
        %swap3A_709 = arith.index_cast %add3A_695 : i32 to index
        %swap3A_710 = arith.constant 16 : index
        %swap3A_711 = tpu.vector_load %arg20[%swap3A_709, %swap3A_710] {strides = array<i32>} : memref<128x128xf32, #tpu.memory_space<vmem>>, vector<16xf32>,
        tpu.vector_store %arg20[%swap3A_709, %swap3A_710], %mul3A_708 {strides = array<i32>} : memref<128x128xf32, #tpu.memory_space<vmem>>, vector<16xf32>,
        %get3A_712 = arith.index_cast %add3A_695 : i32 to index
        %get3A_713 = arith.constant 32 : index
        %get3A_714 = tpu.vector_load %arg20[%get3A_712, %get3A_713] {strides = array<i32>} : memref<128x128xf32, #tpu.memory_space<vmem>>, vector<16xf32>,
        %mul3A_715 = arith.mulf %get3A_714, %gather3A_697 : vector<16xf32>
        %swap3A_716 = arith.index_cast %add3A_695 : i32 to index
        %swap3A_717 = arith.constant 32 : index
        %swap3A_718 = tpu.vector_load %arg20[%swap3A_716, %swap3A_717] {strides = array<i32>} : memref<128x128xf32, #tpu.memory_space<vmem>>, vector<16xf32>,
        tpu.vector_store %arg20[%swap3A_716, %swap3A_717], %mul3A_715 {strides = array<i32>} : memref<128x128xf32, #tpu.memory_space<vmem>>, vector<16xf32>,
        %get3A_719 = arith.index_cast %add3A_695 : i32 to index
        %get3A_720 = arith.constant 48 : index
        %get3A_721 = tpu.vector_load %arg20[%get3A_719, %get3A_720] {strides = array<i32>} : memref<128x128xf32, #tpu.memory_space<vmem>>, vector<16xf32>,
        %mul3A_722 = arith.mulf %get3A_721, %gather3A_697 : vector<16xf32>
        %swap3A_723 = arith.index_cast %add3A_695 : i32 to index
        %swap3A_724 = arith.constant 48 : index
        %swap3A_725 = tpu.vector_load %arg20[%swap3A_723, %swap3A_724] {strides = array<i32>} : memref<128x128xf32, #tpu.memory_space<vmem>>, vector<16xf32>,
        tpu.vector_store %arg20[%swap3A_723, %swap3A_724], %mul3A_722 {strides = array<i32>} : memref<128x128xf32, #tpu.memory_space<vmem>>, vector<16xf32>,
        %get3A_726 = arith.index_cast %add3A_695 : i32 to index
        %get3A_727 = arith.constant 64 : index
        %get3A_728 = tpu.vector_load %arg20[%get3A_726, %get3A_727] {strides = array<i32>} : memref<128x128xf32, #tpu.memory_space<vmem>>, vector<16xf32>,
        %mul3A_729 = arith.mulf %get3A_728, %gather3A_697 : vector<16xf32>
        %swap3A_730 = arith.index_cast %add3A_695 : i32 to index
        %swap3A_731 = arith.constant 64 : index
        %swap3A_732 = tpu.vector_load %arg20[%swap3A_730, %swap3A_731] {strides = array<i32>} : memref<128x128xf32, #tpu.memory_space<vmem>>, vector<16xf32>,
        tpu.vector_store %arg20[%swap3A_730, %swap3A_731], %mul3A_729 {strides = array<i32>} : memref<128x128xf32, #tpu.memory_space<vmem>>, vector<16xf32>,
        %get3A_733 = arith.index_cast %add3A_695 : i32 to index
        %get3A_734 = arith.constant 80 : index
        %get3A_735 = tpu.vector_load %arg20[%get3A_733, %get3A_734] {strides = array<i32>} : memref<128x128xf32, #tpu.memory_space<vmem>>, vector<16xf32>,
        %mul3A_736 = arith.mulf %get3A_735, %gather3A_697 : vector<16xf32>
        %swap3A_737 = arith.index_cast %add3A_695 : i32 to index
        %swap3A_738 = arith.constant 80 : index
        %swap3A_739 = tpu.vector_load %arg20[%swap3A_737, %swap3A_738] {strides = array<i32>} : memref<128x128xf32, #tpu.memory_space<vmem>>, vector<16xf32>,
        tpu.vector_store %arg20[%swap3A_737, %swap3A_738], %mul3A_736 {strides = array<i32>} : memref<128x128xf32, #tpu.memory_space<vmem>>, vector<16xf32>,
        %get3A_740 = arith.index_cast %add3A_695 : i32 to index
        %get3A_741 = arith.constant 96 : index
        %get3A_742 = tpu.vector_load %arg20[%get3A_740, %get3A_741] {strides = array<i32>} : memref<128x128xf32, #tpu.memory_space<vmem>>, vector<16xf32>,
        %mul3A_743 = arith.mulf %get3A_742, %gather3A_697 : vector<16xf32>
        %swap3A_744 = arith.index_cast %add3A_695 : i32 to index
        %swap3A_745 = arith.constant 96 : index
        %swap3A_746 = tpu.vector_load %arg20[%swap3A_744, %swap3A_745] {strides = array<i32>} : memref<128x128xf32, #tpu.memory_space<vmem>>, vector<16xf32>,
        tpu.vector_store %arg20[%swap3A_744, %swap3A_745], %mul3A_743 {strides = array<i32>} : memref<128x128xf32, #tpu.memory_space<vmem>>, vector<16xf32>,
        %get3A_747 = arith.index_cast %add3A_695 : i32 to index
        %get3A_748 = arith.constant 112 : index
        %get3A_749 = tpu.vector_load %arg20[%get3A_747, %get3A_748] {strides = array<i32>} : memref<128x128xf32, #tpu.memory_space<vmem>>, vector<16xf32>,
        %mul3A_750 = arith.mulf %get3A_749, %gather3A_697 : vector<16xf32>
        %swap3A_751 = arith.index_cast %add3A_695 : i32 to index
        %swap3A_752 = arith.constant 112 : index
        %swap3A_753 = tpu.vector_load %arg20[%swap3A_751, %swap3A_752] {strides = array<i32>} : memref<128x128xf32, #tpu.memory_space<vmem>>, vector<16xf32>,
        tpu.vector_store %arg20[%swap3A_751, %swap3A_752], %mul3A_750 {strides = array<i32>} : memref<128x128xf32, #tpu.memory_space<vmem>>, vector<16xf32>,
        %scan3A_754 = arith.constant 3 : i32
        %scan3A_755 = arith.addi %scan3A_564, %scan3A_754 : i32
        %mul3A_756 = arith.constant 1 : i32
        %mul3A_757 = arith.muli %scan3A_755, %mul3A_756 : i32
        %add3A_758 = arith.constant 0 : i32
        %add3A_759 = arith.addi %add3A_758, %mul3A_757 : i32
        %broadcast_in_dim3A_760 = vector.broadcast %add3A_759 : i32 to vector<16xi32>
        %gather3A_761 = tpu.vector_load_idx %arg12[%broadcast_in_dim3A_760] : memref<128xf32, #tpu.memory_space<vmem>>[vector<16xi32>], vector<16xf32>,
        %get3A_762 = arith.index_cast %add3A_759 : i32 to index
        %get3A_763 = arith.constant 0 : index
        %get3A_764 = tpu.vector_load %arg20[%get3A_762, %get3A_763] {strides = array<i32>} : memref<128x128xf32, #tpu.memory_space<vmem>>, vector<16xf32>,
        %mul3A_765 = arith.mulf %get3A_764, %gather3A_761 : vector<16xf32>
        %swap3A_766 = arith.index_cast %add3A_759 : i32 to index
        %swap3A_767 = arith.constant 0 : index
        %swap3A_768 = tpu.vector_load %arg20[%swap3A_766, %swap3A_767] {strides = array<i32>} : memref<128x128xf32, #tpu.memory_space<vmem>>, vector<16xf32>,
        tpu.vector_store %arg20[%swap3A_766, %swap3A_767], %mul3A_765 {strides = array<i32>} : memref<128x128xf32, #tpu.memory_space<vmem>>, vector<16xf32>,
        %get3A_769 = arith.index_cast %add3A_759 : i32 to index
        %get3A_770 = arith.constant 16 : index
        %get3A_771 = tpu.vector_load %arg20[%get3A_769, %get3A_770] {strides = array<i32>} : memref<128x128xf32, #tpu.memory_space<vmem>>, vector<16xf32>,
        %mul3A_772 = arith.mulf %get3A_771, %gather3A_761 : vector<16xf32>
        %swap3A_773 = arith.index_cast %add3A_759 : i32 to index
        %swap3A_774 = arith.constant 16 : index
        %swap3A_775 = tpu.vector_load %arg20[%swap3A_773, %swap3A_774] {strides = array<i32>} : memref<128x128xf32, #tpu.memory_space<vmem>>, vector<16xf32>,
        tpu.vector_store %arg20[%swap3A_773, %swap3A_774], %mul3A_772 {strides = array<i32>} : memref<128x128xf32, #tpu.memory_space<vmem>>, vector<16xf32>,
        %get3A_776 = arith.index_cast %add3A_759 : i32 to index
        %get3A_777 = arith.constant 32 : index
        %get3A_778 = tpu.vector_load %arg20[%get3A_776, %get3A_777] {strides = array<i32>} : memref<128x128xf32, #tpu.memory_space<vmem>>, vector<16xf32>,
        %mul3A_779 = arith.mulf %get3A_778, %gather3A_761 : vector<16xf32>
        %swap3A_780 = arith.index_cast %add3A_759 : i32 to index
        %swap3A_781 = arith.constant 32 : index
        %swap3A_782 = tpu.vector_load %arg20[%swap3A_780, %swap3A_781] {strides = array<i32>} : memref<128x128xf32, #tpu.memory_space<vmem>>, vector<16xf32>,
        tpu.vector_store %arg20[%swap3A_780, %swap3A_781], %mul3A_779 {strides = array<i32>} : memref<128x128xf32, #tpu.memory_space<vmem>>, vector<16xf32>,
        %get3A_783 = arith.index_cast %add3A_759 : i32 to index
        %get3A_784 = arith.constant 48 : index
        %get3A_785 = tpu.vector_load %arg20[%get3A_783, %get3A_784] {strides = array<i32>} : memref<128x128xf32, #tpu.memory_space<vmem>>, vector<16xf32>,
        %mul3A_786 = arith.mulf %get3A_785, %gather3A_761 : vector<16xf32>
        %swap3A_787 = arith.index_cast %add3A_759 : i32 to index
        %swap3A_788 = arith.constant 48 : index
        %swap3A_789 = tpu.vector_load %arg20[%swap3A_787, %swap3A_788] {strides = array<i32>} : memref<128x128xf32, #tpu.memory_space<vmem>>, vector<16xf32>,
        tpu.vector_store %arg20[%swap3A_787, %swap3A_788], %mul3A_786 {strides = array<i32>} : memref<128x128xf32, #tpu.memory_space<vmem>>, vector<16xf32>,
        %get3A_790 = arith.index_cast %add3A_759 : i32 to index
        %get3A_791 = arith.constant 64 : index
        %get3A_792 = tpu.vector_load %arg20[%get3A_790, %get3A_791] {strides = array<i32>} : memref<128x128xf32, #tpu.memory_space<vmem>>, vector<16xf32>,
        %mul3A_793 = arith.mulf %get3A_792, %gather3A_761 : vector<16xf32>
        %swap3A_794 = arith.index_cast %add3A_759 : i32 to index
        %swap3A_795 = arith.constant 64 : index
        %swap3A_796 = tpu.vector_load %arg20[%swap3A_794, %swap3A_795] {strides = array<i32>} : memref<128x128xf32, #tpu.memory_space<vmem>>, vector<16xf32>,
        tpu.vector_store %arg20[%swap3A_794, %swap3A_795], %mul3A_793 {strides = array<i32>} : memref<128x128xf32, #tpu.memory_space<vmem>>, vector<16xf32>,
        %get3A_797 = arith.index_cast %add3A_759 : i32 to index
        %get3A_798 = arith.constant 80 : index
        %get3A_799 = tpu.vector_load %arg20[%get3A_797, %get3A_798] {strides = array<i32>} : memref<128x128xf32, #tpu.memory_space<vmem>>, vector<16xf32>,
        %mul3A_800 = arith.mulf %get3A_799, %gather3A_761 : vector<16xf32>
        %swap3A_801 = arith.index_cast %add3A_759 : i32 to index
        %swap3A_802 = arith.constant 80 : index
        %swap3A_803 = tpu.vector_load %arg20[%swap3A_801, %swap3A_802] {strides = array<i32>} : memref<128x128xf32, #tpu.memory_space<vmem>>, vector<16xf32>,
        tpu.vector_store %arg20[%swap3A_801, %swap3A_802], %mul3A_800 {strides = array<i32>} : memref<128x128xf32, #tpu.memory_space<vmem>>, vector<16xf32>,
        %get3A_804 = arith.index_cast %add3A_759 : i32 to index
        %get3A_805 = arith.constant 96 : index
        %get3A_806 = tpu.vector_load %arg20[%get3A_804, %get3A_805] {strides = array<i32>} : memref<128x128xf32, #tpu.memory_space<vmem>>, vector<16xf32>,
        %mul3A_807 = arith.mulf %get3A_806, %gather3A_761 : vector<16xf32>
        %swap3A_808 = arith.index_cast %add3A_759 : i32 to index
        %swap3A_809 = arith.constant 96 : index
        %swap3A_810 = tpu.vector_load %arg20[%swap3A_808, %swap3A_809] {strides = array<i32>} : memref<128x128xf32, #tpu.memory_space<vmem>>, vector<16xf32>,
        tpu.vector_store %arg20[%swap3A_808, %swap3A_809], %mul3A_807 {strides = array<i32>} : memref<128x128xf32, #tpu.memory_space<vmem>>, vector<16xf32>,
        %get3A_811 = arith.index_cast %add3A_759 : i32 to index
        %get3A_812 = arith.constant 112 : index
        %get3A_813 = tpu.vector_load %arg20[%get3A_811, %get3A_812] {strides = array<i32>} : memref<128x128xf32, #tpu.memory_space<vmem>>, vector<16xf32>,
        %mul3A_814 = arith.mulf %get3A_813, %gather3A_761 : vector<16xf32>
        %swap3A_815 = arith.index_cast %add3A_759 : i32 to index
        %swap3A_816 = arith.constant 112 : index
        %swap3A_817 = tpu.vector_load %arg20[%swap3A_815, %swap3A_816] {strides = array<i32>} : memref<128x128xf32, #tpu.memory_space<vmem>>, vector<16xf32>,
        tpu.vector_store %arg20[%swap3A_815, %swap3A_816], %mul3A_814 {strides = array<i32>} : memref<128x128xf32, #tpu.memory_space<vmem>>, vector<16xf32>,
      }
      %scan3A_432 = arith.constant 128 : i32
      %dma_start3A_433 = arith.constant 0 : i32
      %dma_start3A_434 = arith.constant 0 : i32
      %dma_start3A_435 = tpu.memref_slice %arg17[%dma_start3A_433, %dma_start3A_434] : memref<1x128xi32, #tpu.memory_space<vmem>> -> memref<1x128xi32, #tpu.memory_space<vmem>>
      %dma_start3A_436 = tpu.memref_squeeze %dma_start3A_435 : memref<1x128xi32, #tpu.memory_space<vmem>> -> memref<128xi32, #tpu.memory_space<vmem>>
      %dma_start3A_437 = arith.constant 0 : i32
      %dma_start3A_438 = arith.constant 0 : i32
      %dma_start3A_439 = tpu.memref_slice %arg22[%dma_start3A_437, %dma_start3A_438] : memref<10000x128xf32, #tpu.memory_space<vmem_shared>> -> memref<10000x128xf32, #tpu.memory_space<vmem_shared>>
      tpu.enqueue_indirect_dma source(%arg20 : memref<128x128xf32, #tpu.memory_space<vmem>>) target(%dma_start3A_439 : memref<10000x128xf32, #tpu.memory_space<vmem_shared>>) offsets(%dma_start3A_436 : memref<128xi32, #tpu.memory_space<vmem>>) semaphore(%arg30 : memref<!tpu.dma_semaphore, #tpu.memory_space<semaphore_mem>>) {add = true}
      %mul3A_440 = arith.constant 3 : i32
      %mul3A_441 = arith.muli %mul3A_440, %add3A_194 : i32
      %add3A_442 = arith.constant 2 : i32
      %add3A_443 = arith.addi %mul3A_441, %add3A_442 : i32
      %dma_wait3A_444 = arith.constant 0 : i32
      %dma_wait3A_445 = arith.constant 0 : i32
      %dma_wait3A_446 = tpu.memref_slice %arg3[%dma_wait3A_444, %dma_wait3A_445] : memref<2500x128xi32, #tpu.memory_space<hbm>> -> memref<1x128xi32, #tpu.memory_space<hbm>>
      %dma_wait3A_447 = tpu.memref_squeeze %dma_wait3A_446 : memref<1x128xi32, #tpu.memory_space<hbm>> -> memref<128xi32, #tpu.memory_space<hbm>>
      %dma_wait3A_448 = arith.constant 0 : i32
      %dma_wait3A_449 = tpu.memref_slice %arg3[%dma_wait3A_444, %dma_wait3A_448] : memref<2500x128xi32, #tpu.memory_space<hbm>> -> memref<1x128xi32, #tpu.memory_space<hbm>>
      %dma_wait3A_450 = tpu.memref_squeeze %dma_wait3A_449 : memref<1x128xi32, #tpu.memory_space<hbm>> -> memref<128xi32, #tpu.memory_space<hbm>>
      tpu.wait_dma2 semaphore(%arg23 : memref<!tpu.dma_semaphore, #tpu.memory_space<semaphore_mem>>) src(%dma_wait3A_450 : memref<128xi32, #tpu.memory_space<hbm>>) dst(%arg7 : memref<128xi32, #tpu.memory_space<vmem>>)
      %dma_wait3A_451 = arith.constant 0 : i32
      %dma_wait3A_452 = arith.constant 0 : i32
      %dma_wait3A_453 = tpu.memref_slice %arg4[%dma_wait3A_451, %dma_wait3A_452] : memref<2500x128xi32, #tpu.memory_space<hbm>> -> memref<1x128xi32, #tpu.memory_space<hbm>>
      %dma_wait3A_454 = tpu.memref_squeeze %dma_wait3A_453 : memref<1x128xi32, #tpu.memory_space<hbm>> -> memref<128xi32, #tpu.memory_space<hbm>>
      %dma_wait3A_455 = arith.constant 0 : i32
      %dma_wait3A_456 = tpu.memref_slice %arg4[%dma_wait3A_451, %dma_wait3A_455] : memref<2500x128xi32, #tpu.memory_space<hbm>> -> memref<1x128xi32, #tpu.memory_space<hbm>>
      %dma_wait3A_457 = tpu.memref_squeeze %dma_wait3A_456 : memref<1x128xi32, #tpu.memory_space<hbm>> -> memref<128xi32, #tpu.memory_space<hbm>>
      tpu.wait_dma2 semaphore(%arg23 : memref<!tpu.dma_semaphore, #tpu.memory_space<semaphore_mem>>) src(%dma_wait3A_457 : memref<128xi32, #tpu.memory_space<hbm>>) dst(%arg8 : memref<128xi32, #tpu.memory_space<vmem>>)
      %dma_wait3A_458 = arith.constant 0 : i32
      %dma_wait3A_459 = arith.constant 0 : i32
      %dma_wait3A_460 = tpu.memref_slice %arg5[%dma_wait3A_458, %dma_wait3A_459] : memref<2560x128xf32, #tpu.memory_space<hbm>> -> memref<1x128xf32, #tpu.memory_space<hbm>>
      %dma_wait3A_461 = tpu.memref_squeeze %dma_wait3A_460 : memref<1x128xf32, #tpu.memory_space<hbm>> -> memref<128xf32, #tpu.memory_space<hbm>>
      %dma_wait3A_462 = arith.constant 0 : i32
      %dma_wait3A_463 = tpu.memref_slice %arg5[%dma_wait3A_458, %dma_wait3A_462] : memref<2560x128xf32, #tpu.memory_space<hbm>> -> memref<1x128xf32, #tpu.memory_space<hbm>>
      %dma_wait3A_464 = tpu.memref_squeeze %dma_wait3A_463 : memref<1x128xf32, #tpu.memory_space<hbm>> -> memref<128xf32, #tpu.memory_space<hbm>>
      tpu.wait_dma2 semaphore(%arg23 : memref<!tpu.dma_semaphore, #tpu.memory_space<semaphore_mem>>) src(%dma_wait3A_464 : memref<128xf32, #tpu.memory_space<hbm>>) dst(%arg9 : memref<128xf32, #tpu.memory_space<vmem>>)
      %ge3A_465 = arith.constant 2 : i32
      %ge3A_466 = arith.cmpi sge, %add3A_443, %ge3A_465 : i32
      %convert_element_type3A_467 = arith.extui %ge3A_466 : i1 to i32
      %cond3A_468 = arith.constant 0 : i32
      %cond3A_469 = arith.cmpi ne, %convert_element_type3A_467, %cond3A_468 : i32
      scf.if %cond3A_469 {
        %dma_wait3A_564 = arith.constant 0 : i32
        %dma_wait3A_565 = arith.constant 0 : i32
        %dma_wait3A_566 = tpu.memref_slice %arg16[%dma_wait3A_564, %dma_wait3A_565] : memref<1x128xi32, #tpu.memory_space<vmem>> -> memref<1x128xi32, #tpu.memory_space<vmem>>
        %dma_wait3A_567 = tpu.memref_squeeze %dma_wait3A_566 : memref<1x128xi32, #tpu.memory_space<vmem>> -> memref<128xi32, #tpu.memory_space<vmem>>
        %dma_wait3A_568 = arith.constant 0 : i32
        %dma_wait3A_569 = arith.constant 0 : i32
        %dma_wait3A_570 = tpu.memref_slice %arg22[%dma_wait3A_568, %dma_wait3A_569] : memref<10000x128xf32, #tpu.memory_space<vmem_shared>> -> memref<10000x128xf32, #tpu.memory_space<vmem_shared>>
        tpu.wait_indirect_dma semaphore(%arg29 : memref<!tpu.dma_semaphore, #tpu.memory_space<semaphore_mem>>) src(%arg19 : memref<128x128xf32, #tpu.memory_space<vmem>>) dst(%dma_wait3A_570 : memref<10000x128xf32, #tpu.memory_space<vmem_shared>>)
      } else {
      }
      %dma_start3A_470 = arith.constant 0 : i32
      %dma_start3A_471 = arith.constant 0 : i32
      %dma_start3A_472 = tpu.memref_slice %arg2[%dma_start3A_470, %dma_start3A_471] : memref<10000x128xf32, #tpu.memory_space<hbm>> -> memref<10000x128xf32, #tpu.memory_space<hbm>>
      tpu.enqueue_indirect_dma source(%dma_start3A_472 : memref<10000x128xf32, #tpu.memory_space<hbm>>) target(%arg19 : memref<128x128xf32, #tpu.memory_space<vmem>>) offsets(%arg7 : memref<128xi32, #tpu.memory_space<vmem>>) semaphore(%arg26 : memref<!tpu.dma_semaphore, #tpu.memory_space<semaphore_mem>>)
      %add3A_473 = arith.constant 2 : i32
      %add3A_474 = arith.addi %add3A_443, %add3A_473 : i32
      %min3A_475 = arith.constant 77 : i32
      %min3A_476 = arith.minsi %add3A_474, %min3A_475 : i32
      %add3A_477 = arith.addi %add3A_5, %min3A_476 : i32
      %mul3A_478 = arith.constant 80 : i32
      %mul3A_479 = arith.muli %add3A, %mul3A_478 : i32
      %min3A_480 = arith.constant 77 : i32
      %min3A_481 = arith.minsi %add3A_474, %min3A_480 : i32
      %add3A_482 = arith.addi %mul3A_479, %min3A_481 : i32
      %dma_start3A_483 = arith.constant 0 : i32
      %dma_start3A_484 = tpu.memref_slice %arg3[%add3A_477, %dma_start3A_483] : memref<2500x128xi32, #tpu.memory_space<hbm>> -> memref<1x128xi32, #tpu.memory_space<hbm>>
      %dma_start3A_485 = tpu.memref_squeeze %dma_start3A_484 : memref<1x128xi32, #tpu.memory_space<hbm>> -> memref<128xi32, #tpu.memory_space<hbm>>
      %dma_start3A_486 = arith.constant 0 : i32
      %dma_start3A_487 = tpu.memref_slice %arg3[%add3A_477, %dma_start3A_486] : memref<2500x128xi32, #tpu.memory_space<hbm>> -> memref<1x128xi32, #tpu.memory_space<hbm>>
      %dma_start3A_488 = tpu.memref_squeeze %dma_start3A_487 : memref<1x128xi32, #tpu.memory_space<hbm>> -> memref<128xi32, #tpu.memory_space<hbm>>
      tpu.enqueue_dma source(%dma_start3A_488 : memref<128xi32, #tpu.memory_space<hbm>>) target(%arg10 : memref<128xi32, #tpu.memory_space<vmem>>) target_semaphore(%arg24 : memref<!tpu.dma_semaphore, #tpu.memory_space<semaphore_mem>>)
      %dma_start3A_489 = arith.constant 0 : i32
      %dma_start3A_490 = tpu.memref_slice %arg4[%add3A_477, %dma_start3A_489] : memref<2500x128xi32, #tpu.memory_space<hbm>> -> memref<1x128xi32, #tpu.memory_space<hbm>>
      %dma_start3A_491 = tpu.memref_squeeze %dma_start3A_490 : memref<1x128xi32, #tpu.memory_space<hbm>> -> memref<128xi32, #tpu.memory_space<hbm>>
      %dma_start3A_492 = arith.constant 0 : i32
      %dma_start3A_493 = tpu.memref_slice %arg4[%add3A_477, %dma_start3A_492] : memref<2500x128xi32, #tpu.memory_space<hbm>> -> memref<1x128xi32, #tpu.memory_space<hbm>>
      %dma_start3A_494 = tpu.memref_squeeze %dma_start3A_493 : memref<1x128xi32, #tpu.memory_space<hbm>> -> memref<128xi32, #tpu.memory_space<hbm>>
      tpu.enqueue_dma source(%dma_start3A_494 : memref<128xi32, #tpu.memory_space<hbm>>) target(%arg11 : memref<128xi32, #tpu.memory_space<vmem>>) target_semaphore(%arg24 : memref<!tpu.dma_semaphore, #tpu.memory_space<semaphore_mem>>)
      %dma_start3A_495 = arith.constant 0 : i32
      %dma_start3A_496 = tpu.memref_slice %arg5[%add3A_482, %dma_start3A_495] : memref<2560x128xf32, #tpu.memory_space<hbm>> -> memref<1x128xf32, #tpu.memory_space<hbm>>
      %dma_start3A_497 = tpu.memref_squeeze %dma_start3A_496 : memref<1x128xf32, #tpu.memory_space<hbm>> -> memref<128xf32, #tpu.memory_space<hbm>>
      %dma_start3A_498 = arith.constant 0 : i32
      %dma_start3A_499 = tpu.memref_slice %arg5[%add3A_482, %dma_start3A_498] : memref<2560x128xf32, #tpu.memory_space<hbm>> -> memref<1x128xf32, #tpu.memory_space<hbm>>
      %dma_start3A_500 = tpu.memref_squeeze %dma_start3A_499 : memref<1x128xf32, #tpu.memory_space<hbm>> -> memref<128xf32, #tpu.memory_space<hbm>>
      tpu.enqueue_dma source(%dma_start3A_500 : memref<128xf32, #tpu.memory_space<hbm>>) target(%arg12 : memref<128xf32, #tpu.memory_space<vmem>>) target_semaphore(%arg24 : memref<!tpu.dma_semaphore, #tpu.memory_space<semaphore_mem>>)
      %dma_wait3A_501 = arith.constant 0 : i32
      %dma_wait3A_502 = arith.constant 0 : i32
      %dma_wait3A_503 = tpu.memref_slice %arg2[%dma_wait3A_501, %dma_wait3A_502] : memref<10000x128xf32, #tpu.memory_space<hbm>> -> memref<10000x128xf32, #tpu.memory_space<hbm>>
      tpu.wait_indirect_dma semaphore(%arg28 : memref<!tpu.dma_semaphore, #tpu.memory_space<semaphore_mem>>) src(%dma_wait3A_503 : memref<10000x128xf32, #tpu.memory_space<hbm>>) dst(%arg21 : memref<128x128xf32, #tpu.memory_space<vmem>>)
      %get3A_504 = arith.constant 0 : index
      %get3A_505 = tpu.vector_load %arg14[%get3A_504] {strides = array<i32>} : memref<128xi32, #tpu.memory_space<vmem>>, vector<16xi32>,
      %swap3A_506 = arith.constant 0 : i32
      %swap3A_507 = arith.index_cast %swap3A_506 : i32 to index
      %swap3A_508 = arith.constant 0 : index
      %swap3A_509 = tpu.vector_load %arg18[%swap3A_507, %swap3A_508] {strides = array<i32>} : memref<1x128xi32, #tpu.memory_space<vmem>>, vector<16xi32>,
      tpu.vector_store %arg18[%swap3A_507, %swap3A_508], %get3A_505 {strides = array<i32>} : memref<1x128xi32, #tpu.memory_space<vmem>>, vector<16xi32>,
      %get3A_510 = arith.constant 16 : index
      %get3A_511 = tpu.vector_load %arg14[%get3A_510] {strides = array<i32>} : memref<128xi32, #tpu.memory_space<vmem>>, vector<16xi32>,
      %swap3A_512 = arith.constant 0 : i32
      %swap3A_513 = arith.index_cast %swap3A_512 : i32 to index
      %swap3A_514 = arith.constant 16 : index
      %swap3A_515 = tpu.vector_load %arg18[%swap3A_513, %swap3A_514] {strides = array<i32>} : memref<1x128xi32, #tpu.memory_space<vmem>>, vector<16xi32>,
      tpu.vector_store %arg18[%swap3A_513, %swap3A_514], %get3A_511 {strides = array<i32>} : memref<1x128xi32, #tpu.memory_space<vmem>>, vector<16xi32>,
      %get3A_516 = arith.constant 32 : index
      %get3A_517 = tpu.vector_load %arg14[%get3A_516] {strides = array<i32>} : memref<128xi32, #tpu.memory_space<vmem>>, vector<16xi32>,
      %swap3A_518 = arith.constant 0 : i32
      %swap3A_519 = arith.index_cast %swap3A_518 : i32 to index
      %swap3A_520 = arith.constant 32 : index
      %swap3A_521 = tpu.vector_load %arg18[%swap3A_519, %swap3A_520] {strides = array<i32>} : memref<1x128xi32, #tpu.memory_space<vmem>>, vector<16xi32>,
      tpu.vector_store %arg18[%swap3A_519, %swap3A_520], %get3A_517 {strides = array<i32>} : memref<1x128xi32, #tpu.memory_space<vmem>>, vector<16xi32>,
      %get3A_522 = arith.constant 48 : index
      %get3A_523 = tpu.vector_load %arg14[%get3A_522] {strides = array<i32>} : memref<128xi32, #tpu.memory_space<vmem>>, vector<16xi32>,
      %swap3A_524 = arith.constant 0 : i32
      %swap3A_525 = arith.index_cast %swap3A_524 : i32 to index
      %swap3A_526 = arith.constant 48 : index
      %swap3A_527 = tpu.vector_load %arg18[%swap3A_525, %swap3A_526] {strides = array<i32>} : memref<1x128xi32, #tpu.memory_space<vmem>>, vector<16xi32>,
      tpu.vector_store %arg18[%swap3A_525, %swap3A_526], %get3A_523 {strides = array<i32>} : memref<1x128xi32, #tpu.memory_space<vmem>>, vector<16xi32>,
      %get3A_528 = arith.constant 64 : index
      %get3A_529 = tpu.vector_load %arg14[%get3A_528] {strides = array<i32>} : memref<128xi32, #tpu.memory_space<vmem>>, vector<16xi32>,
      %swap3A_530 = arith.constant 0 : i32
      %swap3A_531 = arith.index_cast %swap3A_530 : i32 to index
      %swap3A_532 = arith.constant 64 : index
      %swap3A_533 = tpu.vector_load %arg18[%swap3A_531, %swap3A_532] {strides = array<i32>} : memref<1x128xi32, #tpu.memory_space<vmem>>, vector<16xi32>,
      tpu.vector_store %arg18[%swap3A_531, %swap3A_532], %get3A_529 {strides = array<i32>} : memref<1x128xi32, #tpu.memory_space<vmem>>, vector<16xi32>,
      %get3A_534 = arith.constant 80 : index
      %get3A_535 = tpu.vector_load %arg14[%get3A_534] {strides = array<i32>} : memref<128xi32, #tpu.memory_space<vmem>>, vector<16xi32>,
      %swap3A_536 = arith.constant 0 : i32
      %swap3A_537 = arith.index_cast %swap3A_536 : i32 to index
      %swap3A_538 = arith.constant 80 : index
      %swap3A_539 = tpu.vector_load %arg18[%swap3A_537, %swap3A_538] {strides = array<i32>} : memref<1x128xi32, #tpu.memory_space<vmem>>, vector<16xi32>,
      tpu.vector_store %arg18[%swap3A_537, %swap3A_538], %get3A_535 {strides = array<i32>} : memref<1x128xi32, #tpu.memory_space<vmem>>, vector<16xi32>,
      %get3A_540 = arith.constant 96 : index
      %get3A_541 = tpu.vector_load %arg14[%get3A_540] {strides = array<i32>} : memref<128xi32, #tpu.memory_space<vmem>>, vector<16xi32>,
      %swap3A_542 = arith.constant 0 : i32
      %swap3A_543 = arith.index_cast %swap3A_542 : i32 to index
      %swap3A_544 = arith.constant 96 : index
      %swap3A_545 = tpu.vector_load %arg18[%swap3A_543, %swap3A_544] {strides = array<i32>} : memref<1x128xi32, #tpu.memory_space<vmem>>, vector<16xi32>,
      tpu.vector_store %arg18[%swap3A_543, %swap3A_544], %get3A_541 {strides = array<i32>} : memref<1x128xi32, #tpu.memory_space<vmem>>, vector<16xi32>,
      %get3A_546 = arith.constant 112 : index
      %get3A_547 = tpu.vector_load %arg14[%get3A_546] {strides = array<i32>} : memref<128xi32, #tpu.memory_space<vmem>>, vector<16xi32>,
      %swap3A_548 = arith.constant 0 : i32
      %swap3A_549 = arith.index_cast %swap3A_548 : i32 to index
      %swap3A_550 = arith.constant 112 : index
      %swap3A_551 = tpu.vector_load %arg18[%swap3A_549, %swap3A_550] {strides = array<i32>} : memref<1x128xi32, #tpu.memory_space<vmem>>, vector<16xi32>,
      tpu.vector_store %arg18[%swap3A_549, %swap3A_550], %get3A_547 {strides = array<i32>} : memref<1x128xi32, #tpu.memory_space<vmem>>, vector<16xi32>,
      %scan3A_552 = arith.constant 0 : i32
      %scan3A_553 = arith.constant 128 : i32
      %scan3A_554 = arith.addi %scan3A_552, %scan3A_553 : i32
      %scan3A_555 = arith.constant 4 : i32
      scf.for %scan3A_564 = %scan3A_552 to %scan3A_554 step %scan3A_555  : i32 {
        %mul3A_565 = arith.constant 1 : i32
        %mul3A_566 = arith.muli %scan3A_564, %mul3A_565 : i32
        %add3A_567 = arith.constant 0 : i32
        %add3A_568 = arith.addi %add3A_567, %mul3A_566 : i32
        %broadcast_in_dim3A_569 = vector.broadcast %add3A_568 : i32 to vector<16xi32>
        %gather3A = tpu.vector_load_idx %arg15[%broadcast_in_dim3A_569] : memref<128xf32, #tpu.memory_space<vmem>>[vector<16xi32>], vector<16xf32>,
        %get3A_570 = arith.index_cast %add3A_568 : i32 to index
        %get3A_571 = arith.constant 0 : index
        %get3A_572 = tpu.vector_load %arg21[%get3A_570, %get3A_571] {strides = array<i32>} : memref<128x128xf32, #tpu.memory_space<vmem>>, vector<16xf32>,
        %mul3A_573 = arith.mulf %get3A_572, %gather3A : vector<16xf32>
        %swap3A_574 = arith.index_cast %add3A_568 : i32 to index
        %swap3A_575 = arith.constant 0 : index
        %swap3A_576 = tpu.vector_load %arg21[%swap3A_574, %swap3A_575] {strides = array<i32>} : memref<128x128xf32, #tpu.memory_space<vmem>>, vector<16xf32>,
        tpu.vector_store %arg21[%swap3A_574, %swap3A_575], %mul3A_573 {strides = array<i32>} : memref<128x128xf32, #tpu.memory_space<vmem>>, vector<16xf32>,
        %get3A_577 = arith.index_cast %add3A_568 : i32 to index
        %get3A_578 = arith.constant 16 : index
        %get3A_579 = tpu.vector_load %arg21[%get3A_577, %get3A_578] {strides = array<i32>} : memref<128x128xf32, #tpu.memory_space<vmem>>, vector<16xf32>,
        %mul3A_580 = arith.mulf %get3A_579, %gather3A : vector<16xf32>
        %swap3A_581 = arith.index_cast %add3A_568 : i32 to index
        %swap3A_582 = arith.constant 16 : index
        %swap3A_583 = tpu.vector_load %arg21[%swap3A_581, %swap3A_582] {strides = array<i32>} : memref<128x128xf32, #tpu.memory_space<vmem>>, vector<16xf32>,
        tpu.vector_store %arg21[%swap3A_581, %swap3A_582], %mul3A_580 {strides = array<i32>} : memref<128x128xf32, #tpu.memory_space<vmem>>, vector<16xf32>,
        %get3A_584 = arith.index_cast %add3A_568 : i32 to index
        %get3A_585 = arith.constant 32 : index
        %get3A_586 = tpu.vector_load %arg21[%get3A_584, %get3A_585] {strides = array<i32>} : memref<128x128xf32, #tpu.memory_space<vmem>>, vector<16xf32>,
        %mul3A_587 = arith.mulf %get3A_586, %gather3A : vector<16xf32>
        %swap3A_588 = arith.index_cast %add3A_568 : i32 to index
        %swap3A_589 = arith.constant 32 : index
        %swap3A_590 = tpu.vector_load %arg21[%swap3A_588, %swap3A_589] {strides = array<i32>} : memref<128x128xf32, #tpu.memory_space<vmem>>, vector<16xf32>,
        tpu.vector_store %arg21[%swap3A_588, %swap3A_589], %mul3A_587 {strides = array<i32>} : memref<128x128xf32, #tpu.memory_space<vmem>>, vector<16xf32>,
        %get3A_591 = arith.index_cast %add3A_568 : i32 to index
        %get3A_592 = arith.constant 48 : index
        %get3A_593 = tpu.vector_load %arg21[%get3A_591, %get3A_592] {strides = array<i32>} : memref<128x128xf32, #tpu.memory_space<vmem>>, vector<16xf32>,
        %mul3A_594 = arith.mulf %get3A_593, %gather3A : vector<16xf32>
        %swap3A_595 = arith.index_cast %add3A_568 : i32 to index
        %swap3A_596 = arith.constant 48 : index
        %swap3A_597 = tpu.vector_load %arg21[%swap3A_595, %swap3A_596] {strides = array<i32>} : memref<128x128xf32, #tpu.memory_space<vmem>>, vector<16xf32>,
        tpu.vector_store %arg21[%swap3A_595, %swap3A_596], %mul3A_594 {strides = array<i32>} : memref<128x128xf32, #tpu.memory_space<vmem>>, vector<16xf32>,
        %get3A_598 = arith.index_cast %add3A_568 : i32 to index
        %get3A_599 = arith.constant 64 : index
        %get3A_600 = tpu.vector_load %arg21[%get3A_598, %get3A_599] {strides = array<i32>} : memref<128x128xf32, #tpu.memory_space<vmem>>, vector<16xf32>,
        %mul3A_601 = arith.mulf %get3A_600, %gather3A : vector<16xf32>
        %swap3A_602 = arith.index_cast %add3A_568 : i32 to index
        %swap3A_603 = arith.constant 64 : index
        %swap3A_604 = tpu.vector_load %arg21[%swap3A_602, %swap3A_603] {strides = array<i32>} : memref<128x128xf32, #tpu.memory_space<vmem>>, vector<16xf32>,
        tpu.vector_store %arg21[%swap3A_602, %swap3A_603], %mul3A_601 {strides = array<i32>} : memref<128x128xf32, #tpu.memory_space<vmem>>, vector<16xf32>,
        %get3A_605 = arith.index_cast %add3A_568 : i32 to index
        %get3A_606 = arith.constant 80 : index
        %get3A_607 = tpu.vector_load %arg21[%get3A_605, %get3A_606] {strides = array<i32>} : memref<128x128xf32, #tpu.memory_space<vmem>>, vector<16xf32>,
        %mul3A_608 = arith.mulf %get3A_607, %gather3A : vector<16xf32>
        %swap3A_609 = arith.index_cast %add3A_568 : i32 to index
        %swap3A_610 = arith.constant 80 : index
        %swap3A_611 = tpu.vector_load %arg21[%swap3A_609, %swap3A_610] {strides = array<i32>} : memref<128x128xf32, #tpu.memory_space<vmem>>, vector<16xf32>,
        tpu.vector_store %arg21[%swap3A_609, %swap3A_610], %mul3A_608 {strides = array<i32>} : memref<128x128xf32, #tpu.memory_space<vmem>>, vector<16xf32>,
        %get3A_612 = arith.index_cast %add3A_568 : i32 to index
        %get3A_613 = arith.constant 96 : index
        %get3A_614 = tpu.vector_load %arg21[%get3A_612, %get3A_613] {strides = array<i32>} : memref<128x128xf32, #tpu.memory_space<vmem>>, vector<16xf32>,
        %mul3A_615 = arith.mulf %get3A_614, %gather3A : vector<16xf32>
        %swap3A_616 = arith.index_cast %add3A_568 : i32 to index
        %swap3A_617 = arith.constant 96 : index
        %swap3A_618 = tpu.vector_load %arg21[%swap3A_616, %swap3A_617] {strides = array<i32>} : memref<128x128xf32, #tpu.memory_space<vmem>>, vector<16xf32>,
        tpu.vector_store %arg21[%swap3A_616, %swap3A_617], %mul3A_615 {strides = array<i32>} : memref<128x128xf32, #tpu.memory_space<vmem>>, vector<16xf32>,
        %get3A_619 = arith.index_cast %add3A_568 : i32 to index
        %get3A_620 = arith.constant 112 : index
        %get3A_621 = tpu.vector_load %arg21[%get3A_619, %get3A_620] {strides = array<i32>} : memref<128x128xf32, #tpu.memory_space<vmem>>, vector<16xf32>,
        %mul3A_622 = arith.mulf %get3A_621, %gather3A : vector<16xf32>
        %swap3A_623 = arith.index_cast %add3A_568 : i32 to index
        %swap3A_624 = arith.constant 112 : index
        %swap3A_625 = tpu.vector_load %arg21[%swap3A_623, %swap3A_624] {strides = array<i32>} : memref<128x128xf32, #tpu.memory_space<vmem>>, vector<16xf32>,
        tpu.vector_store %arg21[%swap3A_623, %swap3A_624], %mul3A_622 {strides = array<i32>} : memref<128x128xf32, #tpu.memory_space<vmem>>, vector<16xf32>,
        %scan3A_626 = arith.constant 1 : i32
        %scan3A_627 = arith.addi %scan3A_564, %scan3A_626 : i32
        %mul3A_628 = arith.constant 1 : i32
        %mul3A_629 = arith.muli %scan3A_627, %mul3A_628 : i32
        %add3A_630 = arith.constant 0 : i32
        %add3A_631 = arith.addi %add3A_630, %mul3A_629 : i32
        %broadcast_in_dim3A_632 = vector.broadcast %add3A_631 : i32 to vector<16xi32>
        %gather3A_633 = tpu.vector_load_idx %arg15[%broadcast_in_dim3A_632] : memref<128xf32, #tpu.memory_space<vmem>>[vector<16xi32>], vector<16xf32>,
        %get3A_634 = arith.index_cast %add3A_631 : i32 to index
        %get3A_635 = arith.constant 0 : index
        %get3A_636 = tpu.vector_load %arg21[%get3A_634, %get3A_635] {strides = array<i32>} : memref<128x128xf32, #tpu.memory_space<vmem>>, vector<16xf32>,
        %mul3A_637 = arith.mulf %get3A_636, %gather3A_633 : vector<16xf32>
        %swap3A_638 = arith.index_cast %add3A_631 : i32 to index
        %swap3A_639 = arith.constant 0 : index
        %swap3A_640 = tpu.vector_load %arg21[%swap3A_638, %swap3A_639] {strides = array<i32>} : memref<128x128xf32, #tpu.memory_space<vmem>>, vector<16xf32>,
        tpu.vector_store %arg21[%swap3A_638, %swap3A_639], %mul3A_637 {strides = array<i32>} : memref<128x128xf32, #tpu.memory_space<vmem>>, vector<16xf32>,
        %get3A_641 = arith.index_cast %add3A_631 : i32 to index
        %get3A_642 = arith.constant 16 : index
        %get3A_643 = tpu.vector_load %arg21[%get3A_641, %get3A_642] {strides = array<i32>} : memref<128x128xf32, #tpu.memory_space<vmem>>, vector<16xf32>,
        %mul3A_644 = arith.mulf %get3A_643, %gather3A_633 : vector<16xf32>
        %swap3A_645 = arith.index_cast %add3A_631 : i32 to index
        %swap3A_646 = arith.constant 16 : index
        %swap3A_647 = tpu.vector_load %arg21[%swap3A_645, %swap3A_646] {strides = array<i32>} : memref<128x128xf32, #tpu.memory_space<vmem>>, vector<16xf32>,
        tpu.vector_store %arg21[%swap3A_645, %swap3A_646], %mul3A_644 {strides = array<i32>} : memref<128x128xf32, #tpu.memory_space<vmem>>, vector<16xf32>,
        %get3A_648 = arith.index_cast %add3A_631 : i32 to index
        %get3A_649 = arith.constant 32 : index
        %get3A_650 = tpu.vector_load %arg21[%get3A_648, %get3A_649] {strides = array<i32>} : memref<128x128xf32, #tpu.memory_space<vmem>>, vector<16xf32>,
        %mul3A_651 = arith.mulf %get3A_650, %gather3A_633 : vector<16xf32>
        %swap3A_652 = arith.index_cast %add3A_631 : i32 to index
        %swap3A_653 = arith.constant 32 : index
        %swap3A_654 = tpu.vector_load %arg21[%swap3A_652, %swap3A_653] {strides = array<i32>} : memref<128x128xf32, #tpu.memory_space<vmem>>, vector<16xf32>,
        tpu.vector_store %arg21[%swap3A_652, %swap3A_653], %mul3A_651 {strides = array<i32>} : memref<128x128xf32, #tpu.memory_space<vmem>>, vector<16xf32>,
        %get3A_655 = arith.index_cast %add3A_631 : i32 to index
        %get3A_656 = arith.constant 48 : index
        %get3A_657 = tpu.vector_load %arg21[%get3A_655, %get3A_656] {strides = array<i32>} : memref<128x128xf32, #tpu.memory_space<vmem>>, vector<16xf32>,
        %mul3A_658 = arith.mulf %get3A_657, %gather3A_633 : vector<16xf32>
        %swap3A_659 = arith.index_cast %add3A_631 : i32 to index
        %swap3A_660 = arith.constant 48 : index
        %swap3A_661 = tpu.vector_load %arg21[%swap3A_659, %swap3A_660] {strides = array<i32>} : memref<128x128xf32, #tpu.memory_space<vmem>>, vector<16xf32>,
        tpu.vector_store %arg21[%swap3A_659, %swap3A_660], %mul3A_658 {strides = array<i32>} : memref<128x128xf32, #tpu.memory_space<vmem>>, vector<16xf32>,
        %get3A_662 = arith.index_cast %add3A_631 : i32 to index
        %get3A_663 = arith.constant 64 : index
        %get3A_664 = tpu.vector_load %arg21[%get3A_662, %get3A_663] {strides = array<i32>} : memref<128x128xf32, #tpu.memory_space<vmem>>, vector<16xf32>,
        %mul3A_665 = arith.mulf %get3A_664, %gather3A_633 : vector<16xf32>
        %swap3A_666 = arith.index_cast %add3A_631 : i32 to index
        %swap3A_667 = arith.constant 64 : index
        %swap3A_668 = tpu.vector_load %arg21[%swap3A_666, %swap3A_667] {strides = array<i32>} : memref<128x128xf32, #tpu.memory_space<vmem>>, vector<16xf32>,
        tpu.vector_store %arg21[%swap3A_666, %swap3A_667], %mul3A_665 {strides = array<i32>} : memref<128x128xf32, #tpu.memory_space<vmem>>, vector<16xf32>,
        %get3A_669 = arith.index_cast %add3A_631 : i32 to index
        %get3A_670 = arith.constant 80 : index
        %get3A_671 = tpu.vector_load %arg21[%get3A_669, %get3A_670] {strides = array<i32>} : memref<128x128xf32, #tpu.memory_space<vmem>>, vector<16xf32>,
        %mul3A_672 = arith.mulf %get3A_671, %gather3A_633 : vector<16xf32>
        %swap3A_673 = arith.index_cast %add3A_631 : i32 to index
        %swap3A_674 = arith.constant 80 : index
        %swap3A_675 = tpu.vector_load %arg21[%swap3A_673, %swap3A_674] {strides = array<i32>} : memref<128x128xf32, #tpu.memory_space<vmem>>, vector<16xf32>,
        tpu.vector_store %arg21[%swap3A_673, %swap3A_674], %mul3A_672 {strides = array<i32>} : memref<128x128xf32, #tpu.memory_space<vmem>>, vector<16xf32>,
        %get3A_676 = arith.index_cast %add3A_631 : i32 to index
        %get3A_677 = arith.constant 96 : index
        %get3A_678 = tpu.vector_load %arg21[%get3A_676, %get3A_677] {strides = array<i32>} : memref<128x128xf32, #tpu.memory_space<vmem>>, vector<16xf32>,
        %mul3A_679 = arith.mulf %get3A_678, %gather3A_633 : vector<16xf32>
        %swap3A_680 = arith.index_cast %add3A_631 : i32 to index
        %swap3A_681 = arith.constant 96 : index
        %swap3A_682 = tpu.vector_load %arg21[%swap3A_680, %swap3A_681] {strides = array<i32>} : memref<128x128xf32, #tpu.memory_space<vmem>>, vector<16xf32>,
        tpu.vector_store %arg21[%swap3A_680, %swap3A_681], %mul3A_679 {strides = array<i32>} : memref<128x128xf32, #tpu.memory_space<vmem>>, vector<16xf32>,
        %get3A_683 = arith.index_cast %add3A_631 : i32 to index
        %get3A_684 = arith.constant 112 : index
        %get3A_685 = tpu.vector_load %arg21[%get3A_683, %get3A_684] {strides = array<i32>} : memref<128x128xf32, #tpu.memory_space<vmem>>, vector<16xf32>,
        %mul3A_686 = arith.mulf %get3A_685, %gather3A_633 : vector<16xf32>
        %swap3A_687 = arith.index_cast %add3A_631 : i32 to index
        %swap3A_688 = arith.constant 112 : index
        %swap3A_689 = tpu.vector_load %arg21[%swap3A_687, %swap3A_688] {strides = array<i32>} : memref<128x128xf32, #tpu.memory_space<vmem>>, vector<16xf32>,
        tpu.vector_store %arg21[%swap3A_687, %swap3A_688], %mul3A_686 {strides = array<i32>} : memref<128x128xf32, #tpu.memory_space<vmem>>, vector<16xf32>,
        %scan3A_690 = arith.constant 2 : i32
        %scan3A_691 = arith.addi %scan3A_564, %scan3A_690 : i32
        %mul3A_692 = arith.constant 1 : i32
        %mul3A_693 = arith.muli %scan3A_691, %mul3A_692 : i32
        %add3A_694 = arith.constant 0 : i32
        %add3A_695 = arith.addi %add3A_694, %mul3A_693 : i32
        %broadcast_in_dim3A_696 = vector.broadcast %add3A_695 : i32 to vector<16xi32>
        %gather3A_697 = tpu.vector_load_idx %arg15[%broadcast_in_dim3A_696] : memref<128xf32, #tpu.memory_space<vmem>>[vector<16xi32>], vector<16xf32>,
        %get3A_698 = arith.index_cast %add3A_695 : i32 to index
        %get3A_699 = arith.constant 0 : index
        %get3A_700 = tpu.vector_load %arg21[%get3A_698, %get3A_699] {strides = array<i32>} : memref<128x128xf32, #tpu.memory_space<vmem>>, vector<16xf32>,
        %mul3A_701 = arith.mulf %get3A_700, %gather3A_697 : vector<16xf32>
        %swap3A_702 = arith.index_cast %add3A_695 : i32 to index
        %swap3A_703 = arith.constant 0 : index
        %swap3A_704 = tpu.vector_load %arg21[%swap3A_702, %swap3A_703] {strides = array<i32>} : memref<128x128xf32, #tpu.memory_space<vmem>>, vector<16xf32>,
        tpu.vector_store %arg21[%swap3A_702, %swap3A_703], %mul3A_701 {strides = array<i32>} : memref<128x128xf32, #tpu.memory_space<vmem>>, vector<16xf32>,
        %get3A_705 = arith.index_cast %add3A_695 : i32 to index
        %get3A_706 = arith.constant 16 : index
        %get3A_707 = tpu.vector_load %arg21[%get3A_705, %get3A_706] {strides = array<i32>} : memref<128x128xf32, #tpu.memory_space<vmem>>, vector<16xf32>,
        %mul3A_708 = arith.mulf %get3A_707, %gather3A_697 : vector<16xf32>
        %swap3A_709 = arith.index_cast %add3A_695 : i32 to index
        %swap3A_710 = arith.constant 16 : index
        %swap3A_711 = tpu.vector_load %arg21[%swap3A_709, %swap3A_710] {strides = array<i32>} : memref<128x128xf32, #tpu.memory_space<vmem>>, vector<16xf32>,
        tpu.vector_store %arg21[%swap3A_709, %swap3A_710], %mul3A_708 {strides = array<i32>} : memref<128x128xf32, #tpu.memory_space<vmem>>, vector<16xf32>,
        %get3A_712 = arith.index_cast %add3A_695 : i32 to index
        %get3A_713 = arith.constant 32 : index
        %get3A_714 = tpu.vector_load %arg21[%get3A_712, %get3A_713] {strides = array<i32>} : memref<128x128xf32, #tpu.memory_space<vmem>>, vector<16xf32>,
        %mul3A_715 = arith.mulf %get3A_714, %gather3A_697 : vector<16xf32>
        %swap3A_716 = arith.index_cast %add3A_695 : i32 to index
        %swap3A_717 = arith.constant 32 : index
        %swap3A_718 = tpu.vector_load %arg21[%swap3A_716, %swap3A_717] {strides = array<i32>} : memref<128x128xf32, #tpu.memory_space<vmem>>, vector<16xf32>,
        tpu.vector_store %arg21[%swap3A_716, %swap3A_717], %mul3A_715 {strides = array<i32>} : memref<128x128xf32, #tpu.memory_space<vmem>>, vector<16xf32>,
        %get3A_719 = arith.index_cast %add3A_695 : i32 to index
        %get3A_720 = arith.constant 48 : index
        %get3A_721 = tpu.vector_load %arg21[%get3A_719, %get3A_720] {strides = array<i32>} : memref<128x128xf32, #tpu.memory_space<vmem>>, vector<16xf32>,
        %mul3A_722 = arith.mulf %get3A_721, %gather3A_697 : vector<16xf32>
        %swap3A_723 = arith.index_cast %add3A_695 : i32 to index
        %swap3A_724 = arith.constant 48 : index
        %swap3A_725 = tpu.vector_load %arg21[%swap3A_723, %swap3A_724] {strides = array<i32>} : memref<128x128xf32, #tpu.memory_space<vmem>>, vector<16xf32>,
        tpu.vector_store %arg21[%swap3A_723, %swap3A_724], %mul3A_722 {strides = array<i32>} : memref<128x128xf32, #tpu.memory_space<vmem>>, vector<16xf32>,
        %get3A_726 = arith.index_cast %add3A_695 : i32 to index
        %get3A_727 = arith.constant 64 : index
        %get3A_728 = tpu.vector_load %arg21[%get3A_726, %get3A_727] {strides = array<i32>} : memref<128x128xf32, #tpu.memory_space<vmem>>, vector<16xf32>,
        %mul3A_729 = arith.mulf %get3A_728, %gather3A_697 : vector<16xf32>
        %swap3A_730 = arith.index_cast %add3A_695 : i32 to index
        %swap3A_731 = arith.constant 64 : index
        %swap3A_732 = tpu.vector_load %arg21[%swap3A_730, %swap3A_731] {strides = array<i32>} : memref<128x128xf32, #tpu.memory_space<vmem>>, vector<16xf32>,
        tpu.vector_store %arg21[%swap3A_730, %swap3A_731], %mul3A_729 {strides = array<i32>} : memref<128x128xf32, #tpu.memory_space<vmem>>, vector<16xf32>,
        %get3A_733 = arith.index_cast %add3A_695 : i32 to index
        %get3A_734 = arith.constant 80 : index
        %get3A_735 = tpu.vector_load %arg21[%get3A_733, %get3A_734] {strides = array<i32>} : memref<128x128xf32, #tpu.memory_space<vmem>>, vector<16xf32>,
        %mul3A_736 = arith.mulf %get3A_735, %gather3A_697 : vector<16xf32>
        %swap3A_737 = arith.index_cast %add3A_695 : i32 to index
        %swap3A_738 = arith.constant 80 : index
        %swap3A_739 = tpu.vector_load %arg21[%swap3A_737, %swap3A_738] {strides = array<i32>} : memref<128x128xf32, #tpu.memory_space<vmem>>, vector<16xf32>,
        tpu.vector_store %arg21[%swap3A_737, %swap3A_738], %mul3A_736 {strides = array<i32>} : memref<128x128xf32, #tpu.memory_space<vmem>>, vector<16xf32>,
        %get3A_740 = arith.index_cast %add3A_695 : i32 to index
        %get3A_741 = arith.constant 96 : index
        %get3A_742 = tpu.vector_load %arg21[%get3A_740, %get3A_741] {strides = array<i32>} : memref<128x128xf32, #tpu.memory_space<vmem>>, vector<16xf32>,
        %mul3A_743 = arith.mulf %get3A_742, %gather3A_697 : vector<16xf32>
        %swap3A_744 = arith.index_cast %add3A_695 : i32 to index
        %swap3A_745 = arith.constant 96 : index
        %swap3A_746 = tpu.vector_load %arg21[%swap3A_744, %swap3A_745] {strides = array<i32>} : memref<128x128xf32, #tpu.memory_space<vmem>>, vector<16xf32>,
        tpu.vector_store %arg21[%swap3A_744, %swap3A_745], %mul3A_743 {strides = array<i32>} : memref<128x128xf32, #tpu.memory_space<vmem>>, vector<16xf32>,
        %get3A_747 = arith.index_cast %add3A_695 : i32 to index
        %get3A_748 = arith.constant 112 : index
        %get3A_749 = tpu.vector_load %arg21[%get3A_747, %get3A_748] {strides = array<i32>} : memref<128x128xf32, #tpu.memory_space<vmem>>, vector<16xf32>,
        %mul3A_750 = arith.mulf %get3A_749, %gather3A_697 : vector<16xf32>
        %swap3A_751 = arith.index_cast %add3A_695 : i32 to index
        %swap3A_752 = arith.constant 112 : index
        %swap3A_753 = tpu.vector_load %arg21[%swap3A_751, %swap3A_752] {strides = array<i32>} : memref<128x128xf32, #tpu.memory_space<vmem>>, vector<16xf32>,
        tpu.vector_store %arg21[%swap3A_751, %swap3A_752], %mul3A_750 {strides = array<i32>} : memref<128x128xf32, #tpu.memory_space<vmem>>, vector<16xf32>,
        %scan3A_754 = arith.constant 3 : i32
        %scan3A_755 = arith.addi %scan3A_564, %scan3A_754 : i32
        %mul3A_756 = arith.constant 1 : i32
        %mul3A_757 = arith.muli %scan3A_755, %mul3A_756 : i32
        %add3A_758 = arith.constant 0 : i32
        %add3A_759 = arith.addi %add3A_758, %mul3A_757 : i32
        %broadcast_in_dim3A_760 = vector.broadcast %add3A_759 : i32 to vector<16xi32>
        %gather3A_761 = tpu.vector_load_idx %arg15[%broadcast_in_dim3A_760] : memref<128xf32, #tpu.memory_space<vmem>>[vector<16xi32>], vector<16xf32>,
        %get3A_762 = arith.index_cast %add3A_759 : i32 to index
        %get3A_763 = arith.constant 0 : index
        %get3A_764 = tpu.vector_load %arg21[%get3A_762, %get3A_763] {strides = array<i32>} : memref<128x128xf32, #tpu.memory_space<vmem>>, vector<16xf32>,
        %mul3A_765 = arith.mulf %get3A_764, %gather3A_761 : vector<16xf32>
        %swap3A_766 = arith.index_cast %add3A_759 : i32 to index
        %swap3A_767 = arith.constant 0 : index
        %swap3A_768 = tpu.vector_load %arg21[%swap3A_766, %swap3A_767] {strides = array<i32>} : memref<128x128xf32, #tpu.memory_space<vmem>>, vector<16xf32>,
        tpu.vector_store %arg21[%swap3A_766, %swap3A_767], %mul3A_765 {strides = array<i32>} : memref<128x128xf32, #tpu.memory_space<vmem>>, vector<16xf32>,
        %get3A_769 = arith.index_cast %add3A_759 : i32 to index
        %get3A_770 = arith.constant 16 : index
        %get3A_771 = tpu.vector_load %arg21[%get3A_769, %get3A_770] {strides = array<i32>} : memref<128x128xf32, #tpu.memory_space<vmem>>, vector<16xf32>,
        %mul3A_772 = arith.mulf %get3A_771, %gather3A_761 : vector<16xf32>
        %swap3A_773 = arith.index_cast %add3A_759 : i32 to index
        %swap3A_774 = arith.constant 16 : index
        %swap3A_775 = tpu.vector_load %arg21[%swap3A_773, %swap3A_774] {strides = array<i32>} : memref<128x128xf32, #tpu.memory_space<vmem>>, vector<16xf32>,
        tpu.vector_store %arg21[%swap3A_773, %swap3A_774], %mul3A_772 {strides = array<i32>} : memref<128x128xf32, #tpu.memory_space<vmem>>, vector<16xf32>,
        %get3A_776 = arith.index_cast %add3A_759 : i32 to index
        %get3A_777 = arith.constant 32 : index
        %get3A_778 = tpu.vector_load %arg21[%get3A_776, %get3A_777] {strides = array<i32>} : memref<128x128xf32, #tpu.memory_space<vmem>>, vector<16xf32>,
        %mul3A_779 = arith.mulf %get3A_778, %gather3A_761 : vector<16xf32>
        %swap3A_780 = arith.index_cast %add3A_759 : i32 to index
        %swap3A_781 = arith.constant 32 : index
        %swap3A_782 = tpu.vector_load %arg21[%swap3A_780, %swap3A_781] {strides = array<i32>} : memref<128x128xf32, #tpu.memory_space<vmem>>, vector<16xf32>,
        tpu.vector_store %arg21[%swap3A_780, %swap3A_781], %mul3A_779 {strides = array<i32>} : memref<128x128xf32, #tpu.memory_space<vmem>>, vector<16xf32>,
        %get3A_783 = arith.index_cast %add3A_759 : i32 to index
        %get3A_784 = arith.constant 48 : index
        %get3A_785 = tpu.vector_load %arg21[%get3A_783, %get3A_784] {strides = array<i32>} : memref<128x128xf32, #tpu.memory_space<vmem>>, vector<16xf32>,
        %mul3A_786 = arith.mulf %get3A_785, %gather3A_761 : vector<16xf32>
        %swap3A_787 = arith.index_cast %add3A_759 : i32 to index
        %swap3A_788 = arith.constant 48 : index
        %swap3A_789 = tpu.vector_load %arg21[%swap3A_787, %swap3A_788] {strides = array<i32>} : memref<128x128xf32, #tpu.memory_space<vmem>>, vector<16xf32>,
        tpu.vector_store %arg21[%swap3A_787, %swap3A_788], %mul3A_786 {strides = array<i32>} : memref<128x128xf32, #tpu.memory_space<vmem>>, vector<16xf32>,
        %get3A_790 = arith.index_cast %add3A_759 : i32 to index
        %get3A_791 = arith.constant 64 : index
        %get3A_792 = tpu.vector_load %arg21[%get3A_790, %get3A_791] {strides = array<i32>} : memref<128x128xf32, #tpu.memory_space<vmem>>, vector<16xf32>,
        %mul3A_793 = arith.mulf %get3A_792, %gather3A_761 : vector<16xf32>
        %swap3A_794 = arith.index_cast %add3A_759 : i32 to index
        %swap3A_795 = arith.constant 64 : index
        %swap3A_796 = tpu.vector_load %arg21[%swap3A_794, %swap3A_795] {strides = array<i32>} : memref<128x128xf32, #tpu.memory_space<vmem>>, vector<16xf32>,
        tpu.vector_store %arg21[%swap3A_794, %swap3A_795], %mul3A_793 {strides = array<i32>} : memref<128x128xf32, #tpu.memory_space<vmem>>, vector<16xf32>,
        %get3A_797 = arith.index_cast %add3A_759 : i32 to index
        %get3A_798 = arith.constant 80 : index
        %get3A_799 = tpu.vector_load %arg21[%get3A_797, %get3A_798] {strides = array<i32>} : memref<128x128xf32, #tpu.memory_space<vmem>>, vector<16xf32>,
        %mul3A_800 = arith.mulf %get3A_799, %gather3A_761 : vector<16xf32>
        %swap3A_801 = arith.index_cast %add3A_759 : i32 to index
        %swap3A_802 = arith.constant 80 : index
        %swap3A_803 = tpu.vector_load %arg21[%swap3A_801, %swap3A_802] {strides = array<i32>} : memref<128x128xf32, #tpu.memory_space<vmem>>, vector<16xf32>,
        tpu.vector_store %arg21[%swap3A_801, %swap3A_802], %mul3A_800 {strides = array<i32>} : memref<128x128xf32, #tpu.memory_space<vmem>>, vector<16xf32>,
        %get3A_804 = arith.index_cast %add3A_759 : i32 to index
        %get3A_805 = arith.constant 96 : index
        %get3A_806 = tpu.vector_load %arg21[%get3A_804, %get3A_805] {strides = array<i32>} : memref<128x128xf32, #tpu.memory_space<vmem>>, vector<16xf32>,
        %mul3A_807 = arith.mulf %get3A_806, %gather3A_761 : vector<16xf32>
        %swap3A_808 = arith.index_cast %add3A_759 : i32 to index
        %swap3A_809 = arith.constant 96 : index
        %swap3A_810 = tpu.vector_load %arg21[%swap3A_808, %swap3A_809] {strides = array<i32>} : memref<128x128xf32, #tpu.memory_space<vmem>>, vector<16xf32>,
        tpu.vector_store %arg21[%swap3A_808, %swap3A_809], %mul3A_807 {strides = array<i32>} : memref<128x128xf32, #tpu.memory_space<vmem>>, vector<16xf32>,
        %get3A_811 = arith.index_cast %add3A_759 : i32 to index
        %get3A_812 = arith.constant 112 : index
        %get3A_813 = tpu.vector_load %arg21[%get3A_811, %get3A_812] {strides = array<i32>} : memref<128x128xf32, #tpu.memory_space<vmem>>, vector<16xf32>,
        %mul3A_814 = arith.mulf %get3A_813, %gather3A_761 : vector<16xf32>
        %swap3A_815 = arith.index_cast %add3A_759 : i32 to index
        %swap3A_816 = arith.constant 112 : index
        %swap3A_817 = tpu.vector_load %arg21[%swap3A_815, %swap3A_816] {strides = array<i32>} : memref<128x128xf32, #tpu.memory_space<vmem>>, vector<16xf32>,
        tpu.vector_store %arg21[%swap3A_815, %swap3A_816], %mul3A_814 {strides = array<i32>} : memref<128x128xf32, #tpu.memory_space<vmem>>, vector<16xf32>,
      }
      %scan3A_556 = arith.constant 128 : i32
      %dma_start3A_557 = arith.constant 0 : i32
      %dma_start3A_558 = arith.constant 0 : i32
      %dma_start3A_559 = tpu.memref_slice %arg18[%dma_start3A_557, %dma_start3A_558] : memref<1x128xi32, #tpu.memory_space<vmem>> -> memref<1x128xi32, #tpu.memory_space<vmem>>
      %dma_start3A_560 = tpu.memref_squeeze %dma_start3A_559 : memref<1x128xi32, #tpu.memory_space<vmem>> -> memref<128xi32, #tpu.memory_space<vmem>>
      %dma_start3A_561 = arith.constant 0 : i32
      %dma_start3A_562 = arith.constant 0 : i32
      %dma_start3A_563 = tpu.memref_slice %arg22[%dma_start3A_561, %dma_start3A_562] : memref<10000x128xf32, #tpu.memory_space<vmem_shared>> -> memref<10000x128xf32, #tpu.memory_space<vmem_shared>>
      tpu.enqueue_indirect_dma source(%arg21 : memref<128x128xf32, #tpu.memory_space<vmem>>) target(%dma_start3A_563 : memref<10000x128xf32, #tpu.memory_space<vmem_shared>>) offsets(%dma_start3A_560 : memref<128xi32, #tpu.memory_space<vmem>>) semaphore(%arg31 : memref<!tpu.dma_semaphore, #tpu.memory_space<semaphore_mem>>) {add = true}
    }
    %scan3A_106 = arith.constant 26 : i32
    %dma_wait3A_107 = arith.constant 0 : i32
    %dma_wait3A_108 = arith.constant 0 : i32
    %dma_wait3A_109 = tpu.memref_slice %arg3[%dma_wait3A_107, %dma_wait3A_108] : memref<2500x128xi32, #tpu.memory_space<hbm>> -> memref<1x128xi32, #tpu.memory_space<hbm>>
    %dma_wait3A_110 = tpu.memref_squeeze %dma_wait3A_109 : memref<1x128xi32, #tpu.memory_space<hbm>> -> memref<128xi32, #tpu.memory_space<hbm>>
    %dma_wait3A_111 = arith.constant 0 : i32
    %dma_wait3A_112 = tpu.memref_slice %arg3[%dma_wait3A_107, %dma_wait3A_111] : memref<2500x128xi32, #tpu.memory_space<hbm>> -> memref<1x128xi32, #tpu.memory_space<hbm>>
    %dma_wait3A_113 = tpu.memref_squeeze %dma_wait3A_112 : memref<1x128xi32, #tpu.memory_space<hbm>> -> memref<128xi32, #tpu.memory_space<hbm>>
    tpu.wait_dma2 semaphore(%arg24 : memref<!tpu.dma_semaphore, #tpu.memory_space<semaphore_mem>>) src(%dma_wait3A_113 : memref<128xi32, #tpu.memory_space<hbm>>) dst(%arg10 : memref<128xi32, #tpu.memory_space<vmem>>)
    %dma_wait3A_114 = arith.constant 0 : i32
    %dma_wait3A_115 = arith.constant 0 : i32
    %dma_wait3A_116 = tpu.memref_slice %arg4[%dma_wait3A_114, %dma_wait3A_115] : memref<2500x128xi32, #tpu.memory_space<hbm>> -> memref<1x128xi32, #tpu.memory_space<hbm>>
    %dma_wait3A_117 = tpu.memref_squeeze %dma_wait3A_116 : memref<1x128xi32, #tpu.memory_space<hbm>> -> memref<128xi32, #tpu.memory_space<hbm>>
    %dma_wait3A_118 = arith.constant 0 : i32
    %dma_wait3A_119 = tpu.memref_slice %arg4[%dma_wait3A_114, %dma_wait3A_118] : memref<2500x128xi32, #tpu.memory_space<hbm>> -> memref<1x128xi32, #tpu.memory_space<hbm>>
    %dma_wait3A_120 = tpu.memref_squeeze %dma_wait3A_119 : memref<1x128xi32, #tpu.memory_space<hbm>> -> memref<128xi32, #tpu.memory_space<hbm>>
    tpu.wait_dma2 semaphore(%arg24 : memref<!tpu.dma_semaphore, #tpu.memory_space<semaphore_mem>>) src(%dma_wait3A_120 : memref<128xi32, #tpu.memory_space<hbm>>) dst(%arg11 : memref<128xi32, #tpu.memory_space<vmem>>)
    %dma_wait3A_121 = arith.constant 0 : i32
    %dma_wait3A_122 = arith.constant 0 : i32
    %dma_wait3A_123 = tpu.memref_slice %arg5[%dma_wait3A_121, %dma_wait3A_122] : memref<2560x128xf32, #tpu.memory_space<hbm>> -> memref<1x128xf32, #tpu.memory_space<hbm>>
    %dma_wait3A_124 = tpu.memref_squeeze %dma_wait3A_123 : memref<1x128xf32, #tpu.memory_space<hbm>> -> memref<128xf32, #tpu.memory_space<hbm>>
    %dma_wait3A_125 = arith.constant 0 : i32
    %dma_wait3A_126 = tpu.memref_slice %arg5[%dma_wait3A_121, %dma_wait3A_125] : memref<2560x128xf32, #tpu.memory_space<hbm>> -> memref<1x128xf32, #tpu.memory_space<hbm>>
    %dma_wait3A_127 = tpu.memref_squeeze %dma_wait3A_126 : memref<1x128xf32, #tpu.memory_space<hbm>> -> memref<128xf32, #tpu.memory_space<hbm>>
    tpu.wait_dma2 semaphore(%arg24 : memref<!tpu.dma_semaphore, #tpu.memory_space<semaphore_mem>>) src(%dma_wait3A_127 : memref<128xf32, #tpu.memory_space<hbm>>) dst(%arg12 : memref<128xf32, #tpu.memory_space<vmem>>)
    %dma_wait3A_128 = arith.constant 0 : i32
    %dma_wait3A_129 = arith.constant 0 : i32
    %dma_wait3A_130 = tpu.memref_slice %arg2[%dma_wait3A_128, %dma_wait3A_129] : memref<10000x128xf32, #tpu.memory_space<hbm>> -> memref<10000x128xf32, #tpu.memory_space<hbm>>
    tpu.wait_indirect_dma semaphore(%arg26 : memref<!tpu.dma_semaphore, #tpu.memory_space<semaphore_mem>>) src(%dma_wait3A_130 : memref<10000x128xf32, #tpu.memory_space<hbm>>) dst(%arg19 : memref<128x128xf32, #tpu.memory_space<vmem>>)
    %dma_wait3A_131 = arith.constant 0 : i32
    %dma_wait3A_132 = arith.constant 0 : i32
    %dma_wait3A_133 = tpu.memref_slice %arg17[%dma_wait3A_131, %dma_wait3A_132] : memref<1x128xi32, #tpu.memory_space<vmem>> -> memref<1x128xi32, #tpu.memory_space<vmem>>
    %dma_wait3A_134 = tpu.memref_squeeze %dma_wait3A_133 : memref<1x128xi32, #tpu.memory_space<vmem>> -> memref<128xi32, #tpu.memory_space<vmem>>
    %dma_wait3A_135 = arith.constant 0 : i32
    %dma_wait3A_136 = arith.constant 0 : i32
    %dma_wait3A_137 = tpu.memref_slice %arg22[%dma_wait3A_135, %dma_wait3A_136] : memref<10000x128xf32, #tpu.memory_space<vmem_shared>> -> memref<10000x128xf32, #tpu.memory_space<vmem_shared>>
    tpu.wait_indirect_dma semaphore(%arg30 : memref<!tpu.dma_semaphore, #tpu.memory_space<semaphore_mem>>) src(%arg20 : memref<128x128xf32, #tpu.memory_space<vmem>>) dst(%dma_wait3A_137 : memref<10000x128xf32, #tpu.memory_space<vmem_shared>>)
    %dma_wait3A_138 = arith.constant 0 : i32
    %dma_wait3A_139 = arith.constant 0 : i32
    %dma_wait3A_140 = tpu.memref_slice %arg18[%dma_wait3A_138, %dma_wait3A_139] : memref<1x128xi32, #tpu.memory_space<vmem>> -> memref<1x128xi32, #tpu.memory_space<vmem>>
    %dma_wait3A_141 = tpu.memref_squeeze %dma_wait3A_140 : memref<1x128xi32, #tpu.memory_space<vmem>> -> memref<128xi32, #tpu.memory_space<vmem>>
    %dma_wait3A_142 = arith.constant 0 : i32
    %dma_wait3A_143 = arith.constant 0 : i32
    %dma_wait3A_144 = tpu.memref_slice %arg22[%dma_wait3A_142, %dma_wait3A_143] : memref<10000x128xf32, #tpu.memory_space<vmem_shared>> -> memref<10000x128xf32, #tpu.memory_space<vmem_shared>>
    tpu.wait_indirect_dma semaphore(%arg31 : memref<!tpu.dma_semaphore, #tpu.memory_space<semaphore_mem>>) src(%arg21 : memref<128x128xf32, #tpu.memory_space<vmem>>) dst(%dma_wait3A_144 : memref<10000x128xf32, #tpu.memory_space<vmem_shared>>)
    %lt3A = arith.constant 2 : i32
    %lt3A_145 = arith.cmpi slt, %arg1, %lt3A : i32
    %convert_element_type3A_146 = arith.extui %lt3A_145 : i1 to i32
    %cond3A_147 = arith.constant 0 : i32
    %cond3A_148 = arith.cmpi ne, %convert_element_type3A_146, %cond3A_147 : i32
    scf.if %cond3A_148 {
      %mul3A_190 = arith.constant 1250 : i32
      %mul3A_191 = arith.muli %arg0, %mul3A_190 : i32
      %add3A_192 = arith.constant 1248 : i32
      %add3A_193 = arith.addi %mul3A_191, %add3A_192 : i32
      %add3A_194 = arith.addi %add3A_193, %arg1 : i32
      "tpu.region"() ({
        %run_scoped3A_250 = tpu.sem_alloc : memref<!tpu.dma_semaphore, #tpu.memory_space<semaphore_mem>>
        %dma_start3A_251 = arith.constant 0 : i32
        %dma_start3A_252 = tpu.memref_slice %arg3[%add3A_194, %dma_start3A_251] : memref<2500x128xi32, #tpu.memory_space<hbm>> -> memref<1x128xi32, #tpu.memory_space<hbm>>
        %dma_start3A_253 = tpu.memref_squeeze %dma_start3A_252 : memref<1x128xi32, #tpu.memory_space<hbm>> -> memref<128xi32, #tpu.memory_space<hbm>>
        %dma_start3A_254 = arith.constant 0 : i32
        %dma_start3A_255 = tpu.memref_slice %arg3[%add3A_194, %dma_start3A_254] : memref<2500x128xi32, #tpu.memory_space<hbm>> -> memref<1x128xi32, #tpu.memory_space<hbm>>
        %dma_start3A_256 = tpu.memref_squeeze %dma_start3A_255 : memref<1x128xi32, #tpu.memory_space<hbm>> -> memref<128xi32, #tpu.memory_space<hbm>>
        tpu.enqueue_dma source(%dma_start3A_256 : memref<128xi32, #tpu.memory_space<hbm>>) target(%arg7 : memref<128xi32, #tpu.memory_space<vmem>>) target_semaphore(%run_scoped3A_250 : memref<!tpu.dma_semaphore, #tpu.memory_space<semaphore_mem>>)
        %dma_wait3A_257 = arith.constant 0 : i32
        %dma_wait3A_258 = tpu.memref_slice %arg3[%add3A_194, %dma_wait3A_257] : memref<2500x128xi32, #tpu.memory_space<hbm>> -> memref<1x128xi32, #tpu.memory_space<hbm>>
        %dma_wait3A_259 = tpu.memref_squeeze %dma_wait3A_258 : memref<1x128xi32, #tpu.memory_space<hbm>> -> memref<128xi32, #tpu.memory_space<hbm>>
        %dma_wait3A_260 = arith.constant 0 : i32
        %dma_wait3A_261 = tpu.memref_slice %arg3[%add3A_194, %dma_wait3A_260] : memref<2500x128xi32, #tpu.memory_space<hbm>> -> memref<1x128xi32, #tpu.memory_space<hbm>>
        %dma_wait3A_262 = tpu.memref_squeeze %dma_wait3A_261 : memref<1x128xi32, #tpu.memory_space<hbm>> -> memref<128xi32, #tpu.memory_space<hbm>>
        tpu.wait_dma2 semaphore(%run_scoped3A_250 : memref<!tpu.dma_semaphore, #tpu.memory_space<semaphore_mem>>) src(%dma_wait3A_262 : memref<128xi32, #tpu.memory_space<hbm>>) dst(%arg7 : memref<128xi32, #tpu.memory_space<vmem>>)
        tpu.yield
      }) : () -> ()
      "tpu.region"() ({
        %run_scoped3A_250 = tpu.sem_alloc : memref<!tpu.dma_semaphore, #tpu.memory_space<semaphore_mem>>
        %dma_start3A_251 = arith.constant 0 : i32
        %dma_start3A_252 = tpu.memref_slice %arg4[%add3A_194, %dma_start3A_251] : memref<2500x128xi32, #tpu.memory_space<hbm>> -> memref<1x128xi32, #tpu.memory_space<hbm>>
        %dma_start3A_253 = tpu.memref_squeeze %dma_start3A_252 : memref<1x128xi32, #tpu.memory_space<hbm>> -> memref<128xi32, #tpu.memory_space<hbm>>
        %dma_start3A_254 = arith.constant 0 : i32
        %dma_start3A_255 = tpu.memref_slice %arg4[%add3A_194, %dma_start3A_254] : memref<2500x128xi32, #tpu.memory_space<hbm>> -> memref<1x128xi32, #tpu.memory_space<hbm>>
        %dma_start3A_256 = tpu.memref_squeeze %dma_start3A_255 : memref<1x128xi32, #tpu.memory_space<hbm>> -> memref<128xi32, #tpu.memory_space<hbm>>
        tpu.enqueue_dma source(%dma_start3A_256 : memref<128xi32, #tpu.memory_space<hbm>>) target(%arg8 : memref<128xi32, #tpu.memory_space<vmem>>) target_semaphore(%run_scoped3A_250 : memref<!tpu.dma_semaphore, #tpu.memory_space<semaphore_mem>>)
        %dma_wait3A_257 = arith.constant 0 : i32
        %dma_wait3A_258 = tpu.memref_slice %arg4[%add3A_194, %dma_wait3A_257] : memref<2500x128xi32, #tpu.memory_space<hbm>> -> memref<1x128xi32, #tpu.memory_space<hbm>>
        %dma_wait3A_259 = tpu.memref_squeeze %dma_wait3A_258 : memref<1x128xi32, #tpu.memory_space<hbm>> -> memref<128xi32, #tpu.memory_space<hbm>>
        %dma_wait3A_260 = arith.constant 0 : i32
        %dma_wait3A_261 = tpu.memref_slice %arg4[%add3A_194, %dma_wait3A_260] : memref<2500x128xi32, #tpu.memory_space<hbm>> -> memref<1x128xi32, #tpu.memory_space<hbm>>
        %dma_wait3A_262 = tpu.memref_squeeze %dma_wait3A_261 : memref<1x128xi32, #tpu.memory_space<hbm>> -> memref<128xi32, #tpu.memory_space<hbm>>
        tpu.wait_dma2 semaphore(%run_scoped3A_250 : memref<!tpu.dma_semaphore, #tpu.memory_space<semaphore_mem>>) src(%dma_wait3A_262 : memref<128xi32, #tpu.memory_space<hbm>>) dst(%arg8 : memref<128xi32, #tpu.memory_space<vmem>>)
        tpu.yield
      }) : () -> ()
      %mul3A_195 = arith.constant 80 : i32
      %mul3A_196 = arith.muli %add3A, %mul3A_195 : i32
      %add3A_197 = arith.constant 78 : i32
      %add3A_198 = arith.addi %mul3A_196, %add3A_197 : i32
      "tpu.region"() ({
        %run_scoped3A_250 = tpu.sem_alloc : memref<!tpu.dma_semaphore, #tpu.memory_space<semaphore_mem>>
        %dma_start3A_251 = arith.constant 0 : i32
        %dma_start3A_252 = tpu.memref_slice %arg5[%add3A_198, %dma_start3A_251] : memref<2560x128xf32, #tpu.memory_space<hbm>> -> memref<1x128xf32, #tpu.memory_space<hbm>>
        %dma_start3A_253 = tpu.memref_squeeze %dma_start3A_252 : memref<1x128xf32, #tpu.memory_space<hbm>> -> memref<128xf32, #tpu.memory_space<hbm>>
        %dma_start3A_254 = arith.constant 0 : i32
        %dma_start3A_255 = tpu.memref_slice %arg5[%add3A_198, %dma_start3A_254] : memref<2560x128xf32, #tpu.memory_space<hbm>> -> memref<1x128xf32, #tpu.memory_space<hbm>>
        %dma_start3A_256 = tpu.memref_squeeze %dma_start3A_255 : memref<1x128xf32, #tpu.memory_space<hbm>> -> memref<128xf32, #tpu.memory_space<hbm>>
        tpu.enqueue_dma source(%dma_start3A_256 : memref<128xf32, #tpu.memory_space<hbm>>) target(%arg9 : memref<128xf32, #tpu.memory_space<vmem>>) target_semaphore(%run_scoped3A_250 : memref<!tpu.dma_semaphore, #tpu.memory_space<semaphore_mem>>)
        %dma_wait3A_257 = arith.constant 0 : i32
        %dma_wait3A_258 = tpu.memref_slice %arg5[%add3A_198, %dma_wait3A_257] : memref<2560x128xf32, #tpu.memory_space<hbm>> -> memref<1x128xf32, #tpu.memory_space<hbm>>
        %dma_wait3A_259 = tpu.memref_squeeze %dma_wait3A_258 : memref<1x128xf32, #tpu.memory_space<hbm>> -> memref<128xf32, #tpu.memory_space<hbm>>
        %dma_wait3A_260 = arith.constant 0 : i32
        %dma_wait3A_261 = tpu.memref_slice %arg5[%add3A_198, %dma_wait3A_260] : memref<2560x128xf32, #tpu.memory_space<hbm>> -> memref<1x128xf32, #tpu.memory_space<hbm>>
        %dma_wait3A_262 = tpu.memref_squeeze %dma_wait3A_261 : memref<1x128xf32, #tpu.memory_space<hbm>> -> memref<128xf32, #tpu.memory_space<hbm>>
        tpu.wait_dma2 semaphore(%run_scoped3A_250 : memref<!tpu.dma_semaphore, #tpu.memory_space<semaphore_mem>>) src(%dma_wait3A_262 : memref<128xf32, #tpu.memory_space<hbm>>) dst(%arg9 : memref<128xf32, #tpu.memory_space<vmem>>)
        tpu.yield
      }) : () -> ()
      "tpu.region"() ({
        %run_scoped3A_250 = tpu.sem_alloc : memref<!tpu.dma_semaphore, #tpu.memory_space<semaphore_mem>>
        %dma_start3A_251 = arith.constant 0 : i32
        %dma_start3A_252 = arith.constant 0 : i32
        %dma_start3A_253 = tpu.memref_slice %arg2[%dma_start3A_251, %dma_start3A_252] : memref<10000x128xf32, #tpu.memory_space<hbm>> -> memref<10000x128xf32, #tpu.memory_space<hbm>>
        tpu.enqueue_indirect_dma source(%dma_start3A_253 : memref<10000x128xf32, #tpu.memory_space<hbm>>) target(%arg19 : memref<128x128xf32, #tpu.memory_space<vmem>>) offsets(%arg7 : memref<128xi32, #tpu.memory_space<vmem>>) semaphore(%run_scoped3A_250 : memref<!tpu.dma_semaphore, #tpu.memory_space<semaphore_mem>>)
        %dma_wait3A_254 = arith.constant 0 : i32
        %dma_wait3A_255 = arith.constant 0 : i32
        %dma_wait3A_256 = tpu.memref_slice %arg2[%dma_wait3A_254, %dma_wait3A_255] : memref<10000x128xf32, #tpu.memory_space<hbm>> -> memref<10000x128xf32, #tpu.memory_space<hbm>>
        tpu.wait_indirect_dma semaphore(%run_scoped3A_250 : memref<!tpu.dma_semaphore, #tpu.memory_space<semaphore_mem>>) src(%dma_wait3A_256 : memref<10000x128xf32, #tpu.memory_space<hbm>>) dst(%arg19 : memref<128x128xf32, #tpu.memory_space<vmem>>)
        tpu.yield
      }) : () -> ()
      %get3A = arith.constant 0 : index
      %get3A_199 = tpu.vector_load %arg8[%get3A] {strides = array<i32>} : memref<128xi32, #tpu.memory_space<vmem>>, vector<16xi32>,
      %swap3A = arith.constant 0 : i32
      %swap3A_200 = arith.index_cast %swap3A : i32 to index
      %swap3A_201 = arith.constant 0 : index
      %swap3A_202 = tpu.vector_load %arg16[%swap3A_200, %swap3A_201] {strides = array<i32>} : memref<1x128xi32, #tpu.memory_space<vmem>>, vector<16xi32>,
      tpu.vector_store %arg16[%swap3A_200, %swap3A_201], %get3A_199 {strides = array<i32>} : memref<1x128xi32, #tpu.memory_space<vmem>>, vector<16xi32>,
      %get3A_203 = arith.constant 16 : index
      %get3A_204 = tpu.vector_load %arg8[%get3A_203] {strides = array<i32>} : memref<128xi32, #tpu.memory_space<vmem>>, vector<16xi32>,
      %swap3A_205 = arith.constant 0 : i32
      %swap3A_206 = arith.index_cast %swap3A_205 : i32 to index
      %swap3A_207 = arith.constant 16 : index
      %swap3A_208 = tpu.vector_load %arg16[%swap3A_206, %swap3A_207] {strides = array<i32>} : memref<1x128xi32, #tpu.memory_space<vmem>>, vector<16xi32>,
      tpu.vector_store %arg16[%swap3A_206, %swap3A_207], %get3A_204 {strides = array<i32>} : memref<1x128xi32, #tpu.memory_space<vmem>>, vector<16xi32>,
      %get3A_209 = arith.constant 32 : index
      %get3A_210 = tpu.vector_load %arg8[%get3A_209] {strides = array<i32>} : memref<128xi32, #tpu.memory_space<vmem>>, vector<16xi32>,
      %swap3A_211 = arith.constant 0 : i32
      %swap3A_212 = arith.index_cast %swap3A_211 : i32 to index
      %swap3A_213 = arith.constant 32 : index
      %swap3A_214 = tpu.vector_load %arg16[%swap3A_212, %swap3A_213] {strides = array<i32>} : memref<1x128xi32, #tpu.memory_space<vmem>>, vector<16xi32>,
      tpu.vector_store %arg16[%swap3A_212, %swap3A_213], %get3A_210 {strides = array<i32>} : memref<1x128xi32, #tpu.memory_space<vmem>>, vector<16xi32>,
      %get3A_215 = arith.constant 48 : index
      %get3A_216 = tpu.vector_load %arg8[%get3A_215] {strides = array<i32>} : memref<128xi32, #tpu.memory_space<vmem>>, vector<16xi32>,
      %swap3A_217 = arith.constant 0 : i32
      %swap3A_218 = arith.index_cast %swap3A_217 : i32 to index
      %swap3A_219 = arith.constant 48 : index
      %swap3A_220 = tpu.vector_load %arg16[%swap3A_218, %swap3A_219] {strides = array<i32>} : memref<1x128xi32, #tpu.memory_space<vmem>>, vector<16xi32>,
      tpu.vector_store %arg16[%swap3A_218, %swap3A_219], %get3A_216 {strides = array<i32>} : memref<1x128xi32, #tpu.memory_space<vmem>>, vector<16xi32>,
      %get3A_221 = arith.constant 64 : index
      %get3A_222 = tpu.vector_load %arg8[%get3A_221] {strides = array<i32>} : memref<128xi32, #tpu.memory_space<vmem>>, vector<16xi32>,
      %swap3A_223 = arith.constant 0 : i32
      %swap3A_224 = arith.index_cast %swap3A_223 : i32 to index
      %swap3A_225 = arith.constant 64 : index
      %swap3A_226 = tpu.vector_load %arg16[%swap3A_224, %swap3A_225] {strides = array<i32>} : memref<1x128xi32, #tpu.memory_space<vmem>>, vector<16xi32>,
      tpu.vector_store %arg16[%swap3A_224, %swap3A_225], %get3A_222 {strides = array<i32>} : memref<1x128xi32, #tpu.memory_space<vmem>>, vector<16xi32>,
      %get3A_227 = arith.constant 80 : index
      %get3A_228 = tpu.vector_load %arg8[%get3A_227] {strides = array<i32>} : memref<128xi32, #tpu.memory_space<vmem>>, vector<16xi32>,
      %swap3A_229 = arith.constant 0 : i32
      %swap3A_230 = arith.index_cast %swap3A_229 : i32 to index
      %swap3A_231 = arith.constant 80 : index
      %swap3A_232 = tpu.vector_load %arg16[%swap3A_230, %swap3A_231] {strides = array<i32>} : memref<1x128xi32, #tpu.memory_space<vmem>>, vector<16xi32>,
      tpu.vector_store %arg16[%swap3A_230, %swap3A_231], %get3A_228 {strides = array<i32>} : memref<1x128xi32, #tpu.memory_space<vmem>>, vector<16xi32>,
      %get3A_233 = arith.constant 96 : index
      %get3A_234 = tpu.vector_load %arg8[%get3A_233] {strides = array<i32>} : memref<128xi32, #tpu.memory_space<vmem>>, vector<16xi32>,
      %swap3A_235 = arith.constant 0 : i32
      %swap3A_236 = arith.index_cast %swap3A_235 : i32 to index
      %swap3A_237 = arith.constant 96 : index
      %swap3A_238 = tpu.vector_load %arg16[%swap3A_236, %swap3A_237] {strides = array<i32>} : memref<1x128xi32, #tpu.memory_space<vmem>>, vector<16xi32>,
      tpu.vector_store %arg16[%swap3A_236, %swap3A_237], %get3A_234 {strides = array<i32>} : memref<1x128xi32, #tpu.memory_space<vmem>>, vector<16xi32>,
      %get3A_239 = arith.constant 112 : index
      %get3A_240 = tpu.vector_load %arg8[%get3A_239] {strides = array<i32>} : memref<128xi32, #tpu.memory_space<vmem>>, vector<16xi32>,
      %swap3A_241 = arith.constant 0 : i32
      %swap3A_242 = arith.index_cast %swap3A_241 : i32 to index
      %swap3A_243 = arith.constant 112 : index
      %swap3A_244 = tpu.vector_load %arg16[%swap3A_242, %swap3A_243] {strides = array<i32>} : memref<1x128xi32, #tpu.memory_space<vmem>>, vector<16xi32>,
      tpu.vector_store %arg16[%swap3A_242, %swap3A_243], %get3A_240 {strides = array<i32>} : memref<1x128xi32, #tpu.memory_space<vmem>>, vector<16xi32>,
      %scan3A_245 = arith.constant 0 : i32
      %scan3A_246 = arith.constant 128 : i32
      %scan3A_247 = arith.addi %scan3A_245, %scan3A_246 : i32
      %scan3A_248 = arith.constant 4 : i32
      scf.for %scan3A_250 = %scan3A_245 to %scan3A_247 step %scan3A_248  : i32 {
        %mul3A_251 = arith.constant 1 : i32
        %mul3A_252 = arith.muli %scan3A_250, %mul3A_251 : i32
        %add3A_253 = arith.constant 0 : i32
        %add3A_254 = arith.addi %add3A_253, %mul3A_252 : i32
        %broadcast_in_dim3A_255 = vector.broadcast %add3A_254 : i32 to vector<16xi32>
        %gather3A = tpu.vector_load_idx %arg9[%broadcast_in_dim3A_255] : memref<128xf32, #tpu.memory_space<vmem>>[vector<16xi32>], vector<16xf32>,
        %get3A_256 = arith.index_cast %add3A_254 : i32 to index
        %get3A_257 = arith.constant 0 : index
        %get3A_258 = tpu.vector_load %arg19[%get3A_256, %get3A_257] {strides = array<i32>} : memref<128x128xf32, #tpu.memory_space<vmem>>, vector<16xf32>,
        %mul3A_259 = arith.mulf %get3A_258, %gather3A : vector<16xf32>
        %swap3A_260 = arith.index_cast %add3A_254 : i32 to index
        %swap3A_261 = arith.constant 0 : index
        %swap3A_262 = tpu.vector_load %arg19[%swap3A_260, %swap3A_261] {strides = array<i32>} : memref<128x128xf32, #tpu.memory_space<vmem>>, vector<16xf32>,
        tpu.vector_store %arg19[%swap3A_260, %swap3A_261], %mul3A_259 {strides = array<i32>} : memref<128x128xf32, #tpu.memory_space<vmem>>, vector<16xf32>,
        %get3A_263 = arith.index_cast %add3A_254 : i32 to index
        %get3A_264 = arith.constant 16 : index
        %get3A_265 = tpu.vector_load %arg19[%get3A_263, %get3A_264] {strides = array<i32>} : memref<128x128xf32, #tpu.memory_space<vmem>>, vector<16xf32>,
        %mul3A_266 = arith.mulf %get3A_265, %gather3A : vector<16xf32>
        %swap3A_267 = arith.index_cast %add3A_254 : i32 to index
        %swap3A_268 = arith.constant 16 : index
        %swap3A_269 = tpu.vector_load %arg19[%swap3A_267, %swap3A_268] {strides = array<i32>} : memref<128x128xf32, #tpu.memory_space<vmem>>, vector<16xf32>,
        tpu.vector_store %arg19[%swap3A_267, %swap3A_268], %mul3A_266 {strides = array<i32>} : memref<128x128xf32, #tpu.memory_space<vmem>>, vector<16xf32>,
        %get3A_270 = arith.index_cast %add3A_254 : i32 to index
        %get3A_271 = arith.constant 32 : index
        %get3A_272 = tpu.vector_load %arg19[%get3A_270, %get3A_271] {strides = array<i32>} : memref<128x128xf32, #tpu.memory_space<vmem>>, vector<16xf32>,
        %mul3A_273 = arith.mulf %get3A_272, %gather3A : vector<16xf32>
        %swap3A_274 = arith.index_cast %add3A_254 : i32 to index
        %swap3A_275 = arith.constant 32 : index
        %swap3A_276 = tpu.vector_load %arg19[%swap3A_274, %swap3A_275] {strides = array<i32>} : memref<128x128xf32, #tpu.memory_space<vmem>>, vector<16xf32>,
        tpu.vector_store %arg19[%swap3A_274, %swap3A_275], %mul3A_273 {strides = array<i32>} : memref<128x128xf32, #tpu.memory_space<vmem>>, vector<16xf32>,
        %get3A_277 = arith.index_cast %add3A_254 : i32 to index
        %get3A_278 = arith.constant 48 : index
        %get3A_279 = tpu.vector_load %arg19[%get3A_277, %get3A_278] {strides = array<i32>} : memref<128x128xf32, #tpu.memory_space<vmem>>, vector<16xf32>,
        %mul3A_280 = arith.mulf %get3A_279, %gather3A : vector<16xf32>
        %swap3A_281 = arith.index_cast %add3A_254 : i32 to index
        %swap3A_282 = arith.constant 48 : index
        %swap3A_283 = tpu.vector_load %arg19[%swap3A_281, %swap3A_282] {strides = array<i32>} : memref<128x128xf32, #tpu.memory_space<vmem>>, vector<16xf32>,
        tpu.vector_store %arg19[%swap3A_281, %swap3A_282], %mul3A_280 {strides = array<i32>} : memref<128x128xf32, #tpu.memory_space<vmem>>, vector<16xf32>,
        %get3A_284 = arith.index_cast %add3A_254 : i32 to index
        %get3A_285 = arith.constant 64 : index
        %get3A_286 = tpu.vector_load %arg19[%get3A_284, %get3A_285] {strides = array<i32>} : memref<128x128xf32, #tpu.memory_space<vmem>>, vector<16xf32>,
        %mul3A_287 = arith.mulf %get3A_286, %gather3A : vector<16xf32>
        %swap3A_288 = arith.index_cast %add3A_254 : i32 to index
        %swap3A_289 = arith.constant 64 : index
        %swap3A_290 = tpu.vector_load %arg19[%swap3A_288, %swap3A_289] {strides = array<i32>} : memref<128x128xf32, #tpu.memory_space<vmem>>, vector<16xf32>,
        tpu.vector_store %arg19[%swap3A_288, %swap3A_289], %mul3A_287 {strides = array<i32>} : memref<128x128xf32, #tpu.memory_space<vmem>>, vector<16xf32>,
        %get3A_291 = arith.index_cast %add3A_254 : i32 to index
        %get3A_292 = arith.constant 80 : index
        %get3A_293 = tpu.vector_load %arg19[%get3A_291, %get3A_292] {strides = array<i32>} : memref<128x128xf32, #tpu.memory_space<vmem>>, vector<16xf32>,
        %mul3A_294 = arith.mulf %get3A_293, %gather3A : vector<16xf32>
        %swap3A_295 = arith.index_cast %add3A_254 : i32 to index
        %swap3A_296 = arith.constant 80 : index
        %swap3A_297 = tpu.vector_load %arg19[%swap3A_295, %swap3A_296] {strides = array<i32>} : memref<128x128xf32, #tpu.memory_space<vmem>>, vector<16xf32>,
        tpu.vector_store %arg19[%swap3A_295, %swap3A_296], %mul3A_294 {strides = array<i32>} : memref<128x128xf32, #tpu.memory_space<vmem>>, vector<16xf32>,
        %get3A_298 = arith.index_cast %add3A_254 : i32 to index
        %get3A_299 = arith.constant 96 : index
        %get3A_300 = tpu.vector_load %arg19[%get3A_298, %get3A_299] {strides = array<i32>} : memref<128x128xf32, #tpu.memory_space<vmem>>, vector<16xf32>,
        %mul3A_301 = arith.mulf %get3A_300, %gather3A : vector<16xf32>
        %swap3A_302 = arith.index_cast %add3A_254 : i32 to index
        %swap3A_303 = arith.constant 96 : index
        %swap3A_304 = tpu.vector_load %arg19[%swap3A_302, %swap3A_303] {strides = array<i32>} : memref<128x128xf32, #tpu.memory_space<vmem>>, vector<16xf32>,
        tpu.vector_store %arg19[%swap3A_302, %swap3A_303], %mul3A_301 {strides = array<i32>} : memref<128x128xf32, #tpu.memory_space<vmem>>, vector<16xf32>,
        %get3A_305 = arith.index_cast %add3A_254 : i32 to index
        %get3A_306 = arith.constant 112 : index
        %get3A_307 = tpu.vector_load %arg19[%get3A_305, %get3A_306] {strides = array<i32>} : memref<128x128xf32, #tpu.memory_space<vmem>>, vector<16xf32>,
        %mul3A_308 = arith.mulf %get3A_307, %gather3A : vector<16xf32>
        %swap3A_309 = arith.index_cast %add3A_254 : i32 to index
        %swap3A_310 = arith.constant 112 : index
        %swap3A_311 = tpu.vector_load %arg19[%swap3A_309, %swap3A_310] {strides = array<i32>} : memref<128x128xf32, #tpu.memory_space<vmem>>, vector<16xf32>,
        tpu.vector_store %arg19[%swap3A_309, %swap3A_310], %mul3A_308 {strides = array<i32>} : memref<128x128xf32, #tpu.memory_space<vmem>>, vector<16xf32>,
        %scan3A_312 = arith.constant 1 : i32
        %scan3A_313 = arith.addi %scan3A_250, %scan3A_312 : i32
        %mul3A_314 = arith.constant 1 : i32
        %mul3A_315 = arith.muli %scan3A_313, %mul3A_314 : i32
        %add3A_316 = arith.constant 0 : i32
        %add3A_317 = arith.addi %add3A_316, %mul3A_315 : i32
        %broadcast_in_dim3A_318 = vector.broadcast %add3A_317 : i32 to vector<16xi32>
        %gather3A_319 = tpu.vector_load_idx %arg9[%broadcast_in_dim3A_318] : memref<128xf32, #tpu.memory_space<vmem>>[vector<16xi32>], vector<16xf32>,
        %get3A_320 = arith.index_cast %add3A_317 : i32 to index
        %get3A_321 = arith.constant 0 : index
        %get3A_322 = tpu.vector_load %arg19[%get3A_320, %get3A_321] {strides = array<i32>} : memref<128x128xf32, #tpu.memory_space<vmem>>, vector<16xf32>,
        %mul3A_323 = arith.mulf %get3A_322, %gather3A_319 : vector<16xf32>
        %swap3A_324 = arith.index_cast %add3A_317 : i32 to index
        %swap3A_325 = arith.constant 0 : index
        %swap3A_326 = tpu.vector_load %arg19[%swap3A_324, %swap3A_325] {strides = array<i32>} : memref<128x128xf32, #tpu.memory_space<vmem>>, vector<16xf32>,
        tpu.vector_store %arg19[%swap3A_324, %swap3A_325], %mul3A_323 {strides = array<i32>} : memref<128x128xf32, #tpu.memory_space<vmem>>, vector<16xf32>,
        %get3A_327 = arith.index_cast %add3A_317 : i32 to index
        %get3A_328 = arith.constant 16 : index
        %get3A_329 = tpu.vector_load %arg19[%get3A_327, %get3A_328] {strides = array<i32>} : memref<128x128xf32, #tpu.memory_space<vmem>>, vector<16xf32>,
        %mul3A_330 = arith.mulf %get3A_329, %gather3A_319 : vector<16xf32>
        %swap3A_331 = arith.index_cast %add3A_317 : i32 to index
        %swap3A_332 = arith.constant 16 : index
        %swap3A_333 = tpu.vector_load %arg19[%swap3A_331, %swap3A_332] {strides = array<i32>} : memref<128x128xf32, #tpu.memory_space<vmem>>, vector<16xf32>,
        tpu.vector_store %arg19[%swap3A_331, %swap3A_332], %mul3A_330 {strides = array<i32>} : memref<128x128xf32, #tpu.memory_space<vmem>>, vector<16xf32>,
        %get3A_334 = arith.index_cast %add3A_317 : i32 to index
        %get3A_335 = arith.constant 32 : index
        %get3A_336 = tpu.vector_load %arg19[%get3A_334, %get3A_335] {strides = array<i32>} : memref<128x128xf32, #tpu.memory_space<vmem>>, vector<16xf32>,
        %mul3A_337 = arith.mulf %get3A_336, %gather3A_319 : vector<16xf32>
        %swap3A_338 = arith.index_cast %add3A_317 : i32 to index
        %swap3A_339 = arith.constant 32 : index
        %swap3A_340 = tpu.vector_load %arg19[%swap3A_338, %swap3A_339] {strides = array<i32>} : memref<128x128xf32, #tpu.memory_space<vmem>>, vector<16xf32>,
        tpu.vector_store %arg19[%swap3A_338, %swap3A_339], %mul3A_337 {strides = array<i32>} : memref<128x128xf32, #tpu.memory_space<vmem>>, vector<16xf32>,
        %get3A_341 = arith.index_cast %add3A_317 : i32 to index
        %get3A_342 = arith.constant 48 : index
        %get3A_343 = tpu.vector_load %arg19[%get3A_341, %get3A_342] {strides = array<i32>} : memref<128x128xf32, #tpu.memory_space<vmem>>, vector<16xf32>,
        %mul3A_344 = arith.mulf %get3A_343, %gather3A_319 : vector<16xf32>
        %swap3A_345 = arith.index_cast %add3A_317 : i32 to index
        %swap3A_346 = arith.constant 48 : index
        %swap3A_347 = tpu.vector_load %arg19[%swap3A_345, %swap3A_346] {strides = array<i32>} : memref<128x128xf32, #tpu.memory_space<vmem>>, vector<16xf32>,
        tpu.vector_store %arg19[%swap3A_345, %swap3A_346], %mul3A_344 {strides = array<i32>} : memref<128x128xf32, #tpu.memory_space<vmem>>, vector<16xf32>,
        %get3A_348 = arith.index_cast %add3A_317 : i32 to index
        %get3A_349 = arith.constant 64 : index
        %get3A_350 = tpu.vector_load %arg19[%get3A_348, %get3A_349] {strides = array<i32>} : memref<128x128xf32, #tpu.memory_space<vmem>>, vector<16xf32>,
        %mul3A_351 = arith.mulf %get3A_350, %gather3A_319 : vector<16xf32>
        %swap3A_352 = arith.index_cast %add3A_317 : i32 to index
        %swap3A_353 = arith.constant 64 : index
        %swap3A_354 = tpu.vector_load %arg19[%swap3A_352, %swap3A_353] {strides = array<i32>} : memref<128x128xf32, #tpu.memory_space<vmem>>, vector<16xf32>,
        tpu.vector_store %arg19[%swap3A_352, %swap3A_353], %mul3A_351 {strides = array<i32>} : memref<128x128xf32, #tpu.memory_space<vmem>>, vector<16xf32>,
        %get3A_355 = arith.index_cast %add3A_317 : i32 to index
        %get3A_356 = arith.constant 80 : index
        %get3A_357 = tpu.vector_load %arg19[%get3A_355, %get3A_356] {strides = array<i32>} : memref<128x128xf32, #tpu.memory_space<vmem>>, vector<16xf32>,
        %mul3A_358 = arith.mulf %get3A_357, %gather3A_319 : vector<16xf32>
        %swap3A_359 = arith.index_cast %add3A_317 : i32 to index
        %swap3A_360 = arith.constant 80 : index
        %swap3A_361 = tpu.vector_load %arg19[%swap3A_359, %swap3A_360] {strides = array<i32>} : memref<128x128xf32, #tpu.memory_space<vmem>>, vector<16xf32>,
        tpu.vector_store %arg19[%swap3A_359, %swap3A_360], %mul3A_358 {strides = array<i32>} : memref<128x128xf32, #tpu.memory_space<vmem>>, vector<16xf32>,
        %get3A_362 = arith.index_cast %add3A_317 : i32 to index
        %get3A_363 = arith.constant 96 : index
        %get3A_364 = tpu.vector_load %arg19[%get3A_362, %get3A_363] {strides = array<i32>} : memref<128x128xf32, #tpu.memory_space<vmem>>, vector<16xf32>,
        %mul3A_365 = arith.mulf %get3A_364, %gather3A_319 : vector<16xf32>
        %swap3A_366 = arith.index_cast %add3A_317 : i32 to index
        %swap3A_367 = arith.constant 96 : index
        %swap3A_368 = tpu.vector_load %arg19[%swap3A_366, %swap3A_367] {strides = array<i32>} : memref<128x128xf32, #tpu.memory_space<vmem>>, vector<16xf32>,
        tpu.vector_store %arg19[%swap3A_366, %swap3A_367], %mul3A_365 {strides = array<i32>} : memref<128x128xf32, #tpu.memory_space<vmem>>, vector<16xf32>,
        %get3A_369 = arith.index_cast %add3A_317 : i32 to index
        %get3A_370 = arith.constant 112 : index
        %get3A_371 = tpu.vector_load %arg19[%get3A_369, %get3A_370] {strides = array<i32>} : memref<128x128xf32, #tpu.memory_space<vmem>>, vector<16xf32>,
        %mul3A_372 = arith.mulf %get3A_371, %gather3A_319 : vector<16xf32>
        %swap3A_373 = arith.index_cast %add3A_317 : i32 to index
        %swap3A_374 = arith.constant 112 : index
        %swap3A_375 = tpu.vector_load %arg19[%swap3A_373, %swap3A_374] {strides = array<i32>} : memref<128x128xf32, #tpu.memory_space<vmem>>, vector<16xf32>,
        tpu.vector_store %arg19[%swap3A_373, %swap3A_374], %mul3A_372 {strides = array<i32>} : memref<128x128xf32, #tpu.memory_space<vmem>>, vector<16xf32>,
        %scan3A_376 = arith.constant 2 : i32
        %scan3A_377 = arith.addi %scan3A_250, %scan3A_376 : i32
        %mul3A_378 = arith.constant 1 : i32
        %mul3A_379 = arith.muli %scan3A_377, %mul3A_378 : i32
        %add3A_380 = arith.constant 0 : i32
        %add3A_381 = arith.addi %add3A_380, %mul3A_379 : i32
        %broadcast_in_dim3A_382 = vector.broadcast %add3A_381 : i32 to vector<16xi32>
        %gather3A_383 = tpu.vector_load_idx %arg9[%broadcast_in_dim3A_382] : memref<128xf32, #tpu.memory_space<vmem>>[vector<16xi32>], vector<16xf32>,
        %get3A_384 = arith.index_cast %add3A_381 : i32 to index
        %get3A_385 = arith.constant 0 : index
        %get3A_386 = tpu.vector_load %arg19[%get3A_384, %get3A_385] {strides = array<i32>} : memref<128x128xf32, #tpu.memory_space<vmem>>, vector<16xf32>,
        %mul3A_387 = arith.mulf %get3A_386, %gather3A_383 : vector<16xf32>
        %swap3A_388 = arith.index_cast %add3A_381 : i32 to index
        %swap3A_389 = arith.constant 0 : index
        %swap3A_390 = tpu.vector_load %arg19[%swap3A_388, %swap3A_389] {strides = array<i32>} : memref<128x128xf32, #tpu.memory_space<vmem>>, vector<16xf32>,
        tpu.vector_store %arg19[%swap3A_388, %swap3A_389], %mul3A_387 {strides = array<i32>} : memref<128x128xf32, #tpu.memory_space<vmem>>, vector<16xf32>,
        %get3A_391 = arith.index_cast %add3A_381 : i32 to index
        %get3A_392 = arith.constant 16 : index
        %get3A_393 = tpu.vector_load %arg19[%get3A_391, %get3A_392] {strides = array<i32>} : memref<128x128xf32, #tpu.memory_space<vmem>>, vector<16xf32>,
        %mul3A_394 = arith.mulf %get3A_393, %gather3A_383 : vector<16xf32>
        %swap3A_395 = arith.index_cast %add3A_381 : i32 to index
        %swap3A_396 = arith.constant 16 : index
        %swap3A_397 = tpu.vector_load %arg19[%swap3A_395, %swap3A_396] {strides = array<i32>} : memref<128x128xf32, #tpu.memory_space<vmem>>, vector<16xf32>,
        tpu.vector_store %arg19[%swap3A_395, %swap3A_396], %mul3A_394 {strides = array<i32>} : memref<128x128xf32, #tpu.memory_space<vmem>>, vector<16xf32>,
        %get3A_398 = arith.index_cast %add3A_381 : i32 to index
        %get3A_399 = arith.constant 32 : index
        %get3A_400 = tpu.vector_load %arg19[%get3A_398, %get3A_399] {strides = array<i32>} : memref<128x128xf32, #tpu.memory_space<vmem>>, vector<16xf32>,
        %mul3A_401 = arith.mulf %get3A_400, %gather3A_383 : vector<16xf32>
        %swap3A_402 = arith.index_cast %add3A_381 : i32 to index
        %swap3A_403 = arith.constant 32 : index
        %swap3A_404 = tpu.vector_load %arg19[%swap3A_402, %swap3A_403] {strides = array<i32>} : memref<128x128xf32, #tpu.memory_space<vmem>>, vector<16xf32>,
        tpu.vector_store %arg19[%swap3A_402, %swap3A_403], %mul3A_401 {strides = array<i32>} : memref<128x128xf32, #tpu.memory_space<vmem>>, vector<16xf32>,
        %get3A_405 = arith.index_cast %add3A_381 : i32 to index
        %get3A_406 = arith.constant 48 : index
        %get3A_407 = tpu.vector_load %arg19[%get3A_405, %get3A_406] {strides = array<i32>} : memref<128x128xf32, #tpu.memory_space<vmem>>, vector<16xf32>,
        %mul3A_408 = arith.mulf %get3A_407, %gather3A_383 : vector<16xf32>
        %swap3A_409 = arith.index_cast %add3A_381 : i32 to index
        %swap3A_410 = arith.constant 48 : index
        %swap3A_411 = tpu.vector_load %arg19[%swap3A_409, %swap3A_410] {strides = array<i32>} : memref<128x128xf32, #tpu.memory_space<vmem>>, vector<16xf32>,
        tpu.vector_store %arg19[%swap3A_409, %swap3A_410], %mul3A_408 {strides = array<i32>} : memref<128x128xf32, #tpu.memory_space<vmem>>, vector<16xf32>,
        %get3A_412 = arith.index_cast %add3A_381 : i32 to index
        %get3A_413 = arith.constant 64 : index
        %get3A_414 = tpu.vector_load %arg19[%get3A_412, %get3A_413] {strides = array<i32>} : memref<128x128xf32, #tpu.memory_space<vmem>>, vector<16xf32>,
        %mul3A_415 = arith.mulf %get3A_414, %gather3A_383 : vector<16xf32>
        %swap3A_416 = arith.index_cast %add3A_381 : i32 to index
        %swap3A_417 = arith.constant 64 : index
        %swap3A_418 = tpu.vector_load %arg19[%swap3A_416, %swap3A_417] {strides = array<i32>} : memref<128x128xf32, #tpu.memory_space<vmem>>, vector<16xf32>,
        tpu.vector_store %arg19[%swap3A_416, %swap3A_417], %mul3A_415 {strides = array<i32>} : memref<128x128xf32, #tpu.memory_space<vmem>>, vector<16xf32>,
        %get3A_419 = arith.index_cast %add3A_381 : i32 to index
        %get3A_420 = arith.constant 80 : index
        %get3A_421 = tpu.vector_load %arg19[%get3A_419, %get3A_420] {strides = array<i32>} : memref<128x128xf32, #tpu.memory_space<vmem>>, vector<16xf32>,
        %mul3A_422 = arith.mulf %get3A_421, %gather3A_383 : vector<16xf32>
        %swap3A_423 = arith.index_cast %add3A_381 : i32 to index
        %swap3A_424 = arith.constant 80 : index
        %swap3A_425 = tpu.vector_load %arg19[%swap3A_423, %swap3A_424] {strides = array<i32>} : memref<128x128xf32, #tpu.memory_space<vmem>>, vector<16xf32>,
        tpu.vector_store %arg19[%swap3A_423, %swap3A_424], %mul3A_422 {strides = array<i32>} : memref<128x128xf32, #tpu.memory_space<vmem>>, vector<16xf32>,
        %get3A_426 = arith.index_cast %add3A_381 : i32 to index
        %get3A_427 = arith.constant 96 : index
        %get3A_428 = tpu.vector_load %arg19[%get3A_426, %get3A_427] {strides = array<i32>} : memref<128x128xf32, #tpu.memory_space<vmem>>, vector<16xf32>,
        %mul3A_429 = arith.mulf %get3A_428, %gather3A_383 : vector<16xf32>
        %swap3A_430 = arith.index_cast %add3A_381 : i32 to index
        %swap3A_431 = arith.constant 96 : index
        %swap3A_432 = tpu.vector_load %arg19[%swap3A_430, %swap3A_431] {strides = array<i32>} : memref<128x128xf32, #tpu.memory_space<vmem>>, vector<16xf32>,
        tpu.vector_store %arg19[%swap3A_430, %swap3A_431], %mul3A_429 {strides = array<i32>} : memref<128x128xf32, #tpu.memory_space<vmem>>, vector<16xf32>,
        %get3A_433 = arith.index_cast %add3A_381 : i32 to index
        %get3A_434 = arith.constant 112 : index
        %get3A_435 = tpu.vector_load %arg19[%get3A_433, %get3A_434] {strides = array<i32>} : memref<128x128xf32, #tpu.memory_space<vmem>>, vector<16xf32>,
        %mul3A_436 = arith.mulf %get3A_435, %gather3A_383 : vector<16xf32>
        %swap3A_437 = arith.index_cast %add3A_381 : i32 to index
        %swap3A_438 = arith.constant 112 : index
        %swap3A_439 = tpu.vector_load %arg19[%swap3A_437, %swap3A_438] {strides = array<i32>} : memref<128x128xf32, #tpu.memory_space<vmem>>, vector<16xf32>,
        tpu.vector_store %arg19[%swap3A_437, %swap3A_438], %mul3A_436 {strides = array<i32>} : memref<128x128xf32, #tpu.memory_space<vmem>>, vector<16xf32>,
        %scan3A_440 = arith.constant 3 : i32
        %scan3A_441 = arith.addi %scan3A_250, %scan3A_440 : i32
        %mul3A_442 = arith.constant 1 : i32
        %mul3A_443 = arith.muli %scan3A_441, %mul3A_442 : i32
        %add3A_444 = arith.constant 0 : i32
        %add3A_445 = arith.addi %add3A_444, %mul3A_443 : i32
        %broadcast_in_dim3A_446 = vector.broadcast %add3A_445 : i32 to vector<16xi32>
        %gather3A_447 = tpu.vector_load_idx %arg9[%broadcast_in_dim3A_446] : memref<128xf32, #tpu.memory_space<vmem>>[vector<16xi32>], vector<16xf32>,
        %get3A_448 = arith.index_cast %add3A_445 : i32 to index
        %get3A_449 = arith.constant 0 : index
        %get3A_450 = tpu.vector_load %arg19[%get3A_448, %get3A_449] {strides = array<i32>} : memref<128x128xf32, #tpu.memory_space<vmem>>, vector<16xf32>,
        %mul3A_451 = arith.mulf %get3A_450, %gather3A_447 : vector<16xf32>
        %swap3A_452 = arith.index_cast %add3A_445 : i32 to index
        %swap3A_453 = arith.constant 0 : index
        %swap3A_454 = tpu.vector_load %arg19[%swap3A_452, %swap3A_453] {strides = array<i32>} : memref<128x128xf32, #tpu.memory_space<vmem>>, vector<16xf32>,
        tpu.vector_store %arg19[%swap3A_452, %swap3A_453], %mul3A_451 {strides = array<i32>} : memref<128x128xf32, #tpu.memory_space<vmem>>, vector<16xf32>,
        %get3A_455 = arith.index_cast %add3A_445 : i32 to index
        %get3A_456 = arith.constant 16 : index
        %get3A_457 = tpu.vector_load %arg19[%get3A_455, %get3A_456] {strides = array<i32>} : memref<128x128xf32, #tpu.memory_space<vmem>>, vector<16xf32>,
        %mul3A_458 = arith.mulf %get3A_457, %gather3A_447 : vector<16xf32>
        %swap3A_459 = arith.index_cast %add3A_445 : i32 to index
        %swap3A_460 = arith.constant 16 : index
        %swap3A_461 = tpu.vector_load %arg19[%swap3A_459, %swap3A_460] {strides = array<i32>} : memref<128x128xf32, #tpu.memory_space<vmem>>, vector<16xf32>,
        tpu.vector_store %arg19[%swap3A_459, %swap3A_460], %mul3A_458 {strides = array<i32>} : memref<128x128xf32, #tpu.memory_space<vmem>>, vector<16xf32>,
        %get3A_462 = arith.index_cast %add3A_445 : i32 to index
        %get3A_463 = arith.constant 32 : index
        %get3A_464 = tpu.vector_load %arg19[%get3A_462, %get3A_463] {strides = array<i32>} : memref<128x128xf32, #tpu.memory_space<vmem>>, vector<16xf32>,
        %mul3A_465 = arith.mulf %get3A_464, %gather3A_447 : vector<16xf32>
        %swap3A_466 = arith.index_cast %add3A_445 : i32 to index
        %swap3A_467 = arith.constant 32 : index
        %swap3A_468 = tpu.vector_load %arg19[%swap3A_466, %swap3A_467] {strides = array<i32>} : memref<128x128xf32, #tpu.memory_space<vmem>>, vector<16xf32>,
        tpu.vector_store %arg19[%swap3A_466, %swap3A_467], %mul3A_465 {strides = array<i32>} : memref<128x128xf32, #tpu.memory_space<vmem>>, vector<16xf32>,
        %get3A_469 = arith.index_cast %add3A_445 : i32 to index
        %get3A_470 = arith.constant 48 : index
        %get3A_471 = tpu.vector_load %arg19[%get3A_469, %get3A_470] {strides = array<i32>} : memref<128x128xf32, #tpu.memory_space<vmem>>, vector<16xf32>,
        %mul3A_472 = arith.mulf %get3A_471, %gather3A_447 : vector<16xf32>
        %swap3A_473 = arith.index_cast %add3A_445 : i32 to index
        %swap3A_474 = arith.constant 48 : index
        %swap3A_475 = tpu.vector_load %arg19[%swap3A_473, %swap3A_474] {strides = array<i32>} : memref<128x128xf32, #tpu.memory_space<vmem>>, vector<16xf32>,
        tpu.vector_store %arg19[%swap3A_473, %swap3A_474], %mul3A_472 {strides = array<i32>} : memref<128x128xf32, #tpu.memory_space<vmem>>, vector<16xf32>,
        %get3A_476 = arith.index_cast %add3A_445 : i32 to index
        %get3A_477 = arith.constant 64 : index
        %get3A_478 = tpu.vector_load %arg19[%get3A_476, %get3A_477] {strides = array<i32>} : memref<128x128xf32, #tpu.memory_space<vmem>>, vector<16xf32>,
        %mul3A_479 = arith.mulf %get3A_478, %gather3A_447 : vector<16xf32>
        %swap3A_480 = arith.index_cast %add3A_445 : i32 to index
        %swap3A_481 = arith.constant 64 : index
        %swap3A_482 = tpu.vector_load %arg19[%swap3A_480, %swap3A_481] {strides = array<i32>} : memref<128x128xf32, #tpu.memory_space<vmem>>, vector<16xf32>,
        tpu.vector_store %arg19[%swap3A_480, %swap3A_481], %mul3A_479 {strides = array<i32>} : memref<128x128xf32, #tpu.memory_space<vmem>>, vector<16xf32>,
        %get3A_483 = arith.index_cast %add3A_445 : i32 to index
        %get3A_484 = arith.constant 80 : index
        %get3A_485 = tpu.vector_load %arg19[%get3A_483, %get3A_484] {strides = array<i32>} : memref<128x128xf32, #tpu.memory_space<vmem>>, vector<16xf32>,
        %mul3A_486 = arith.mulf %get3A_485, %gather3A_447 : vector<16xf32>
        %swap3A_487 = arith.index_cast %add3A_445 : i32 to index
        %swap3A_488 = arith.constant 80 : index
        %swap3A_489 = tpu.vector_load %arg19[%swap3A_487, %swap3A_488] {strides = array<i32>} : memref<128x128xf32, #tpu.memory_space<vmem>>, vector<16xf32>,
        tpu.vector_store %arg19[%swap3A_487, %swap3A_488], %mul3A_486 {strides = array<i32>} : memref<128x128xf32, #tpu.memory_space<vmem>>, vector<16xf32>,
        %get3A_490 = arith.index_cast %add3A_445 : i32 to index
        %get3A_491 = arith.constant 96 : index
        %get3A_492 = tpu.vector_load %arg19[%get3A_490, %get3A_491] {strides = array<i32>} : memref<128x128xf32, #tpu.memory_space<vmem>>, vector<16xf32>,
        %mul3A_493 = arith.mulf %get3A_492, %gather3A_447 : vector<16xf32>
        %swap3A_494 = arith.index_cast %add3A_445 : i32 to index
        %swap3A_495 = arith.constant 96 : index
        %swap3A_496 = tpu.vector_load %arg19[%swap3A_494, %swap3A_495] {strides = array<i32>} : memref<128x128xf32, #tpu.memory_space<vmem>>, vector<16xf32>,
        tpu.vector_store %arg19[%swap3A_494, %swap3A_495], %mul3A_493 {strides = array<i32>} : memref<128x128xf32, #tpu.memory_space<vmem>>, vector<16xf32>,
        %get3A_497 = arith.index_cast %add3A_445 : i32 to index
        %get3A_498 = arith.constant 112 : index
        %get3A_499 = tpu.vector_load %arg19[%get3A_497, %get3A_498] {strides = array<i32>} : memref<128x128xf32, #tpu.memory_space<vmem>>, vector<16xf32>,
        %mul3A_500 = arith.mulf %get3A_499, %gather3A_447 : vector<16xf32>
        %swap3A_501 = arith.index_cast %add3A_445 : i32 to index
        %swap3A_502 = arith.constant 112 : index
        %swap3A_503 = tpu.vector_load %arg19[%swap3A_501, %swap3A_502] {strides = array<i32>} : memref<128x128xf32, #tpu.memory_space<vmem>>, vector<16xf32>,
        tpu.vector_store %arg19[%swap3A_501, %swap3A_502], %mul3A_500 {strides = array<i32>} : memref<128x128xf32, #tpu.memory_space<vmem>>, vector<16xf32>,
      }
      %scan3A_249 = arith.constant 128 : i32
      %run_scoped3A = arith.constant 0 : i32
      "tpu.region"() ({
        %run_scoped3A_250 = tpu.sem_alloc : memref<!tpu.dma_semaphore, #tpu.memory_space<semaphore_mem>>
        %dma_start3A_251 = arith.constant 0 : i32
        %dma_start3A_252 = tpu.memref_slice %arg16[%run_scoped3A, %dma_start3A_251] : memref<1x128xi32, #tpu.memory_space<vmem>> -> memref<1x128xi32, #tpu.memory_space<vmem>>
        %dma_start3A_253 = tpu.memref_squeeze %dma_start3A_252 : memref<1x128xi32, #tpu.memory_space<vmem>> -> memref<128xi32, #tpu.memory_space<vmem>>
        %dma_start3A_254 = arith.constant 0 : i32
        %dma_start3A_255 = arith.constant 0 : i32
        %dma_start3A_256 = tpu.memref_slice %arg22[%dma_start3A_254, %dma_start3A_255] : memref<10000x128xf32, #tpu.memory_space<vmem_shared>> -> memref<10000x128xf32, #tpu.memory_space<vmem_shared>>
        tpu.enqueue_indirect_dma source(%arg19 : memref<128x128xf32, #tpu.memory_space<vmem>>) target(%dma_start3A_256 : memref<10000x128xf32, #tpu.memory_space<vmem_shared>>) offsets(%dma_start3A_253 : memref<128xi32, #tpu.memory_space<vmem>>) semaphore(%run_scoped3A_250 : memref<!tpu.dma_semaphore, #tpu.memory_space<semaphore_mem>>) {add = true}
        %dma_wait3A_257 = arith.constant 0 : i32
        %dma_wait3A_258 = tpu.memref_slice %arg16[%run_scoped3A, %dma_wait3A_257] : memref<1x128xi32, #tpu.memory_space<vmem>> -> memref<1x128xi32, #tpu.memory_space<vmem>>
        %dma_wait3A_259 = tpu.memref_squeeze %dma_wait3A_258 : memref<1x128xi32, #tpu.memory_space<vmem>> -> memref<128xi32, #tpu.memory_space<vmem>>
        %dma_wait3A_260 = arith.constant 0 : i32
        %dma_wait3A_261 = arith.constant 0 : i32
        %dma_wait3A_262 = tpu.memref_slice %arg22[%dma_wait3A_260, %dma_wait3A_261] : memref<10000x128xf32, #tpu.memory_space<vmem_shared>> -> memref<10000x128xf32, #tpu.memory_space<vmem_shared>>
        tpu.wait_indirect_dma semaphore(%run_scoped3A_250 : memref<!tpu.dma_semaphore, #tpu.memory_space<semaphore_mem>>) src(%arg19 : memref<128x128xf32, #tpu.memory_space<vmem>>) dst(%dma_wait3A_262 : memref<10000x128xf32, #tpu.memory_space<vmem_shared>>)
        tpu.yield
      }) : () -> ()
    } else {
    }
    %barrier3A_149 = arith.constant 0 : index
    tpu.barrier barrier_id(%barrier3A_149)
    %add3A_150 = arith.constant 0 : i32
    %add3A_151 = arith.addi %mul3A_7, %add3A_150 : i32
    %mul3A_152 = arith.constant 10000 : i32
    %mul3A_153 = arith.muli %arg0, %mul3A_152 : i32
    %add3A_154 = arith.addi %mul3A_153, %mul3A_7 : i32
    %add3A_155 = arith.constant 0 : i32
    %add3A_156 = arith.addi %add3A_154, %add3A_155 : i32
    "tpu.region"() ({
      %run_scoped3A = tpu.sem_alloc : memref<!tpu.dma_semaphore, #tpu.memory_space<semaphore_mem>>
      %dma_start3A_190 = arith.constant 0 : i32
      %dma_start3A_191 = tpu.memref_slice %arg6[%add3A_156, %dma_start3A_190] : memref<20000x128xf32, #tpu.memory_space<hbm>> -> memref<128x128xf32, #tpu.memory_space<hbm>>
      %dma_start3A_192 = arith.constant 0 : i32
      %dma_start3A_193 = tpu.memref_slice %arg22[%add3A_151, %dma_start3A_192] : memref<10000x128xf32, #tpu.memory_space<vmem_shared>> -> memref<128x128xf32, #tpu.memory_space<vmem_shared>>
      tpu.enqueue_dma source(%dma_start3A_193 : memref<128x128xf32, #tpu.memory_space<vmem_shared>>) target(%dma_start3A_191 : memref<128x128xf32, #tpu.memory_space<hbm>>) target_semaphore(%run_scoped3A : memref<!tpu.dma_semaphore, #tpu.memory_space<semaphore_mem>>)
      %dma_wait3A_194 = arith.constant 0 : i32
      %dma_wait3A_195 = tpu.memref_slice %arg6[%add3A_156, %dma_wait3A_194] : memref<20000x128xf32, #tpu.memory_space<hbm>> -> memref<128x128xf32, #tpu.memory_space<hbm>>
      %dma_wait3A_196 = arith.constant 0 : i32
      %dma_wait3A_197 = tpu.memref_slice %arg22[%add3A_151, %dma_wait3A_196] : memref<10000x128xf32, #tpu.memory_space<vmem_shared>> -> memref<128x128xf32, #tpu.memory_space<vmem_shared>>
      tpu.wait_dma2 semaphore(%run_scoped3A : memref<!tpu.dma_semaphore, #tpu.memory_space<semaphore_mem>>) src(%dma_wait3A_197 : memref<128x128xf32, #tpu.memory_space<vmem_shared>>) dst(%dma_wait3A_195 : memref<128x128xf32, #tpu.memory_space<hbm>>)
      tpu.yield
    }) : () -> ()
    %add3A_157 = arith.constant 128 : i32
    %add3A_158 = arith.addi %mul3A_7, %add3A_157 : i32
    %mul3A_159 = arith.constant 10000 : i32
    %mul3A_160 = arith.muli %arg0, %mul3A_159 : i32
    %add3A_161 = arith.addi %mul3A_160, %mul3A_7 : i32
    %add3A_162 = arith.constant 128 : i32
    %add3A_163 = arith.addi %add3A_161, %add3A_162 : i32
    "tpu.region"() ({
      %run_scoped3A = tpu.sem_alloc : memref<!tpu.dma_semaphore, #tpu.memory_space<semaphore_mem>>
      %dma_start3A_190 = arith.constant 0 : i32
      %dma_start3A_191 = tpu.memref_slice %arg6[%add3A_163, %dma_start3A_190] : memref<20000x128xf32, #tpu.memory_space<hbm>> -> memref<128x128xf32, #tpu.memory_space<hbm>>
      %dma_start3A_192 = arith.constant 0 : i32
      %dma_start3A_193 = tpu.memref_slice %arg22[%add3A_158, %dma_start3A_192] : memref<10000x128xf32, #tpu.memory_space<vmem_shared>> -> memref<128x128xf32, #tpu.memory_space<vmem_shared>>
      tpu.enqueue_dma source(%dma_start3A_193 : memref<128x128xf32, #tpu.memory_space<vmem_shared>>) target(%dma_start3A_191 : memref<128x128xf32, #tpu.memory_space<hbm>>) target_semaphore(%run_scoped3A : memref<!tpu.dma_semaphore, #tpu.memory_space<semaphore_mem>>)
      %dma_wait3A_194 = arith.constant 0 : i32
      %dma_wait3A_195 = tpu.memref_slice %arg6[%add3A_163, %dma_wait3A_194] : memref<20000x128xf32, #tpu.memory_space<hbm>> -> memref<128x128xf32, #tpu.memory_space<hbm>>
      %dma_wait3A_196 = arith.constant 0 : i32
      %dma_wait3A_197 = tpu.memref_slice %arg22[%add3A_158, %dma_wait3A_196] : memref<10000x128xf32, #tpu.memory_space<vmem_shared>> -> memref<128x128xf32, #tpu.memory_space<vmem_shared>>
      tpu.wait_dma2 semaphore(%run_scoped3A : memref<!tpu.dma_semaphore, #tpu.memory_space<semaphore_mem>>) src(%dma_wait3A_197 : memref<128x128xf32, #tpu.memory_space<vmem_shared>>) dst(%dma_wait3A_195 : memref<128x128xf32, #tpu.memory_space<hbm>>)
      tpu.yield
    }) : () -> ()
    %add3A_164 = arith.constant 256 : i32
    %add3A_165 = arith.addi %mul3A_7, %add3A_164 : i32
    %mul3A_166 = arith.constant 10000 : i32
    %mul3A_167 = arith.muli %arg0, %mul3A_166 : i32
    %add3A_168 = arith.addi %mul3A_167, %mul3A_7 : i32
    %add3A_169 = arith.constant 256 : i32
    %add3A_170 = arith.addi %add3A_168, %add3A_169 : i32
    "tpu.region"() ({
      %run_scoped3A = tpu.sem_alloc : memref<!tpu.dma_semaphore, #tpu.memory_space<semaphore_mem>>
      %dma_start3A_190 = arith.constant 0 : i32
      %dma_start3A_191 = tpu.memref_slice %arg6[%add3A_170, %dma_start3A_190] : memref<20000x128xf32, #tpu.memory_space<hbm>> -> memref<128x128xf32, #tpu.memory_space<hbm>>
      %dma_start3A_192 = arith.constant 0 : i32
      %dma_start3A_193 = tpu.memref_slice %arg22[%add3A_165, %dma_start3A_192] : memref<10000x128xf32, #tpu.memory_space<vmem_shared>> -> memref<128x128xf32, #tpu.memory_space<vmem_shared>>
      tpu.enqueue_dma source(%dma_start3A_193 : memref<128x128xf32, #tpu.memory_space<vmem_shared>>) target(%dma_start3A_191 : memref<128x128xf32, #tpu.memory_space<hbm>>) target_semaphore(%run_scoped3A : memref<!tpu.dma_semaphore, #tpu.memory_space<semaphore_mem>>)
      %dma_wait3A_194 = arith.constant 0 : i32
      %dma_wait3A_195 = tpu.memref_slice %arg6[%add3A_170, %dma_wait3A_194] : memref<20000x128xf32, #tpu.memory_space<hbm>> -> memref<128x128xf32, #tpu.memory_space<hbm>>
      %dma_wait3A_196 = arith.constant 0 : i32
      %dma_wait3A_197 = tpu.memref_slice %arg22[%add3A_165, %dma_wait3A_196] : memref<10000x128xf32, #tpu.memory_space<vmem_shared>> -> memref<128x128xf32, #tpu.memory_space<vmem_shared>>
      tpu.wait_dma2 semaphore(%run_scoped3A : memref<!tpu.dma_semaphore, #tpu.memory_space<semaphore_mem>>) src(%dma_wait3A_197 : memref<128x128xf32, #tpu.memory_space<vmem_shared>>) dst(%dma_wait3A_195 : memref<128x128xf32, #tpu.memory_space<hbm>>)
      tpu.yield
    }) : () -> ()
    %add3A_171 = arith.constant 384 : i32
    %add3A_172 = arith.addi %mul3A_7, %add3A_171 : i32
    %mul3A_173 = arith.constant 10000 : i32
    %mul3A_174 = arith.muli %arg0, %mul3A_173 : i32
    %add3A_175 = arith.addi %mul3A_174, %mul3A_7 : i32
    %add3A_176 = arith.constant 384 : i32
    %add3A_177 = arith.addi %add3A_175, %add3A_176 : i32
    "tpu.region"() ({
      %run_scoped3A = tpu.sem_alloc : memref<!tpu.dma_semaphore, #tpu.memory_space<semaphore_mem>>
      %dma_start3A_190 = arith.constant 0 : i32
      %dma_start3A_191 = tpu.memref_slice %arg6[%add3A_177, %dma_start3A_190] : memref<20000x128xf32, #tpu.memory_space<hbm>> -> memref<128x128xf32, #tpu.memory_space<hbm>>
      %dma_start3A_192 = arith.constant 0 : i32
      %dma_start3A_193 = tpu.memref_slice %arg22[%add3A_172, %dma_start3A_192] : memref<10000x128xf32, #tpu.memory_space<vmem_shared>> -> memref<128x128xf32, #tpu.memory_space<vmem_shared>>
      tpu.enqueue_dma source(%dma_start3A_193 : memref<128x128xf32, #tpu.memory_space<vmem_shared>>) target(%dma_start3A_191 : memref<128x128xf32, #tpu.memory_space<hbm>>) target_semaphore(%run_scoped3A : memref<!tpu.dma_semaphore, #tpu.memory_space<semaphore_mem>>)
      %dma_wait3A_194 = arith.constant 0 : i32
      %dma_wait3A_195 = tpu.memref_slice %arg6[%add3A_177, %dma_wait3A_194] : memref<20000x128xf32, #tpu.memory_space<hbm>> -> memref<128x128xf32, #tpu.memory_space<hbm>>
      %dma_wait3A_196 = arith.constant 0 : i32
      %dma_wait3A_197 = tpu.memref_slice %arg22[%add3A_172, %dma_wait3A_196] : memref<10000x128xf32, #tpu.memory_space<vmem_shared>> -> memref<128x128xf32, #tpu.memory_space<vmem_shared>>
      tpu.wait_dma2 semaphore(%run_scoped3A : memref<!tpu.dma_semaphore, #tpu.memory_space<semaphore_mem>>) src(%dma_wait3A_197 : memref<128x128xf32, #tpu.memory_space<vmem_shared>>) dst(%dma_wait3A_195 : memref<128x128xf32, #tpu.memory_space<hbm>>)
      tpu.yield
    }) : () -> ()
    %add3A_178 = arith.constant 512 : i32
    %add3A_179 = arith.addi %mul3A_7, %add3A_178 : i32
    %mul3A_180 = arith.constant 10000 : i32
    %mul3A_181 = arith.muli %arg0, %mul3A_180 : i32
    %add3A_182 = arith.addi %mul3A_181, %mul3A_7 : i32
    %add3A_183 = arith.constant 512 : i32
    %add3A_184 = arith.addi %add3A_182, %add3A_183 : i32
    "tpu.region"() ({
      %run_scoped3A = tpu.sem_alloc : memref<!tpu.dma_semaphore, #tpu.memory_space<semaphore_mem>>
      %dma_start3A_190 = arith.constant 0 : i32
      %dma_start3A_191 = tpu.memref_slice %arg6[%add3A_184, %dma_start3A_190] : memref<20000x128xf32, #tpu.memory_space<hbm>> -> memref<112x128xf32, #tpu.memory_space<hbm>>
      %dma_start3A_192 = arith.constant 0 : i32
      %dma_start3A_193 = tpu.memref_slice %arg22[%add3A_179, %dma_start3A_192] : memref<10000x128xf32, #tpu.memory_space<vmem_shared>> -> memref<112x128xf32, #tpu.memory_space<vmem_shared>>
      tpu.enqueue_dma source(%dma_start3A_193 : memref<112x128xf32, #tpu.memory_space<vmem_shared>>) target(%dma_start3A_191 : memref<112x128xf32, #tpu.memory_space<hbm>>) target_semaphore(%run_scoped3A : memref<!tpu.dma_semaphore, #tpu.memory_space<semaphore_mem>>)
      %dma_wait3A_194 = arith.constant 0 : i32
      %dma_wait3A_195 = tpu.memref_slice %arg6[%add3A_184, %dma_wait3A_194] : memref<20000x128xf32, #tpu.memory_space<hbm>> -> memref<112x128xf32, #tpu.memory_space<hbm>>
      %dma_wait3A_196 = arith.constant 0 : i32
      %dma_wait3A_197 = tpu.memref_slice %arg22[%add3A_179, %dma_wait3A_196] : memref<10000x128xf32, #tpu.memory_space<vmem_shared>> -> memref<112x128xf32, #tpu.memory_space<vmem_shared>>
      tpu.wait_dma2 semaphore(%run_scoped3A : memref<!tpu.dma_semaphore, #tpu.memory_space<semaphore_mem>>) src(%dma_wait3A_197 : memref<112x128xf32, #tpu.memory_space<vmem_shared>>) dst(%dma_wait3A_195 : memref<112x128xf32, #tpu.memory_space<hbm>>)
      tpu.yield
    }) : () -> ()
    %eq3A_185 = arith.constant 15 : i32
    %eq3A_186 = arith.cmpi eq, %arg1, %eq3A_185 : i32
    %convert_element_type3A_187 = arith.extui %eq3A_186 : i1 to i32
    %cond3A_188 = arith.constant 0 : i32
    %cond3A_189 = arith.cmpi ne, %convert_element_type3A_187, %cond3A_188 : i32
    scf.if %cond3A_189 {
      %mul3A_190 = arith.constant 10000 : i32
      %mul3A_191 = arith.muli %arg0, %mul3A_190 : i32
      %add3A_192 = arith.constant 10000 : i32
      %add3A_193 = arith.addi %mul3A_191, %add3A_192 : i32
      %sub3A = arith.constant 112 : i32
      %sub3A_194 = arith.subi %add3A_193, %sub3A : i32
      "tpu.region"() ({
        %run_scoped3A = tpu.sem_alloc : memref<!tpu.dma_semaphore, #tpu.memory_space<semaphore_mem>>
        %dma_start3A_195 = arith.constant 0 : i32
        %dma_start3A_196 = tpu.memref_slice %arg6[%sub3A_194, %dma_start3A_195] : memref<20000x128xf32, #tpu.memory_space<hbm>> -> memref<112x128xf32, #tpu.memory_space<hbm>>
        %dma_start3A_197 = arith.constant 9888 : i32
        %dma_start3A_198 = arith.constant 0 : i32
        %dma_start3A_199 = tpu.memref_slice %arg22[%dma_start3A_197, %dma_start3A_198] : memref<10000x128xf32, #tpu.memory_space<vmem_shared>> -> memref<112x128xf32, #tpu.memory_space<vmem_shared>>
        tpu.enqueue_dma source(%dma_start3A_199 : memref<112x128xf32, #tpu.memory_space<vmem_shared>>) target(%dma_start3A_196 : memref<112x128xf32, #tpu.memory_space<hbm>>) target_semaphore(%run_scoped3A : memref<!tpu.dma_semaphore, #tpu.memory_space<semaphore_mem>>)
        %dma_wait3A_200 = arith.constant 0 : i32
        %dma_wait3A_201 = tpu.memref_slice %arg6[%sub3A_194, %dma_wait3A_200] : memref<20000x128xf32, #tpu.memory_space<hbm>> -> memref<112x128xf32, #tpu.memory_space<hbm>>
        %dma_wait3A_202 = arith.constant 9888 : i32
        %dma_wait3A_203 = arith.constant 0 : i32
        %dma_wait3A_204 = tpu.memref_slice %arg22[%dma_wait3A_202, %dma_wait3A_203] : memref<10000x128xf32, #tpu.memory_space<vmem_shared>> -> memref<112x128xf32, #tpu.memory_space<vmem_shared>>
        tpu.wait_dma2 semaphore(%run_scoped3A : memref<!tpu.dma_semaphore, #tpu.memory_space<semaphore_mem>>) src(%dma_wait3A_204 : memref<112x128xf32, #tpu.memory_space<vmem_shared>>) dst(%dma_wait3A_201 : memref<112x128xf32, #tpu.memory_space<hbm>>)
        tpu.yield
      }) : () -> ()
    } else {
    }
    return
  }
}

module attributes {stable_mosaic.version = 14 : i64} {
  func.func @_tc_ab_body(%arg0: memref<10000x128xf32, #tpu.memory_space<vmem>>, %arg1: memref<128x128xf32, #tpu.memory_space<vmem>>, %arg2: memref<128x1xf32, #tpu.memory_space<vmem>>, %arg3: memref<128x1xf32, #tpu.memory_space<vmem>>, %arg4: memref<10000x1xf32, #tpu.memory_space<vmem>>, %arg5: memref<10000x1xf32, #tpu.memory_space<vmem>>) attributes {dimension_semantics = [], scalar_prefetch = 0 : i64, scratch_operands = 0 : i64, tpu.core_type = #tpu.core_type<tc>} {
    %get3A = arith.constant 0 : index
    %get3A_0 = arith.constant 0 : index
    %get3A_1 = vector.load %arg1[%get3A, %get3A_0] : memref<128x128xf32, #tpu.memory_space<vmem>>, vector<128x128xf32>
    %get3A_2 = arith.constant 0 : index
    %get3A_3 = arith.constant 0 : index
    %get3A_4 = vector.load %arg2[%get3A_2, %get3A_3] : memref<128x1xf32, #tpu.memory_space<vmem>>, vector<128x1xf32>
    %get3A_5 = arith.constant 0 : index
    %get3A_6 = arith.constant 0 : index
    %get3A_7 = vector.load %arg3[%get3A_5, %get3A_6] : memref<128x1xf32, #tpu.memory_space<vmem>>, vector<128x1xf32>
    %concatenate3A = tpu.concatenate %get3A_4, %get3A_7 in 1 : vector<128x1xf32>, vector<128x1xf32> -> vector<128x2xf32>
    %dot_general3A = arith.constant dense<0.000000e+00> : vector<128x2xf32>
    %dot_general3A_8 = tpu.matmul %get3A_1, %concatenate3A, %dot_general3A {dimension_numbers = #tpu.dot_dimension_numbers<[1], [0], [0], [1], [0, 0, 1, 1], [], []>, transpose_lhs_hint = false} : vector<128x128xf32>, vector<128x2xf32>, vector<128x2xf32> -> vector<128x2xf32>
    %get3A_9 = arith.constant 0 : index
    %get3A_10 = arith.constant 0 : index
    %get3A_11 = vector.load %arg0[%get3A_9, %get3A_10] : memref<10000x128xf32, #tpu.memory_space<vmem>>, vector<10000x128xf32>
    %dot_general3A_12 = arith.constant dense<0.000000e+00> : vector<10000x2xf32>
    %dot_general3A_13 = tpu.matmul %get3A_11, %dot_general3A_8, %dot_general3A_12 {dimension_numbers = #tpu.dot_dimension_numbers<[1], [0], [0], [1], [0, 0, 1, 1], [], []>, transpose_lhs_hint = false} : vector<10000x128xf32>, vector<128x2xf32>, vector<10000x2xf32> -> vector<10000x2xf32>
    %slice3A = vector.extract_strided_slice %dot_general3A_13 {offsets = [0, 0], sizes = [10000, 1], strides = [1, 1]} : vector<10000x2xf32> to vector<10000x1xf32>
    %swap3A = arith.constant 0 : index
    %swap3A_14 = arith.constant 0 : index
    %swap3A_15 = vector.load %arg4[%swap3A, %swap3A_14] : memref<10000x1xf32, #tpu.memory_space<vmem>>, vector<10000x1xf32>
    tpu.vector_store %arg4[%swap3A, %swap3A_14], %slice3A {strides = array<i32>} : memref<10000x1xf32, #tpu.memory_space<vmem>>, vector<10000x1xf32>,
    %slice3A_16 = vector.extract_strided_slice %dot_general3A_13 {offsets = [0, 1], sizes = [10000, 1], strides = [1, 1]} : vector<10000x2xf32> to vector<10000x1xf32>
    %swap3A_17 = arith.constant 0 : index
    %swap3A_18 = arith.constant 0 : index
    %swap3A_19 = vector.load %arg5[%swap3A_17, %swap3A_18] : memref<10000x1xf32, #tpu.memory_space<vmem>>, vector<10000x1xf32>
    tpu.vector_store %arg5[%swap3A_17, %swap3A_18], %slice3A_16 {strides = array<i32>} : memref<10000x1xf32, #tpu.memory_space<vmem>>, vector<10000x1xf32>,
    return
  }
}

module attributes {stable_mosaic.version = 14 : i64} {
  func.func @_tc_h_body(%arg0: memref<10000x128xf32, #tpu.memory_space<vmem>>, %arg1: memref<128x128xf32, #tpu.memory_space<vmem>>, %arg2: memref<10000x128xf32, #tpu.memory_space<vmem>>) attributes {dimension_semantics = [], scalar_prefetch = 0 : i64, scratch_operands = 0 : i64, tpu.core_type = #tpu.core_type<tc>} {
    %get3A = arith.constant 0 : index
    %get3A_0 = arith.constant 0 : index
    %get3A_1 = vector.load %arg0[%get3A, %get3A_0] : memref<10000x128xf32, #tpu.memory_space<vmem>>, vector<10000x128xf32>
    %get3A_2 = arith.constant 0 : index
    %get3A_3 = arith.constant 0 : index
    %get3A_4 = vector.load %arg1[%get3A_2, %get3A_3] : memref<128x128xf32, #tpu.memory_space<vmem>>, vector<128x128xf32>
    %dot_general3A = arith.constant dense<0.000000e+00> : vector<10000x128xf32>
    %dot_general3A_5 = tpu.matmul %get3A_1, %get3A_4, %dot_general3A {dimension_numbers = #tpu.dot_dimension_numbers<[1], [0], [0], [1], [0, 0, 1, 1], [], []>, transpose_lhs_hint = false} : vector<10000x128xf32>, vector<128x128xf32>, vector<10000x128xf32> -> vector<10000x128xf32>
    %swap3A = arith.constant 0 : index
    %swap3A_6 = arith.constant 0 : index
    %swap3A_7 = vector.load %arg2[%swap3A, %swap3A_6] : memref<10000x128xf32, #tpu.memory_space<vmem>>, vector<10000x128xf32>
    tpu.vector_store %arg2[%swap3A, %swap3A_6], %dot_general3A_5 {strides = array<i32>} : memref<10000x128xf32, #tpu.memory_space<vmem>>, vector<10000x128xf32>,
    return
  }
}

module attributes {stable_mosaic.version = 14 : i64} {
  func.func @_tc_post_body(%arg0: memref<20000x128xf32, #tpu.memory_space<vmem>>, %arg1: memref<10000x1xf32, #tpu.memory_space<vmem>>, %arg2: memref<10000x1xf32, #tpu.memory_space<vmem>>, %arg3: memref<10000x128xf32, #tpu.memory_space<vmem>>, %arg4: memref<1x128xf32, #tpu.memory_space<vmem>>, %arg5: memref<1x128xf32, #tpu.memory_space<vmem>>, %arg6: memref<10000x128xf32, #tpu.memory_space<vmem>>) attributes {dimension_semantics = [], scalar_prefetch = 0 : i64, scratch_operands = 0 : i64, tpu.core_type = #tpu.core_type<tc>} {
    %get3A = arith.constant 0 : index
    %get3A_0 = arith.constant 0 : index
    %get3A_1 = vector.load %arg1[%get3A, %get3A_0] : memref<10000x1xf32, #tpu.memory_space<vmem>>, vector<10000x1xf32>
    %get3A_2 = arith.constant 0 : index
    %get3A_3 = arith.constant 0 : index
    %get3A_4 = vector.load %arg2[%get3A_2, %get3A_3] : memref<10000x1xf32, #tpu.memory_space<vmem>>, vector<10000x1xf32>
    %add3A = arith.addf %get3A_1, %get3A_4 : vector<10000x1xf32>
    %get3A_5 = arith.constant 0 : index
    %get3A_6 = arith.constant 0 : index
    %get3A_7 = vector.load %arg0[%get3A_5, %get3A_6] : memref<20000x128xf32, #tpu.memory_space<vmem>>, vector<10000x128xf32>
    %get3A_8 = arith.constant 10000 : index
    %get3A_9 = arith.constant 0 : index
    %get3A_10 = vector.load %arg0[%get3A_8, %get3A_9] : memref<20000x128xf32, #tpu.memory_space<vmem>>, vector<10000x128xf32>
    %add3A_11 = arith.addf %get3A_7, %get3A_10 : vector<10000x128xf32>
    %gt3A = arith.constant 0.000000e+00 : f32
    %gt3A_12 = vector.broadcast %gt3A : f32 to vector<10000x1xf32>
    %gt3A_13 = arith.cmpf ogt, %add3A, %gt3A_12 : vector<10000x1xf32>
    %jit3A = arith.constant 1.000000e+00 : f32
    %broadcast_in_dim3A = vector.broadcast %jit3A : f32 to vector<10000x1xf32>
    %select_n3A = arith.select %gt3A_13, %add3A, %broadcast_in_dim3A : vector<10000x1xi1>, vector<10000x1xf32>
    %div3A = vector.broadcast %select_n3A : vector<10000x1xf32> to vector<10000x128xf32>
    %div3A_14 = arith.divf %add3A_11, %div3A : vector<10000x128xf32>
    %get3A_15 = arith.constant 0 : index
    %get3A_16 = arith.constant 0 : index
    %get3A_17 = vector.load %arg3[%get3A_15, %get3A_16] : memref<10000x128xf32, #tpu.memory_space<vmem>>, vector<10000x128xf32>
    %add3A_18 = arith.addf %div3A_14, %get3A_17 : vector<10000x128xf32>
    %reduce_sum3A = arith.constant dense<0.000000e+00> : vector<10000xf32>
    %reduce_sum3A_19 = vector.multi_reduction <add>, %add3A_18, %reduce_sum3A [1] : vector<10000x128xf32> to vector<10000xf32>
    %broadcast_in_dim3A_20 = vector.shape_cast %reduce_sum3A_19 : vector<10000xf32> to vector<10000x1xf32>
    %div3A_21 = arith.constant 1.280000e+02 : f32
    %div3A_22 = vector.broadcast %div3A_21 : f32 to vector<10000x1xf32>
    %div3A_23 = arith.divf %broadcast_in_dim3A_20, %div3A_22 : vector<10000x1xf32>
    %sub3A = vector.broadcast %div3A_23 : vector<10000x1xf32> to vector<10000x128xf32>
    %sub3A_24 = arith.subf %add3A_18, %sub3A : vector<10000x128xf32>
    %mul3A = arith.mulf %sub3A_24, %sub3A_24 : vector<10000x128xf32>
    %reduce_sum3A_25 = arith.constant dense<0.000000e+00> : vector<10000xf32>
    %reduce_sum3A_26 = vector.multi_reduction <add>, %mul3A, %reduce_sum3A_25 [1] : vector<10000x128xf32> to vector<10000xf32>
    %broadcast_in_dim3A_27 = vector.shape_cast %reduce_sum3A_26 : vector<10000xf32> to vector<10000x1xf32>
    %div3A_28 = arith.constant 1.280000e+02 : f32
    %div3A_29 = vector.broadcast %div3A_28 : f32 to vector<10000x1xf32>
    %div3A_30 = arith.divf %broadcast_in_dim3A_27, %div3A_29 : vector<10000x1xf32>
    %add3A_31 = arith.constant 9.99999974E-6 : f32
    %add3A_32 = vector.broadcast %add3A_31 : f32 to vector<10000x1xf32>
    %add3A_33 = arith.addf %div3A_30, %add3A_32 : vector<10000x1xf32>
    %rsqrt3A = math.rsqrt %add3A_33 : vector<10000x1xf32>
    %mul3A_34 = vector.broadcast %rsqrt3A : vector<10000x1xf32> to vector<10000x128xf32>
    %mul3A_35 = arith.mulf %sub3A_24, %mul3A_34 : vector<10000x128xf32>
    %get3A_36 = arith.constant 0 : index
    %get3A_37 = arith.constant 0 : index
    %get3A_38 = vector.load %arg4[%get3A_36, %get3A_37] : memref<1x128xf32, #tpu.memory_space<vmem>>, vector<1x128xf32>
    %mul3A_39 = vector.broadcast %get3A_38 : vector<1x128xf32> to vector<10000x128xf32>
    %mul3A_40 = arith.mulf %mul3A_35, %mul3A_39 : vector<10000x128xf32>
    %get3A_41 = arith.constant 0 : index
    %get3A_42 = arith.constant 0 : index
    %get3A_43 = vector.load %arg5[%get3A_41, %get3A_42] : memref<1x128xf32, #tpu.memory_space<vmem>>, vector<1x128xf32>
    %add3A_44 = vector.broadcast %get3A_43 : vector<1x128xf32> to vector<10000x128xf32>
    %add3A_45 = arith.addf %mul3A_40, %add3A_44 : vector<10000x128xf32>
    %swap3A = arith.constant 0 : index
    %swap3A_46 = arith.constant 0 : index
    %swap3A_47 = vector.load %arg6[%swap3A, %swap3A_46] : memref<10000x128xf32, #tpu.memory_space<vmem>>, vector<10000x128xf32>
    tpu.vector_store %arg6[%swap3A, %swap3A_46], %add3A_45 {strides = array<i32>} : memref<10000x128xf32, #tpu.memory_space<vmem>>, vector<10000x128xf32>,
    return
  }
}

</mosaic_0001>

<sc_bundles>
// kernel: kernel.10.cloned.1.call-start
scs
__scs_entry_jumppad:
0x0: {  	(pc) =	sbr.rel $0x88, $3  }
0x1: {  	(tag) =	ssettag $0x0;
	lr =	simm.s32 $0x1  }
0x2: {  	[smem:$0x3F9B] =	sst lr;
	_ =	strace $0xD0000000  }
0x3: {  	_ = 	snop  }
0x4: {  	_ = 	snop  }
0x5: {  	_ = 	snop  }
0x6: {  	_ = 	snop  }
0x7: {  	_ = 	snop  }
__scs_overlays_trampoline_lowered:
0x8: {  	[smem:$0x3FAA] =	sst s0  }
0x9: {  	[smem:$0x3FAB] =	sst s1  }
0xa: {  	[smem:$0x3FAC] =	sst s2  }
0xb: {  	[smem:$0x3FAD] =	sst s3  }
0xc: {  	[smem:$0x3FAE] =	sst s4  }
0xd: {  	[smem:$0x3FAF] =	sst s5  }
0xe: {  	[smem:$0x3FB0] =	sst s6  }
0xf: {  	[smem:$0x3FB1] =	sst s7  }
0x10: {  	[smem:$0x3FB2] =	sst s8  }
0x11: {  	[smem:$0x3FB3] =	sst s9;
	s0 =	simm.s32 @!p0 $0x0  }
0x12: {  	s1 =	sld [smem:$0x3F99];
	s0 =	simm.s32 @p0 $0x1  }
0x13: {  	[smem:$0x3FB4] =	sst s0;
	s0 =	simm.s32 @!p1 $0x0  }
0x14: {  	s2 =	sld [smem:$0x3F98];
	s0 =	simm.s32 @p1 $0x1  }
0x15: {  	[smem:$0x3FB5] =	sst s0;
	s0 =	simm.s32 @!p2 $0x0  }
0x16: {  	s3 =	sld [smem:$0x3FDB];
	s0 =	simm.s32 @p2 $0x1  }
0x17: {  	s4 =	simm.s32 $0x1BF5;
	[smem:$0x3FB7] =	sst s0  }
0x18: {  	s0 =	sld [smem:$0x3F9A];
	_ =	swait.ge [sflag:s4], $0x0  }
0x19: {  	s7 =	sld [smem:$0x3F9B]  }
0x1a: {  	s8 =	sadd.s32 $0xFFFFE003, lr  }
0x1b: {  	s9 =	sadd.s32 $0xFFFFFEF7, lr;
	s5 =	simm.s32 $0xFFFFFFFF;
	p2 =	slt.u32 s8, $0xFFFFF086  }
0x1c: {  	p1 =	slt.u32 s9, $0xF7A;
	s5 =	simm.s32 @!p2 $0x0  }
0x1d: {  	s5 =	simm.s32 @p1 $0x1;
	p0 =	seq.s32 s7, s2  }
0x1e: {  	s7 =	smul.u32 @!p0 $0xF7A, s2;
	p2 =	seq.s32 @!p0 s5, $0x0  }
0x1f: {  	s9 =	smul.u32 $0xF7A, s1;
	s8 =	simm.s32 @!p0 $0x1BF5;
	p2 =	por !p2, p0  }
0x20: {  	[sflag:s8] =	ssyncset.s32 @!p0 $0xFFFFF086;
	s6 =	sadd.s32 @!p0 s3, s7;
	s7 =	simm.s32 @!p0 $0x108  }
0x21: {  	s3 =	sadd.s32 s3, s9;
	s6 =	sadd.s32 @!p0 $0x88, s6;
	s7 =	simm.s32 @p2 $0x1082  }
0x22: {  	[simem:s7], [sflag:s8] =	dma.local @!p0 [hbm:s6], $0xF7A  }
0x23: {  	s9 =	sor.u32 $0xD0000000, s2;
	s6 =	simm.s32 $0x108;
	_ =	swait.ge @!p0 [sflag:s8], $0x0  }
0x24: {  	s3 =	sadd.s32 $0x88, s3;
	s6 =	simm.s32 @!p1 $0x1082;
	[sflag:s4] =	ssyncset.s32 $0xFFFFF086  }
0x25: {  	[simem:s6], [sflag:s4] =	dma.local [hbm:s3], $0xF7A  }
0x26: {  	[smem:$0x3F9B] =	sst s1;
	(tag) =	ssettag s2;
	_ =	strace s9  }
0x27: {  	s1 =	sld [smem:$0x3FAB]  }
0x28: {  	s2 =	sld [smem:$0x3FAC]  }
0x29: {  	s4 =	sld [smem:$0x3FAE]  }
0x2a: {  	p0 =	seq.s32 s5, $0x0;
	s5 =	sld [smem:$0x3FAF]  }
0x2b: {  	s6 =	sld [smem:$0x3FB0]  }
0x2c: {  	s7 =	sld [smem:$0x3FB1]  }
0x2d: {  	s3 =	simm.s32 $0x108;
	s8 =	sld [smem:$0x3FB2]  }
0x2e: {  	s3 =	simm.s32 @!p0 $0x1082;
	s9 =	sld [smem:$0x3FB3]  }
0x2f: {  	lr =	sadd.s32 s0, s3;
	s0 =	sld [smem:$0x3FAA]  }
0x30: {  	s3 =	sld [smem:$0x3FAD]  }
0x31: {  	[smem:$0x3FB6] =	sst s10  }
0x32: {  	s10 =	sld [smem:$0x3FB4];
	_ =	sdelay $0x3  }
0x33: {  	p0 =	seq.s32 s10, $0x1;
	s10 =	sld [smem:$0x3FB6];
	_ =	sdelay $0x3  }
0x34: {  	[smem:$0x3FB6] =	sst s10  }
0x35: {  	s10 =	sld [smem:$0x3FB5];
	_ =	sdelay $0x3  }
0x36: {  	p1 =	seq.s32 s10, $0x1;
	s10 =	sld [smem:$0x3FB6];
	_ =	sdelay $0x3  }
0x37: {  	[smem:$0x3FB6] =	sst s10  }
0x38: {  	s10 =	sld [smem:$0x3FB7]  }
0x39: {  	_ = 	snop;
	(pc) =	sbr.ind lr, $3  }
0x3a: {  	_ = 	snop  }
0x3b: {  	_ = 	snop  }
0x3c: {  	p2 =	seq.s32 s10, $0x1;
	s10 =	sld [smem:$0x3FB6]  }
0x3d: {  	_ =	shalt  }
0x3e: {  	_ =	shalt  }
0x3f: {  	_ =	shalt  }
0x40: {  	_ =	shalt  }
0x41: {  	_ =	shalt  }
0x42: {  	_ =	shalt  }
0x43: {  	_ =	shalt  }
0x44: {  	_ =	shalt  }
0x45: {  	_ =	shalt  }
0x46: {  	_ =	shalt  }
0x47: {  	_ =	shalt  }
0x48: {  	_ =	shalt  }
0x49: {  	_ =	shalt  }
0x4a: {  	_ =	shalt  }
0x4b: {  	_ =	shalt  }
0x4c: {  	_ =	shalt  }
0x4d: {  	_ =	shalt  }
0x4e: {  	_ =	shalt  }
0x4f: {  	_ =	shalt  }
0x50: {  	_ =	shalt  }
0x51: {  	_ =	shalt  }
0x52: {  	_ =	shalt  }
0x53: {  	_ =	shalt  }
0x54: {  	_ =	shalt  }
0x55: {  	_ =	shalt  }
0x56: {  	_ =	shalt  }
0x57: {  	_ =	shalt  }
0x58: {  	_ =	shalt  }
0x59: {  	_ =	shalt  }
0x5a: {  	_ =	shalt  }
0x5b: {  	_ =	shalt  }
0x5c: {  	_ =	shalt  }
0x5d: {  	_ =	shalt  }
0x5e: {  	_ =	shalt  }
0x5f: {  	_ =	shalt  }
0x60: {  	_ =	shalt  }
0x61: {  	_ =	shalt  }
0x62: {  	_ =	shalt  }
0x63: {  	_ =	shalt  }
0x64: {  	_ =	shalt  }
0x65: {  	_ =	shalt  }
0x66: {  	_ =	shalt  }
0x67: {  	_ =	shalt  }
0x68: {  	_ =	shalt  }
0x69: {  	_ =	shalt  }
0x6a: {  	_ =	shalt  }
0x6b: {  	_ =	shalt  }
0x6c: {  	_ =	shalt  }
0x6d: {  	_ =	shalt  }
0x6e: {  	_ =	shalt  }
0x6f: {  	_ =	shalt  }
0x70: {  	_ =	shalt  }
0x71: {  	_ =	shalt  }
0x72: {  	_ =	shalt  }
0x73: {  	_ =	shalt  }
0x74: {  	_ =	shalt  }
0x75: {  	_ =	shalt  }
0x76: {  	_ =	shalt  }
0x77: {  	_ =	shalt  }
0x78: {  	_ =	shalt  }
0x79: {  	_ =	shalt  }
0x7a: {  	_ =	shalt  }
0x7b: {  	_ =	shalt  }
0x7c: {  	_ =	shalt  }
0x7d: {  	_ =	shalt  }
0x7e: {  	_ =	shalt  }
0x7f: {  	_ =	shalt  }
0x80: {  	_ =	shalt  }
0x81: {  	_ =	shalt  }
0x82: {  	_ =	shalt  }
0x83: {  	_ =	shalt  }
0x84: {  	_ =	shalt  }
0x85: {  	_ =	shalt  }
0x86: {  	_ =	shalt  }
0x87: {  	_ =	shalt  }
.Lfunc_end0:
.L_simem_size_0:
called_computation.1_lowered:
.L_overlay_start_0:
0x88: {  	s2 =	sld [smem:$0x3FD9]  }
0x89: {  	s3 =	sld [smem:$0x3FFE];
	_ =	sdelay $0x1  }
0x8a: {  	s1 =	srdreg.scid  }
0x8b: {  	s0 =	sand.u32 $0x1, s1  }
0x8c: {  	s17 =	sshll.u32 s0, $0xA;
	s2 =	sadd.s32 s3, s2  }
0x8d: {  	s2 =	sadd.s32 s2, s17  }
0x8e: {  	[smem:$0x3FC2] =	sst s2  }
0x8f: {  	_ = 	snop  }
0x90: {  	s2 =	sld [smem:$0x3FD0];
	(tm) =	ssettm $0x1  }
0x91: {  	s18 =	sld [smem:$0x3FFB];
	_ =	sdelay $0x3  }
0x92: {  	_ =	strace s18  }
0x93: {  	s3 =	sld [smem:$0x3FFC];
	_ =	sdelay $0x3  }
0x94: {  	_ =	strace s3  }
0x95: {  	s3 =	sld [smem:$0x3FFD];
	_ =	sdelay $0x3  }
0x96: {  	_ =	strace s3  }
0x97: {  	_ =	strace $0x8FFFFFFF  }
0x98: {  	s19 =	sld [smem:$0x3FDB];
	_ =	sdelay $0x1  }
0x99: {  	s4 =	simm.s32 $_scs_section_size  }
0x9a: {  	s5 =	simm.s32 $_size__tile_overlayer_lowered;
	s6 =	simm.s32 $_tile_overlayer_lowered  }
0x9b: {  	s22 =	simm.s32 $0x1BFF;
	s21 =	sshll.u32 s6, $0x1;
	s3 =	sadd.s32 s4, s19  }
0x9c: {  	s7 =	simm.s32 $0x0;
	s20 =	sshll.u32 s5, $0x1;
	s5 =	sadd.s32 s21, s3  }
0x9d: {  	[timem:s7], [sflag:s22] =	dma.local [hbm:s5], s20  }
0x9e: {  	_ =	swait.ge [sflag:s22], s20  }
0x9f: {  	s4 =	ssub.s32 $0x0, s20;
	[sflag:s22] =	ssyncset.done $0x0  }
0xa0: {  	[sflag:s22] =	ssyncadd.s32 s4;
	_ =	sdelay $0x1  }
0xa1: {  	s23 =	simm.s32 $0x1B8B  }
0xa2: {  	_ =	swait.ge [sflag:s23], $0x1  }
0xa3: {  	[sflag:s23] =	ssyncset.done $0x0  }
0xa4: {  	s25 =	simm.s32 $0x1B8E;
	s24 =	sld [smem:$0x3FFE];
	[sflag:s23] =	ssyncadd.s32 $0xFFFFFFFF  }
0xa5: {  	s26 =	simm.s32 $execute0_lowered;
	[smem:$0x3FD2] =	sst s25  }
0xa6: {  	s5 =	sshll.u32 s26, $0x1;
	_ =	strace $0x80000049;
	[dreg:$0x1] =	wrdreg $0xFFFFFFFF  }
0xa7: {  	s28 =	simm.s32 $_size_execute0_lowered;
	s3 =	sadd.s32 s3, s5;
	[dreg:$0x0] =	wrdreg $0x0  }
0xa8: {  	s5 =	sshll.u32 s28, $0x1;
	[dreg:$0x2] =	wrdreg s3  }
0xa9: {  	[dreg:$0x3] =	wrdreg s5  }
0xaa: {  	[dreg:$0x4] =	wrdreg $0xC0  }
0xab: {  	_ =	task [dreg:s7], $0x5FFFF  }
0xac: {  	[dreg:$0x1] =	wrdreg $0xFFFFFFFF  }
0xad: {  	[dreg:$0x0] =	wrdreg $0x60  }
0xae: {  	[dreg:$0x2] =	wrdreg s2  }
0xaf: {  	[dreg:$0x3] =	wrdreg s24  }
0xb0: {  	[dreg:$0x4] =	wrdreg $0xC6000  }
0xb1: {  	[dreg:$0x5] =	wrdreg $0x9  }
0xb2: {  	_ =	task.clear_ibuf [dreg:s7], $0x6FFFF;
	_ =	strace $0x90000049  }
0xb3: {  	s29 =	simm.s32 $0x9;
	_ =	strace $0x8000004B  }
0xb4: {  	_ =	swait.ge [sflag:s29], $0x1  }
0xb5: {  	[sflag:s29] =	ssyncadd.s32 $0xFFFFFFFF  }
0xb6: {  	_ =	strace $0x9000004B  }
0xb7: {  	_ =	sfence  }
0xb8: {  	s30 =	sld [smem:$0x0];
	_ =	sdelay $0x2  }
0xb9: {  	s31 =	sshll.u32 s1, $0xD;
	s1 =	sshrl.u32 s1, $0x2  }
0xba: {  	s3 =	sand.u32 $0x4000, s31;
	s1 =	sadd.s32 s1, s30  }
0xbb: {  	s0 =	sor.u32 s3, s0;
	s1 =	sshll.u32 s1, $0x11  }
0xbc: {  	s0 =	sor.u32 s1, s0  }
0xbd: {  	s0 =	sadd.s32 $0x8F2B, s0  }
0xbe: {  	[sflag:s0] =	ssyncadd.remote.s32 $0x1  }
0xbf: {  	_ =	sfence.sel $0xFFFF  }
0xc0: {  	[dreg:$0x0] =	wrdreg $0xFFFFFFFF;
	(pc) =	sbr.abs _section_cstart, $3  }
0xc1: {  	[dreg:$0x1] =	wrdreg $0xFFFFFFFF  }
0xc2: {  	_ =	task.clear_ibuf [dreg:s7], $0x2FFFF;
	_ =	strace $0x9FFFFFFF  }
0xc3: {  	(tm) =	ssettm $0x7FFFFFFF  }
tec
execute0_lowered:
.L_overlay_start_1:
0x0: {  	(tag) =	ssettag $0x1  }
0x1: {  	s1 =	rddreg [dreg:$0x0]  }
0x2: {  	s0 =	rddreg [dreg:$0x1]  }
0x3: {  	s2 =	rddreg [dreg:$0x2]  }
0x4: {  	s18 =	simm.s32 $0x0;
	s3 =	srdreg.scid;
	s16 =	stileid.u32  }
0x5: {  	s28 =	simm.s32 $0x300;
	s30 =	simm.s32 $0x400;
	s31 =	simm.s32 $0x4  }
0x6: {  	[smem:$0x7FF] =	sst s18;
	s5 =	sadd.s32 $0xB800, s0;
	s9 =	smul.u32 $0x4E000, s16  }
0x7: {  	s6 =	sadd.s32 $0x1A00, s0;
	s3 =	sand.u32 $0x1, s3;
	s12 =	smul.u32 $0x4E, s16  }
0x8: {  	s7 =	sadd.s32 $0x20000, s0;
	s0 =	sadd.s32 $0x2A000, s0;
	s13 =	smul.u32 $0x270, s16  }
0x9: {  	p0 =	sne.s32 s16, $0xF;
	p1 =	sgt.u32 s16, $0x1;
	s4 =	smul.u32 $0x4E2, s3  }
0xa: {  	_ =	strace $0x8000004A;
	s8 =	ssub.s32 $0x2, s3;
	s21 =	smul.u32 $0x2710, s3  }
0xb: {  	s11 =	sshll.u32 s3, $0x4;
	s3 =	smul.u32 $0x138800, s3;
	s10 =	sshrl.u32 s8, $0x1  }
0xc: {  	s11 =	sor.u32 s16, s11;
	s9 =	sshrl.u32 s9, $0x2;
	s10 =	ssub.s32 s8, s10  }
0xd: {  	s8 =	sadd.s32 s12, s4;
	s22 =	sadd.s32 s9, s2;
	s12 =	smul.u32 $0x50, s11  }
0xe: {  	s14 =	smul.u32 $0x500, s11;
	s15 =	sadd.s32 $0x10000, s22;
	[dreg:$0x5] =	wrdreg s22  }
0xf: {  	s4 =	sadd.s32 s16, s4;
	s25 =	sadd.s32 $0x4000, s22;
	[dreg:$0x9] =	wrdreg s15  }
0x10: {  	s11 =	smul.u32 $0x2800, s11;
	s26 =	sadd.s32 $0x8000, s22;
	[dreg:$0x6] =	wrdreg s25  }
0x11: {  	s29 =	sadd.s32 $0xC000, s22;
	s19 =	sshll.u32 s8, $0x4;
	[dreg:$0x7] =	wrdreg s26  }
0x12: {  	s13 =	sadd.s32 s13, s21;
	s20 =	sadd.s32 s5, s19;
	[dreg:$0x8] =	wrdreg s29  }
0x13: {  	s3 =	sshrl.u32 s3, $0x3;
	s17 =	sadd.s32 s6, s19;
	[dreg:$0xa] =	wrdreg s20  }
0x14: {  	s14 =	sadd.s32 s7, s14;
	s9 =	sor.u32 $0x10, s19;
	[dreg:$0xb] =	wrdreg s17  }
0x15: {  	s4 =	sshll.u32 s4, $0x4;
	s23 =	sadd.s32 s5, s9;
	[dreg:$0xc] =	wrdreg s14  }
0x16: {  	s4 =	sadd.s32 $0x4E00, s4;
	s9 =	sadd.s32 s6, s9;
	[dreg:$0xd] =	wrdreg s23  }
0x17: {  	s24 =	sshll.u32 s13, $0x4;
	s13 =	sadd.s32 s5, s4;
	[dreg:$0xe] =	wrdreg s9  }
0x18: {  	s16 =	simm.s32 $0x180;
	s4 =	sadd.s32 s6, s4;
	[dreg:$0x10] =	wrdreg s13  }
0x19: {  	s11 =	sshrl.u32 s11, $0x3;
	s17 =	smax.u32 s10, $0x1;
	[dreg:$0x11] =	wrdreg s4  }
0x1a: {  	s15 =	sadd.s32 s7, s11;
	s19 =	sadd.s32 $0x10, s14;
	[dreg:$0x14] =	wrdreg s17  }
0x1b: {  	s11 =	sadd.s32 $0x135000, s2;
	s9 =	sadd.s32 s0, s24;
	[dreg:$0x16] =	wrdreg s19  }
0x1c: {  	s0 =	sadd.s32 s0, s3;
	s3 =	sadd.s32 $0x4E0, s15;
	[dreg:$0x15] =	wrdreg s11  }
0x1d: {  	s10 =	simm.s32 $0x5;
	s14 =	simm.s32 $0x6;
	[dreg:$0x12] =	wrdreg s3  }
0x1e: {  	s4 =	simm.s32 $0x100;
	s0 =	sadd.s32 $0x26A00, s0;
	[dreg:$0xf] =	wrdreg s9  }
0x1f: {  	s15 =	simm.s32 $0x1;
	s20 =	sadd.s32 $0x800, s9;
	[dreg:$0x13] =	wrdreg s0  }
.Ltmp0:
0x20: {  	s21 =	sadd.s32 $0x1000, s9;
	[dreg:$0x17] =	wrdreg s20;
	(pc) =	sbr.rel .LBB2_1-.Ltmp0, $4  }
0x21: {  	s19 =	simm.s32 $0x280;
	s23 =	sadd.s32 $0x1800, s9;
	[dreg:$0x18] =	wrdreg s21  }
0x22: {  	s17 =	simm.s32 $0x3;
	s24 =	sadd.s32 $0x2000, s9;
	[dreg:$0x19] =	wrdreg s23  }
0x23: {  	s13 =	simm.s32 $0x7;
	[dreg:$0x1a] =	wrdreg s24;
	s21 =	simm.s32 $0x600  }
0x24: {  	v0 =	vimm.f32 $0.0e+00;
	s23 =	simm.s32 $0x80;
	s24 =	simm.s32 $0x2;
	s20 =	simm.s32 $0x8600  }
.LBB2_15:
0x25: {  	s0 =	stileid.u32;
	[bflag:$0x0] =	sbarrier.arrive $0xFFFF  }
0x26: {  	s11 =	simm.s32 $0xA;
	s0 =	sshll.u32 s0, $0x6;
	s22 =	rddreg [dreg:$0x5]  }
0x27: {  	s9 =	rddreg [dreg:$0xf];
	s0 =	sor.u32 $0x1C0A, s0;
	s3 =	sshrl.u32 s22, $0x3  }
0x28: {  	[hbm:s9], [sflag:s0] =	dma.local [spmem:s3], $0x800  }
0x29: {  	_ =	swait.ge [sflag:s11], $0x800  }
0x2a: {  	[sflag:s11] =	ssyncset.done $0x0  }
0x2b: {  	s3 =	sshrl.u32 s25, $0x3;
	s9 =	rddreg [dreg:$0x17];
	[sflag:s11] =	ssyncadd.s32 $0xFFFFF800  }
0x2c: {  	[hbm:s9], [sflag:s0] =	dma.local [spmem:s3], $0x800  }
0x2d: {  	_ =	swait.ge [sflag:s11], $0x800  }
0x2e: {  	[sflag:s11] =	ssyncset.done $0x0  }
0x2f: {  	s3 =	sshrl.u32 s26, $0x3;
	s9 =	rddreg [dreg:$0x18];
	[sflag:s11] =	ssyncadd.s32 $0xFFFFF800  }
0x30: {  	[hbm:s9], [sflag:s0] =	dma.local [spmem:s3], $0x800  }
0x31: {  	_ =	swait.ge [sflag:s11], $0x800  }
0x32: {  	[sflag:s11] =	ssyncset.done $0x0  }
0x33: {  	s3 =	sshrl.u32 s29, $0x3;
	s9 =	rddreg [dreg:$0x19];
	[sflag:s11] =	ssyncadd.s32 $0xFFFFF800  }
0x34: {  	[hbm:s9], [sflag:s0] =	dma.local [spmem:s3], $0x800  }
0x35: {  	_ =	swait.ge [sflag:s11], $0x800  }
0x36: {  	[sflag:s11] =	ssyncset.done $0x0;
	s9 =	rddreg [dreg:$0x9]  }
0x37: {  	[sflag:s11] =	ssyncadd.s32 $0xFFFFF800;
	s3 =	sshrl.u32 s9, $0x3;
	s9 =	rddreg [dreg:$0x1a]  }
0x38: {  	[hbm:s9], [sflag:s0] =	dma.local [spmem:s3], $0x700  }
0x39: {  	_ =	swait.ge [sflag:s11], $0x700  }
0x3a: {  	[sflag:s11] =	ssyncset.done $0x0  }
0x3b: {  	[sflag:s11] =	ssyncadd.s32 $0xFFFFF900;
	s11 =	rddreg [dreg:$0x15]  }
0x3c: {  	s9 =	rddreg [dreg:$0x13];
	s3 =	sshrl.u32 @!p0 s11, $0x3  }
0x3d: {  	[hbm:s9], [sflag:s0] =	dma.local @!p0 [spmem:s3], $0x700  }
0x3e: {  	s0 =	simm.s32 @!p0 $0xA  }
0x3f: {  	_ =	swait.ge @!p0 [sflag:s0], $0x700  }
0x40: {  	s18 =	sadd.s32 $0x1, s18;
	s9 =	rddreg [dreg:$0x14]  }
0x41: {  	p2 =	sne.s32 s18, s9  }
.Ltmp1:
0x42: {  	_ = 	snop;
	(pc) =	sbr.rel @!p2 .LBB2_16-.Ltmp1, $3  }
0x43: {  	_ =	sdelay $0x1  }
0x44: {  	[sflag:s0] =	ssyncset.done @!p0 $0x0  }
0x45: {  	[sflag:s0] =	ssyncadd.s32 @!p0 $0xFFFFF900  }
.LBB2_1:
0x46: {  	[dreg:$0x4] =	wrdreg s18;
	s0 =	simm.s32 $0x0;
	s3 =	simm.s32 $0x200  }
.LBB2_2:
0x47: {  	p2 =	sne.s32 s3, $0xFE00;
	[tilespmem:s0+$0x670] =	vst v0  }
0x48: {  	[tilespmem:s0+$0x600] =	vst v0  }
0x49: {  	[tilespmem:s0+$0x610] =	vst v0  }
.Ltmp2:
0x4a: {  	[tilespmem:s0+$0x620] =	vst v0;
	(pc) =	sbr.rel @p2 .LBB2_2-.Ltmp2, $4  }
0x4b: {  	[tilespmem:s0+$0x630] =	vst v0  }
0x4c: {  	[tilespmem:s0+$0x640] =	vst v0  }
0x4d: {  	[tilespmem:s0+$0x650] =	vst v0  }
0x4e: {  	[tilespmem:s0+$0x660] =	vst v0;
	s0 =	sshra.s32 s3, $0x2;
	s3 =	sadd.s32 $0x200, s3  }
0x4f: {  	[tilespmem:s0+$0x670] =	vst v0  }
0x50: {  	[tilespmem:s0+$0x600] =	vst v0  }
0x51: {  	[tilespmem:s0+$0x610] =	vst v0  }
0x52: {  	[tilespmem:s0+$0x620] =	vst v0  }
0x53: {  	[tilespmem:s0+$0x630] =	vst v0  }
0x54: {  	[tilespmem:s0+$0x640] =	vst v0  }
0x55: {  	[tilespmem:s0+$0x650] =	vst v0  }
0x56: {  	[tilespmem:s0+$0x660] =	vst v0;
	s3 =	simm.s32 $0xA  }
0x57: {  	[spmem:s22] =	stream.linear.scatter [tilespmem:s21], [sflag:$0xA], $0x4000, $0x38;
	[tilespmem:$0x1FE80] =	vst v63  }
0x58: {  	_ =	swait.ge [sflag:s3], $0x4000  }
0x59: {  	[sflag:s3] =	ssyncset.done $0x0  }
0x5a: {  	[sflag:s3] =	ssyncadd.s32 $0xFFFFC000  }
0x5b: {  	[spmem:s25] =	stream.linear.scatter [tilespmem:s21], [sflag:$0xA], $0x4000, $0x38;
	[tilespmem:$0x1FE80] =	vst v63  }
0x5c: {  	_ =	swait.ge [sflag:s3], $0x4000  }
0x5d: {  	[sflag:s3] =	ssyncset.done $0x0  }
0x5e: {  	[sflag:s3] =	ssyncadd.s32 $0xFFFFC000  }
0x5f: {  	[spmem:s26] =	stream.linear.scatter [tilespmem:s21], [sflag:$0xA], $0x4000, $0x38;
	[tilespmem:$0x1FE80] =	vst v63  }
0x60: {  	_ =	swait.ge [sflag:s3], $0x4000  }
0x61: {  	[sflag:s3] =	ssyncset.done $0x0  }
0x62: {  	[sflag:s3] =	ssyncadd.s32 $0xFFFFC000  }
0x63: {  	[spmem:s29] =	stream.linear.scatter [tilespmem:s21], [sflag:$0xA], $0x4000, $0x38;
	[tilespmem:$0x1FE80] =	vst v63  }
0x64: {  	_ =	swait.ge [sflag:s3], $0x4000  }
0x65: {  	[sflag:s3] =	ssyncset.done $0x0  }
0x66: {  	s29 =	rddreg [dreg:$0x9];
	[sflag:s3] =	ssyncadd.s32 $0xFFFFC000  }
0x67: {  	[spmem:s29] =	stream.linear.scatter [tilespmem:s21], [sflag:$0xA], $0x3800, $0x38;
	[tilespmem:$0x1FE80] =	vst v63  }
0x68: {  	_ =	swait.ge [sflag:s3], $0x3800  }
0x69: {  	[sflag:s3] =	ssyncset.done $0x0  }
0x6a: {  	s0 =	simm.s32 @!p0 $0x600;
	[sflag:s3] =	ssyncadd.s32 $0xFFFFC800  }
0x6b: {  	[spmem:s11] =	stream.linear.scatter @!p0 [tilespmem:s0], [sflag:$0xA], $0x3800, $0x38;
	[tilespmem:$0x1FE80] =	vst v63  }
0x6c: {  	s0 =	simm.s32 @!p0 $0xA  }
0x6d: {  	_ =	swait.ge @!p0 [sflag:s0], $0x3800  }
0x6e: {  	[sflag:s0] =	ssyncset.done @!p0 $0x0  }
0x6f: {  	[sflag:s0] =	ssyncadd.s32 @!p0 $0xFFFFC800  }
0x70: {  	[bflag:$0x0] =	sbarrier.arrive $0xFFFF  }
0x71: {  	s9 =	simm.s32 $0x0;
	s3 =	rddreg [dreg:$0xa]  }
0x72: {  	[tilespmem:s9], [sflag:$0x1] =	stream.linear.gather [hbm4b:s3+s9], $0x80, $0x38;
	[tilespmem:$0x1FE80] =	vst v63  }
0x73: {  	s11 =	rddreg [dreg:$0xb]  }
0x74: {  	[tilespmem:s23], [sflag:$0x1] =	stream.linear.gather [hbm4b:s11+s9], $0x80, $0x38;
	[tilespmem:$0x1FE80] =	vst v63  }
0x75: {  	s18 =	rddreg [dreg:$0xc]  }
0x76: {  	[tilespmem:s4], [sflag:$0x1] =	stream.linear.gather [hbm4b:s18+s9], $0x80, $0x38;
	[tilespmem:$0x1FE80] =	vst v63  }
0x77: {  	_ =	swait.ge [sflag:s15], $0x80  }
0x78: {  	[sflag:s15] =	ssyncset.done $0x0  }
0x79: {  	[sflag:s15] =	ssyncadd.s32 $0xFFFFFF80  }
0x7a: {  	_ =	swait.ge [sflag:s15], $0x80  }
0x7b: {  	[sflag:s15] =	ssyncset.done $0x0  }
0x7c: {  	[sflag:s15] =	ssyncadd.s32 $0xFFFFFF80  }
0x7d: {  	_ =	swait.ge [sflag:s15], $0x80  }
0x7e: {  	[sflag:s15] =	ssyncset.done $0x0  }
0x7f: {  	[sflag:s15] =	ssyncadd.s32 $0xFFFFFF80  }
0x80: {  	[tilespmem:s21], [sflag:$0x4] =	stream.indirect.gather [hbm4b:s1+s23], $0x80, s9, s23, $0xb8;
	[tilespmem:$0x1FE80] =	vst v63  }
0x81: {  	s22 =	rddreg [dreg:$0xd]  }
0x82: {  	[tilespmem:s16], [sflag:$0x2] =	stream.linear.gather [hbm4b:s22+s9], $0x80, $0x38;
	[tilespmem:$0x1FE80] =	vst v63  }
0x83: {  	s26 =	simm.s32 $0x200;
	s25 =	rddreg [dreg:$0xe]  }
0x84: {  	[tilespmem:s26], [sflag:$0x2] =	stream.linear.gather [hbm4b:s25+s9], $0x80, $0x38;
	[tilespmem:$0x1FE80] =	vst v63  }
0x85: {  	s3 =	simm.s32 $0x0;
	s29 =	rddreg [dreg:$0x16]  }
0x86: {  	[tilespmem:s19], [sflag:$0x2] =	stream.linear.gather [hbm4b:s29+s9], $0x80, $0x38;
	[tilespmem:$0x1FE80] =	vst v63  }
.LBB2_4:
0x87: {  	_ =	swait.ge [sflag:s24], $0x80  }
0x88: {  	[sflag:s24] =	ssyncset.done $0x0  }
0x89: {  	[sflag:s24] =	ssyncadd.s32 $0xFFFFFF80  }
0x8a: {  	_ =	swait.ge [sflag:s24], $0x80  }
0x8b: {  	[sflag:s24] =	ssyncset.done $0x0  }
0x8c: {  	[sflag:s24] =	ssyncadd.s32 $0xFFFFFF80  }
0x8d: {  	_ =	swait.ge [sflag:s24], $0x80  }
0x8e: {  	p2 =	seq.s32 s3, $0x0;
	s29 =	smul.u32 $0x3, s3;
	[sflag:s24] =	ssyncset.done $0x0  }
0x8f: {  	s0 =	simm.s32 @!p2 $0x8;
	[sflag:s24] =	ssyncadd.s32 $0xFFFFFF80  }
0x90: {  	s25 =	sadd.s32 $0x2, s29;
	_ =	swait.ge @!p2 [sflag:s0], $0x4000  }
0x91: {  	s11 =	sadd.s32 s8, s25;
	[sflag:s0] =	ssyncset.done @!p2 $0x0  }
0x92: {  	s22 =	simm.s32 $0x4600;
	s11 =	sshll.u32 s11, $0x4;
	[sflag:s0] =	ssyncadd.s32 @!p2 $0xFFFFC000  }
0x93: {  	[tilespmem:s22], [sflag:$0x5] =	stream.indirect.gather [hbm4b:s1+s23], $0x80, s16, s23, $0xb8;
	[tilespmem:$0x1FE80] =	vst v63  }
0x94: {  	s26 =	simm.s32 $0x380;
	s18 =	sadd.s32 s5, s11  }
0x95: {  	[tilespmem:s28], [sflag:$0x3] =	stream.linear.gather [hbm4b:s18+s9], $0x80, $0x38;
	[tilespmem:$0x1FE80] =	vst v63  }
0x96: {  	s11 =	sadd.s32 s6, s11;
	s0 =	sshll.u32 s25, $0x4;
	s22 =	sadd.s32 s12, s25  }
0x97: {  	[tilespmem:s26], [sflag:$0x3] =	stream.linear.gather [hbm4b:s11+s9], $0x80, $0x38;
	[tilespmem:$0x1FE80] =	vst v63  }
0x98: {  	s0 =	sand.u32 $0x70, s0;
	s11 =	sshll.u32 s22, $0x4  }
0x99: {  	s0 =	sadd.s32 s7, s0;
	s11 =	sand.u32 $0xFFFFF80, s11  }
0x9a: {  	s0 =	sadd.s32 s11, s0  }
0x9b: {  	[tilespmem:s30], [sflag:$0x3] =	stream.linear.gather [hbm4b:s0+s9], $0x80, $0x38;
	[tilespmem:$0x1FE80] =	vst v63  }
0x9c: {  	_ =	swait.ge [sflag:s31], $0x4000  }
0x9d: {  	[sflag:s31] =	ssyncset.done $0x0  }
0x9e: {  	[sflag:s31] =	ssyncadd.s32 $0xFFFFC000  }
0x9f: {  	v1 =	vld [tilespmem:$0x80]  }
0xa0: {  	v2 =	vld [tilespmem:$0x90]  }
0xa1: {  	v3 =	vld [tilespmem:$0xA0]  }
0xa2: {  	v4 =	vld [tilespmem:$0xB0]  }
0xa3: {  	v5 =	vld [tilespmem:$0xC0]  }
0xa4: {  	[tilespmem:$0x480] =	vst v1;
	v1 =	vld [tilespmem:$0xD0]  }
0xa5: {  	v6 =	vmov s9;
	[tilespmem:$0x490] =	vst v2;
	v2 =	vld [tilespmem:$0xE0]  }
0xa6: {  	v6 =	vand.u32 $0xFFFFFFFC, v6;
	[tilespmem:$0x4A0] =	vst v3;
	v3 =	vld [tilespmem:$0xF0]  }
0xa7: {  	[tilespmem:$0x4B0] =	vst v4;
	v4 =	vbroadcast v6, $0x0  }
0xa8: {  	[tilespmem:$0x4C0] =	vst v5  }
0xa9: {  	[tilespmem:$0x4D0] =	vst v1  }
0xaa: {  	[tilespmem:$0x4E0] =	vst v2  }
0xab: {  	s11 =	simm.s32 $0x700;
	[tilespmem:$0x4F0] =	vst v3  }
0xac: {  	v1 =	vld [tilespmem:s11+$0xFFFFFF70]  }
0xad: {  	v2 =	vld.idx.msk [tilespmem:v4+s4+$0x0], $0xffff  }
0xae: {  	v3 =	vld [tilespmem:s11+$0xFFFFFF00]  }
0xaf: {  	v4 =	vld [tilespmem:s11+$0xFFFFFF20]  }
0xb0: {  	v5 =	vld [tilespmem:s11+$0xFFFFFF50]  }
0xb1: {  	v6 =	vld [tilespmem:s11+$0xFFFFFF40]  }
0xb2: {  	v7 =	vld [tilespmem:s11+$0xFFFFFF60];
	v1 =	vmul.f32 v1, v2  }
0xb3: {  	s25 =	simm.s32 $0x1;
	v8 =	vld [tilespmem:s11+$0xFFFFFF30];
	v3 =	vmul.f32 v3, v2  }
0xb4: {  	v9 =	vld [tilespmem:s11+$0xFFFFFF10];
	v4 =	vmul.f32 v4, v2;
	[tilespmem:s11+$0xFFFFFF70] =	vst v1;
	v1 =	vmov s25  }
0xb5: {  	v5 =	vmul.f32 v5, v2;
	[tilespmem:s11+$0xFFFFFF00] =	vst v3;
	v1 =	vand.u32 $0xFFFFFFFD, v1  }
0xb6: {  	v3 =	vmul.f32 v6, v2;
	[tilespmem:s11+$0xFFFFFF20] =	vst v4;
	v1 =	vbroadcast v1, $0x0  }
0xb7: {  	v4 =	vmul.f32 v7, v2;
	[tilespmem:s11+$0xFFFFFF50] =	vst v5  }
0xb8: {  	v5 =	vmul.f32 v8, v2;
	[tilespmem:s11+$0xFFFFFF40] =	vst v3  }
0xb9: {  	v2 =	vmul.f32 v9, v2;
	[tilespmem:s11+$0xFFFFFF60] =	vst v4  }
0xba: {  	v6 =	vld [tilespmem:s11+$0xFFFFFFC0];
	[tilespmem:s11+$0xFFFFFF30] =	vst v5  }
0xbb: {  	[tilespmem:s11+$0xFFFFFF10] =	vst v2;
	v2 =	vld [tilespmem:s11+$0xFFFFFF90]  }
0xbc: {  	v3 =	vld.idx.msk [tilespmem:v1+s4+$0x0], $0xffff  }
0xbd: {  	v1 =	vld [tilespmem:s11+$0xFFFFFFA0]  }
0xbe: {  	v4 =	vld [tilespmem:s11+$0xFFFFFF80]  }
0xbf: {  	v5 =	vld [tilespmem:s11+$0xFFFFFFB0]  }
0xc0: {  	v7 =	vld [tilespmem:s11+$0xFFFFFFD0]  }
0xc1: {  	v8 =	vld [tilespmem:s11+$0xFFFFFFF0];
	v2 =	vmul.f32 v2, v3  }
0xc2: {  	s26 =	simm.s32 $0x2;
	v1 =	vmul.f32 v1, v3  }
0xc3: {  	v63 =	vld [tilespmem:s11+$0xFFFFFFE0];
	v4 =	vmul.f32 v4, v3;
	[tilespmem:s11+$0xFFFFFF90] =	vst v2;
	v2 =	vmov s26  }
0xc4: {  	v5 =	vmul.f32 v5, v3;
	[tilespmem:s11+$0xFFFFFFA0] =	vst v1;
	v1 =	vand.u32 $0xFFFFFFFE, v2  }
0xc5: {  	[tilespmem:s11+$0xFFFFFF80] =	vst v4;
	v4 =	vmul.f32 v7, v3;
	v7 =	vld [tilespmem:s11+$0x0];
	v10 =	vbroadcast v1, $0x0  }
0xc6: {  	[tilespmem:s11+$0xFFFFFFB0] =	vst v5;
	v5 =	vmul.f32 v8, v3;
	v2 =	vmul.f32 v6, v3;
	v6 =	vld [tilespmem:s11+$0x60]  }
0xc7: {  	v1 =	vld [tilespmem:s11+$0x20];
	[tilespmem:s11+$0xFFFFFFD0] =	vst v4  }
0xc8: {  	v3 =	vmul.f32 v63, v3;
	[tilespmem:s11+$0xFFFFFFF0] =	vst v5;
	v4 =	vld [tilespmem:s11+$0x40]  }
0xc9: {  	v5 =	vld [tilespmem:s11+$0x10];
	[tilespmem:s11+$0xFFFFFFC0] =	vst v2  }
0xca: {  	v2 =	vld [tilespmem:s11+$0x30];
	[tilespmem:s11+$0xFFFFFFE0] =	vst v3  }
0xcb: {  	s18 =	simm.s32 $0x700;
	s0 =	simm.s32 $0x4;
	s26 =	simm.s32 $0x0;
	v3 =	vld.idx.msk [tilespmem:v10+s4+$0x0], $0xffff  }
.LBB2_5:
0xcc: {  	p3 =	slt.u32 s0, $0x7C  }
0xcd: {  	v8 =	vld [tilespmem:s11+$0x50];
	s18 =	sadd.s32 $0x200, s18;
	s22 =	smov.u32 s0;
	s0 =	sadd.s32 $0x4, s0  }
0xce: {  	v9 =	vld [tilespmem:s11+$0x70];
	_ =	sdelay $0x1  }
0xcf: {  	v6 =	vmul.f32 v6, v3;
	v7 =	vmul.f32 v7, v3  }
0xd0: {  	v4 =	vmul.f32 v4, v3;
	v5 =	vmul.f32 v5, v3  }
0xd1: {  	v1 =	vmul.f32 v1, v3;
	v2 =	vmul.f32 v2, v3;
	[tilespmem:s11+$0x60] =	vst v6  }
0xd2: {  	[tilespmem:s11+$0x40] =	vst v4;
	v4 =	vmul.f32 v8, v3;
	v3 =	vmul.f32 v9, v3  }
0xd3: {  	s25 =	sadd.s32 $0x3, s26;
	s26 =	smov.u32 s22;
	[tilespmem:s11+$0x20] =	vst v1;
	v6 =	vld [tilespmem:s11+$0x80]  }
0xd4: {  	v1 =	vld [tilespmem:s18+$0x20];
	[tilespmem:s11+$0x0] =	vst v7;
	v7 =	vmov s25  }
0xd5: {  	[tilespmem:s11+$0x50] =	vst v4;
	v4 =	vld [tilespmem:s11+$0xE0]  }
0xd6: {  	[tilespmem:s11+$0x30] =	vst v2;
	v8 =	vld [tilespmem:s11+$0xC0]  }
0xd7: {  	v2 =	vld [tilespmem:s18+$0x30];
	[tilespmem:s11+$0x10] =	vst v5  }
0xd8: {  	[tilespmem:s11+$0x70] =	vst v3;
	v3 =	vld [tilespmem:s11+$0xA0]  }
0xd9: {  	v5 =	vld.idx.msk [tilespmem:v7+s4+$0x0], $0xffff  }
0xda: {  	v7 =	vld [tilespmem:s11+$0x90]  }
0xdb: {  	v9 =	vld [tilespmem:s11+$0xB0]  }
0xdc: {  	v10 =	vld [tilespmem:s11+$0xD0]  }
0xdd: {  	v11 =	vld [tilespmem:s11+$0xF0];
	_ =	sdelay $0x1  }
0xde: {  	v6 =	vmul.f32 v6, v5;
	v7 =	vmul.f32 v7, v5  }
0xdf: {  	v3 =	vmul.f32 v3, v5;
	v9 =	vmul.f32 v9, v5  }
0xe0: {  	v12 =	vmov s26;
	[tilespmem:s11+$0x80] =	vst v6;
	v6 =	vmul.f32 v8, v5;
	v8 =	vmul.f32 v10, v5  }
0xe1: {  	v10 =	vand.u32 $0xFFFFFFFC, v12;
	[tilespmem:s11+$0xA0] =	vst v3;
	v3 =	vmul.f32 v4, v5;
	v4 =	vmul.f32 v11, v5  }
0xe2: {  	v5 =	vbroadcast v10, $0x0;
	[tilespmem:s11+$0xC0] =	vst v6  }
0xe3: {  	[tilespmem:s11+$0xF0] =	vst v4  }
0xe4: {  	v4 =	vld [tilespmem:s18+$0xFFFFFF40];
	[tilespmem:s11+$0xE0] =	vst v3  }
0xe5: {  	v3 =	vld [tilespmem:s18+$0xFFFFFF50];
	[tilespmem:s11+$0x90] =	vst v7  }
0xe6: {  	v6 =	vld [tilespmem:s18+$0xFFFFFF60];
	[tilespmem:s11+$0xB0] =	vst v9  }
0xe7: {  	v7 =	vld [tilespmem:s18+$0xFFFFFF70];
	[tilespmem:s11+$0xD0] =	vst v8;
	s11 =	smov.u32 s18  }
0xe8: {  	v5 =	vld.idx.msk [tilespmem:v5+s4+$0x0], $0xffff  }
0xe9: {  	v8 =	vld [tilespmem:s18+$0xFFFFFF00]  }
0xea: {  	v9 =	vld [tilespmem:s18+$0xFFFFFF20]  }
0xeb: {  	v10 =	vld [tilespmem:s18+$0xFFFFFF10]  }
0xec: {  	v11 =	vld [tilespmem:s18+$0xFFFFFF30];
	_ =	sdelay $0x1  }
0xed: {  	v7 =	vmul.f32 v7, v5;
	v8 =	vmul.f32 v8, v5  }
0xee: {  	s22 =	sadd.s32 $0x1, s26;
	v6 =	vmul.f32 v6, v5;
	v9 =	vmul.f32 v9, v5  }
0xef: {  	v3 =	vmul.f32 v3, v5;
	v10 =	vmul.f32 v10, v5;
	[tilespmem:s18+$0xFFFFFF70] =	vst v7;
	v7 =	vmov s22  }
0xf0: {  	v4 =	vmul.f32 v4, v5;
	[tilespmem:s18+$0xFFFFFF00] =	vst v8;
	v8 =	vmul.f32 v11, v5;
	v5 =	vand.u32 $0xFFFFFFFD, v7  }
0xf1: {  	[tilespmem:s18+$0xFFFFFF20] =	vst v9;
	v5 =	vbroadcast v5, $0x0  }
0xf2: {  	[tilespmem:s18+$0xFFFFFF50] =	vst v3  }
0xf3: {  	[tilespmem:s18+$0xFFFFFF40] =	vst v4;
	v3 =	vld [tilespmem:s18+$0xFFFFFFF0]  }
0xf4: {  	[tilespmem:s18+$0xFFFFFF60] =	vst v6;
	v4 =	vld [tilespmem:s18+$0xFFFFFFC0]  }
0xf5: {  	[tilespmem:s18+$0xFFFFFF30] =	vst v8;
	v6 =	vld [tilespmem:s18+$0xFFFFFFD0]  }
0xf6: {  	[tilespmem:s18+$0xFFFFFF10] =	vst v10;
	v7 =	vld [tilespmem:s18+$0xFFFFFF90]  }
0xf7: {  	v5 =	vld.idx.msk [tilespmem:v5+s4+$0x0], $0xffff  }
0xf8: {  	v8 =	vld [tilespmem:s18+$0xFFFFFF80]  }
0xf9: {  	v9 =	vld [tilespmem:s18+$0xFFFFFFA0]  }
0xfa: {  	v10 =	vld [tilespmem:s18+$0xFFFFFFB0]  }
0xfb: {  	v11 =	vld [tilespmem:s18+$0xFFFFFFE0];
	_ =	sdelay $0x1  }
0xfc: {  	v7 =	vmul.f32 v7, v5;
	v8 =	vmul.f32 v8, v5  }
0xfd: {  	s22 =	sadd.s32 $0x2, s26;
	v6 =	vmul.f32 v6, v5;
	v9 =	vmul.f32 v9, v5  }
0xfe: {  	v4 =	vmul.f32 v4, v5;
	[tilespmem:s18+$0xFFFFFF90] =	vst v7;
	v7 =	vmul.f32 v10, v5;
	v10 =	vmov s22  }
0xff: {  	v3 =	vmul.f32 v3, v5;
	[tilespmem:s18+$0xFFFFFFA0] =	vst v9;
	v9 =	vmul.f32 v11, v5;
	v5 =	vand.u32 $0xFFFFFFFE, v10  }
0x100: {  	[tilespmem:s18+$0xFFFFFF80] =	vst v8;
	v5 =	vbroadcast v5, $0x0  }
0x101: {  	[tilespmem:s18+$0xFFFFFFB0] =	vst v7  }
0x102: {  	[tilespmem:s18+$0xFFFFFFC0] =	vst v4  }
0x103: {  	[tilespmem:s18+$0xFFFFFFD0] =	vst v6  }
.Ltmp3:
0x104: {  	[tilespmem:s18+$0xFFFFFFF0] =	vst v3;
	v4 =	vld [tilespmem:s18+$0x40];
	(pc) =	sbr.rel @p3 .LBB2_5-.Ltmp3, $4  }
0x105: {  	[tilespmem:s18+$0xFFFFFFE0] =	vst v9;
	v6 =	vld [tilespmem:s18+$0x60]  }
0x106: {  	v3 =	vld.idx.msk [tilespmem:v5+s4+$0x0], $0xffff  }
0x107: {  	v7 =	vld [tilespmem:s18+$0x0]  }
0x108: {  	v5 =	vld [tilespmem:s18+$0x10]  }
0x109: {  	_ =	sdelay $0x1  }
0x10a: {  	v6 =	vmul.f32 v6, v3  }
0x10b: {  	v8 =	vld [tilespmem:s11+$0x50];
	v4 =	vmul.f32 v4, v3  }
0x10c: {  	v9 =	vld [tilespmem:s11+$0x70];
	v1 =	vmul.f32 v1, v3;
	[tilespmem:s11+$0x60] =	vst v6  }
0x10d: {  	v6 =	vmul.f32 v7, v3;
	[tilespmem:s11+$0x40] =	vst v4  }
0x10e: {  	s0 =	sadd.s32 $0x3, s26;
	[tilespmem:s11+$0x20] =	vst v1;
	v1 =	vmul.f32 v2, v3  }
0x10f: {  	v5 =	vmul.f32 v5, v3;
	[tilespmem:s11+$0x0] =	vst v6;
	v6 =	vmov s0  }
0x110: {  	v4 =	vmul.f32 v8, v3;
	[tilespmem:s11+$0x30] =	vst v1  }
0x111: {  	v3 =	vmul.f32 v9, v3;
	[tilespmem:s11+$0x10] =	vst v5  }
0x112: {  	[tilespmem:s11+$0x50] =	vst v4  }
0x113: {  	v2 =	vld [tilespmem:s11+$0x80];
	[tilespmem:s11+$0x70] =	vst v3  }
0x114: {  	v1 =	vld.idx.msk [tilespmem:v6+s4+$0x0], $0xffff  }
0x115: {  	v3 =	vld [tilespmem:s11+$0xA0]  }
0x116: {  	v4 =	vld [tilespmem:s11+$0xC0]  }
0x117: {  	v5 =	vld [tilespmem:s11+$0xF0]  }
0x118: {  	v6 =	vld [tilespmem:s11+$0xE0]  }
0x119: {  	v7 =	vld [tilespmem:s11+$0x90];
	v2 =	vmul.f32 v2, v1  }
0x11a: {  	v8 =	vld [tilespmem:s11+$0xB0];
	v3 =	vmul.f32 v3, v1  }
0x11b: {  	v61 =	vld [tilespmem:s11+$0xD0];
	[tilespmem:s11+$0x80] =	vst v2;
	v2 =	vmul.f32 v4, v1  }
0x11c: {  	[tilespmem:s11+$0xA0] =	vst v3;
	v3 =	vmul.f32 v5, v1  }
0x11d: {  	v4 =	vmul.f32 v6, v1;
	[tilespmem:s11+$0xC0] =	vst v2  }
0x11e: {  	v2 =	vmul.f32 v7, v1;
	[tilespmem:s11+$0xF0] =	vst v3  }
0x11f: {  	v3 =	vmul.f32 v8, v1;
	[tilespmem:s11+$0xE0] =	vst v4  }
0x120: {  	v1 =	vmul.f32 v61, v1;
	[tilespmem:s11+$0x90] =	vst v2  }
0x121: {  	[tilespmem:s11+$0xB0] =	vst v3  }
0x122: {  	s22 =	simm.s32 $0x480;
	[tilespmem:s11+$0xD0] =	vst v1  }
0x123: {  	[spmem:s2] =	stream.indirect.scatter.add.f32 [tilespmem:s21], [sflag:$0x7], $0x80, s22, s23, $0xb8;
	[tilespmem:$0x1FE80] =	vst v63  }
0x124: {  	_ =	swait.ge [sflag:s17], $0x80  }
0x125: {  	[sflag:s17] =	ssyncset.done $0x0  }
0x126: {  	[sflag:s17] =	ssyncadd.s32 $0xFFFFFF80  }
0x127: {  	_ =	swait.ge [sflag:s17], $0x80  }
0x128: {  	[sflag:s17] =	ssyncset.done $0x0  }
0x129: {  	[sflag:s17] =	ssyncadd.s32 $0xFFFFFF80  }
0x12a: {  	_ =	swait.ge [sflag:s17], $0x80  }
0x12b: {  	[sflag:s17] =	ssyncset.done $0x0  }
0x12c: {  	s0 =	simm.s32 @!p2 $0x9;
	[sflag:s17] =	ssyncadd.s32 $0xFFFFFF80  }
0x12d: {  	_ =	swait.ge @!p2 [sflag:s0], $0x4000  }
0x12e: {  	s25 =	smin.u32 s29, $0x4A;
	[sflag:s0] =	ssyncset.done @!p2 $0x0  }
0x12f: {  	[sflag:s0] =	ssyncadd.s32 @!p2 $0xFFFFC000;
	s0 =	sadd.s32 $0x3, s25  }
0x130: {  	[tilespmem:s20], [sflag:$0x6] =	stream.indirect.gather [hbm4b:s1+s23], $0x80, s28, s23, $0xb8;
	[tilespmem:$0x1FE80] =	vst v63  }
0x131: {  	s26 =	sadd.s32 s8, s0  }
0x132: {  	s11 =	sshll.u32 s26, $0x4  }
0x133: {  	s26 =	simm.s32 $0x0;
	s18 =	sadd.s32 s5, s11  }
0x134: {  	[tilespmem:s26], [sflag:$0x1] =	stream.linear.gather [hbm4b:s18+s26], $0x80, $0x38;
	[tilespmem:$0x1FE80] =	vst v63  }
0x135: {  	s11 =	sadd.s32 s6, s11;
	s18 =	sadd.s32 s12, s0;
	s0 =	sshll.u32 s0, $0x4  }
0x136: {  	[tilespmem:s23], [sflag:$0x1] =	stream.linear.gather [hbm4b:s11+s26], $0x80, $0x38;
	[tilespmem:$0x1FE80] =	vst v63  }
0x137: {  	s0 =	sand.u32 $0x70, s0;
	s11 =	sshll.u32 s18, $0x4  }
0x138: {  	s0 =	sadd.s32 s7, s0;
	s11 =	sand.u32 $0x1FF80, s11  }
0x139: {  	s0 =	sadd.s32 s11, s0  }
0x13a: {  	[tilespmem:s4], [sflag:$0x1] =	stream.linear.gather [hbm4b:s0+s26], $0x80, $0x38;
	[tilespmem:$0x1FE80] =	vst v63  }
0x13b: {  	_ =	swait.ge [sflag:s10], $0x4000  }
0x13c: {  	[sflag:s10] =	ssyncset.done $0x0  }
0x13d: {  	[sflag:s10] =	ssyncadd.s32 $0xFFFFC000  }
0x13e: {  	v1 =	vld [tilespmem:$0x200]  }
0x13f: {  	v2 =	vld [tilespmem:$0x210]  }
0x140: {  	v3 =	vld [tilespmem:$0x220]  }
0x141: {  	v4 =	vld [tilespmem:$0x230]  }
0x142: {  	v5 =	vld [tilespmem:$0x240]  }
0x143: {  	[tilespmem:$0x500] =	vst v1;
	v1 =	vld [tilespmem:$0x250]  }
0x144: {  	v6 =	vmov s26;
	[tilespmem:$0x510] =	vst v2;
	v2 =	vld [tilespmem:$0x260]  }
0x145: {  	v6 =	vand.u32 $0xFFFFFFFC, v6;
	[tilespmem:$0x520] =	vst v3;
	v3 =	vld [tilespmem:$0x270]  }
0x146: {  	[tilespmem:$0x530] =	vst v4;
	v4 =	vbroadcast v6, $0x0  }
0x147: {  	[tilespmem:$0x540] =	vst v5  }
0x148: {  	[tilespmem:$0x550] =	vst v1  }
0x149: {  	[tilespmem:$0x560] =	vst v2  }
0x14a: {  	s11 =	simm.s32 $0x4700;
	[tilespmem:$0x570] =	vst v3  }
0x14b: {  	v1 =	vld [tilespmem:s11+$0xFFFFFF70]  }
0x14c: {  	v2 =	vld.idx.msk [tilespmem:v4+s19+$0x0], $0xffff  }
0x14d: {  	v3 =	vld [tilespmem:s11+$0xFFFFFF00]  }
0x14e: {  	v4 =	vld [tilespmem:s11+$0xFFFFFF20]  }
0x14f: {  	v5 =	vld [tilespmem:s11+$0xFFFFFF50]  }
0x150: {  	v6 =	vld [tilespmem:s11+$0xFFFFFF40]  }
0x151: {  	v7 =	vld [tilespmem:s11+$0xFFFFFF60];
	v1 =	vmul.f32 v1, v2  }
0x152: {  	s22 =	simm.s32 $0x1;
	v8 =	vld [tilespmem:s11+$0xFFFFFF30];
	v3 =	vmul.f32 v3, v2  }
0x153: {  	v62 =	vld [tilespmem:s11+$0xFFFFFF10];
	v4 =	vmul.f32 v4, v2;
	[tilespmem:s11+$0xFFFFFF70] =	vst v1;
	v1 =	vmov s22  }
0x154: {  	v5 =	vmul.f32 v5, v2;
	[tilespmem:s11+$0xFFFFFF00] =	vst v3;
	v1 =	vand.u32 $0xFFFFFFFD, v1  }
0x155: {  	v3 =	vmul.f32 v6, v2;
	[tilespmem:s11+$0xFFFFFF20] =	vst v4;
	v1 =	vbroadcast v1, $0x0  }
0x156: {  	v4 =	vmul.f32 v7, v2;
	[tilespmem:s11+$0xFFFFFF50] =	vst v5  }
0x157: {  	v5 =	vmul.f32 v8, v2;
	[tilespmem:s11+$0xFFFFFF40] =	vst v3  }
0x158: {  	v2 =	vmul.f32 v62, v2;
	[tilespmem:s11+$0xFFFFFF60] =	vst v4  }
0x159: {  	v6 =	vld [tilespmem:s11+$0xFFFFFFC0];
	[tilespmem:s11+$0xFFFFFF30] =	vst v5  }
0x15a: {  	[tilespmem:s11+$0xFFFFFF10] =	vst v2;
	v2 =	vld [tilespmem:s11+$0xFFFFFF90]  }
0x15b: {  	v3 =	vld.idx.msk [tilespmem:v1+s19+$0x0], $0xffff  }
0x15c: {  	v1 =	vld [tilespmem:s11+$0xFFFFFFA0]  }
0x15d: {  	v4 =	vld [tilespmem:s11+$0xFFFFFF80]  }
0x15e: {  	v5 =	vld [tilespmem:s11+$0xFFFFFFB0]  }
0x15f: {  	v7 =	vld [tilespmem:s11+$0xFFFFFFD0]  }
0x160: {  	v8 =	vld [tilespmem:s11+$0xFFFFFFF0];
	v2 =	vmul.f32 v2, v3  }
0x161: {  	s25 =	simm.s32 $0x2;
	v1 =	vmul.f32 v1, v3  }
0x162: {  	v63 =	vld [tilespmem:s11+$0xFFFFFFE0];
	v4 =	vmul.f32 v4, v3;
	[tilespmem:s11+$0xFFFFFF90] =	vst v2;
	v2 =	vmov s25  }
0x163: {  	v5 =	vmul.f32 v5, v3;
	[tilespmem:s11+$0xFFFFFFA0] =	vst v1;
	v1 =	vand.u32 $0xFFFFFFFE, v2  }
0x164: {  	[tilespmem:s11+$0xFFFFFF80] =	vst v4;
	v4 =	vmul.f32 v7, v3;
	v7 =	vld [tilespmem:s11+$0x0];
	v10 =	vbroadcast v1, $0x0  }
0x165: {  	[tilespmem:s11+$0xFFFFFFB0] =	vst v5;
	v5 =	vmul.f32 v8, v3;
	v2 =	vmul.f32 v6, v3;
	v6 =	vld [tilespmem:s11+$0x60]  }
0x166: {  	v1 =	vld [tilespmem:s11+$0x20];
	[tilespmem:s11+$0xFFFFFFD0] =	vst v4  }
0x167: {  	v3 =	vmul.f32 v63, v3;
	[tilespmem:s11+$0xFFFFFFF0] =	vst v5;
	v4 =	vld [tilespmem:s11+$0x40]  }
0x168: {  	v5 =	vld [tilespmem:s11+$0x10];
	[tilespmem:s11+$0xFFFFFFC0] =	vst v2  }
0x169: {  	v2 =	vld [tilespmem:s11+$0x30];
	[tilespmem:s11+$0xFFFFFFE0] =	vst v3  }
0x16a: {  	s18 =	simm.s32 $0x4700;
	s0 =	simm.s32 $0x4;
	v3 =	vld.idx.msk [tilespmem:v10+s19+$0x0], $0xffff  }
.LBB2_7:
0x16b: {  	p2 =	slt.u32 s0, $0x7C  }
0x16c: {  	v8 =	vld [tilespmem:s11+$0x50];
	s18 =	sadd.s32 $0x200, s18;
	s22 =	smov.u32 s0;
	s0 =	sadd.s32 $0x4, s0  }
0x16d: {  	v9 =	vld [tilespmem:s11+$0x70];
	_ =	sdelay $0x1  }
0x16e: {  	v6 =	vmul.f32 v6, v3;
	v7 =	vmul.f32 v7, v3  }
0x16f: {  	v4 =	vmul.f32 v4, v3;
	v5 =	vmul.f32 v5, v3  }
0x170: {  	v1 =	vmul.f32 v1, v3;
	v2 =	vmul.f32 v2, v3;
	[tilespmem:s11+$0x60] =	vst v6  }
0x171: {  	[tilespmem:s11+$0x40] =	vst v4;
	v4 =	vmul.f32 v8, v3;
	v3 =	vmul.f32 v9, v3  }
0x172: {  	s25 =	sadd.s32 $0x3, s26;
	s26 =	smov.u32 s22;
	[tilespmem:s11+$0x20] =	vst v1;
	v6 =	vld [tilespmem:s11+$0x80]  }
0x173: {  	v1 =	vld [tilespmem:s18+$0x20];
	[tilespmem:s11+$0x0] =	vst v7;
	v7 =	vmov s25  }
0x174: {  	[tilespmem:s11+$0x50] =	vst v4;
	v4 =	vld [tilespmem:s11+$0xE0]  }
0x175: {  	[tilespmem:s11+$0x30] =	vst v2;
	v8 =	vld [tilespmem:s11+$0xC0]  }
0x176: {  	v2 =	vld [tilespmem:s18+$0x30];
	[tilespmem:s11+$0x10] =	vst v5  }
0x177: {  	[tilespmem:s11+$0x70] =	vst v3;
	v3 =	vld [tilespmem:s11+$0xA0]  }
0x178: {  	v5 =	vld.idx.msk [tilespmem:v7+s19+$0x0], $0xffff  }
0x179: {  	v7 =	vld [tilespmem:s11+$0x90]  }
0x17a: {  	v9 =	vld [tilespmem:s11+$0xB0]  }
0x17b: {  	v10 =	vld [tilespmem:s11+$0xD0]  }
0x17c: {  	v11 =	vld [tilespmem:s11+$0xF0];
	_ =	sdelay $0x1  }
0x17d: {  	v6 =	vmul.f32 v6, v5;
	v7 =	vmul.f32 v7, v5  }
0x17e: {  	v3 =	vmul.f32 v3, v5;
	v9 =	vmul.f32 v9, v5  }
0x17f: {  	v12 =	vmov s26;
	[tilespmem:s11+$0x80] =	vst v6;
	v6 =	vmul.f32 v8, v5;
	v8 =	vmul.f32 v10, v5  }
0x180: {  	v10 =	vand.u32 $0xFFFFFFFC, v12;
	[tilespmem:s11+$0xA0] =	vst v3;
	v3 =	vmul.f32 v4, v5;
	v4 =	vmul.f32 v11, v5  }
0x181: {  	v5 =	vbroadcast v10, $0x0;
	[tilespmem:s11+$0xC0] =	vst v6  }
0x182: {  	[tilespmem:s11+$0xF0] =	vst v4  }
0x183: {  	v4 =	vld [tilespmem:s18+$0xFFFFFF40];
	[tilespmem:s11+$0xE0] =	vst v3  }
0x184: {  	v3 =	vld [tilespmem:s18+$0xFFFFFF50];
	[tilespmem:s11+$0x90] =	vst v7  }
0x185: {  	v6 =	vld [tilespmem:s18+$0xFFFFFF60];
	[tilespmem:s11+$0xB0] =	vst v9  }
0x186: {  	v7 =	vld [tilespmem:s18+$0xFFFFFF70];
	[tilespmem:s11+$0xD0] =	vst v8;
	s11 =	smov.u32 s18  }
0x187: {  	v5 =	vld.idx.msk [tilespmem:v5+s19+$0x0], $0xffff  }
0x188: {  	v8 =	vld [tilespmem:s18+$0xFFFFFF00]  }
0x189: {  	v9 =	vld [tilespmem:s18+$0xFFFFFF20]  }
0x18a: {  	v10 =	vld [tilespmem:s18+$0xFFFFFF10]  }
0x18b: {  	v11 =	vld [tilespmem:s18+$0xFFFFFF30];
	_ =	sdelay $0x1  }
0x18c: {  	v7 =	vmul.f32 v7, v5;
	v8 =	vmul.f32 v8, v5  }
0x18d: {  	s22 =	sadd.s32 $0x1, s26;
	v6 =	vmul.f32 v6, v5;
	v9 =	vmul.f32 v9, v5  }
0x18e: {  	v3 =	vmul.f32 v3, v5;
	v10 =	vmul.f32 v10, v5;
	[tilespmem:s18+$0xFFFFFF70] =	vst v7;
	v7 =	vmov s22  }
0x18f: {  	v4 =	vmul.f32 v4, v5;
	[tilespmem:s18+$0xFFFFFF00] =	vst v8;
	v8 =	vmul.f32 v11, v5;
	v5 =	vand.u32 $0xFFFFFFFD, v7  }
0x190: {  	[tilespmem:s18+$0xFFFFFF20] =	vst v9;
	v5 =	vbroadcast v5, $0x0  }
0x191: {  	[tilespmem:s18+$0xFFFFFF50] =	vst v3  }
0x192: {  	[tilespmem:s18+$0xFFFFFF40] =	vst v4;
	v3 =	vld [tilespmem:s18+$0xFFFFFFF0]  }
0x193: {  	[tilespmem:s18+$0xFFFFFF60] =	vst v6;
	v4 =	vld [tilespmem:s18+$0xFFFFFFC0]  }
0x194: {  	[tilespmem:s18+$0xFFFFFF30] =	vst v8;
	v6 =	vld [tilespmem:s18+$0xFFFFFFD0]  }
0x195: {  	[tilespmem:s18+$0xFFFFFF10] =	vst v10;
	v7 =	vld [tilespmem:s18+$0xFFFFFF90]  }
0x196: {  	v5 =	vld.idx.msk [tilespmem:v5+s19+$0x0], $0xffff  }
0x197: {  	v8 =	vld [tilespmem:s18+$0xFFFFFF80]  }
0x198: {  	v9 =	vld [tilespmem:s18+$0xFFFFFFA0]  }
0x199: {  	v10 =	vld [tilespmem:s18+$0xFFFFFFB0]  }
0x19a: {  	v11 =	vld [tilespmem:s18+$0xFFFFFFE0];
	_ =	sdelay $0x1  }
0x19b: {  	v7 =	vmul.f32 v7, v5;
	v8 =	vmul.f32 v8, v5  }
0x19c: {  	s22 =	sadd.s32 $0x2, s26;
	v6 =	vmul.f32 v6, v5;
	v9 =	vmul.f32 v9, v5  }
0x19d: {  	v4 =	vmul.f32 v4, v5;
	[tilespmem:s18+$0xFFFFFF90] =	vst v7;
	v7 =	vmul.f32 v10, v5;
	v10 =	vmov s22  }
0x19e: {  	v3 =	vmul.f32 v3, v5;
	[tilespmem:s18+$0xFFFFFFA0] =	vst v9;
	v9 =	vmul.f32 v11, v5;
	v5 =	vand.u32 $0xFFFFFFFE, v10  }
0x19f: {  	[tilespmem:s18+$0xFFFFFF80] =	vst v8;
	v5 =	vbroadcast v5, $0x0  }
0x1a0: {  	[tilespmem:s18+$0xFFFFFFB0] =	vst v7  }
0x1a1: {  	[tilespmem:s18+$0xFFFFFFC0] =	vst v4  }
0x1a2: {  	[tilespmem:s18+$0xFFFFFFD0] =	vst v6  }
.Ltmp4:
0x1a3: {  	[tilespmem:s18+$0xFFFFFFF0] =	vst v3;
	v4 =	vld [tilespmem:s18+$0x40];
	(pc) =	sbr.rel @p2 .LBB2_7-.Ltmp4, $4  }
0x1a4: {  	[tilespmem:s18+$0xFFFFFFE0] =	vst v9;
	v6 =	vld [tilespmem:s18+$0x60]  }
0x1a5: {  	v3 =	vld.idx.msk [tilespmem:v5+s19+$0x0], $0xffff  }
0x1a6: {  	v7 =	vld [tilespmem:s18+$0x0]  }
0x1a7: {  	v5 =	vld [tilespmem:s18+$0x10]  }
0x1a8: {  	_ =	sdelay $0x1  }
0x1a9: {  	v6 =	vmul.f32 v6, v3  }
0x1aa: {  	v8 =	vld [tilespmem:s11+$0x50];
	v4 =	vmul.f32 v4, v3  }
0x1ab: {  	v9 =	vld [tilespmem:s11+$0x70];
	v1 =	vmul.f32 v1, v3;
	[tilespmem:s11+$0x60] =	vst v6  }
0x1ac: {  	v6 =	vmul.f32 v7, v3;
	[tilespmem:s11+$0x40] =	vst v4  }
0x1ad: {  	s0 =	sadd.s32 $0x3, s26;
	[tilespmem:s11+$0x20] =	vst v1;
	v1 =	vmul.f32 v2, v3  }
0x1ae: {  	v5 =	vmul.f32 v5, v3;
	[tilespmem:s11+$0x0] =	vst v6;
	v6 =	vmov s0  }
0x1af: {  	v4 =	vmul.f32 v8, v3;
	[tilespmem:s11+$0x30] =	vst v1  }
0x1b0: {  	v3 =	vmul.f32 v9, v3;
	[tilespmem:s11+$0x10] =	vst v5  }
0x1b1: {  	[tilespmem:s11+$0x50] =	vst v4  }
0x1b2: {  	v2 =	vld [tilespmem:s11+$0x80];
	[tilespmem:s11+$0x70] =	vst v3  }
0x1b3: {  	v1 =	vld.idx.msk [tilespmem:v6+s19+$0x0], $0xffff  }
0x1b4: {  	v3 =	vld [tilespmem:s11+$0xA0]  }
0x1b5: {  	v4 =	vld [tilespmem:s11+$0xC0]  }
0x1b6: {  	v5 =	vld [tilespmem:s11+$0xF0]  }
0x1b7: {  	v6 =	vld [tilespmem:s11+$0xE0]  }
0x1b8: {  	v7 =	vld [tilespmem:s11+$0x90];
	v2 =	vmul.f32 v2, v1  }
0x1b9: {  	v8 =	vld [tilespmem:s11+$0xB0];
	v3 =	vmul.f32 v3, v1  }
0x1ba: {  	v61 =	vld [tilespmem:s11+$0xD0];
	[tilespmem:s11+$0x80] =	vst v2;
	v2 =	vmul.f32 v4, v1  }
0x1bb: {  	[tilespmem:s11+$0xA0] =	vst v3;
	v3 =	vmul.f32 v5, v1  }
0x1bc: {  	v4 =	vmul.f32 v6, v1;
	[tilespmem:s11+$0xC0] =	vst v2  }
0x1bd: {  	v2 =	vmul.f32 v7, v1;
	[tilespmem:s11+$0xF0] =	vst v3  }
0x1be: {  	v3 =	vmul.f32 v8, v1;
	[tilespmem:s11+$0xE0] =	vst v4  }
0x1bf: {  	v1 =	vmul.f32 v61, v1;
	[tilespmem:s11+$0x90] =	vst v2  }
0x1c0: {  	[tilespmem:s11+$0xB0] =	vst v3  }
0x1c1: {  	s18 =	simm.s32 $0x4600;
	s22 =	simm.s32 $0x500;
	[tilespmem:s11+$0xD0] =	vst v1  }
0x1c2: {  	[spmem:s2] =	stream.indirect.scatter.add.f32 [tilespmem:s18], [sflag:$0x8], $0x80, s22, s23, $0xb8;
	[tilespmem:$0x1FE80] =	vst v63  }
0x1c3: {  	_ =	swait.ge [sflag:s15], $0x80  }
0x1c4: {  	[sflag:s15] =	ssyncset.done $0x0  }
0x1c5: {  	[sflag:s15] =	ssyncadd.s32 $0xFFFFFF80  }
0x1c6: {  	_ =	swait.ge [sflag:s15], $0x80  }
0x1c7: {  	[sflag:s15] =	ssyncset.done $0x0  }
0x1c8: {  	[sflag:s15] =	ssyncadd.s32 $0xFFFFFF80  }
0x1c9: {  	_ =	swait.ge [sflag:s15], $0x80  }
0x1ca: {  	[sflag:s15] =	ssyncset.done $0x0  }
0x1cb: {  	s25 =	smin.u32 s29, $0x49;
	[sflag:s15] =	ssyncadd.s32 $0xFFFFFF80  }
0x1cc: {  	s0 =	sadd.s32 $0x4, s25;
	_ =	swait.ge [sflag:s13], $0x4000  }
0x1cd: {  	s18 =	sadd.s32 s8, s0;
	[sflag:s13] =	ssyncset.done $0x0  }
0x1ce: {  	s11 =	simm.s32 $0x0;
	s18 =	sshll.u32 s18, $0x4;
	[sflag:s13] =	ssyncadd.s32 $0xFFFFC000  }
0x1cf: {  	[tilespmem:s21], [sflag:$0x4] =	stream.indirect.gather [hbm4b:s1+s23], $0x80, s11, s23, $0xb8;
	[tilespmem:$0x1FE80] =	vst v63  }
0x1d0: {  	s26 =	simm.s32 $0x200;
	s22 =	sadd.s32 s5, s18  }
0x1d1: {  	[tilespmem:s16], [sflag:$0x2] =	stream.linear.gather [hbm4b:s22+s11], $0x80, $0x38;
	[tilespmem:$0x1FE80] =	vst v63  }
0x1d2: {  	s18 =	sadd.s32 s6, s18;
	s22 =	sadd.s32 s12, s0;
	s0 =	sshll.u32 s0, $0x4  }
0x1d3: {  	[tilespmem:s26], [sflag:$0x2] =	stream.linear.gather [hbm4b:s18+s11], $0x80, $0x38;
	[tilespmem:$0x1FE80] =	vst v63  }
0x1d4: {  	s0 =	sand.u32 $0x70, s0;
	s18 =	sshll.u32 s22, $0x4  }
0x1d5: {  	s0 =	sadd.s32 s7, s0;
	s18 =	sand.u32 $0x1FF80, s18  }
0x1d6: {  	s0 =	sadd.s32 s18, s0  }
0x1d7: {  	[tilespmem:s19], [sflag:$0x2] =	stream.linear.gather [hbm4b:s0+s11], $0x80, $0x38;
	[tilespmem:$0x1FE80] =	vst v63  }
0x1d8: {  	_ =	swait.ge [sflag:s14], $0x4000  }
0x1d9: {  	[sflag:s14] =	ssyncset.done $0x0  }
0x1da: {  	[sflag:s14] =	ssyncadd.s32 $0xFFFFC000  }
0x1db: {  	v1 =	vld [tilespmem:$0x380]  }
0x1dc: {  	v2 =	vld [tilespmem:$0x390]  }
0x1dd: {  	v3 =	vld [tilespmem:$0x3A0]  }
0x1de: {  	v4 =	vld [tilespmem:$0x3B0]  }
0x1df: {  	v5 =	vld [tilespmem:$0x3C0]  }
0x1e0: {  	[tilespmem:$0x580] =	vst v1;
	v1 =	vld [tilespmem:$0x3D0]  }
0x1e1: {  	v6 =	vmov s11;
	[tilespmem:$0x590] =	vst v2;
	v2 =	vld [tilespmem:$0x3E0]  }
0x1e2: {  	v6 =	vand.u32 $0xFFFFFFFC, v6;
	[tilespmem:$0x5A0] =	vst v3;
	v3 =	vld [tilespmem:$0x3F0]  }
0x1e3: {  	[tilespmem:$0x5B0] =	vst v4;
	v4 =	vbroadcast v6, $0x0  }
0x1e4: {  	[tilespmem:$0x5C0] =	vst v5  }
0x1e5: {  	[tilespmem:$0x5D0] =	vst v1  }
0x1e6: {  	[tilespmem:$0x5E0] =	vst v2  }
0x1e7: {  	s29 =	simm.s32 $0x8700;
	[tilespmem:$0x5F0] =	vst v3  }
0x1e8: {  	v1 =	vld [tilespmem:s29+$0xFFFFFF70]  }
0x1e9: {  	v2 =	vld.idx.msk [tilespmem:v4+s30+$0x0], $0xffff  }
0x1ea: {  	v3 =	vld [tilespmem:s29+$0xFFFFFF00]  }
0x1eb: {  	v4 =	vld [tilespmem:s29+$0xFFFFFF20]  }
0x1ec: {  	v5 =	vld [tilespmem:s29+$0xFFFFFF50]  }
0x1ed: {  	v6 =	vld [tilespmem:s29+$0xFFFFFF40]  }
0x1ee: {  	v7 =	vld [tilespmem:s29+$0xFFFFFF60];
	v1 =	vmul.f32 v1, v2  }
0x1ef: {  	s25 =	simm.s32 $0x1;
	v8 =	vld [tilespmem:s29+$0xFFFFFF30];
	v3 =	vmul.f32 v3, v2  }
0x1f0: {  	v62 =	vld [tilespmem:s29+$0xFFFFFF10];
	v4 =	vmul.f32 v4, v2;
	[tilespmem:s29+$0xFFFFFF70] =	vst v1;
	v1 =	vmov s25  }
0x1f1: {  	v5 =	vmul.f32 v5, v2;
	[tilespmem:s29+$0xFFFFFF00] =	vst v3;
	v1 =	vand.u32 $0xFFFFFFFD, v1  }
0x1f2: {  	v3 =	vmul.f32 v6, v2;
	[tilespmem:s29+$0xFFFFFF20] =	vst v4;
	v1 =	vbroadcast v1, $0x0  }
0x1f3: {  	v4 =	vmul.f32 v7, v2;
	[tilespmem:s29+$0xFFFFFF50] =	vst v5  }
0x1f4: {  	v5 =	vmul.f32 v8, v2;
	[tilespmem:s29+$0xFFFFFF40] =	vst v3  }
0x1f5: {  	v2 =	vmul.f32 v62, v2;
	[tilespmem:s29+$0xFFFFFF60] =	vst v4  }
0x1f6: {  	v6 =	vld [tilespmem:s29+$0xFFFFFFC0];
	[tilespmem:s29+$0xFFFFFF30] =	vst v5  }
0x1f7: {  	[tilespmem:s29+$0xFFFFFF10] =	vst v2;
	v2 =	vld [tilespmem:s29+$0xFFFFFF90]  }
0x1f8: {  	v3 =	vld.idx.msk [tilespmem:v1+s30+$0x0], $0xffff  }
0x1f9: {  	v1 =	vld [tilespmem:s29+$0xFFFFFFA0]  }
0x1fa: {  	v4 =	vld [tilespmem:s29+$0xFFFFFF80]  }
0x1fb: {  	v5 =	vld [tilespmem:s29+$0xFFFFFFB0]  }
0x1fc: {  	v7 =	vld [tilespmem:s29+$0xFFFFFFD0]  }
0x1fd: {  	v8 =	vld [tilespmem:s29+$0xFFFFFFF0];
	v2 =	vmul.f32 v2, v3  }
0x1fe: {  	s26 =	simm.s32 $0x2;
	v1 =	vmul.f32 v1, v3  }
0x1ff: {  	v63 =	vld [tilespmem:s29+$0xFFFFFFE0];
	v4 =	vmul.f32 v4, v3;
	[tilespmem:s29+$0xFFFFFF90] =	vst v2;
	v2 =	vmov s26  }
0x200: {  	v5 =	vmul.f32 v5, v3;
	[tilespmem:s29+$0xFFFFFFA0] =	vst v1;
	v1 =	vand.u32 $0xFFFFFFFE, v2  }
0x201: {  	[tilespmem:s29+$0xFFFFFF80] =	vst v4;
	v4 =	vmul.f32 v7, v3;
	v7 =	vld [tilespmem:s29+$0x0];
	v10 =	vbroadcast v1, $0x0  }
0x202: {  	[tilespmem:s29+$0xFFFFFFB0] =	vst v5;
	v5 =	vmul.f32 v8, v3;
	v2 =	vmul.f32 v6, v3;
	v6 =	vld [tilespmem:s29+$0x60]  }
0x203: {  	v1 =	vld [tilespmem:s29+$0x20];
	[tilespmem:s29+$0xFFFFFFD0] =	vst v4  }
0x204: {  	v3 =	vmul.f32 v63, v3;
	[tilespmem:s29+$0xFFFFFFF0] =	vst v5;
	v4 =	vld [tilespmem:s29+$0x40]  }
0x205: {  	v5 =	vld [tilespmem:s29+$0x10];
	[tilespmem:s29+$0xFFFFFFC0] =	vst v2  }
0x206: {  	v2 =	vld [tilespmem:s29+$0x30];
	[tilespmem:s29+$0xFFFFFFE0] =	vst v3  }
0x207: {  	s18 =	simm.s32 $0x8700;
	s0 =	simm.s32 $0x4;
	v3 =	vld.idx.msk [tilespmem:v10+s30+$0x0], $0xffff  }
.LBB2_9:
0x208: {  	p2 =	slt.u32 s0, $0x7C  }
0x209: {  	v8 =	vld [tilespmem:s29+$0x50];
	s18 =	sadd.s32 $0x200, s18;
	s22 =	smov.u32 s0;
	s0 =	sadd.s32 $0x4, s0  }
0x20a: {  	v9 =	vld [tilespmem:s29+$0x70];
	_ =	sdelay $0x1  }
0x20b: {  	v6 =	vmul.f32 v6, v3;
	v7 =	vmul.f32 v7, v3  }
0x20c: {  	v4 =	vmul.f32 v4, v3;
	v5 =	vmul.f32 v5, v3  }
0x20d: {  	v1 =	vmul.f32 v1, v3;
	v2 =	vmul.f32 v2, v3;
	[tilespmem:s29+$0x60] =	vst v6  }
0x20e: {  	[tilespmem:s29+$0x40] =	vst v4;
	v4 =	vmul.f32 v8, v3;
	v3 =	vmul.f32 v9, v3  }
0x20f: {  	s25 =	sadd.s32 $0x3, s11;
	s11 =	smov.u32 s22;
	[tilespmem:s29+$0x20] =	vst v1;
	v6 =	vld [tilespmem:s29+$0x80]  }
0x210: {  	v1 =	vld [tilespmem:s18+$0x20];
	[tilespmem:s29+$0x0] =	vst v7;
	v7 =	vmov s25  }
0x211: {  	[tilespmem:s29+$0x50] =	vst v4;
	v4 =	vld [tilespmem:s29+$0xE0]  }
0x212: {  	[tilespmem:s29+$0x30] =	vst v2;
	v8 =	vld [tilespmem:s29+$0xC0]  }
0x213: {  	v2 =	vld [tilespmem:s18+$0x30];
	[tilespmem:s29+$0x10] =	vst v5  }
0x214: {  	[tilespmem:s29+$0x70] =	vst v3;
	v3 =	vld [tilespmem:s29+$0xA0]  }
0x215: {  	v5 =	vld.idx.msk [tilespmem:v7+s30+$0x0], $0xffff  }
0x216: {  	v7 =	vld [tilespmem:s29+$0x90]  }
0x217: {  	v9 =	vld [tilespmem:s29+$0xB0]  }
0x218: {  	v10 =	vld [tilespmem:s29+$0xD0]  }
0x219: {  	v11 =	vld [tilespmem:s29+$0xF0];
	_ =	sdelay $0x1  }
0x21a: {  	v6 =	vmul.f32 v6, v5;
	v7 =	vmul.f32 v7, v5  }
0x21b: {  	v3 =	vmul.f32 v3, v5;
	v9 =	vmul.f32 v9, v5  }
0x21c: {  	v12 =	vmov s11;
	[tilespmem:s29+$0x80] =	vst v6;
	v6 =	vmul.f32 v8, v5;
	v8 =	vmul.f32 v10, v5  }
0x21d: {  	v10 =	vand.u32 $0xFFFFFFFC, v12;
	[tilespmem:s29+$0xA0] =	vst v3;
	v3 =	vmul.f32 v4, v5;
	v4 =	vmul.f32 v11, v5  }
0x21e: {  	v5 =	vbroadcast v10, $0x0;
	[tilespmem:s29+$0xC0] =	vst v6  }
0x21f: {  	[tilespmem:s29+$0xF0] =	vst v4  }
0x220: {  	v4 =	vld [tilespmem:s18+$0xFFFFFF40];
	[tilespmem:s29+$0xE0] =	vst v3  }
0x221: {  	v3 =	vld [tilespmem:s18+$0xFFFFFF50];
	[tilespmem:s29+$0x90] =	vst v7  }
0x222: {  	v6 =	vld [tilespmem:s18+$0xFFFFFF60];
	[tilespmem:s29+$0xB0] =	vst v9  }
0x223: {  	v7 =	vld [tilespmem:s18+$0xFFFFFF70];
	[tilespmem:s29+$0xD0] =	vst v8;
	s29 =	smov.u32 s18  }
0x224: {  	v5 =	vld.idx.msk [tilespmem:v5+s30+$0x0], $0xffff  }
0x225: {  	v8 =	vld [tilespmem:s18+$0xFFFFFF00]  }
0x226: {  	v9 =	vld [tilespmem:s18+$0xFFFFFF20]  }
0x227: {  	v10 =	vld [tilespmem:s18+$0xFFFFFF10]  }
0x228: {  	v11 =	vld [tilespmem:s18+$0xFFFFFF30];
	_ =	sdelay $0x1  }
0x229: {  	v7 =	vmul.f32 v7, v5;
	v8 =	vmul.f32 v8, v5  }
0x22a: {  	s22 =	sadd.s32 $0x1, s11;
	v6 =	vmul.f32 v6, v5;
	v9 =	vmul.f32 v9, v5  }
0x22b: {  	v3 =	vmul.f32 v3, v5;
	v10 =	vmul.f32 v10, v5;
	[tilespmem:s18+$0xFFFFFF70] =	vst v7;
	v7 =	vmov s22  }
0x22c: {  	v4 =	vmul.f32 v4, v5;
	[tilespmem:s18+$0xFFFFFF00] =	vst v8;
	v8 =	vmul.f32 v11, v5;
	v5 =	vand.u32 $0xFFFFFFFD, v7  }
0x22d: {  	[tilespmem:s18+$0xFFFFFF20] =	vst v9;
	v5 =	vbroadcast v5, $0x0  }
0x22e: {  	[tilespmem:s18+$0xFFFFFF50] =	vst v3  }
0x22f: {  	[tilespmem:s18+$0xFFFFFF40] =	vst v4;
	v3 =	vld [tilespmem:s18+$0xFFFFFFF0]  }
0x230: {  	[tilespmem:s18+$0xFFFFFF60] =	vst v6;
	v4 =	vld [tilespmem:s18+$0xFFFFFFC0]  }
0x231: {  	[tilespmem:s18+$0xFFFFFF30] =	vst v8;
	v6 =	vld [tilespmem:s18+$0xFFFFFFD0]  }
0x232: {  	[tilespmem:s18+$0xFFFFFF10] =	vst v10;
	v7 =	vld [tilespmem:s18+$0xFFFFFF90]  }
0x233: {  	v5 =	vld.idx.msk [tilespmem:v5+s30+$0x0], $0xffff  }
0x234: {  	v8 =	vld [tilespmem:s18+$0xFFFFFF80]  }
0x235: {  	v9 =	vld [tilespmem:s18+$0xFFFFFFA0]  }
0x236: {  	v10 =	vld [tilespmem:s18+$0xFFFFFFB0]  }
0x237: {  	v11 =	vld [tilespmem:s18+$0xFFFFFFE0];
	_ =	sdelay $0x1  }
0x238: {  	v7 =	vmul.f32 v7, v5;
	v8 =	vmul.f32 v8, v5  }
0x239: {  	s22 =	sadd.s32 $0x2, s11;
	v6 =	vmul.f32 v6, v5;
	v9 =	vmul.f32 v9, v5  }
0x23a: {  	v4 =	vmul.f32 v4, v5;
	[tilespmem:s18+$0xFFFFFF90] =	vst v7;
	v7 =	vmul.f32 v10, v5;
	v10 =	vmov s22  }
0x23b: {  	v3 =	vmul.f32 v3, v5;
	[tilespmem:s18+$0xFFFFFFA0] =	vst v9;
	v9 =	vmul.f32 v11, v5;
	v5 =	vand.u32 $0xFFFFFFFE, v10  }
0x23c: {  	[tilespmem:s18+$0xFFFFFF80] =	vst v8;
	v5 =	vbroadcast v5, $0x0  }
0x23d: {  	[tilespmem:s18+$0xFFFFFFB0] =	vst v7  }
0x23e: {  	[tilespmem:s18+$0xFFFFFFC0] =	vst v4  }
0x23f: {  	[tilespmem:s18+$0xFFFFFFD0] =	vst v6  }
.Ltmp5:
0x240: {  	[tilespmem:s18+$0xFFFFFFF0] =	vst v3;
	v4 =	vld [tilespmem:s18+$0x40];
	(pc) =	sbr.rel @p2 .LBB2_9-.Ltmp5, $4  }
0x241: {  	[tilespmem:s18+$0xFFFFFFE0] =	vst v9;
	v6 =	vld [tilespmem:s18+$0x60]  }
0x242: {  	v3 =	vld.idx.msk [tilespmem:v5+s30+$0x0], $0xffff  }
0x243: {  	v7 =	vld [tilespmem:s18+$0x0]  }
0x244: {  	v5 =	vld [tilespmem:s18+$0x10]  }
0x245: {  	_ =	sdelay $0x1  }
0x246: {  	v6 =	vmul.f32 v6, v3  }
0x247: {  	v8 =	vld [tilespmem:s29+$0x50];
	v4 =	vmul.f32 v4, v3  }
0x248: {  	v9 =	vld [tilespmem:s29+$0x70];
	v1 =	vmul.f32 v1, v3;
	[tilespmem:s29+$0x60] =	vst v6  }
0x249: {  	v54 =	vmul.f32 v7, v3;
	[tilespmem:s29+$0x40] =	vst v4  }
0x24a: {  	s0 =	sadd.s32 $0x3, s11;
	[tilespmem:s29+$0x20] =	vst v1;
	v1 =	vmul.f32 v2, v3  }
0x24b: {  	v56 =	vmov s0;
	v5 =	vmul.f32 v5, v3;
	[tilespmem:s29+$0x0] =	vst v54  }
0x24c: {  	v55 =	vmul.f32 v8, v3;
	[tilespmem:s29+$0x30] =	vst v1  }
0x24d: {  	v3 =	vmul.f32 v9, v3;
	[tilespmem:s29+$0x10] =	vst v5  }
0x24e: {  	[tilespmem:s29+$0x50] =	vst v55  }
0x24f: {  	v2 =	vld [tilespmem:s29+$0x80];
	[tilespmem:s29+$0x70] =	vst v3  }
0x250: {  	v1 =	vld.idx.msk [tilespmem:v56+s30+$0x0], $0xffff  }
0x251: {  	v3 =	vld [tilespmem:s29+$0xA0]  }
0x252: {  	v59 =	vld [tilespmem:s29+$0xE0]  }
0x253: {  	v57 =	vld [tilespmem:s29+$0xC0]  }
0x254: {  	v58 =	vld [tilespmem:s29+$0xF0]  }
0x255: {  	v60 =	vld [tilespmem:s29+$0x90];
	v2 =	vmul.f32 v2, v1  }
0x256: {  	v61 =	vld [tilespmem:s29+$0xB0];
	v3 =	vmul.f32 v3, v1  }
0x257: {  	v62 =	vld [tilespmem:s29+$0xD0];
	v63 =	vmul.f32 v59, v1;
	[tilespmem:s29+$0x80] =	vst v2  }
0x258: {  	v2 =	vmul.f32 v57, v1;
	[tilespmem:s29+$0xA0] =	vst v3  }
0x259: {  	s3 =	sadd.s32 $0x1, s3;
	v3 =	vmul.f32 v58, v1;
	[tilespmem:s29+$0xE0] =	vst v63  }
0x25a: {  	p2 =	sne.s32 s3, $0x1A;
	[tilespmem:s29+$0xC0] =	vst v2;
	v2 =	vmul.f32 v60, v1  }
.Ltmp6:
0x25b: {  	[tilespmem:s29+$0xF0] =	vst v3;
	v3 =	vmul.f32 v61, v1;
	(pc) =	sbr.rel @p2 .LBB2_4-.Ltmp6, $4  }
0x25c: {  	v1 =	vmul.f32 v62, v1;
	[tilespmem:s29+$0x90] =	vst v2  }
0x25d: {  	[tilespmem:s29+$0xB0] =	vst v3  }
0x25e: {  	[tilespmem:s29+$0xD0] =	vst v1;
	s29 =	simm.s32 $0x580  }
0x25f: {  	[spmem:s2] =	stream.indirect.scatter.add.f32 [tilespmem:s20], [sflag:$0x9], $0x80, s29, s23, $0xb8;
	[tilespmem:$0x1FE80] =	vst v63  }
0x260: {  	_ =	swait.ge [sflag:s24], $0x80  }
0x261: {  	[sflag:s24] =	ssyncset.done $0x0  }
0x262: {  	[sflag:s24] =	ssyncadd.s32 $0xFFFFFF80  }
0x263: {  	_ =	swait.ge [sflag:s24], $0x80  }
0x264: {  	[sflag:s24] =	ssyncset.done $0x0  }
0x265: {  	[sflag:s24] =	ssyncadd.s32 $0xFFFFFF80  }
0x266: {  	_ =	swait.ge [sflag:s24], $0x80  }
0x267: {  	[sflag:s24] =	ssyncset.done $0x0  }
0x268: {  	[sflag:s24] =	ssyncadd.s32 $0xFFFFFF80  }
0x269: {  	_ =	swait.ge [sflag:s31], $0x4000  }
0x26a: {  	[sflag:s31] =	ssyncset.done $0x0  }
0x26b: {  	s0 =	simm.s32 $0x8;
	[sflag:s31] =	ssyncadd.s32 $0xFFFFC000  }
0x26c: {  	_ =	swait.ge [sflag:s0], $0x4000  }
0x26d: {  	[sflag:s0] =	ssyncset.done $0x0  }
0x26e: {  	s26 =	simm.s32 $0x9;
	[sflag:s0] =	ssyncadd.s32 $0xFFFFC000  }
.Ltmp7:
0x26f: {  	_ =	swait.ge [sflag:s26], $0x4000;
	(pc) =	sbr.rel @p1 .LBB2_15-.Ltmp7, $4  }
0x270: {  	s18 =	rddreg [dreg:$0x4]  }
0x271: {  	s25 =	rddreg [dreg:$0x6]  }
0x272: {  	[sflag:s26] =	ssyncset.done $0x0;
	s29 =	rddreg [dreg:$0x8]  }
0x273: {  	[sflag:s26] =	ssyncadd.s32 $0xFFFFC000;
	s26 =	rddreg [dreg:$0x7]  }
0x274: {  	s3 =	simm.s32 $0x0;
	s0 =	rddreg [dreg:$0x10];
	s9 =	simm.s32 $0xA  }
0x275: {  	[tilespmem:s3], [sflag:$0xA] =	stream.linear.gather [hbm4b:s0+s3], $0x80, $0x38;
	[tilespmem:$0x1FE80] =	vst v63  }
0x276: {  	_ =	swait.ge [sflag:s9], $0x80  }
0x277: {  	[sflag:s9] =	ssyncset.done $0x0  }
0x278: {  	s22 =	rddreg [dreg:$0x11];
	[sflag:s9] =	ssyncadd.s32 $0xFFFFFF80  }
0x279: {  	[tilespmem:s23], [sflag:$0xA] =	stream.linear.gather [hbm4b:s22+s3], $0x80, $0x38;
	[tilespmem:$0x1FE80] =	vst v63  }
0x27a: {  	_ =	swait.ge [sflag:s9], $0x80  }
0x27b: {  	[sflag:s9] =	ssyncset.done $0x0  }
0x27c: {  	s11 =	rddreg [dreg:$0x12];
	[sflag:s9] =	ssyncadd.s32 $0xFFFFFF80  }
0x27d: {  	[tilespmem:s4], [sflag:$0xA] =	stream.linear.gather [hbm4b:s11+s3], $0x80, $0x38;
	[tilespmem:$0x1FE80] =	vst v63  }
0x27e: {  	_ =	swait.ge [sflag:s9], $0x80  }
0x27f: {  	[sflag:s9] =	ssyncset.done $0x0  }
0x280: {  	[sflag:s9] =	ssyncadd.s32 $0xFFFFFF80  }
0x281: {  	[tilespmem:s21], [sflag:$0xA] =	stream.indirect.gather [hbm4b:s1+s23], $0x80, s3, s23, $0xb8;
	[tilespmem:$0x1FE80] =	vst v63  }
0x282: {  	_ =	swait.ge [sflag:s9], $0x4000  }
0x283: {  	[sflag:s9] =	ssyncset.done $0x0  }
0x284: {  	[sflag:s9] =	ssyncadd.s32 $0xFFFFC000  }
0x285: {  	v1 =	vld [tilespmem:$0x80]  }
0x286: {  	v2 =	vld [tilespmem:$0x90]  }
0x287: {  	v3 =	vld [tilespmem:$0xA0]  }
0x288: {  	v4 =	vld [tilespmem:$0xB0]  }
0x289: {  	v5 =	vld [tilespmem:$0xC0]  }
0x28a: {  	[tilespmem:$0x480] =	vst v1;
	v1 =	vld [tilespmem:$0xD0]  }
0x28b: {  	v6 =	vmov s3;
	[tilespmem:$0x490] =	vst v2;
	v2 =	vld [tilespmem:$0xE0]  }
0x28c: {  	v6 =	vand.u32 $0xFFFFFFFC, v6;
	[tilespmem:$0x4A0] =	vst v3;
	v3 =	vld [tilespmem:$0xF0]  }
0x28d: {  	[tilespmem:$0x4B0] =	vst v4;
	v4 =	vbroadcast v6, $0x0  }
0x28e: {  	[tilespmem:$0x4C0] =	vst v5  }
0x28f: {  	[tilespmem:$0x4D0] =	vst v1  }
0x290: {  	[tilespmem:$0x4E0] =	vst v2  }
0x291: {  	s9 =	simm.s32 $0x700;
	[tilespmem:$0x4F0] =	vst v3  }
0x292: {  	v1 =	vld [tilespmem:s9+$0xFFFFFF70]  }
0x293: {  	v2 =	vld.idx.msk [tilespmem:v4+s4+$0x0], $0xffff  }
0x294: {  	v3 =	vld [tilespmem:s9+$0xFFFFFF00]  }
0x295: {  	v4 =	vld [tilespmem:s9+$0xFFFFFF20]  }
0x296: {  	v5 =	vld [tilespmem:s9+$0xFFFFFF50]  }
0x297: {  	v6 =	vld [tilespmem:s9+$0xFFFFFF40]  }
0x298: {  	v7 =	vld [tilespmem:s9+$0xFFFFFF60];
	v1 =	vmul.f32 v1, v2  }
0x299: {  	s18 =	simm.s32 $0x1;
	v8 =	vld [tilespmem:s9+$0xFFFFFF30];
	v3 =	vmul.f32 v3, v2  }
0x29a: {  	v9 =	vld [tilespmem:s9+$0xFFFFFF10];
	v4 =	vmul.f32 v4, v2;
	[tilespmem:s9+$0xFFFFFF70] =	vst v1;
	v1 =	vmov s18  }
0x29b: {  	v5 =	vmul.f32 v5, v2;
	[tilespmem:s9+$0xFFFFFF00] =	vst v3;
	v1 =	vand.u32 $0xFFFFFFFD, v1  }
0x29c: {  	v3 =	vmul.f32 v6, v2;
	[tilespmem:s9+$0xFFFFFF20] =	vst v4;
	v1 =	vbroadcast v1, $0x0  }
0x29d: {  	v4 =	vmul.f32 v7, v2;
	[tilespmem:s9+$0xFFFFFF50] =	vst v5  }
0x29e: {  	v5 =	vmul.f32 v8, v2;
	[tilespmem:s9+$0xFFFFFF40] =	vst v3  }
0x29f: {  	v2 =	vmul.f32 v9, v2;
	[tilespmem:s9+$0xFFFFFF60] =	vst v4  }
0x2a0: {  	v6 =	vld [tilespmem:s9+$0xFFFFFFC0];
	[tilespmem:s9+$0xFFFFFF30] =	vst v5  }
0x2a1: {  	[tilespmem:s9+$0xFFFFFF10] =	vst v2;
	v2 =	vld [tilespmem:s9+$0xFFFFFF90]  }
0x2a2: {  	v3 =	vld.idx.msk [tilespmem:v1+s4+$0x0], $0xffff  }
0x2a3: {  	v1 =	vld [tilespmem:s9+$0xFFFFFFA0]  }
0x2a4: {  	v4 =	vld [tilespmem:s9+$0xFFFFFF80]  }
0x2a5: {  	v5 =	vld [tilespmem:s9+$0xFFFFFFB0]  }
0x2a6: {  	v7 =	vld [tilespmem:s9+$0xFFFFFFD0]  }
0x2a7: {  	v8 =	vld [tilespmem:s9+$0xFFFFFFF0];
	v2 =	vmul.f32 v2, v3  }
0x2a8: {  	s22 =	simm.s32 $0x2;
	v1 =	vmul.f32 v1, v3  }
0x2a9: {  	v63 =	vld [tilespmem:s9+$0xFFFFFFE0];
	v4 =	vmul.f32 v4, v3;
	[tilespmem:s9+$0xFFFFFF90] =	vst v2;
	v2 =	vmov s22  }
0x2aa: {  	v5 =	vmul.f32 v5, v3;
	[tilespmem:s9+$0xFFFFFFA0] =	vst v1;
	v1 =	vand.u32 $0xFFFFFFFE, v2  }
0x2ab: {  	[tilespmem:s9+$0xFFFFFF80] =	vst v4;
	v4 =	vmul.f32 v7, v3;
	v7 =	vld [tilespmem:s9+$0x0];
	v10 =	vbroadcast v1, $0x0  }
0x2ac: {  	[tilespmem:s9+$0xFFFFFFB0] =	vst v5;
	v5 =	vmul.f32 v8, v3;
	v2 =	vmul.f32 v6, v3;
	v6 =	vld [tilespmem:s9+$0x60]  }
0x2ad: {  	v1 =	vld [tilespmem:s9+$0x20];
	[tilespmem:s9+$0xFFFFFFD0] =	vst v4  }
0x2ae: {  	v3 =	vmul.f32 v63, v3;
	[tilespmem:s9+$0xFFFFFFF0] =	vst v5;
	v4 =	vld [tilespmem:s9+$0x40]  }
0x2af: {  	v5 =	vld [tilespmem:s9+$0x10];
	[tilespmem:s9+$0xFFFFFFC0] =	vst v2  }
0x2b0: {  	v2 =	vld [tilespmem:s9+$0x30];
	[tilespmem:s9+$0xFFFFFFE0] =	vst v3  }
0x2b1: {  	s0 =	simm.s32 $0x4;
	s11 =	simm.s32 $0x700;
	v3 =	vld.idx.msk [tilespmem:v10+s4+$0x0], $0xffff  }
.LBB2_13:
0x2b2: {  	p2 =	slt.u32 s0, $0x7C  }
0x2b3: {  	v8 =	vld [tilespmem:s9+$0x50];
	s11 =	sadd.s32 $0x200, s11;
	s18 =	smov.u32 s0;
	s0 =	sadd.s32 $0x4, s0  }
0x2b4: {  	v9 =	vld [tilespmem:s9+$0x70];
	_ =	sdelay $0x1  }
0x2b5: {  	v6 =	vmul.f32 v6, v3;
	v7 =	vmul.f32 v7, v3  }
0x2b6: {  	v4 =	vmul.f32 v4, v3;
	v5 =	vmul.f32 v5, v3  }
0x2b7: {  	v1 =	vmul.f32 v1, v3;
	v2 =	vmul.f32 v2, v3;
	[tilespmem:s9+$0x60] =	vst v6  }
0x2b8: {  	[tilespmem:s9+$0x40] =	vst v4;
	v4 =	vmul.f32 v8, v3;
	v3 =	vmul.f32 v9, v3  }
0x2b9: {  	s22 =	sadd.s32 $0x3, s3;
	s3 =	smov.u32 s18;
	[tilespmem:s9+$0x20] =	vst v1;
	v6 =	vld [tilespmem:s9+$0x80]  }
0x2ba: {  	v1 =	vld [tilespmem:s11+$0x20];
	[tilespmem:s9+$0x0] =	vst v7;
	v7 =	vmov s22  }
0x2bb: {  	[tilespmem:s9+$0x50] =	vst v4;
	v4 =	vld [tilespmem:s9+$0xE0]  }
0x2bc: {  	[tilespmem:s9+$0x30] =	vst v2;
	v8 =	vld [tilespmem:s9+$0xC0]  }
0x2bd: {  	v2 =	vld [tilespmem:s11+$0x30];
	[tilespmem:s9+$0x10] =	vst v5  }
0x2be: {  	[tilespmem:s9+$0x70] =	vst v3;
	v3 =	vld [tilespmem:s9+$0xA0]  }
0x2bf: {  	v5 =	vld.idx.msk [tilespmem:v7+s4+$0x0], $0xffff  }
0x2c0: {  	v7 =	vld [tilespmem:s9+$0x90]  }
0x2c1: {  	v9 =	vld [tilespmem:s9+$0xB0]  }
0x2c2: {  	v10 =	vld [tilespmem:s9+$0xD0]  }
0x2c3: {  	v11 =	vld [tilespmem:s9+$0xF0];
	_ =	sdelay $0x1  }
0x2c4: {  	v6 =	vmul.f32 v6, v5;
	v7 =	vmul.f32 v7, v5  }
0x2c5: {  	v3 =	vmul.f32 v3, v5;
	v9 =	vmul.f32 v9, v5  }
0x2c6: {  	v12 =	vmov s3;
	[tilespmem:s9+$0x80] =	vst v6;
	v6 =	vmul.f32 v8, v5;
	v8 =	vmul.f32 v10, v5  }
0x2c7: {  	v10 =	vand.u32 $0xFFFFFFFC, v12;
	[tilespmem:s9+$0xA0] =	vst v3;
	v3 =	vmul.f32 v4, v5;
	v4 =	vmul.f32 v11, v5  }
0x2c8: {  	v5 =	vbroadcast v10, $0x0;
	[tilespmem:s9+$0xC0] =	vst v6  }
0x2c9: {  	[tilespmem:s9+$0xF0] =	vst v4  }
0x2ca: {  	v4 =	vld [tilespmem:s11+$0xFFFFFF40];
	[tilespmem:s9+$0xE0] =	vst v3  }
0x2cb: {  	v3 =	vld [tilespmem:s11+$0xFFFFFF50];
	[tilespmem:s9+$0x90] =	vst v7  }
0x2cc: {  	v6 =	vld [tilespmem:s11+$0xFFFFFF60];
	[tilespmem:s9+$0xB0] =	vst v9  }
0x2cd: {  	v7 =	vld [tilespmem:s11+$0xFFFFFF70];
	[tilespmem:s9+$0xD0] =	vst v8;
	s9 =	smov.u32 s11  }
0x2ce: {  	v5 =	vld.idx.msk [tilespmem:v5+s4+$0x0], $0xffff  }
0x2cf: {  	v8 =	vld [tilespmem:s11+$0xFFFFFF00]  }
0x2d0: {  	v9 =	vld [tilespmem:s11+$0xFFFFFF20]  }
0x2d1: {  	v10 =	vld [tilespmem:s11+$0xFFFFFF10]  }
0x2d2: {  	v11 =	vld [tilespmem:s11+$0xFFFFFF30];
	_ =	sdelay $0x1  }
0x2d3: {  	v7 =	vmul.f32 v7, v5;
	v8 =	vmul.f32 v8, v5  }
0x2d4: {  	s18 =	sadd.s32 $0x1, s3;
	v6 =	vmul.f32 v6, v5;
	v9 =	vmul.f32 v9, v5  }
0x2d5: {  	v3 =	vmul.f32 v3, v5;
	v10 =	vmul.f32 v10, v5;
	[tilespmem:s11+$0xFFFFFF70] =	vst v7;
	v7 =	vmov s18  }
0x2d6: {  	v4 =	vmul.f32 v4, v5;
	[tilespmem:s11+$0xFFFFFF00] =	vst v8;
	v8 =	vmul.f32 v11, v5;
	v5 =	vand.u32 $0xFFFFFFFD, v7  }
0x2d7: {  	[tilespmem:s11+$0xFFFFFF20] =	vst v9;
	v5 =	vbroadcast v5, $0x0  }
0x2d8: {  	[tilespmem:s11+$0xFFFFFF50] =	vst v3  }
0x2d9: {  	[tilespmem:s11+$0xFFFFFF40] =	vst v4;
	v3 =	vld [tilespmem:s11+$0xFFFFFFF0]  }
0x2da: {  	[tilespmem:s11+$0xFFFFFF60] =	vst v6;
	v4 =	vld [tilespmem:s11+$0xFFFFFFC0]  }
0x2db: {  	[tilespmem:s11+$0xFFFFFF30] =	vst v8;
	v6 =	vld [tilespmem:s11+$0xFFFFFFD0]  }
0x2dc: {  	[tilespmem:s11+$0xFFFFFF10] =	vst v10;
	v7 =	vld [tilespmem:s11+$0xFFFFFF90]  }
0x2dd: {  	v5 =	vld.idx.msk [tilespmem:v5+s4+$0x0], $0xffff  }
0x2de: {  	v8 =	vld [tilespmem:s11+$0xFFFFFF80]  }
0x2df: {  	v9 =	vld [tilespmem:s11+$0xFFFFFFA0]  }
0x2e0: {  	v10 =	vld [tilespmem:s11+$0xFFFFFFB0]  }
0x2e1: {  	v11 =	vld [tilespmem:s11+$0xFFFFFFE0];
	_ =	sdelay $0x1  }
0x2e2: {  	v7 =	vmul.f32 v7, v5;
	v8 =	vmul.f32 v8, v5  }
0x2e3: {  	s18 =	sadd.s32 $0x2, s3;
	v6 =	vmul.f32 v6, v5;
	v9 =	vmul.f32 v9, v5  }
0x2e4: {  	v4 =	vmul.f32 v4, v5;
	[tilespmem:s11+$0xFFFFFF90] =	vst v7;
	v7 =	vmul.f32 v10, v5;
	v10 =	vmov s18  }
0x2e5: {  	v3 =	vmul.f32 v3, v5;
	[tilespmem:s11+$0xFFFFFFA0] =	vst v9;
	v9 =	vmul.f32 v11, v5;
	v5 =	vand.u32 $0xFFFFFFFE, v10  }
0x2e6: {  	[tilespmem:s11+$0xFFFFFF80] =	vst v8;
	v5 =	vbroadcast v5, $0x0  }
0x2e7: {  	[tilespmem:s11+$0xFFFFFFB0] =	vst v7  }
0x2e8: {  	[tilespmem:s11+$0xFFFFFFC0] =	vst v4  }
0x2e9: {  	[tilespmem:s11+$0xFFFFFFD0] =	vst v6  }
.Ltmp8:
0x2ea: {  	[tilespmem:s11+$0xFFFFFFF0] =	vst v3;
	v4 =	vld [tilespmem:s11+$0x40];
	(pc) =	sbr.rel @p2 .LBB2_13-.Ltmp8, $4  }
0x2eb: {  	[tilespmem:s11+$0xFFFFFFE0] =	vst v9;
	v6 =	vld [tilespmem:s11+$0x60]  }
0x2ec: {  	v3 =	vld.idx.msk [tilespmem:v5+s4+$0x0], $0xffff  }
0x2ed: {  	v7 =	vld [tilespmem:s11+$0x0]  }
0x2ee: {  	v5 =	vld [tilespmem:s11+$0x10]  }
0x2ef: {  	_ =	sdelay $0x1  }
0x2f0: {  	v6 =	vmul.f32 v6, v3  }
0x2f1: {  	v8 =	vld [tilespmem:s9+$0x50];
	v4 =	vmul.f32 v4, v3  }
0x2f2: {  	v9 =	vld [tilespmem:s9+$0x70];
	v1 =	vmul.f32 v1, v3;
	[tilespmem:s9+$0x60] =	vst v6  }
0x2f3: {  	v54 =	vmul.f32 v7, v3;
	[tilespmem:s9+$0x40] =	vst v4  }
0x2f4: {  	s0 =	sadd.s32 $0x3, s3;
	[tilespmem:s9+$0x20] =	vst v1;
	v1 =	vmul.f32 v2, v3  }
0x2f5: {  	v56 =	vmov s0;
	v5 =	vmul.f32 v5, v3;
	[tilespmem:s9+$0x0] =	vst v54  }
0x2f6: {  	v55 =	vmul.f32 v8, v3;
	[tilespmem:s9+$0x30] =	vst v1  }
0x2f7: {  	v3 =	vmul.f32 v9, v3;
	[tilespmem:s9+$0x10] =	vst v5  }
0x2f8: {  	[tilespmem:s9+$0x50] =	vst v55  }
0x2f9: {  	v2 =	vld [tilespmem:s9+$0x80];
	[tilespmem:s9+$0x70] =	vst v3  }
0x2fa: {  	v1 =	vld.idx.msk [tilespmem:v56+s4+$0x0], $0xffff  }
0x2fb: {  	v3 =	vld [tilespmem:s9+$0xA0]  }
0x2fc: {  	v59 =	vld [tilespmem:s9+$0xE0]  }
0x2fd: {  	v57 =	vld [tilespmem:s9+$0xC0]  }
0x2fe: {  	v58 =	vld [tilespmem:s9+$0xF0]  }
0x2ff: {  	v60 =	vld [tilespmem:s9+$0x90];
	v2 =	vmul.f32 v2, v1  }
0x300: {  	v61 =	vld [tilespmem:s9+$0xB0];
	v3 =	vmul.f32 v3, v1  }
0x301: {  	v62 =	vld [tilespmem:s9+$0xD0];
	v63 =	vmul.f32 v59, v1;
	[tilespmem:s9+$0x80] =	vst v2  }
0x302: {  	v2 =	vmul.f32 v57, v1;
	[tilespmem:s9+$0xA0] =	vst v3  }
0x303: {  	v3 =	vmul.f32 v58, v1;
	[tilespmem:s9+$0xE0] =	vst v63  }
0x304: {  	[tilespmem:s9+$0xC0] =	vst v2;
	v2 =	vmul.f32 v60, v1  }
0x305: {  	[tilespmem:s9+$0xF0] =	vst v3;
	v3 =	vmul.f32 v61, v1  }
0x306: {  	v1 =	vmul.f32 v62, v1;
	[tilespmem:s9+$0x90] =	vst v2  }
0x307: {  	[tilespmem:s9+$0xB0] =	vst v3  }
.Ltmp9:
0x308: {  	s18 =	simm.s32 $0x480;
	s22 =	simm.s32 $0xA;
	[tilespmem:s9+$0xD0] =	vst v1;
	(pc) =	sbr.rel .LBB2_15-.Ltmp9, $4  }
0x309: {  	[spmem:s2] =	stream.indirect.scatter.add.f32 [tilespmem:s21], [sflag:$0xA], $0x80, s18, s23, $0xb8;
	[tilespmem:$0x1FE80] =	vst v63  }
0x30a: {  	_ =	swait.ge [sflag:s22], $0x4000  }
0x30b: {  	[sflag:s22] =	ssyncset.done $0x0  }
0x30c: {  	s18 =	rddreg [dreg:$0x4];
	[sflag:s22] =	ssyncadd.s32 $0xFFFFC000  }
.LBB2_16:
0x30d: {  	_ =	sfence.sel $0x180000  }
0x30e: {  	[bflag:$0x0] =	sbarrier.arrive $0xFFFF  }
0x30f: {  	_ =	strace $0x9000004A  }
0x310: {  	s0 =	stileid.u32;
	[bflag:$0x2] =	sbarrier.arrive $0xFFFF  }
0x311: {  	p0 =	sne.s32 s0, $0x0;
	s0 =	rddreg [dreg:$0x3]  }
0x312: {  	s0 =	sadd.s32 @!p0 $0x100000, s0  }
0x313: {  	[sflag:s0] =	ssyncadd.tile.s32 @!p0 $0x1;
	_ =	shalt  }
.Lfunc_end2:
_tile_overlayer_lowered:
.L_overlay_start_2:
0x314: {  	(tag) =	ssettag $0x2  }
0x315: {  	s0 =	rddreg [dreg:$0x0];
	s2 =	stileid.u32  }
0x316: {  	s1 =	rddreg [dreg:$0x1];
	p0 =	sne.s32 s2, $0x0  }
0x317: {  	s3 =	rddreg [dreg:$0x2];
	[bflag:$0x3] =	sbarrier.arrive $0xFFFF;
	s2 =	simm.s32 @!p0 $0x1C0A  }
0x318: {  	[timem:s3], [sflag:s2] =	dma.local @!p0 [hbm:s0], s1  }
0x319: {  	s0 =	simm.s32 @!p0 $0xA  }
0x31a: {  	_ =	swait.ge @!p0 [sflag:s0], s1  }
0x31b: {  	s1 =	ssub.s32 @!p0 $0x0, s1;
	[sflag:s0] =	ssyncset.done @!p0 $0x0  }
0x31c: {  	[sflag:s0] =	ssyncadd.s32 @!p0 s1  }
0x31d: {  	[bflag:$0x3] =	sbarrier.arrive $0xFFFF  }
0x31e: {  	_ =	shalt  }

// kernel: kernel.7.cloned.1.call-start
scs
__scs_entry_jumppad:
0x0: {  	(pc) =	sbr.rel $0x88, $3  }
0x1: {  	(tag) =	ssettag $0x0;
	lr =	simm.s32 $0x1  }
0x2: {  	[smem:$0x3F9B] =	sst lr;
	_ =	strace $0xD0000000  }
0x3: {  	_ = 	snop  }
0x4: {  	_ = 	snop  }
0x5: {  	_ = 	snop  }
0x6: {  	_ = 	snop  }
0x7: {  	_ = 	snop  }
__scs_overlays_trampoline_lowered:
0x8: {  	[smem:$0x3FAA] =	sst s0  }
0x9: {  	[smem:$0x3FAB] =	sst s1  }
0xa: {  	[smem:$0x3FAC] =	sst s2  }
0xb: {  	[smem:$0x3FAD] =	sst s3  }
0xc: {  	[smem:$0x3FAE] =	sst s4  }
0xd: {  	[smem:$0x3FAF] =	sst s5  }
0xe: {  	[smem:$0x3FB0] =	sst s6  }
0xf: {  	[smem:$0x3FB1] =	sst s7  }
0x10: {  	[smem:$0x3FB2] =	sst s8  }
0x11: {  	[smem:$0x3FB3] =	sst s9;
	s0 =	simm.s32 @!p0 $0x0  }
0x12: {  	s1 =	sld [smem:$0x3F99];
	s0 =	simm.s32 @p0 $0x1  }
0x13: {  	[smem:$0x3FB4] =	sst s0;
	s0 =	simm.s32 @!p1 $0x0  }
0x14: {  	s2 =	sld [smem:$0x3F98];
	s0 =	simm.s32 @p1 $0x1  }
0x15: {  	[smem:$0x3FB5] =	sst s0;
	s0 =	simm.s32 @!p2 $0x0  }
0x16: {  	s3 =	sld [smem:$0x3FDB];
	s0 =	simm.s32 @p2 $0x1  }
0x17: {  	s4 =	simm.s32 $0x1BF5;
	[smem:$0x3FB7] =	sst s0  }
0x18: {  	s0 =	sld [smem:$0x3F9A];
	_ =	swait.ge [sflag:s4], $0x0  }
0x19: {  	s7 =	sld [smem:$0x3F9B]  }
0x1a: {  	s8 =	sadd.s32 $0xFFFFE003, lr  }
0x1b: {  	s9 =	sadd.s32 $0xFFFFFEF7, lr;
	s5 =	simm.s32 $0xFFFFFFFF;
	p2 =	slt.u32 s8, $0xFFFFF086  }
0x1c: {  	p1 =	slt.u32 s9, $0xF7A;
	s5 =	simm.s32 @!p2 $0x0  }
0x1d: {  	s5 =	simm.s32 @p1 $0x1;
	p0 =	seq.s32 s7, s2  }
0x1e: {  	s7 =	smul.u32 @!p0 $0xF7A, s2;
	p2 =	seq.s32 @!p0 s5, $0x0  }
0x1f: {  	s9 =	smul.u32 $0xF7A, s1;
	s8 =	simm.s32 @!p0 $0x1BF5;
	p2 =	por !p2, p0  }
0x20: {  	[sflag:s8] =	ssyncset.s32 @!p0 $0xFFFFF086;
	s6 =	sadd.s32 @!p0 s3, s7;
	s7 =	simm.s32 @!p0 $0x108  }
0x21: {  	s3 =	sadd.s32 s3, s9;
	s6 =	sadd.s32 @!p0 $0x88, s6;
	s7 =	simm.s32 @p2 $0x1082  }
0x22: {  	[simem:s7], [sflag:s8] =	dma.local @!p0 [hbm:s6], $0xF7A  }
0x23: {  	s9 =	sor.u32 $0xD0000000, s2;
	s6 =	simm.s32 $0x108;
	_ =	swait.ge @!p0 [sflag:s8], $0x0  }
0x24: {  	s3 =	sadd.s32 $0x88, s3;
	s6 =	simm.s32 @!p1 $0x1082;
	[sflag:s4] =	ssyncset.s32 $0xFFFFF086  }
0x25: {  	[simem:s6], [sflag:s4] =	dma.local [hbm:s3], $0xF7A  }
0x26: {  	[smem:$0x3F9B] =	sst s1;
	(tag) =	ssettag s2;
	_ =	strace s9  }
0x27: {  	s1 =	sld [smem:$0x3FAB]  }
0x28: {  	s2 =	sld [smem:$0x3FAC]  }
0x29: {  	s4 =	sld [smem:$0x3FAE]  }
0x2a: {  	p0 =	seq.s32 s5, $0x0;
	s5 =	sld [smem:$0x3FAF]  }
0x2b: {  	s6 =	sld [smem:$0x3FB0]  }
0x2c: {  	s7 =	sld [smem:$0x3FB1]  }
0x2d: {  	s3 =	simm.s32 $0x108;
	s8 =	sld [smem:$0x3FB2]  }
0x2e: {  	s3 =	simm.s32 @!p0 $0x1082;
	s9 =	sld [smem:$0x3FB3]  }
0x2f: {  	lr =	sadd.s32 s0, s3;
	s0 =	sld [smem:$0x3FAA]  }
0x30: {  	s3 =	sld [smem:$0x3FAD]  }
0x31: {  	[smem:$0x3FB6] =	sst s10  }
0x32: {  	s10 =	sld [smem:$0x3FB4];
	_ =	sdelay $0x3  }
0x33: {  	p0 =	seq.s32 s10, $0x1;
	s10 =	sld [smem:$0x3FB6];
	_ =	sdelay $0x3  }
0x34: {  	[smem:$0x3FB6] =	sst s10  }
0x35: {  	s10 =	sld [smem:$0x3FB5];
	_ =	sdelay $0x3  }
0x36: {  	p1 =	seq.s32 s10, $0x1;
	s10 =	sld [smem:$0x3FB6];
	_ =	sdelay $0x3  }
0x37: {  	[smem:$0x3FB6] =	sst s10  }
0x38: {  	s10 =	sld [smem:$0x3FB7]  }
0x39: {  	_ = 	snop;
	(pc) =	sbr.ind lr, $3  }
0x3a: {  	_ = 	snop  }
0x3b: {  	_ = 	snop  }
0x3c: {  	p2 =	seq.s32 s10, $0x1;
	s10 =	sld [smem:$0x3FB6]  }
0x3d: {  	_ =	shalt  }
0x3e: {  	_ =	shalt  }
0x3f: {  	_ =	shalt  }
0x40: {  	_ =	shalt  }
0x41: {  	_ =	shalt  }
0x42: {  	_ =	shalt  }
0x43: {  	_ =	shalt  }
0x44: {  	_ =	shalt  }
0x45: {  	_ =	shalt  }
0x46: {  	_ =	shalt  }
0x47: {  	_ =	shalt  }
0x48: {  	_ =	shalt  }
0x49: {  	_ =	shalt  }
0x4a: {  	_ =	shalt  }
0x4b: {  	_ =	shalt  }
0x4c: {  	_ =	shalt  }
0x4d: {  	_ =	shalt  }
0x4e: {  	_ =	shalt  }
0x4f: {  	_ =	shalt  }
0x50: {  	_ =	shalt  }
0x51: {  	_ =	shalt  }
0x52: {  	_ =	shalt  }
0x53: {  	_ =	shalt  }
0x54: {  	_ =	shalt  }
0x55: {  	_ =	shalt  }
0x56: {  	_ =	shalt  }
0x57: {  	_ =	shalt  }
0x58: {  	_ =	shalt  }
0x59: {  	_ =	shalt  }
0x5a: {  	_ =	shalt  }
0x5b: {  	_ =	shalt  }
0x5c: {  	_ =	shalt  }
0x5d: {  	_ =	shalt  }
0x5e: {  	_ =	shalt  }
0x5f: {  	_ =	shalt  }
0x60: {  	_ =	shalt  }
0x61: {  	_ =	shalt  }
0x62: {  	_ =	shalt  }
0x63: {  	_ =	shalt  }
0x64: {  	_ =	shalt  }
0x65: {  	_ =	shalt  }
0x66: {  	_ =	shalt  }
0x67: {  	_ =	shalt  }
0x68: {  	_ =	shalt  }
0x69: {  	_ =	shalt  }
0x6a: {  	_ =	shalt  }
0x6b: {  	_ =	shalt  }
0x6c: {  	_ =	shalt  }
0x6d: {  	_ =	shalt  }
0x6e: {  	_ =	shalt  }
0x6f: {  	_ =	shalt  }
0x70: {  	_ =	shalt  }
0x71: {  	_ =	shalt  }
0x72: {  	_ =	shalt  }
0x73: {  	_ =	shalt  }
0x74: {  	_ =	shalt  }
0x75: {  	_ =	shalt  }
0x76: {  	_ =	shalt  }
0x77: {  	_ =	shalt  }
0x78: {  	_ =	shalt  }
0x79: {  	_ =	shalt  }
0x7a: {  	_ =	shalt  }
0x7b: {  	_ =	shalt  }
0x7c: {  	_ =	shalt  }
0x7d: {  	_ =	shalt  }
0x7e: {  	_ =	shalt  }
0x7f: {  	_ =	shalt  }
0x80: {  	_ =	shalt  }
0x81: {  	_ =	shalt  }
0x82: {  	_ =	shalt  }
0x83: {  	_ =	shalt  }
0x84: {  	_ =	shalt  }
0x85: {  	_ =	shalt  }
0x86: {  	_ =	shalt  }
0x87: {  	_ =	shalt  }
.Lfunc_end0:
.L_simem_size_0:
called_computation_lowered:
.L_overlay_start_0:
0x88: {  	s2 =	sld [smem:$0x3FD9]  }
0x89: {  	s3 =	sld [smem:$0x3FFE];
	_ =	sdelay $0x1  }
0x8a: {  	s1 =	srdreg.scid  }
0x8b: {  	s0 =	sand.u32 $0x1, s1  }
0x8c: {  	s16 =	sshll.u32 s0, $0xA;
	s2 =	sadd.s32 s3, s2  }
0x8d: {  	s2 =	sadd.s32 s2, s16  }
0x8e: {  	[smem:$0x3FC2] =	sst s2  }
0x8f: {  	_ = 	snop  }
0x90: {  	(tm) =	ssettm $0x1  }
0x91: {  	s17 =	sld [smem:$0x3FFB];
	_ =	sdelay $0x3  }
0x92: {  	_ =	strace s17  }
0x93: {  	s2 =	sld [smem:$0x3FFC];
	_ =	sdelay $0x3  }
0x94: {  	_ =	strace s2  }
0x95: {  	s2 =	sld [smem:$0x3FFD];
	_ =	sdelay $0x3  }
0x96: {  	_ =	strace s2  }
0x97: {  	_ =	strace $0x8FFFFFFF  }
0x98: {  	s18 =	sld [smem:$0x3FDB];
	_ =	sdelay $0x1  }
0x99: {  	s19 =	simm.s32 $_scs_section_size  }
0x9a: {  	s4 =	simm.s32 $_size__tile_overlayer_lowered;
	s5 =	simm.s32 $_tile_overlayer_lowered  }
0x9b: {  	s22 =	simm.s32 $0x1BFF;
	s21 =	sshll.u32 s5, $0x1;
	s2 =	sadd.s32 s19, s18  }
0x9c: {  	s6 =	simm.s32 $0x0;
	s20 =	sshll.u32 s4, $0x1;
	s4 =	sadd.s32 s21, s2  }
0x9d: {  	[timem:s6], [sflag:s22] =	dma.local [hbm:s4], s20  }
0x9e: {  	_ =	swait.ge [sflag:s22], s20  }
0x9f: {  	s3 =	ssub.s32 $0x0, s20;
	[sflag:s22] =	ssyncset.done $0x0  }
0xa0: {  	[sflag:s22] =	ssyncadd.s32 s3;
	_ =	sdelay $0x1  }
0xa1: {  	s23 =	simm.s32 $0x1B8B  }
0xa2: {  	_ =	swait.ge [sflag:s23], $0x1  }
0xa3: {  	[sflag:s23] =	ssyncset.done $0x0  }
0xa4: {  	s25 =	simm.s32 $0x1B8E;
	s24 =	sld [smem:$0x3FFE];
	[sflag:s23] =	ssyncadd.s32 $0xFFFFFFFF  }
0xa5: {  	s26 =	simm.s32 $execute0_lowered;
	[smem:$0x3FD2] =	sst s25  }
0xa6: {  	s4 =	sshll.u32 s26, $0x1;
	_ =	strace $0x80000046;
	[dreg:$0x1] =	wrdreg $0xFFFFFFFF  }
0xa7: {  	s28 =	simm.s32 $_size_execute0_lowered;
	s2 =	sadd.s32 s2, s4;
	[dreg:$0x0] =	wrdreg $0x0  }
0xa8: {  	s4 =	sshll.u32 s28, $0x1;
	[dreg:$0x2] =	wrdreg s2  }
0xa9: {  	[dreg:$0x3] =	wrdreg s4  }
0xaa: {  	[dreg:$0x4] =	wrdreg $0xC0  }
0xab: {  	_ =	task [dreg:s6], $0x5FFFF  }
0xac: {  	[dreg:$0x1] =	wrdreg $0xFFFFFFFF  }
0xad: {  	[dreg:$0x0] =	wrdreg $0x60  }
0xae: {  	[dreg:$0x2] =	wrdreg s24  }
0xaf: {  	[dreg:$0x3] =	wrdreg $0x54800  }
0xb0: {  	[dreg:$0x4] =	wrdreg $0x9  }
0xb1: {  	_ =	task.clear_ibuf [dreg:s6], $0x5FFFF;
	_ =	strace $0x90000046  }
0xb2: {  	s29 =	simm.s32 $0x9;
	_ =	strace $0x80000048  }
0xb3: {  	_ =	swait.ge [sflag:s29], $0x1  }
0xb4: {  	[sflag:s29] =	ssyncadd.s32 $0xFFFFFFFF  }
0xb5: {  	_ =	strace $0x90000048  }
0xb6: {  	_ =	sfence  }
0xb7: {  	s30 =	sld [smem:$0x0];
	_ =	sdelay $0x2  }
0xb8: {  	s31 =	sshll.u32 s1, $0xD;
	s1 =	sshrl.u32 s1, $0x2  }
0xb9: {  	s3 =	sand.u32 $0x4000, s31;
	s1 =	sadd.s32 s1, s30  }
0xba: {  	s0 =	sor.u32 s3, s0;
	s1 =	sshll.u32 s1, $0x11  }
0xbb: {  	s0 =	sor.u32 s1, s0  }
0xbc: {  	s0 =	sadd.s32 $0x8F2B, s0  }
0xbd: {  	[sflag:s0] =	ssyncadd.remote.s32 $0x1  }
0xbe: {  	_ =	sfence.sel $0xFFFF  }
0xbf: {  	[dreg:$0x0] =	wrdreg $0xFFFFFFFF;
	(pc) =	sbr.abs _section_cstart, $3  }
0xc0: {  	[dreg:$0x1] =	wrdreg $0xFFFFFFFF  }
0xc1: {  	_ =	task.clear_ibuf [dreg:s6], $0x2FFFF;
	_ =	strace $0x9FFFFFFF  }
0xc2: {  	(tm) =	ssettm $0x7FFFFFFF  }
0xc3: {  	_ =	shalt  }
tec
execute0_lowered:
.L_overlay_start_1:
0x0: {  	(tag) =	ssettag $0x1  }
0x1: {  	s0 =	rddreg [dreg:$0x0]  }
0x2: {  	s1 =	rddreg [dreg:$0x1];
	s2 =	simm.s32 $0x0  }
0x3: {  	s3 =	srdreg.scid;
	s9 =	stileid.u32;
	s17 =	simm.s32 $0x5080  }
0x4: {  	s28 =	simm.s32 $0x3;
	s29 =	simm.s32 $0x4;
	s30 =	simm.s32 $0x5  }
0x5: {  	[smem:$0x7FF] =	sst s2;
	s5 =	sand.u32 $0x1, s3;
	s3 =	sadd.s32 $0xE00, s0  }
0x6: {  	s4 =	sadd.s32 $0x1400, s0;
	s10 =	sadd.s32 $0xB800, s0;
	s6 =	smul.u32 $0x4E, s9  }
0x7: {  	s13 =	sadd.s32 $0x1A00, s0;
	s0 =	sadd.s32 $0x15600, s0;
	s25 =	smul.u32 $0x4E0, s9  }
0x8: {  	p0 =	sne.s32 s9, $0x0;
	p1 =	sgt.u32 s9, $0x1;
	s7 =	smul.u32 $0x4E2, s5  }
0x9: {  	_ =	strace $0x80000047;
	s8 =	ssub.s32 $0x2, s5;
	s16 =	smul.u32 $0x500, s5  }
0xa: {  	s12 =	sshll.u32 s5, $0x4;
	s5 =	smul.u32 $0x4E20, s5;
	s11 =	sshrl.u32 s8, $0x1  }
0xb: {  	s18 =	sor.u32 s9, s12;
	s6 =	sadd.s32 s6, s7;
	s14 =	ssub.s32 s8, s11  }
0xc: {  	s7 =	sadd.s32 s9, s7;
	s15 =	smul.u32 $0x500, s18;
	s24 =	sadd.s32 s16, s0  }
0xd: {  	s26 =	sadd.s32 s5, s13;
	s31 =	sadd.s32 s5, s10;
	s16 =	simm.s32 $0x5000  }
0xe: {  	s18 =	simm.s32 $0x1;
	s19 =	sshll.u32 s6, $0x4;
	s21 =	sshll.u32 s7, $0x4  }
0xf: {  	s6 =	sadd.s32 s10, s19;
	s20 =	sadd.s32 s13, s19;
	s11 =	sor.u32 $0x10, s19  }
0x10: {  	s12 =	sadd.s32 $0x4E00, s21;
	s19 =	simm.s32 $0x80;
	[dreg:$0x3] =	wrdreg s6  }
0x11: {  	s21 =	simm.s32 $0x5280;
	[dreg:$0x4] =	wrdreg s20;
	s7 =	sadd.s32 s10, s11  }
0x12: {  	s8 =	sadd.s32 s13, s11;
	s22 =	sadd.s32 s10, s12;
	s23 =	sadd.s32 s13, s12  }
.Ltmp0:
0x13: {  	s11 =	sadd.s32 s0, s15;
	s12 =	sadd.s32 $0xA000, s24;
	(pc) =	sbr.rel .LBB2_1-.Ltmp0, $4  }
0x14: {  	s13 =	smax.u32 s14, $0x1;
	s14 =	sadd.s32 s25, s26;
	s15 =	sadd.s32 s25, s31  }
0x15: {  	v0 =	vlaneseq.u32;
	s20 =	simm.s32 $0x5200;
	s24 =	simm.s32 $0x2;
	s25 =	simm.s32 $0x5300  }
0x16: {  	v1 =	vimm.f32 $0.0e+00;
	v2 =	vor.u32 $0x10, v0;
	s26 =	simm.s32 $0x5380;
	s10 =	simm.s32 $0x0;
	[dreg:$0x5] =	wrdreg s22  }
0x17: {  	v3 =	vor.u32 $0x20, v0;
	v4 =	vor.u32 $0x30, v0;
	v5 =	vor.u32 $0x40, v0;
	[dreg:$0x6] =	wrdreg s23;
	s22 =	simm.s32 $0x5100;
	s23 =	simm.s32 $0x5180  }
.LBB2_7:
0x18: {  	s0 =	simm.s32 $0x2800  }
0x19: {  	[hbm4b:s11+s2] =	stream.linear.scatter [tilespmem:s0], [sflag:$0x5], $0x2800, $0x38;
	[tilespmem:$0x5700] =	vst v63  }
0x1a: {  	_ =	swait.ge [sflag:s30], $0x2800  }
0x1b: {  	[sflag:s30] =	ssyncset.done $0x0  }
0x1c: {  	[sflag:s30] =	ssyncadd.s32 $0xFFFFD800  }
0x1d: {  	s31 =	simm.s32 $0x50;
	s5 =	simm.s32 $0x5400;
	[bflag:$0x0] =	sbarrier.arrive $0xFFFF  }
0x1e: {  	[spmem:s1] =	stream.indirect.scatter.add.f32 [tilespmem:s2], [sflag:$0x5], $0x80, s5, s31, $0xb8;
	[tilespmem:$0x5700] =	vst v63  }
0x1f: {  	_ =	swait.ge [sflag:s30], $0x2800  }
0x20: {  	[sflag:s30] =	ssyncset.done $0x0  }
0x21: {  	s10 =	sadd.s32 $0x1, s10;
	s0 =	sshrl.u32 @!p0 s1, $0x3;
	[sflag:s30] =	ssyncadd.s32 $0xFFFFD800  }
0x22: {  	p2 =	sne.s32 s10, s13;
	s5 =	simm.s32 @!p0 $0x1C05;
	[bflag:$0x0] =	sbarrier.arrive $0xFFFF  }
0x23: {  	[hbm:s12], [sflag:s5] =	dma.local @!p0 [spmem:s0], $0x500  }
.Ltmp1:
0x24: {  	_ = 	snop;
	(pc) =	sbr.rel @!p2 .LBB2_8-.Ltmp1, $4  }
0x25: {  	s0 =	simm.s32 @!p0 $0x5  }
0x26: {  	_ =	swait.ge @!p0 [sflag:s0], $0x500  }
0x27: {  	[sflag:s0] =	ssyncset.done @!p0 $0x0  }
0x28: {  	[sflag:s0] =	ssyncadd.s32 @!p0 $0xFFFFFB00  }
.LBB2_1:
0x29: {  	s0 =	simm.s32 $0x0;
	s5 =	simm.s32 $0x200  }
.LBB2_2:
0x2a: {  	p2 =	sne.s32 s5, $0x9E00;
	[tilespmem:s0+$0x70] =	vst v1  }
0x2b: {  	[tilespmem:s0+$0x0] =	vst v1  }
0x2c: {  	[tilespmem:s0+$0x10] =	vst v1  }
.Ltmp2:
0x2d: {  	[tilespmem:s0+$0x20] =	vst v1;
	(pc) =	sbr.rel @p2 .LBB2_2-.Ltmp2, $4  }
0x2e: {  	[tilespmem:s0+$0x30] =	vst v1  }
0x2f: {  	[tilespmem:s0+$0x40] =	vst v1  }
0x30: {  	[tilespmem:s0+$0x50] =	vst v1  }
0x31: {  	[tilespmem:s0+$0x60] =	vst v1;
	s0 =	sshra.s32 s5, $0x2;
	s5 =	sadd.s32 $0x200, s5  }
0x32: {  	[tilespmem:s0+$0x70] =	vst v1  }
0x33: {  	[tilespmem:s0+$0x0] =	vst v1  }
0x34: {  	[tilespmem:s0+$0x10] =	vst v1  }
0x35: {  	[tilespmem:s0+$0x20] =	vst v1  }
0x36: {  	[tilespmem:s0+$0x30] =	vst v1  }
0x37: {  	[tilespmem:s0+$0x40] =	vst v1  }
0x38: {  	[tilespmem:s0+$0x50] =	vst v1  }
0x39: {  	[tilespmem:s0+$0x60] =	vst v1  }
0x3a: {  	[tilespmem:$0x5400] =	vst v0  }
0x3b: {  	[tilespmem:$0x5410] =	vst v2  }
0x3c: {  	[tilespmem:$0x5420] =	vst v3  }
0x3d: {  	[tilespmem:$0x5430] =	vst v4  }
0x3e: {  	s0 =	simm.s32 @!p0 $0x0;
	[tilespmem:$0x5440] =	vst v5  }
0x3f: {  	[spmem:s1] =	stream.linear.scatter @!p0 [tilespmem:s0], [sflag:$0x5], $0x2800, $0x38;
	[tilespmem:$0x5700] =	vst v63  }
0x40: {  	s0 =	simm.s32 @!p0 $0x5  }
0x41: {  	_ =	swait.ge @!p0 [sflag:s0], $0x2800  }
0x42: {  	[sflag:s0] =	ssyncset.done @!p0 $0x0  }
0x43: {  	[sflag:s0] =	ssyncadd.s32 @!p0 $0xFFFFD800  }
0x44: {  	[bflag:$0x0] =	sbarrier.arrive $0xFFFF  }
0x45: {  	s31 =	simm.s32 $0x0;
	s6 =	rddreg [dreg:$0x3]  }
0x46: {  	[tilespmem:s16], [sflag:$0x1] =	stream.linear.gather [hbm4b:s6+s31], $0x80, $0x38;
	[tilespmem:$0x5700] =	vst v63  }
0x47: {  	s9 =	rddreg [dreg:$0x4]  }
0x48: {  	[tilespmem:s17], [sflag:$0x1] =	stream.linear.gather [hbm4b:s9+s31], $0x80, $0x38;
	[tilespmem:$0x5700] =	vst v63  }
0x49: {  	_ =	swait.ge [sflag:s18], $0x80  }
0x4a: {  	[sflag:s18] =	ssyncset.done $0x0  }
0x4b: {  	[sflag:s18] =	ssyncadd.s32 $0xFFFFFF80  }
0x4c: {  	_ =	swait.ge [sflag:s18], $0x80  }
0x4d: {  	[sflag:s18] =	ssyncset.done $0x0  }
0x4e: {  	[sflag:s18] =	ssyncadd.s32 $0xFFFFFF80  }
0x4f: {  	[tilespmem:s20], [sflag:$0x3] =	stream.indirect.gather [hbm4b:s3+s19], $0x1, s16, s19, $0xb8;
	[tilespmem:$0x5700] =	vst v63  }
0x50: {  	_ = 	snop  }
0x51: {  	[tilespmem:s21], [sflag:$0x3] =	stream.indirect.gather [hbm4b:s4+s19], $0x1, s17, s19, $0xb8;
	[tilespmem:$0x5700] =	vst v63  }
0x52: {  	_ = 	snop  }
0x53: {  	[tilespmem:s22], [sflag:$0x2] =	stream.linear.gather [hbm4b:s7+s31], $0x80, $0x38;
	[tilespmem:$0x5700] =	vst v63  }
0x54: {  	s0 =	simm.s32 $0x2880  }
0x55: {  	[tilespmem:s23], [sflag:$0x2] =	stream.linear.gather [hbm4b:s8+s31], $0x80, $0x38;
	[tilespmem:$0x5700] =	vst v63  }
.LBB2_4:
0x56: {  	_ =	swait.ge [sflag:s24], $0x80  }
0x57: {  	[sflag:s24] =	ssyncset.done $0x0  }
0x58: {  	[sflag:s24] =	ssyncadd.s32 $0xFFFFFF80  }
0x59: {  	_ =	swait.ge [sflag:s24], $0x80  }
0x5a: {  	[sflag:s24] =	ssyncset.done $0x0  }
0x5b: {  	[sflag:s24] =	ssyncadd.s32 $0xFFFFFF80  }
0x5c: {  	[tilespmem:s25], [sflag:$0x4] =	stream.indirect.gather [hbm4b:s3+s19], $0x1, s22, s19, $0xb8;
	[tilespmem:$0x5700] =	vst v63  }
0x5d: {  	_ = 	snop  }
0x5e: {  	[tilespmem:s26], [sflag:$0x4] =	stream.indirect.gather [hbm4b:s4+s19], $0x1, s23, s19, $0xb8;
	[tilespmem:$0x5700] =	vst v63  }
0x5f: {  	_ =	swait.ge [sflag:s28], $0x80  }
0x60: {  	[sflag:s28] =	ssyncset.done $0x0  }
0x61: {  	[sflag:s28] =	ssyncadd.s32 $0xFFFFFF80  }
0x62: {  	_ =	swait.ge [sflag:s28], $0x80  }
0x63: {  	[sflag:s28] =	ssyncset.done $0x0  }
0x64: {  	[sflag:s28] =	ssyncadd.s32 $0xFFFFFF80  }
0x65: {  	v6 =	vld [tilespmem:$0x5200]  }
0x66: {  	v7 =	vld [tilespmem:$0x5280];
	_ =	sdelay $0x4  }
0x67: {  	v6 =	vadd.f32 v7, v6;
	_ =	sdelay $0x1  }
0x68: {  	v7 =	vmul.f32 $2.000000030e-01, v6  }
0x69: {  	vm0 =	vgt.f32 v6, $0.0e+00  }
0x6a: {  	v6 =	vsel vm0, v6, v7  }
0x6b: {  	v6 =	vmul.f32 $1.442695020e+00, v6;
	_ =	sdelay $0x1  }
0x6c: {  	(erf) = vpow2.f32 v6;
	_ =	sdelay $0x1  }
0x6d: {  	v6 =	vld [tilespmem:$0x5080];
	_ =	sdelay $0x6  }
0x6e: {  	v7 =	vpop (erf)  }
0x6f: {  	[tilespmem:v6+s2+$0x0] =	vst.idx.add.f32.msk $0xffff, v7  }
0x70: {  	[tilespmem:s0+$0xFFFFFF80] =	vst v7  }
0x71: {  	v6 =	vld [tilespmem:$0x5210]  }
0x72: {  	v7 =	vld [tilespmem:$0x5290];
	_ =	sdelay $0x4  }
0x73: {  	v6 =	vadd.f32 v7, v6;
	_ =	sdelay $0x1  }
0x74: {  	v7 =	vmul.f32 $2.000000030e-01, v6  }
0x75: {  	vm13 =	vgt.f32 v6, $0.0e+00  }
0x76: {  	v6 =	vsel vm13, v6, v7  }
0x77: {  	v6 =	vmul.f32 $1.442695020e+00, v6;
	_ =	sdelay $0x1  }
0x78: {  	(erf) = vpow2.f32 v6;
	_ =	sdelay $0x1  }
0x79: {  	v6 =	vld [tilespmem:$0x5090];
	_ =	sdelay $0x6  }
0x7a: {  	v7 =	vpop (erf)  }
0x7b: {  	[tilespmem:v6+s2+$0x0] =	vst.idx.add.f32.msk $0xffff, v7  }
0x7c: {  	[tilespmem:s0+$0xFFFFFF90] =	vst v7  }
0x7d: {  	v6 =	vld [tilespmem:$0x5220]  }
0x7e: {  	v7 =	vld [tilespmem:$0x52A0];
	_ =	sdelay $0x4  }
0x7f: {  	v6 =	vadd.f32 v7, v6;
	_ =	sdelay $0x1  }
0x80: {  	v7 =	vmul.f32 $2.000000030e-01, v6  }
0x81: {  	vm14 =	vgt.f32 v6, $0.0e+00  }
0x82: {  	v6 =	vsel vm14, v6, v7  }
0x83: {  	v6 =	vmul.f32 $1.442695020e+00, v6;
	_ =	sdelay $0x1  }
0x84: {  	(erf) = vpow2.f32 v6;
	_ =	sdelay $0x1  }
0x85: {  	v6 =	vld [tilespmem:$0x50A0];
	_ =	sdelay $0x6  }
0x86: {  	v7 =	vpop (erf)  }
0x87: {  	[tilespmem:v6+s2+$0x0] =	vst.idx.add.f32.msk $0xffff, v7  }
0x88: {  	[tilespmem:s0+$0xFFFFFFA0] =	vst v7  }
0x89: {  	v6 =	vld [tilespmem:$0x5230]  }
0x8a: {  	v7 =	vld [tilespmem:$0x52B0];
	_ =	sdelay $0x4  }
0x8b: {  	v6 =	vadd.f32 v7, v6;
	_ =	sdelay $0x1  }
0x8c: {  	v7 =	vmul.f32 $2.000000030e-01, v6  }
0x8d: {  	vm15 =	vgt.f32 v6, $0.0e+00  }
0x8e: {  	v6 =	vsel vm15, v6, v7  }
0x8f: {  	v6 =	vmul.f32 $1.442695020e+00, v6;
	_ =	sdelay $0x1  }
0x90: {  	(erf) = vpow2.f32 v6;
	_ =	sdelay $0x1  }
0x91: {  	v6 =	vld [tilespmem:$0x50B0];
	_ =	sdelay $0x6  }
0x92: {  	v7 =	vpop (erf)  }
0x93: {  	[tilespmem:v6+s2+$0x0] =	vst.idx.add.f32.msk $0xffff, v7  }
0x94: {  	[tilespmem:s0+$0xFFFFFFB0] =	vst v7  }
0x95: {  	v6 =	vld [tilespmem:$0x5240]  }
0x96: {  	v7 =	vld [tilespmem:$0x52C0];
	_ =	sdelay $0x4  }
0x97: {  	v6 =	vadd.f32 v7, v6;
	_ =	sdelay $0x1  }
0x98: {  	v7 =	vmul.f32 $2.000000030e-01, v6  }
0x99: {  	vm4 =	vgt.f32 v6, $0.0e+00  }
0x9a: {  	v6 =	vsel vm4, v6, v7  }
0x9b: {  	v6 =	vmul.f32 $1.442695020e+00, v6;
	_ =	sdelay $0x1  }
0x9c: {  	(erf) = vpow2.f32 v6;
	_ =	sdelay $0x1  }
0x9d: {  	v6 =	vld [tilespmem:$0x50C0];
	_ =	sdelay $0x6  }
0x9e: {  	v7 =	vpop (erf)  }
0x9f: {  	[tilespmem:v6+s2+$0x0] =	vst.idx.add.f32.msk $0xffff, v7  }
0xa0: {  	[tilespmem:s0+$0xFFFFFFC0] =	vst v7  }
0xa1: {  	v6 =	vld [tilespmem:$0x5250]  }
0xa2: {  	v7 =	vld [tilespmem:$0x52D0];
	_ =	sdelay $0x4  }
0xa3: {  	v6 =	vadd.f32 v7, v6;
	_ =	sdelay $0x1  }
0xa4: {  	v7 =	vmul.f32 $2.000000030e-01, v6  }
0xa5: {  	vm5 =	vgt.f32 v6, $0.0e+00  }
0xa6: {  	v6 =	vsel vm5, v6, v7  }
0xa7: {  	v6 =	vmul.f32 $1.442695020e+00, v6;
	_ =	sdelay $0x1  }
0xa8: {  	(erf) = vpow2.f32 v6;
	_ =	sdelay $0x1  }
0xa9: {  	v6 =	vld [tilespmem:$0x50D0];
	_ =	sdelay $0x6  }
0xaa: {  	v7 =	vpop (erf)  }
0xab: {  	[tilespmem:v6+s2+$0x0] =	vst.idx.add.f32.msk $0xffff, v7  }
0xac: {  	[tilespmem:s0+$0xFFFFFFD0] =	vst v7  }
0xad: {  	v6 =	vld [tilespmem:$0x5260]  }
0xae: {  	v7 =	vld [tilespmem:$0x52E0];
	_ =	sdelay $0x4  }
0xaf: {  	v6 =	vadd.f32 v7, v6;
	_ =	sdelay $0x1  }
0xb0: {  	v7 =	vmul.f32 $2.000000030e-01, v6  }
0xb1: {  	vm6 =	vgt.f32 v6, $0.0e+00  }
0xb2: {  	v6 =	vsel vm6, v6, v7  }
0xb3: {  	v6 =	vmul.f32 $1.442695020e+00, v6;
	_ =	sdelay $0x1  }
0xb4: {  	(erf) = vpow2.f32 v6;
	_ =	sdelay $0x1  }
0xb5: {  	v6 =	vld [tilespmem:$0x50E0];
	_ =	sdelay $0x6  }
0xb6: {  	v7 =	vpop (erf)  }
0xb7: {  	[tilespmem:v6+s2+$0x0] =	vst.idx.add.f32.msk $0xffff, v7  }
0xb8: {  	[tilespmem:s0+$0xFFFFFFE0] =	vst v7  }
0xb9: {  	v6 =	vld [tilespmem:$0x5270]  }
0xba: {  	v7 =	vld [tilespmem:$0x52F0];
	_ =	sdelay $0x4  }
0xbb: {  	v6 =	vadd.f32 v7, v6;
	_ =	sdelay $0x1  }
0xbc: {  	v7 =	vmul.f32 $2.000000030e-01, v6  }
0xbd: {  	vm7 =	vgt.f32 v6, $0.0e+00  }
0xbe: {  	v6 =	vsel vm7, v6, v7  }
0xbf: {  	v6 =	vmul.f32 $1.442695020e+00, v6;
	_ =	sdelay $0x1  }
0xc0: {  	(erf) = vpow2.f32 v6;
	_ =	sdelay $0x1  }
0xc1: {  	v6 =	vld [tilespmem:$0x50F0];
	_ =	sdelay $0x6  }
0xc2: {  	v7 =	vpop (erf)  }
0xc3: {  	s9 =	sadd.s32 s31, s15;
	[tilespmem:v6+s2+$0x0] =	vst.idx.add.f32.msk $0xffff, v7  }
0xc4: {  	s5 =	sadd.s32 $0x20, s9;
	[tilespmem:s0+$0xFFFFFFF0] =	vst v7  }
0xc5: {  	[tilespmem:s16], [sflag:$0x1] =	stream.linear.gather [hbm4b:s5+s2], $0x80, $0x38;
	[tilespmem:$0x5700] =	vst v63  }
0xc6: {  	s5 =	sadd.s32 s31, s14  }
0xc7: {  	s6 =	sadd.s32 $0x20, s5  }
0xc8: {  	[tilespmem:s17], [sflag:$0x1] =	stream.linear.gather [hbm4b:s6+s2], $0x80, $0x38;
	[tilespmem:$0x5700] =	vst v63  }
0xc9: {  	_ =	swait.ge [sflag:s18], $0x80  }
0xca: {  	[sflag:s18] =	ssyncset.done $0x0  }
0xcb: {  	[sflag:s18] =	ssyncadd.s32 $0xFFFFFF80  }
0xcc: {  	_ =	swait.ge [sflag:s18], $0x80  }
0xcd: {  	[sflag:s18] =	ssyncset.done $0x0  }
0xce: {  	[sflag:s18] =	ssyncadd.s32 $0xFFFFFF80  }
0xcf: {  	[tilespmem:s20], [sflag:$0x3] =	stream.indirect.gather [hbm4b:s3+s19], $0x1, s16, s19, $0xb8;
	[tilespmem:$0x5700] =	vst v63  }
0xd0: {  	_ = 	snop  }
0xd1: {  	[tilespmem:s21], [sflag:$0x3] =	stream.indirect.gather [hbm4b:s4+s19], $0x1, s17, s19, $0xb8;
	[tilespmem:$0x5700] =	vst v63  }
0xd2: {  	_ =	swait.ge [sflag:s29], $0x80  }
0xd3: {  	[sflag:s29] =	ssyncset.done $0x0  }
0xd4: {  	[sflag:s29] =	ssyncadd.s32 $0xFFFFFF80  }
0xd5: {  	_ =	swait.ge [sflag:s29], $0x80  }
0xd6: {  	[sflag:s29] =	ssyncset.done $0x0  }
0xd7: {  	[sflag:s29] =	ssyncadd.s32 $0xFFFFFF80  }
0xd8: {  	v6 =	vld [tilespmem:$0x5300]  }
0xd9: {  	v7 =	vld [tilespmem:$0x5380];
	_ =	sdelay $0x4  }
0xda: {  	v6 =	vadd.f32 v7, v6;
	_ =	sdelay $0x1  }
0xdb: {  	v7 =	vmul.f32 $2.000000030e-01, v6  }
0xdc: {  	vm8 =	vgt.f32 v6, $0.0e+00  }
0xdd: {  	v6 =	vsel vm8, v6, v7  }
0xde: {  	v6 =	vmul.f32 $1.442695020e+00, v6;
	_ =	sdelay $0x1  }
0xdf: {  	(erf) = vpow2.f32 v6;
	_ =	sdelay $0x1  }
0xe0: {  	v6 =	vld [tilespmem:$0x5180];
	_ =	sdelay $0x6  }
0xe1: {  	v7 =	vpop (erf)  }
0xe2: {  	[tilespmem:v6+s2+$0x0] =	vst.idx.add.f32.msk $0xffff, v7  }
0xe3: {  	[tilespmem:s0+$0x0] =	vst v7  }
0xe4: {  	v6 =	vld [tilespmem:$0x5310]  }
0xe5: {  	v7 =	vld [tilespmem:$0x5390];
	_ =	sdelay $0x4  }
0xe6: {  	v6 =	vadd.f32 v7, v6;
	_ =	sdelay $0x1  }
0xe7: {  	v7 =	vmul.f32 $2.000000030e-01, v6  }
0xe8: {  	vm9 =	vgt.f32 v6, $0.0e+00  }
0xe9: {  	v6 =	vsel vm9, v6, v7  }
0xea: {  	v6 =	vmul.f32 $1.442695020e+00, v6;
	_ =	sdelay $0x1  }
0xeb: {  	(erf) = vpow2.f32 v6;
	_ =	sdelay $0x1  }
0xec: {  	v6 =	vld [tilespmem:$0x5190];
	_ =	sdelay $0x6  }
0xed: {  	v7 =	vpop (erf)  }
0xee: {  	[tilespmem:v6+s2+$0x0] =	vst.idx.add.f32.msk $0xffff, v7  }
0xef: {  	[tilespmem:s0+$0x10] =	vst v7  }
0xf0: {  	v6 =	vld [tilespmem:$0x5320]  }
0xf1: {  	v7 =	vld [tilespmem:$0x53A0];
	_ =	sdelay $0x4  }
0xf2: {  	v6 =	vadd.f32 v7, v6;
	_ =	sdelay $0x1  }
0xf3: {  	v7 =	vmul.f32 $2.000000030e-01, v6  }
0xf4: {  	vm10 =	vgt.f32 v6, $0.0e+00  }
0xf5: {  	v6 =	vsel vm10, v6, v7  }
0xf6: {  	v6 =	vmul.f32 $1.442695020e+00, v6;
	_ =	sdelay $0x1  }
0xf7: {  	(erf) = vpow2.f32 v6;
	_ =	sdelay $0x1  }
0xf8: {  	v6 =	vld [tilespmem:$0x51A0];
	_ =	sdelay $0x6  }
0xf9: {  	v7 =	vpop (erf)  }
0xfa: {  	[tilespmem:v6+s2+$0x0] =	vst.idx.add.f32.msk $0xffff, v7  }
0xfb: {  	[tilespmem:s0+$0x20] =	vst v7  }
0xfc: {  	v6 =	vld [tilespmem:$0x5330]  }
0xfd: {  	v7 =	vld [tilespmem:$0x53B0];
	_ =	sdelay $0x4  }
0xfe: {  	v6 =	vadd.f32 v7, v6;
	_ =	sdelay $0x1  }
0xff: {  	v7 =	vmul.f32 $2.000000030e-01, v6  }
0x100: {  	vm11 =	vgt.f32 v6, $0.0e+00  }
0x101: {  	v6 =	vsel vm11, v6, v7  }
0x102: {  	v6 =	vmul.f32 $1.442695020e+00, v6;
	_ =	sdelay $0x1  }
0x103: {  	(erf) = vpow2.f32 v6;
	_ =	sdelay $0x1  }
0x104: {  	v6 =	vld [tilespmem:$0x51B0];
	_ =	sdelay $0x6  }
0x105: {  	v7 =	vpop (erf)  }
0x106: {  	[tilespmem:v6+s2+$0x0] =	vst.idx.add.f32.msk $0xffff, v7  }
0x107: {  	[tilespmem:s0+$0x30] =	vst v7  }
0x108: {  	v6 =	vld [tilespmem:$0x5340]  }
0x109: {  	v7 =	vld [tilespmem:$0x53C0];
	_ =	sdelay $0x4  }
0x10a: {  	v6 =	vadd.f32 v7, v6;
	_ =	sdelay $0x1  }
0x10b: {  	v7 =	vmul.f32 $2.000000030e-01, v6  }
0x10c: {  	vm12 =	vgt.f32 v6, $0.0e+00  }
0x10d: {  	v6 =	vsel vm12, v6, v7  }
0x10e: {  	v6 =	vmul.f32 $1.442695020e+00, v6;
	_ =	sdelay $0x1  }
0x10f: {  	(erf) = vpow2.f32 v6;
	_ =	sdelay $0x1  }
0x110: {  	v6 =	vld [tilespmem:$0x51C0];
	_ =	sdelay $0x6  }
0x111: {  	v7 =	vpop (erf)  }
0x112: {  	[tilespmem:v6+s2+$0x0] =	vst.idx.add.f32.msk $0xffff, v7  }
0x113: {  	[tilespmem:s0+$0x40] =	vst v7  }
0x114: {  	v6 =	vld [tilespmem:$0x5350]  }
0x115: {  	v7 =	vld [tilespmem:$0x53D0];
	_ =	sdelay $0x4  }
0x116: {  	v6 =	vadd.f32 v7, v6;
	_ =	sdelay $0x1  }
0x117: {  	v7 =	vmul.f32 $2.000000030e-01, v6  }
0x118: {  	vm13 =	vgt.f32 v6, $0.0e+00  }
0x119: {  	v6 =	vsel vm13, v6, v7  }
0x11a: {  	v6 =	vmul.f32 $1.442695020e+00, v6;
	_ =	sdelay $0x1  }
0x11b: {  	(erf) = vpow2.f32 v6;
	_ =	sdelay $0x1  }
0x11c: {  	v6 =	vld [tilespmem:$0x51D0];
	_ =	sdelay $0x6  }
0x11d: {  	v7 =	vpop (erf)  }
0x11e: {  	[tilespmem:v6+s2+$0x0] =	vst.idx.add.f32.msk $0xffff, v7  }
0x11f: {  	[tilespmem:s0+$0x50] =	vst v7  }
0x120: {  	v6 =	vld [tilespmem:$0x5360]  }
0x121: {  	v7 =	vld [tilespmem:$0x53E0];
	_ =	sdelay $0x4  }
0x122: {  	v6 =	vadd.f32 v7, v6;
	_ =	sdelay $0x1  }
0x123: {  	v7 =	vmul.f32 $2.000000030e-01, v6  }
0x124: {  	vm14 =	vgt.f32 v6, $0.0e+00  }
0x125: {  	v6 =	vsel vm14, v6, v7  }
0x126: {  	v6 =	vmul.f32 $1.442695020e+00, v6;
	_ =	sdelay $0x1  }
0x127: {  	(erf) = vpow2.f32 v6;
	_ =	sdelay $0x1  }
0x128: {  	v6 =	vld [tilespmem:$0x51E0];
	_ =	sdelay $0x6  }
0x129: {  	v7 =	vpop (erf)  }
0x12a: {  	[tilespmem:v6+s2+$0x0] =	vst.idx.add.f32.msk $0xffff, v7  }
0x12b: {  	[tilespmem:s0+$0x60] =	vst v7  }
0x12c: {  	v6 =	vld [tilespmem:$0x5370]  }
0x12d: {  	v7 =	vld [tilespmem:$0x53F0];
	_ =	sdelay $0x4  }
0x12e: {  	v6 =	vadd.f32 v7, v6;
	_ =	sdelay $0x1  }
0x12f: {  	v7 =	vmul.f32 $2.000000030e-01, v6  }
0x130: {  	vm15 =	vgt.f32 v6, $0.0e+00  }
0x131: {  	v6 =	vsel vm15, v6, v7  }
0x132: {  	v6 =	vmul.f32 $1.442695020e+00, v6;
	_ =	sdelay $0x1  }
0x133: {  	(erf) = vpow2.f32 v6;
	_ =	sdelay $0x1  }
0x134: {  	v6 =	vld [tilespmem:$0x51F0];
	_ =	sdelay $0x6  }
0x135: {  	p2 =	sne.s32 s31, $0x4C0;
	v7 =	vpop (erf)  }
.Ltmp3:
0x136: {  	[tilespmem:v6+s2+$0x0] =	vst.idx.add.f32.msk $0xffff, v7;
	(pc) =	sbr.rel @p2 .LBB2_4-.Ltmp3, $4  }
0x137: {  	s9 =	sadd.s32 $0x30, s9;
	[tilespmem:s0+$0x70] =	vst v7  }
0x138: {  	[tilespmem:s22], [sflag:$0x2] =	stream.linear.gather [hbm4b:s9+s2], $0x80, $0x38;
	[tilespmem:$0x5700] =	vst v63  }
0x139: {  	s31 =	sadd.s32 $0x20, s31;
	s5 =	sadd.s32 $0x30, s5;
	s0 =	sadd.s32 $0x100, s0  }
0x13a: {  	[tilespmem:s23], [sflag:$0x2] =	stream.linear.gather [hbm4b:s5+s2], $0x80, $0x38;
	[tilespmem:$0x5700] =	vst v63  }
0x13b: {  	_ =	swait.ge [sflag:s24], $0x80  }
0x13c: {  	[sflag:s24] =	ssyncset.done $0x0  }
0x13d: {  	[sflag:s24] =	ssyncadd.s32 $0xFFFFFF80  }
0x13e: {  	_ =	swait.ge [sflag:s24], $0x80  }
0x13f: {  	[sflag:s24] =	ssyncset.done $0x0  }
0x140: {  	[sflag:s24] =	ssyncadd.s32 $0xFFFFFF80  }
0x141: {  	_ =	swait.ge [sflag:s28], $0x80  }
.Ltmp4:
0x142: {  	[sflag:s28] =	ssyncset.done $0x0;
	(pc) =	sbr.rel @p1 .LBB2_7-.Ltmp4, $4  }
0x143: {  	[sflag:s28] =	ssyncadd.s32 $0xFFFFFF80  }
0x144: {  	_ =	swait.ge [sflag:s28], $0x80  }
0x145: {  	[sflag:s28] =	ssyncset.done $0x0  }
0x146: {  	[sflag:s28] =	ssyncadd.s32 $0xFFFFFF80  }
0x147: {  	s0 =	rddreg [dreg:$0x5]  }
0x148: {  	[tilespmem:s16], [sflag:$0x5] =	stream.linear.gather [hbm4b:s0+s2], $0x80, $0x38;
	[tilespmem:$0x5700] =	vst v63  }
0x149: {  	_ =	swait.ge [sflag:s30], $0x80  }
0x14a: {  	[sflag:s30] =	ssyncset.done $0x0  }
0x14b: {  	s31 =	rddreg [dreg:$0x6];
	[sflag:s30] =	ssyncadd.s32 $0xFFFFFF80  }
0x14c: {  	[tilespmem:s17], [sflag:$0x5] =	stream.linear.gather [hbm4b:s31+s2], $0x80, $0x38;
	[tilespmem:$0x5700] =	vst v63  }
0x14d: {  	_ =	swait.ge [sflag:s30], $0x80  }
0x14e: {  	[sflag:s30] =	ssyncset.done $0x0  }
0x14f: {  	[sflag:s30] =	ssyncadd.s32 $0xFFFFFF80  }
0x150: {  	[tilespmem:s20], [sflag:$0x5] =	stream.indirect.gather [hbm4b:s3+s19], $0x1, s16, s19, $0xb8;
	[tilespmem:$0x5700] =	vst v63  }
0x151: {  	_ =	swait.ge [sflag:s30], $0x80  }
0x152: {  	[sflag:s30] =	ssyncset.done $0x0  }
0x153: {  	[sflag:s30] =	ssyncadd.s32 $0xFFFFFF80  }
0x154: {  	[tilespmem:s21], [sflag:$0x5] =	stream.indirect.gather [hbm4b:s4+s19], $0x1, s17, s19, $0xb8;
	[tilespmem:$0x5700] =	vst v63  }
0x155: {  	_ =	swait.ge [sflag:s30], $0x80  }
0x156: {  	[sflag:s30] =	ssyncset.done $0x0  }
0x157: {  	[sflag:s30] =	ssyncadd.s32 $0xFFFFFF80  }
0x158: {  	v6 =	vld [tilespmem:$0x5200]  }
0x159: {  	v7 =	vld [tilespmem:$0x5280];
	_ =	sdelay $0x4  }
0x15a: {  	v6 =	vadd.f32 v7, v6;
	_ =	sdelay $0x1  }
0x15b: {  	v7 =	vmul.f32 $2.000000030e-01, v6  }
0x15c: {  	vm0 =	vgt.f32 v6, $0.0e+00  }
0x15d: {  	v6 =	vsel vm0, v6, v7  }
0x15e: {  	v6 =	vmul.f32 $1.442695020e+00, v6;
	_ =	sdelay $0x1  }
0x15f: {  	(erf) = vpow2.f32 v6;
	_ =	sdelay $0x1  }
0x160: {  	v6 =	vld [tilespmem:$0x5080];
	_ =	sdelay $0x6  }
0x161: {  	v7 =	vpop (erf)  }
0x162: {  	[tilespmem:v6+s2+$0x0] =	vst.idx.add.f32.msk $0xffff, v7  }
0x163: {  	v6 =	vld [tilespmem:$0x5210]  }
0x164: {  	v8 =	vld [tilespmem:$0x5290];
	_ =	sdelay $0x4  }
0x165: {  	v6 =	vadd.f32 v8, v6;
	_ =	sdelay $0x1  }
0x166: {  	v8 =	vmul.f32 $2.000000030e-01, v6  }
0x167: {  	vm9 =	vgt.f32 v6, $0.0e+00  }
0x168: {  	v6 =	vsel vm9, v6, v8  }
0x169: {  	v6 =	vmul.f32 $1.442695020e+00, v6;
	_ =	sdelay $0x1  }
0x16a: {  	(erf) = vpow2.f32 v6;
	_ =	sdelay $0x1  }
0x16b: {  	v6 =	vld [tilespmem:$0x5090];
	_ =	sdelay $0x6  }
0x16c: {  	[tilespmem:$0x4F00] =	vst v7;
	v7 =	vpop (erf)  }
0x16d: {  	[tilespmem:v6+s2+$0x0] =	vst.idx.add.f32.msk $0xffff, v7  }
0x16e: {  	v6 =	vld [tilespmem:$0x5220]  }
0x16f: {  	v58 =	vld [tilespmem:$0x52A0];
	_ =	sdelay $0x4  }
0x170: {  	v6 =	vadd.f32 v58, v6;
	_ =	sdelay $0x1  }
0x171: {  	v8 =	vmul.f32 $2.000000030e-01, v6  }
0x172: {  	vm10 =	vgt.f32 v6, $0.0e+00  }
0x173: {  	v6 =	vsel vm10, v6, v8  }
0x174: {  	v6 =	vmul.f32 $1.442695020e+00, v6;
	_ =	sdelay $0x1  }
0x175: {  	(erf) = vpow2.f32 v6;
	_ =	sdelay $0x1  }
0x176: {  	v6 =	vld [tilespmem:$0x50A0];
	_ =	sdelay $0x6  }
0x177: {  	[tilespmem:$0x4F10] =	vst v7;
	v7 =	vpop (erf)  }
0x178: {  	[tilespmem:v6+s2+$0x0] =	vst.idx.add.f32.msk $0xffff, v7  }
0x179: {  	v6 =	vld [tilespmem:$0x5230]  }
0x17a: {  	v59 =	vld [tilespmem:$0x52B0];
	_ =	sdelay $0x4  }
0x17b: {  	v6 =	vadd.f32 v59, v6;
	_ =	sdelay $0x1  }
0x17c: {  	v8 =	vmul.f32 $2.000000030e-01, v6  }
0x17d: {  	vm11 =	vgt.f32 v6, $0.0e+00  }
0x17e: {  	v6 =	vsel vm11, v6, v8  }
0x17f: {  	v6 =	vmul.f32 $1.442695020e+00, v6;
	_ =	sdelay $0x1  }
0x180: {  	(erf) = vpow2.f32 v6;
	_ =	sdelay $0x1  }
0x181: {  	v6 =	vld [tilespmem:$0x50B0];
	_ =	sdelay $0x6  }
0x182: {  	[tilespmem:$0x4F20] =	vst v7;
	v7 =	vpop (erf)  }
0x183: {  	[tilespmem:v6+s2+$0x0] =	vst.idx.add.f32.msk $0xffff, v7  }
0x184: {  	v6 =	vld [tilespmem:$0x5240]  }
0x185: {  	v60 =	vld [tilespmem:$0x52C0];
	_ =	sdelay $0x4  }
0x186: {  	v6 =	vadd.f32 v60, v6;
	_ =	sdelay $0x1  }
0x187: {  	v8 =	vmul.f32 $2.000000030e-01, v6  }
0x188: {  	vm12 =	vgt.f32 v6, $0.0e+00  }
0x189: {  	v6 =	vsel vm12, v6, v8  }
0x18a: {  	v6 =	vmul.f32 $1.442695020e+00, v6;
	_ =	sdelay $0x1  }
0x18b: {  	(erf) = vpow2.f32 v6;
	_ =	sdelay $0x1  }
0x18c: {  	v6 =	vld [tilespmem:$0x50C0];
	_ =	sdelay $0x6  }
0x18d: {  	[tilespmem:$0x4F30] =	vst v7;
	v7 =	vpop (erf)  }
0x18e: {  	[tilespmem:v6+s2+$0x0] =	vst.idx.add.f32.msk $0xffff, v7  }
0x18f: {  	v6 =	vld [tilespmem:$0x5250]  }
0x190: {  	v61 =	vld [tilespmem:$0x52D0];
	_ =	sdelay $0x4  }
0x191: {  	v6 =	vadd.f32 v61, v6;
	_ =	sdelay $0x1  }
0x192: {  	v8 =	vmul.f32 $2.000000030e-01, v6  }
0x193: {  	vm13 =	vgt.f32 v6, $0.0e+00  }
0x194: {  	v6 =	vsel vm13, v6, v8  }
0x195: {  	v6 =	vmul.f32 $1.442695020e+00, v6;
	_ =	sdelay $0x1  }
0x196: {  	(erf) = vpow2.f32 v6;
	_ =	sdelay $0x1  }
0x197: {  	v6 =	vld [tilespmem:$0x50D0];
	_ =	sdelay $0x6  }
0x198: {  	[tilespmem:$0x4F40] =	vst v7;
	v7 =	vpop (erf)  }
0x199: {  	[tilespmem:v6+s2+$0x0] =	vst.idx.add.f32.msk $0xffff, v7  }
0x19a: {  	v6 =	vld [tilespmem:$0x5260]  }
0x19b: {  	v62 =	vld [tilespmem:$0x52E0];
	_ =	sdelay $0x4  }
0x19c: {  	v6 =	vadd.f32 v62, v6;
	_ =	sdelay $0x1  }
0x19d: {  	v8 =	vmul.f32 $2.000000030e-01, v6  }
0x19e: {  	vm14 =	vgt.f32 v6, $0.0e+00  }
0x19f: {  	v6 =	vsel vm14, v6, v8  }
0x1a0: {  	v6 =	vmul.f32 $1.442695020e+00, v6;
	_ =	sdelay $0x1  }
0x1a1: {  	(erf) = vpow2.f32 v6;
	_ =	sdelay $0x1  }
0x1a2: {  	v6 =	vld [tilespmem:$0x50E0];
	_ =	sdelay $0x6  }
0x1a3: {  	[tilespmem:$0x4F50] =	vst v7;
	v7 =	vpop (erf)  }
0x1a4: {  	[tilespmem:v6+s2+$0x0] =	vst.idx.add.f32.msk $0xffff, v7  }
0x1a5: {  	v6 =	vld [tilespmem:$0x5270]  }
0x1a6: {  	v63 =	vld [tilespmem:$0x52F0];
	_ =	sdelay $0x4  }
0x1a7: {  	v6 =	vadd.f32 v63, v6;
	_ =	sdelay $0x1  }
0x1a8: {  	v8 =	vmul.f32 $2.000000030e-01, v6  }
0x1a9: {  	vm15 =	vgt.f32 v6, $0.0e+00  }
0x1aa: {  	v6 =	vsel vm15, v6, v8  }
0x1ab: {  	v6 =	vmul.f32 $1.442695020e+00, v6;
	_ =	sdelay $0x1  }
0x1ac: {  	(erf) = vpow2.f32 v6;
	_ =	sdelay $0x1  }
0x1ad: {  	v6 =	vld [tilespmem:$0x50F0];
	_ =	sdelay $0x4  }
.Ltmp5:
0x1ae: {  	_ = 	snop;
	(pc) =	sbr.rel .LBB2_7-.Ltmp5, $4  }
0x1af: {  	_ = 	snop  }
0x1b0: {  	[tilespmem:$0x4F60] =	vst v7;
	v7 =	vpop (erf)  }
0x1b1: {  	[tilespmem:v6+s2+$0x0] =	vst.idx.add.f32.msk $0xffff, v7  }
0x1b2: {  	[tilespmem:$0x4F70] =	vst v7  }
.LBB2_8:
0x1b3: {  	_ =	sfence.sel $0x180000  }
0x1b4: {  	[bflag:$0x0] =	sbarrier.arrive $0xFFFF  }
0x1b5: {  	_ =	strace $0x90000047  }
0x1b6: {  	[bflag:$0x2] =	sbarrier.arrive $0xFFFF  }
0x1b7: {  	s0 =	rddreg [dreg:$0x2]  }
0x1b8: {  	s0 =	sadd.s32 @!p0 $0x100000, s0  }
0x1b9: {  	[sflag:s0] =	ssyncadd.tile.s32 @!p0 $0x1;
	_ =	shalt  }
.Lfunc_end2:
_tile_overlayer_lowered:
.L_overlay_start_2:
0x1ba: {  	(tag) =	ssettag $0x2  }
0x1bb: {  	s0 =	rddreg [dreg:$0x0];
	s2 =	stileid.u32  }
0x1bc: {  	s1 =	rddreg [dreg:$0x1];
	p0 =	sne.s32 s2, $0x0  }
0x1bd: {  	s3 =	rddreg [dreg:$0x2];
	[bflag:$0x3] =	sbarrier.arrive $0xFFFF;
	s2 =	simm.s32 @!p0 $0x1C05  }
0x1be: {  	[timem:s3], [sflag:s2] =	dma.local @!p0 [hbm:s0], s1  }
0x1bf: {  	s0 =	simm.s32 @!p0 $0x5  }
0x1c0: {  	_ =	swait.ge @!p0 [sflag:s0], s1  }
0x1c1: {  	s1 =	ssub.s32 @!p0 $0x0, s1;
	[sflag:s0] =	ssyncset.done @!p0 $0x0  }
0x1c2: {  	[sflag:s0] =	ssyncadd.s32 @!p0 s1  }
0x1c3: {  	[bflag:$0x3] =	sbarrier.arrive $0xFFFF  }
0x1c4: {  	_ =	shalt  }

</sc_bundles>
